<compile_context>
chip_gen: v7x
topology: tpu7x:2x2x1
jax: 0.10.2.dev20260603
libtpu: 0.0.44.dev20260713+nightly
codegen_flags: <defaults>
</compile_context>

<pallas_src>
import functools

import jax
import jax.numpy as jnp
from jax import lax
from jax.experimental import pallas as pl
from jax.experimental.pallas import tpu as pltpu
from jax.experimental.pallas import tpu_sc as plsc

N = 10000
E = 320000
IN_DIM = 128
HID = 256
EMB = 64

NC = 2
NS = 16
NW = NC * NS
C = 125
EPS = E // NW
CH = EPS // C
NP = 10240
RPS = NP // NS
CZ = 128
NWB = RPS // CZ

_f32 = jnp.float32
D = EMB


def _make_sc_segsum(num_passes, with_deg):
  mesh = plsc.VectorSubcoreMesh(core_axis_name="c", subcore_axis_name="s")

  out_type = [jax.ShapeDtypeStruct((NC, NP, D), _f32)] * num_passes
  if with_deg:
    out_type += [jax.ShapeDtypeStruct((NC, NP, 16), _f32)]

  scratch = [
      pltpu.VMEM((CH, C), jnp.int32),
      pltpu.VMEM((CH, C), jnp.int32),
      pltpu.VMEM((C, D), _f32),
      pltpu.VMEM((C, D), _f32),
      pltpu.VMEM((CZ, D), _f32),
      pltpu.SemaphoreType.DMA,
      pltpu.SemaphoreType.DMA,
      pltpu.VMEM_SHARED((NP, D), _f32),
  ]
  if with_deg:
    scratch += [
        pltpu.VMEM((C, 16), _f32),
        pltpu.VMEM((CZ, 16), _f32),
        pltpu.VMEM_SHARED((NP, 16), _f32),
    ]

  @functools.partial(pl.kernel, out_type=out_type, mesh=mesh,
                     scratch_types=scratch,
                     compiler_params=pltpu.CompilerParams(
                         use_tc_tiling_on_sc=False))
  def sc_kernel(*refs):
    pos = 0
    xs = refs[pos:pos + num_passes]; pos += num_passes
    src4, dst4, zfeat_hbm = refs[pos:pos + 3]; pos += 3
    if with_deg:
      z16_hbm, ones_hbm = refs[pos:pos + 2]; pos += 2
    parts = refs[pos:pos + num_passes]; pos += num_passes
    if with_deg:
      deg_out = refs[pos]; pos += 1
    srcv, dstv, rowb0, rowb1, zfv, gsem0, gsem1, acc = refs[pos:pos + 8]
    pos += 8
    if with_deg:
      onesv, z16v, dacc = refs[pos:pos + 3]; pos += 3
    rowb = (rowb0, rowb1)
    gsem = (gsem0, gsem1)

    c = lax.axis_index("c")
    s = lax.axis_index("s")
    base = s * RPS

    pltpu.sync_copy(zfeat_hbm, zfv)
    if with_deg:
      pltpu.sync_copy(z16_hbm, z16v)
      pltpu.sync_copy(ones_hbm, onesv)

    pltpu.sync_copy(src4.at[c, s], srcv)
    pltpu.sync_copy(dst4.at[c, s], dstv)

    for p in range(num_passes):
      first = (p == 0)
      for k in range(NWB):
        pltpu.sync_copy(zfv, acc.at[pl.ds(base + k * CZ, CZ)])
        if with_deg and first:
          pltpu.sync_copy(z16v, dacc.at[pl.ds(base + k * CZ, CZ)])
      plsc.subcore_barrier()

      x_hbm = xs[p]
      pltpu.async_copy(x_hbm.at[srcv.at[0]], rowb[0], gsem[0])

      def step(g, carry):
        for b in range(2):
          j = 2 * g + b
          nxt = (b + 1) % 2

          @pl.when(j + 1 < CH)
          def _():
            pltpu.async_copy(x_hbm.at[srcv.at[j + 1]], rowb[nxt], gsem[nxt])

          pltpu.make_async_copy(x_hbm.at[srcv.at[j]], rowb[b],
                                gsem[b]).wait()
          pltpu.sync_copy(rowb[b], acc.at[dstv.at[j]], add=True)
          if with_deg and first:
            pltpu.sync_copy(onesv, dacc.at[dstv.at[j]], add=True)
        return carry

      lax.fori_loop(0, CH // 2, step, 0)

      plsc.subcore_barrier()

      for k in range(NWB):
        off = base + k * CZ
        pltpu.sync_copy(acc.at[pl.ds(off, CZ)], zfv)
        pltpu.sync_copy(zfv, parts[p].at[c, pl.ds(off, CZ)])
        if with_deg and first:
          pltpu.sync_copy(dacc.at[pl.ds(off, CZ)], z16v)
          pltpu.sync_copy(z16v, deg_out.at[c, pl.ds(off, CZ)])

      if p + 1 < num_passes:
        pltpu.sync_copy(zfeat_hbm, zfv)

  return sc_kernel


_sc_segsum_l1 = _make_sc_segsum(2, with_deg=True)
_sc_segsum_l2 = _make_sc_segsum(1, with_deg=False)


_BT = 1000
_GT = N // _BT


def _dot_t(a, w):
  return lax.dot_general(a, w, (((1,), (1,)), ((), ())),
                         preferred_element_type=_f32)


def _tc_mid_body(a0, a1, deg, x, Wl1, bl1, Wr1, Wl2, bl2, Wr2,
                 p_out, r_out, d_out):
  degv = deg[...]
  d = jnp.maximum(degv[0][:, :1] + degv[1][:, :1], 1.0)
  d_out[...] = d
  a0v = a0[...]
  a1v = a1[...]
  mean = jnp.concatenate([a0v[0] + a0v[1], a1v[0] + a1v[1]], axis=1) / d
  h = jnp.maximum(_dot_t(mean, Wl1[...]) + bl1[...] + _dot_t(x[...], Wr1[...]),
                  0.0)
  p_out[...] = _dot_t(h, Wl2[...])
  r_out[...] = _dot_t(h, Wr2[...]) + bl2[...]


def _row_spec(d):
  return pl.BlockSpec((_BT, d), lambda i: (i, 0))


def _part_spec(d):
  return pl.BlockSpec((NC, _BT, d), lambda i: (0, i, 0))


def _full_spec(shape):
  nd = len(shape)
  return pl.BlockSpec(shape, lambda i: (0,) * nd)


def _tc_mid(a0, a1, deg, x, w):
  w_specs = [_full_spec(wi.shape) for wi in w]
  return pl.pallas_call(
      _tc_mid_body,
      grid=(_GT,),
      in_specs=[_part_spec(D), _part_spec(D), _part_spec(16),
                _row_spec(IN_DIM)] + w_specs,
      out_specs=[_row_spec(EMB), _row_spec(EMB), _row_spec(1)],
      out_shape=[jax.ShapeDtypeStruct((N, EMB), _f32),
                 jax.ShapeDtypeStruct((N, EMB), _f32),
                 jax.ShapeDtypeStruct((N, 1), _f32)],
  )(a0, a1, deg, x, *w)


def _tc_head_body(a2u, du, ru, a2i, di, ri, sW, sb, out):
  a2uv = a2u[...]
  a2iv = a2i[...]
  eu = (a2uv[0] + a2uv[1]) / du[...] + ru[...]
  ei = (a2iv[0] + a2iv[1]) / di[...] + ri[...]
  w = sW[...]
  z = _dot_t(eu, w[:, :EMB]) + _dot_t(ei, w[:, EMB:]) + sb[...]
  out[...] = 1.0 / (1.0 + jnp.exp(-z))


def _tc_head(a2u, du, ru, a2i, di, ri, sW, sb):
  return pl.pallas_call(
      _tc_head_body,
      grid=(_GT,),
      in_specs=[_part_spec(D), _row_spec(1), _row_spec(EMB),
                _part_spec(D), _row_spec(1), _row_spec(EMB),
                _full_spec((1, 2 * EMB)), _full_spec((1, 1))],
      out_specs=_row_spec(1),
      out_shape=jax.ShapeDtypeStruct((N, 1), _f32),
  )(a2u, du, ru, a2i, di, ri, sW, sb)


def kernel(user_x, item_x, user_edge_index, item_edge_index,
           u_Wl1, u_bl1, u_Wr1, u_Wl2, u_bl2, u_Wr2,
           i_Wl1, i_bl1, i_Wr1, i_Wl2, i_bl2, i_Wr2,
           s_W, s_b):
  def edges(ei):
    src = ei[0].astype(jnp.int32).reshape(NC, NS, CH, C)
    dst = ei[1].astype(jnp.int32).reshape(NC, NS, CH, C)
    return src, dst

  su, du = edges(user_edge_index)
  si, di = edges(item_edge_index)

  z64 = jnp.zeros((CZ, D), _f32)
  z16 = jnp.zeros((CZ, 16), _f32)
  ones16 = jnp.ones((C, 16), _f32)

  xu0, xu1 = user_x[:, :D], user_x[:, D:]
  xi0, xi1 = item_x[:, :D], item_x[:, D:]

  wu = (u_Wl1, u_bl1.reshape(1, HID), u_Wr1,
        u_Wl2, u_bl2.reshape(1, EMB), u_Wr2)
  wi = (i_Wl1, i_bl1.reshape(1, HID), i_Wr1,
        i_Wl2, i_bl2.reshape(1, EMB), i_Wr2)

  a_u0, a_u1, deg_u = _sc_segsum_l1(xu0, xu1, su, du, z64, z16, ones16)
  a_i0, a_i1, deg_i = _sc_segsum_l1(xi0, xi1, si, di, z64, z16, ones16)
  p_u, r_u, d_u = _tc_mid(a_u0, a_u1, deg_u, user_x, wu)
  p_i, r_i, d_i = _tc_mid(a_i0, a_i1, deg_i, item_x, wi)

  a2_u, = _sc_segsum_l2(p_u, su, du, z64)
  a2_i, = _sc_segsum_l2(p_i, si, di, z64)

  return _tc_head(a2_u, d_u, r_u, a2_i, d_i, r_i, s_W, s_b.reshape(1, 1))

# --- scband reference (transcript-rebuilt; emitter-appended) ---
"""Pipeline reference for scband-recommendation-model-38774964748344 (READ-ONLY COPY).

The authoritative reference and input builder live on the scoring server;
editing this copy changes nothing except your own understanding.
"""

import jax, jax.numpy as jnp
import numpy as np

N = 10000
E = 320000
IN_DIM = 128
HID = 256
EMB = 64


def setup_inputs(seed: int = 0) -> dict:
    key = jax.random.key(seed)
    ks = jax.random.split(key, 24)
    inp = {}
    inp["user_x"] = jax.random.normal(ks[0], (N, IN_DIM), dtype=jnp.float32)
    inp["item_x"] = jax.random.normal(ks[1], (N, IN_DIM), dtype=jnp.float32)
    inp["user_edge_index"] = jax.random.randint(ks[2], (2, E), 0, N, dtype=jnp.int64)
    inp["item_edge_index"] = jax.random.randint(ks[3], (2, E), 0, N, dtype=jnp.int64)
    def lin(k, out_d, in_d):
        return (jax.random.normal(k, (out_d, in_d), dtype=jnp.float32) * (1.0 / np.sqrt(in_d))).astype(jnp.float32)
    # user encoder: SAGEConv(IN_DIM, HID), SAGEConv(HID, EMB); each has lin_l (W,b) for aggregated msg and lin_r (W) for root
    inp["u_Wl1"] = lin(ks[4], HID, IN_DIM); inp["u_bl1"] = jnp.zeros((HID,), jnp.float32); inp["u_Wr1"] = lin(ks[5], HID, IN_DIM)
    inp["u_Wl2"] = lin(ks[6], EMB, HID);    inp["u_bl2"] = jnp.zeros((EMB,), jnp.float32); inp["u_Wr2"] = lin(ks[7], EMB, HID)
    # item encoder
    inp["i_Wl1"] = lin(ks[8], HID, IN_DIM); inp["i_bl1"] = jnp.zeros((HID,), jnp.float32); inp["i_Wr1"] = lin(ks[9], HID, IN_DIM)
    inp["i_Wl2"] = lin(ks[10], EMB, HID);   inp["i_bl2"] = jnp.zeros((EMB,), jnp.float32); inp["i_Wr2"] = lin(ks[11], EMB, HID)
    # scoring head: Linear(2*EMB, 1)
    inp["s_W"] = lin(ks[12], 1, 2 * EMB)
    inp["s_b"] = jnp.zeros((1,), jnp.float32)
    return inp


def _sage_conv(x, edge_index, Wl, bl, Wr):
    # PyG SAGEConv, aggr='mean': out = lin_l(mean_{j in N(i)} x_j) + lin_r(x_i)
    src = edge_index[0]
    dst = edge_index[1]
    n = x.shape[0]
    msg = jnp.take(x, src, axis=0)                                   # gather
    agg = jax.ops.segment_sum(msg, dst, num_segments=n)              # scatter-add
    deg = jax.ops.segment_sum(jnp.ones((edge_index.shape[1],), x.dtype), dst, num_segments=n)
    agg = agg / jnp.clip(deg, 1.0)[:, None]
    return agg @ Wl.T + bl + x @ Wr.T


def _encoder(x, edge_index, Wl1, bl1, Wr1, Wl2, bl2, Wr2):
    h = _sage_conv(x, edge_index, Wl1, bl1, Wr1)
    h = jax.nn.relu(h)  # dropout is identity in eval mode
    return _sage_conv(h, edge_index, Wl2, bl2, Wr2)


def reference(user_x, item_x, user_edge_index, item_edge_index,
              u_Wl1, u_bl1, u_Wr1, u_Wl2, u_bl2, u_Wr2,
              i_Wl1, i_bl1, i_Wr1, i_Wl2, i_bl2, i_Wr2,
              s_W, s_b):
    user_emb = _encoder(user_x, user_edge_index, u_Wl1, u_bl1, u_Wr1, u_Wl2, u_bl2, u_Wr2)
    item_emb = _encoder(item_x, item_edge_index, i_Wl1, i_bl1, i_Wr1, i_Wl2, i_bl2, i_Wr2)
    combined = jnp.concatenate([user_emb, item_emb], axis=-1)
    return jax.nn.sigmoid(combined @ s_W.T + s_b)

if __name__ == "__main__":
    import jax
    _d = setup_inputs()
    print(jax.jit(kernel)(*tuple(_d.values())))

</pallas_src>

<mosaic_0001>
#map = affine_map<(d0, d1) -> (0, 0)>
#map1 = affine_map<(d0, d1) -> (0, 0, 0, 0)>
#map2 = affine_map<(d0, d1) -> (0, 0, 0)>
module attributes {stable_mosaic.version = 14 : i64} {
  func.func @sc_kernel(%arg0: i32, %arg1: i32, %arg2: memref<10000x64xf32, #tpu.memory_space<hbm>>, %arg3: memref<10000x64xf32, #tpu.memory_space<hbm>>, %arg4: memref<2x16x80x125xi32, #tpu.memory_space<hbm>>, %arg5: memref<2x16x80x125xi32, #tpu.memory_space<hbm>>, %arg6: memref<128x64xf32, #tpu.memory_space<hbm>>, %arg7: memref<128x16xf32, #tpu.memory_space<hbm>>, %arg8: memref<125x16xf32, #tpu.memory_space<hbm>>, %arg9: memref<2x10240x64xf32, #tpu.memory_space<hbm>>, %arg10: memref<2x10240x64xf32, #tpu.memory_space<hbm>>, %arg11: memref<2x10240x16xf32, #tpu.memory_space<hbm>>, %arg12: memref<80x125xi32, #tpu.memory_space<vmem>>, %arg13: memref<80x125xi32, #tpu.memory_space<vmem>>, %arg14: memref<125x64xf32, #tpu.memory_space<vmem>>, %arg15: memref<125x64xf32, #tpu.memory_space<vmem>>, %arg16: memref<128x64xf32, #tpu.memory_space<vmem>>, %arg17: memref<!tpu.dma_semaphore, #tpu.memory_space<semaphore_mem>>, %arg18: memref<!tpu.dma_semaphore, #tpu.memory_space<semaphore_mem>>, %arg19: memref<10240x64xf32, #tpu.memory_space<vmem_shared>>, %arg20: memref<125x16xf32, #tpu.memory_space<vmem>>, %arg21: memref<128x16xf32, #tpu.memory_space<vmem>>, %arg22: memref<10240x16xf32, #tpu.memory_space<vmem_shared>>) attributes {dimension_semantics = [#tpu.dimension_semantics<core_parallel>, #tpu.dimension_semantics<subcore_parallel>], iteration_bounds = array<i64: 2, 16>, scalar_prefetch = 0 : i64, scratch_operands = 11 : i64, tpu.core_type = #tpu.core_type<sc_vector_subcore>, window_params = [{transform_indices = #map}, {transform_indices = #map}, {transform_indices = #map1}, {transform_indices = #map1}, {transform_indices = #map}, {transform_indices = #map}, {transform_indices = #map}, {transform_indices = #map2}, {transform_indices = #map2}, {transform_indices = #map2}]} {
    %mul3A = arith.constant 640 : i32
    %mul3A_0 = arith.muli %arg1, %mul3A : i32
    "tpu.region"() ({
      %run_scoped3A = tpu.sem_alloc : memref<!tpu.dma_semaphore, #tpu.memory_space<semaphore_mem>>
      tpu.enqueue_dma source(%arg6 : memref<128x64xf32, #tpu.memory_space<hbm>>) target(%arg16 : memref<128x64xf32, #tpu.memory_space<vmem>>) target_semaphore(%run_scoped3A : memref<!tpu.dma_semaphore, #tpu.memory_space<semaphore_mem>>)
      tpu.wait_dma2 semaphore(%run_scoped3A : memref<!tpu.dma_semaphore, #tpu.memory_space<semaphore_mem>>) src(%arg6 : memref<128x64xf32, #tpu.memory_space<hbm>>) dst(%arg16 : memref<128x64xf32, #tpu.memory_space<vmem>>)
      tpu.yield
    }) : () -> ()
    "tpu.region"() ({
      %run_scoped3A = tpu.sem_alloc : memref<!tpu.dma_semaphore, #tpu.memory_space<semaphore_mem>>
      tpu.enqueue_dma source(%arg7 : memref<128x16xf32, #tpu.memory_space<hbm>>) target(%arg21 : memref<128x16xf32, #tpu.memory_space<vmem>>) target_semaphore(%run_scoped3A : memref<!tpu.dma_semaphore, #tpu.memory_space<semaphore_mem>>)
      tpu.wait_dma2 semaphore(%run_scoped3A : memref<!tpu.dma_semaphore, #tpu.memory_space<semaphore_mem>>) src(%arg7 : memref<128x16xf32, #tpu.memory_space<hbm>>) dst(%arg21 : memref<128x16xf32, #tpu.memory_space<vmem>>)
      tpu.yield
    }) : () -> ()
    "tpu.region"() ({
      %run_scoped3A = tpu.sem_alloc : memref<!tpu.dma_semaphore, #tpu.memory_space<semaphore_mem>>
      tpu.enqueue_dma source(%arg8 : memref<125x16xf32, #tpu.memory_space<hbm>>) target(%arg20 : memref<125x16xf32, #tpu.memory_space<vmem>>) target_semaphore(%run_scoped3A : memref<!tpu.dma_semaphore, #tpu.memory_space<semaphore_mem>>)
      tpu.wait_dma2 semaphore(%run_scoped3A : memref<!tpu.dma_semaphore, #tpu.memory_space<semaphore_mem>>) src(%arg8 : memref<125x16xf32, #tpu.memory_space<hbm>>) dst(%arg20 : memref<125x16xf32, #tpu.memory_space<vmem>>)
      tpu.yield
    }) : () -> ()
    "tpu.region"() ({
      %run_scoped3A = tpu.sem_alloc : memref<!tpu.dma_semaphore, #tpu.memory_space<semaphore_mem>>
      %dma_start3A_77 = arith.constant 0 : i32
      %dma_start3A_78 = arith.constant 0 : i32
      %dma_start3A_79 = tpu.memref_slice %arg4[%arg0, %arg1, %dma_start3A_77, %dma_start3A_78] : memref<2x16x80x125xi32, #tpu.memory_space<hbm>> -> memref<1x1x80x125xi32, #tpu.memory_space<hbm>>
      %dma_start3A_80 = tpu.memref_squeeze %dma_start3A_79 : memref<1x1x80x125xi32, #tpu.memory_space<hbm>> -> memref<80x125xi32, #tpu.memory_space<hbm>>
      %dma_start3A_81 = arith.constant 0 : i32
      %dma_start3A_82 = arith.constant 0 : i32
      %dma_start3A_83 = tpu.memref_slice %arg4[%arg0, %arg1, %dma_start3A_81, %dma_start3A_82] : memref<2x16x80x125xi32, #tpu.memory_space<hbm>> -> memref<1x1x80x125xi32, #tpu.memory_space<hbm>>
      %dma_start3A_84 = tpu.memref_squeeze %dma_start3A_83 : memref<1x1x80x125xi32, #tpu.memory_space<hbm>> -> memref<80x125xi32, #tpu.memory_space<hbm>>
      tpu.enqueue_dma source(%dma_start3A_84 : memref<80x125xi32, #tpu.memory_space<hbm>>) target(%arg12 : memref<80x125xi32, #tpu.memory_space<vmem>>) target_semaphore(%run_scoped3A : memref<!tpu.dma_semaphore, #tpu.memory_space<semaphore_mem>>)
      %dma_wait3A = arith.constant 0 : i32
      %dma_wait3A_85 = arith.constant 0 : i32
      %dma_wait3A_86 = tpu.memref_slice %arg4[%arg0, %arg1, %dma_wait3A, %dma_wait3A_85] : memref<2x16x80x125xi32, #tpu.memory_space<hbm>> -> memref<1x1x80x125xi32, #tpu.memory_space<hbm>>
      %dma_wait3A_87 = tpu.memref_squeeze %dma_wait3A_86 : memref<1x1x80x125xi32, #tpu.memory_space<hbm>> -> memref<80x125xi32, #tpu.memory_space<hbm>>
      %dma_wait3A_88 = arith.constant 0 : i32
      %dma_wait3A_89 = arith.constant 0 : i32
      %dma_wait3A_90 = tpu.memref_slice %arg4[%arg0, %arg1, %dma_wait3A_88, %dma_wait3A_89] : memref<2x16x80x125xi32, #tpu.memory_space<hbm>> -> memref<1x1x80x125xi32, #tpu.memory_space<hbm>>
      %dma_wait3A_91 = tpu.memref_squeeze %dma_wait3A_90 : memref<1x1x80x125xi32, #tpu.memory_space<hbm>> -> memref<80x125xi32, #tpu.memory_space<hbm>>
      tpu.wait_dma2 semaphore(%run_scoped3A : memref<!tpu.dma_semaphore, #tpu.memory_space<semaphore_mem>>) src(%dma_wait3A_91 : memref<80x125xi32, #tpu.memory_space<hbm>>) dst(%arg12 : memref<80x125xi32, #tpu.memory_space<vmem>>)
      tpu.yield
    }) : () -> ()
    "tpu.region"() ({
      %run_scoped3A = tpu.sem_alloc : memref<!tpu.dma_semaphore, #tpu.memory_space<semaphore_mem>>
      %dma_start3A_77 = arith.constant 0 : i32
      %dma_start3A_78 = arith.constant 0 : i32
      %dma_start3A_79 = tpu.memref_slice %arg5[%arg0, %arg1, %dma_start3A_77, %dma_start3A_78] : memref<2x16x80x125xi32, #tpu.memory_space<hbm>> -> memref<1x1x80x125xi32, #tpu.memory_space<hbm>>
      %dma_start3A_80 = tpu.memref_squeeze %dma_start3A_79 : memref<1x1x80x125xi32, #tpu.memory_space<hbm>> -> memref<80x125xi32, #tpu.memory_space<hbm>>
      %dma_start3A_81 = arith.constant 0 : i32
      %dma_start3A_82 = arith.constant 0 : i32
      %dma_start3A_83 = tpu.memref_slice %arg5[%arg0, %arg1, %dma_start3A_81, %dma_start3A_82] : memref<2x16x80x125xi32, #tpu.memory_space<hbm>> -> memref<1x1x80x125xi32, #tpu.memory_space<hbm>>
      %dma_start3A_84 = tpu.memref_squeeze %dma_start3A_83 : memref<1x1x80x125xi32, #tpu.memory_space<hbm>> -> memref<80x125xi32, #tpu.memory_space<hbm>>
      tpu.enqueue_dma source(%dma_start3A_84 : memref<80x125xi32, #tpu.memory_space<hbm>>) target(%arg13 : memref<80x125xi32, #tpu.memory_space<vmem>>) target_semaphore(%run_scoped3A : memref<!tpu.dma_semaphore, #tpu.memory_space<semaphore_mem>>)
      %dma_wait3A = arith.constant 0 : i32
      %dma_wait3A_85 = arith.constant 0 : i32
      %dma_wait3A_86 = tpu.memref_slice %arg5[%arg0, %arg1, %dma_wait3A, %dma_wait3A_85] : memref<2x16x80x125xi32, #tpu.memory_space<hbm>> -> memref<1x1x80x125xi32, #tpu.memory_space<hbm>>
      %dma_wait3A_87 = tpu.memref_squeeze %dma_wait3A_86 : memref<1x1x80x125xi32, #tpu.memory_space<hbm>> -> memref<80x125xi32, #tpu.memory_space<hbm>>
      %dma_wait3A_88 = arith.constant 0 : i32
      %dma_wait3A_89 = arith.constant 0 : i32
      %dma_wait3A_90 = tpu.memref_slice %arg5[%arg0, %arg1, %dma_wait3A_88, %dma_wait3A_89] : memref<2x16x80x125xi32, #tpu.memory_space<hbm>> -> memref<1x1x80x125xi32, #tpu.memory_space<hbm>>
      %dma_wait3A_91 = tpu.memref_squeeze %dma_wait3A_90 : memref<1x1x80x125xi32, #tpu.memory_space<hbm>> -> memref<80x125xi32, #tpu.memory_space<hbm>>
      tpu.wait_dma2 semaphore(%run_scoped3A : memref<!tpu.dma_semaphore, #tpu.memory_space<semaphore_mem>>) src(%dma_wait3A_91 : memref<80x125xi32, #tpu.memory_space<hbm>>) dst(%arg13 : memref<80x125xi32, #tpu.memory_space<vmem>>)
      tpu.yield
    }) : () -> ()
    %add3A = arith.constant 0 : i32
    %add3A_1 = arith.addi %mul3A_0, %add3A : i32
    "tpu.region"() ({
      %run_scoped3A = tpu.sem_alloc : memref<!tpu.dma_semaphore, #tpu.memory_space<semaphore_mem>>
      %dma_start3A_77 = arith.constant 0 : i32
      %dma_start3A_78 = tpu.memref_slice %arg19[%add3A_1, %dma_start3A_77] : memref<10240x64xf32, #tpu.memory_space<vmem_shared>> -> memref<128x64xf32, #tpu.memory_space<vmem_shared>>
      %dma_start3A_79 = arith.constant 0 : i32
      %dma_start3A_80 = tpu.memref_slice %arg19[%add3A_1, %dma_start3A_79] : memref<10240x64xf32, #tpu.memory_space<vmem_shared>> -> memref<128x64xf32, #tpu.memory_space<vmem_shared>>
      tpu.enqueue_dma source(%arg16 : memref<128x64xf32, #tpu.memory_space<vmem>>) target(%dma_start3A_80 : memref<128x64xf32, #tpu.memory_space<vmem_shared>>) target_semaphore(%run_scoped3A : memref<!tpu.dma_semaphore, #tpu.memory_space<semaphore_mem>>)
      %dma_wait3A = arith.constant 0 : i32
      %dma_wait3A_81 = tpu.memref_slice %arg19[%add3A_1, %dma_wait3A] : memref<10240x64xf32, #tpu.memory_space<vmem_shared>> -> memref<128x64xf32, #tpu.memory_space<vmem_shared>>
      %dma_wait3A_82 = arith.constant 0 : i32
      %dma_wait3A_83 = tpu.memref_slice %arg19[%add3A_1, %dma_wait3A_82] : memref<10240x64xf32, #tpu.memory_space<vmem_shared>> -> memref<128x64xf32, #tpu.memory_space<vmem_shared>>
      tpu.wait_dma2 semaphore(%run_scoped3A : memref<!tpu.dma_semaphore, #tpu.memory_space<semaphore_mem>>) src(%arg16 : memref<128x64xf32, #tpu.memory_space<vmem>>) dst(%dma_wait3A_83 : memref<128x64xf32, #tpu.memory_space<vmem_shared>>)
      tpu.yield
    }) : () -> ()
    %add3A_2 = arith.constant 0 : i32
    %add3A_3 = arith.addi %mul3A_0, %add3A_2 : i32
    "tpu.region"() ({
      %run_scoped3A = tpu.sem_alloc : memref<!tpu.dma_semaphore, #tpu.memory_space<semaphore_mem>>
      %dma_start3A_77 = arith.constant 0 : i32
      %dma_start3A_78 = tpu.memref_slice %arg22[%add3A_3, %dma_start3A_77] : memref<10240x16xf32, #tpu.memory_space<vmem_shared>> -> memref<128x16xf32, #tpu.memory_space<vmem_shared>>
      %dma_start3A_79 = arith.constant 0 : i32
      %dma_start3A_80 = tpu.memref_slice %arg22[%add3A_3, %dma_start3A_79] : memref<10240x16xf32, #tpu.memory_space<vmem_shared>> -> memref<128x16xf32, #tpu.memory_space<vmem_shared>>
      tpu.enqueue_dma source(%arg21 : memref<128x16xf32, #tpu.memory_space<vmem>>) target(%dma_start3A_80 : memref<128x16xf32, #tpu.memory_space<vmem_shared>>) target_semaphore(%run_scoped3A : memref<!tpu.dma_semaphore, #tpu.memory_space<semaphore_mem>>)
      %dma_wait3A = arith.constant 0 : i32
      %dma_wait3A_81 = tpu.memref_slice %arg22[%add3A_3, %dma_wait3A] : memref<10240x16xf32, #tpu.memory_space<vmem_shared>> -> memref<128x16xf32, #tpu.memory_space<vmem_shared>>
      %dma_wait3A_82 = arith.constant 0 : i32
      %dma_wait3A_83 = tpu.memref_slice %arg22[%add3A_3, %dma_wait3A_82] : memref<10240x16xf32, #tpu.memory_space<vmem_shared>> -> memref<128x16xf32, #tpu.memory_space<vmem_shared>>
      tpu.wait_dma2 semaphore(%run_scoped3A : memref<!tpu.dma_semaphore, #tpu.memory_space<semaphore_mem>>) src(%arg21 : memref<128x16xf32, #tpu.memory_space<vmem>>) dst(%dma_wait3A_83 : memref<128x16xf32, #tpu.memory_space<vmem_shared>>)
      tpu.yield
    }) : () -> ()
    %add3A_4 = arith.constant 128 : i32
    %add3A_5 = arith.addi %mul3A_0, %add3A_4 : i32
    "tpu.region"() ({
      %run_scoped3A = tpu.sem_alloc : memref<!tpu.dma_semaphore, #tpu.memory_space<semaphore_mem>>
      %dma_start3A_77 = arith.constant 0 : i32
      %dma_start3A_78 = tpu.memref_slice %arg19[%add3A_5, %dma_start3A_77] : memref<10240x64xf32, #tpu.memory_space<vmem_shared>> -> memref<128x64xf32, #tpu.memory_space<vmem_shared>>
      %dma_start3A_79 = arith.constant 0 : i32
      %dma_start3A_80 = tpu.memref_slice %arg19[%add3A_5, %dma_start3A_79] : memref<10240x64xf32, #tpu.memory_space<vmem_shared>> -> memref<128x64xf32, #tpu.memory_space<vmem_shared>>
      tpu.enqueue_dma source(%arg16 : memref<128x64xf32, #tpu.memory_space<vmem>>) target(%dma_start3A_80 : memref<128x64xf32, #tpu.memory_space<vmem_shared>>) target_semaphore(%run_scoped3A : memref<!tpu.dma_semaphore, #tpu.memory_space<semaphore_mem>>)
      %dma_wait3A = arith.constant 0 : i32
      %dma_wait3A_81 = tpu.memref_slice %arg19[%add3A_5, %dma_wait3A] : memref<10240x64xf32, #tpu.memory_space<vmem_shared>> -> memref<128x64xf32, #tpu.memory_space<vmem_shared>>
      %dma_wait3A_82 = arith.constant 0 : i32
      %dma_wait3A_83 = tpu.memref_slice %arg19[%add3A_5, %dma_wait3A_82] : memref<10240x64xf32, #tpu.memory_space<vmem_shared>> -> memref<128x64xf32, #tpu.memory_space<vmem_shared>>
      tpu.wait_dma2 semaphore(%run_scoped3A : memref<!tpu.dma_semaphore, #tpu.memory_space<semaphore_mem>>) src(%arg16 : memref<128x64xf32, #tpu.memory_space<vmem>>) dst(%dma_wait3A_83 : memref<128x64xf32, #tpu.memory_space<vmem_shared>>)
      tpu.yield
    }) : () -> ()
    %add3A_6 = arith.constant 128 : i32
    %add3A_7 = arith.addi %mul3A_0, %add3A_6 : i32
    "tpu.region"() ({
      %run_scoped3A = tpu.sem_alloc : memref<!tpu.dma_semaphore, #tpu.memory_space<semaphore_mem>>
      %dma_start3A_77 = arith.constant 0 : i32
      %dma_start3A_78 = tpu.memref_slice %arg22[%add3A_7, %dma_start3A_77] : memref<10240x16xf32, #tpu.memory_space<vmem_shared>> -> memref<128x16xf32, #tpu.memory_space<vmem_shared>>
      %dma_start3A_79 = arith.constant 0 : i32
      %dma_start3A_80 = tpu.memref_slice %arg22[%add3A_7, %dma_start3A_79] : memref<10240x16xf32, #tpu.memory_space<vmem_shared>> -> memref<128x16xf32, #tpu.memory_space<vmem_shared>>
      tpu.enqueue_dma source(%arg21 : memref<128x16xf32, #tpu.memory_space<vmem>>) target(%dma_start3A_80 : memref<128x16xf32, #tpu.memory_space<vmem_shared>>) target_semaphore(%run_scoped3A : memref<!tpu.dma_semaphore, #tpu.memory_space<semaphore_mem>>)
      %dma_wait3A = arith.constant 0 : i32
      %dma_wait3A_81 = tpu.memref_slice %arg22[%add3A_7, %dma_wait3A] : memref<10240x16xf32, #tpu.memory_space<vmem_shared>> -> memref<128x16xf32, #tpu.memory_space<vmem_shared>>
      %dma_wait3A_82 = arith.constant 0 : i32
      %dma_wait3A_83 = tpu.memref_slice %arg22[%add3A_7, %dma_wait3A_82] : memref<10240x16xf32, #tpu.memory_space<vmem_shared>> -> memref<128x16xf32, #tpu.memory_space<vmem_shared>>
      tpu.wait_dma2 semaphore(%run_scoped3A : memref<!tpu.dma_semaphore, #tpu.memory_space<semaphore_mem>>) src(%arg21 : memref<128x16xf32, #tpu.memory_space<vmem>>) dst(%dma_wait3A_83 : memref<128x16xf32, #tpu.memory_space<vmem_shared>>)
      tpu.yield
    }) : () -> ()
    %add3A_8 = arith.constant 256 : i32
    %add3A_9 = arith.addi %mul3A_0, %add3A_8 : i32
    "tpu.region"() ({
      %run_scoped3A = tpu.sem_alloc : memref<!tpu.dma_semaphore, #tpu.memory_space<semaphore_mem>>
      %dma_start3A_77 = arith.constant 0 : i32
      %dma_start3A_78 = tpu.memref_slice %arg19[%add3A_9, %dma_start3A_77] : memref<10240x64xf32, #tpu.memory_space<vmem_shared>> -> memref<128x64xf32, #tpu.memory_space<vmem_shared>>
      %dma_start3A_79 = arith.constant 0 : i32
      %dma_start3A_80 = tpu.memref_slice %arg19[%add3A_9, %dma_start3A_79] : memref<10240x64xf32, #tpu.memory_space<vmem_shared>> -> memref<128x64xf32, #tpu.memory_space<vmem_shared>>
      tpu.enqueue_dma source(%arg16 : memref<128x64xf32, #tpu.memory_space<vmem>>) target(%dma_start3A_80 : memref<128x64xf32, #tpu.memory_space<vmem_shared>>) target_semaphore(%run_scoped3A : memref<!tpu.dma_semaphore, #tpu.memory_space<semaphore_mem>>)
      %dma_wait3A = arith.constant 0 : i32
      %dma_wait3A_81 = tpu.memref_slice %arg19[%add3A_9, %dma_wait3A] : memref<10240x64xf32, #tpu.memory_space<vmem_shared>> -> memref<128x64xf32, #tpu.memory_space<vmem_shared>>
      %dma_wait3A_82 = arith.constant 0 : i32
      %dma_wait3A_83 = tpu.memref_slice %arg19[%add3A_9, %dma_wait3A_82] : memref<10240x64xf32, #tpu.memory_space<vmem_shared>> -> memref<128x64xf32, #tpu.memory_space<vmem_shared>>
      tpu.wait_dma2 semaphore(%run_scoped3A : memref<!tpu.dma_semaphore, #tpu.memory_space<semaphore_mem>>) src(%arg16 : memref<128x64xf32, #tpu.memory_space<vmem>>) dst(%dma_wait3A_83 : memref<128x64xf32, #tpu.memory_space<vmem_shared>>)
      tpu.yield
    }) : () -> ()
    %add3A_10 = arith.constant 256 : i32
    %add3A_11 = arith.addi %mul3A_0, %add3A_10 : i32
    "tpu.region"() ({
      %run_scoped3A = tpu.sem_alloc : memref<!tpu.dma_semaphore, #tpu.memory_space<semaphore_mem>>
      %dma_start3A_77 = arith.constant 0 : i32
      %dma_start3A_78 = tpu.memref_slice %arg22[%add3A_11, %dma_start3A_77] : memref<10240x16xf32, #tpu.memory_space<vmem_shared>> -> memref<128x16xf32, #tpu.memory_space<vmem_shared>>
      %dma_start3A_79 = arith.constant 0 : i32
      %dma_start3A_80 = tpu.memref_slice %arg22[%add3A_11, %dma_start3A_79] : memref<10240x16xf32, #tpu.memory_space<vmem_shared>> -> memref<128x16xf32, #tpu.memory_space<vmem_shared>>
      tpu.enqueue_dma source(%arg21 : memref<128x16xf32, #tpu.memory_space<vmem>>) target(%dma_start3A_80 : memref<128x16xf32, #tpu.memory_space<vmem_shared>>) target_semaphore(%run_scoped3A : memref<!tpu.dma_semaphore, #tpu.memory_space<semaphore_mem>>)
      %dma_wait3A = arith.constant 0 : i32
      %dma_wait3A_81 = tpu.memref_slice %arg22[%add3A_11, %dma_wait3A] : memref<10240x16xf32, #tpu.memory_space<vmem_shared>> -> memref<128x16xf32, #tpu.memory_space<vmem_shared>>
      %dma_wait3A_82 = arith.constant 0 : i32
      %dma_wait3A_83 = tpu.memref_slice %arg22[%add3A_11, %dma_wait3A_82] : memref<10240x16xf32, #tpu.memory_space<vmem_shared>> -> memref<128x16xf32, #tpu.memory_space<vmem_shared>>
      tpu.wait_dma2 semaphore(%run_scoped3A : memref<!tpu.dma_semaphore, #tpu.memory_space<semaphore_mem>>) src(%arg21 : memref<128x16xf32, #tpu.memory_space<vmem>>) dst(%dma_wait3A_83 : memref<128x16xf32, #tpu.memory_space<vmem_shared>>)
      tpu.yield
    }) : () -> ()
    %add3A_12 = arith.constant 384 : i32
    %add3A_13 = arith.addi %mul3A_0, %add3A_12 : i32
    "tpu.region"() ({
      %run_scoped3A = tpu.sem_alloc : memref<!tpu.dma_semaphore, #tpu.memory_space<semaphore_mem>>
      %dma_start3A_77 = arith.constant 0 : i32
      %dma_start3A_78 = tpu.memref_slice %arg19[%add3A_13, %dma_start3A_77] : memref<10240x64xf32, #tpu.memory_space<vmem_shared>> -> memref<128x64xf32, #tpu.memory_space<vmem_shared>>
      %dma_start3A_79 = arith.constant 0 : i32
      %dma_start3A_80 = tpu.memref_slice %arg19[%add3A_13, %dma_start3A_79] : memref<10240x64xf32, #tpu.memory_space<vmem_shared>> -> memref<128x64xf32, #tpu.memory_space<vmem_shared>>
      tpu.enqueue_dma source(%arg16 : memref<128x64xf32, #tpu.memory_space<vmem>>) target(%dma_start3A_80 : memref<128x64xf32, #tpu.memory_space<vmem_shared>>) target_semaphore(%run_scoped3A : memref<!tpu.dma_semaphore, #tpu.memory_space<semaphore_mem>>)
      %dma_wait3A = arith.constant 0 : i32
      %dma_wait3A_81 = tpu.memref_slice %arg19[%add3A_13, %dma_wait3A] : memref<10240x64xf32, #tpu.memory_space<vmem_shared>> -> memref<128x64xf32, #tpu.memory_space<vmem_shared>>
      %dma_wait3A_82 = arith.constant 0 : i32
      %dma_wait3A_83 = tpu.memref_slice %arg19[%add3A_13, %dma_wait3A_82] : memref<10240x64xf32, #tpu.memory_space<vmem_shared>> -> memref<128x64xf32, #tpu.memory_space<vmem_shared>>
      tpu.wait_dma2 semaphore(%run_scoped3A : memref<!tpu.dma_semaphore, #tpu.memory_space<semaphore_mem>>) src(%arg16 : memref<128x64xf32, #tpu.memory_space<vmem>>) dst(%dma_wait3A_83 : memref<128x64xf32, #tpu.memory_space<vmem_shared>>)
      tpu.yield
    }) : () -> ()
    %add3A_14 = arith.constant 384 : i32
    %add3A_15 = arith.addi %mul3A_0, %add3A_14 : i32
    "tpu.region"() ({
      %run_scoped3A = tpu.sem_alloc : memref<!tpu.dma_semaphore, #tpu.memory_space<semaphore_mem>>
      %dma_start3A_77 = arith.constant 0 : i32
      %dma_start3A_78 = tpu.memref_slice %arg22[%add3A_15, %dma_start3A_77] : memref<10240x16xf32, #tpu.memory_space<vmem_shared>> -> memref<128x16xf32, #tpu.memory_space<vmem_shared>>
      %dma_start3A_79 = arith.constant 0 : i32
      %dma_start3A_80 = tpu.memref_slice %arg22[%add3A_15, %dma_start3A_79] : memref<10240x16xf32, #tpu.memory_space<vmem_shared>> -> memref<128x16xf32, #tpu.memory_space<vmem_shared>>
      tpu.enqueue_dma source(%arg21 : memref<128x16xf32, #tpu.memory_space<vmem>>) target(%dma_start3A_80 : memref<128x16xf32, #tpu.memory_space<vmem_shared>>) target_semaphore(%run_scoped3A : memref<!tpu.dma_semaphore, #tpu.memory_space<semaphore_mem>>)
      %dma_wait3A = arith.constant 0 : i32
      %dma_wait3A_81 = tpu.memref_slice %arg22[%add3A_15, %dma_wait3A] : memref<10240x16xf32, #tpu.memory_space<vmem_shared>> -> memref<128x16xf32, #tpu.memory_space<vmem_shared>>
      %dma_wait3A_82 = arith.constant 0 : i32
      %dma_wait3A_83 = tpu.memref_slice %arg22[%add3A_15, %dma_wait3A_82] : memref<10240x16xf32, #tpu.memory_space<vmem_shared>> -> memref<128x16xf32, #tpu.memory_space<vmem_shared>>
      tpu.wait_dma2 semaphore(%run_scoped3A : memref<!tpu.dma_semaphore, #tpu.memory_space<semaphore_mem>>) src(%arg21 : memref<128x16xf32, #tpu.memory_space<vmem>>) dst(%dma_wait3A_83 : memref<128x16xf32, #tpu.memory_space<vmem_shared>>)
      tpu.yield
    }) : () -> ()
    %add3A_16 = arith.constant 512 : i32
    %add3A_17 = arith.addi %mul3A_0, %add3A_16 : i32
    "tpu.region"() ({
      %run_scoped3A = tpu.sem_alloc : memref<!tpu.dma_semaphore, #tpu.memory_space<semaphore_mem>>
      %dma_start3A_77 = arith.constant 0 : i32
      %dma_start3A_78 = tpu.memref_slice %arg19[%add3A_17, %dma_start3A_77] : memref<10240x64xf32, #tpu.memory_space<vmem_shared>> -> memref<128x64xf32, #tpu.memory_space<vmem_shared>>
      %dma_start3A_79 = arith.constant 0 : i32
      %dma_start3A_80 = tpu.memref_slice %arg19[%add3A_17, %dma_start3A_79] : memref<10240x64xf32, #tpu.memory_space<vmem_shared>> -> memref<128x64xf32, #tpu.memory_space<vmem_shared>>
      tpu.enqueue_dma source(%arg16 : memref<128x64xf32, #tpu.memory_space<vmem>>) target(%dma_start3A_80 : memref<128x64xf32, #tpu.memory_space<vmem_shared>>) target_semaphore(%run_scoped3A : memref<!tpu.dma_semaphore, #tpu.memory_space<semaphore_mem>>)
      %dma_wait3A = arith.constant 0 : i32
      %dma_wait3A_81 = tpu.memref_slice %arg19[%add3A_17, %dma_wait3A] : memref<10240x64xf32, #tpu.memory_space<vmem_shared>> -> memref<128x64xf32, #tpu.memory_space<vmem_shared>>
      %dma_wait3A_82 = arith.constant 0 : i32
      %dma_wait3A_83 = tpu.memref_slice %arg19[%add3A_17, %dma_wait3A_82] : memref<10240x64xf32, #tpu.memory_space<vmem_shared>> -> memref<128x64xf32, #tpu.memory_space<vmem_shared>>
      tpu.wait_dma2 semaphore(%run_scoped3A : memref<!tpu.dma_semaphore, #tpu.memory_space<semaphore_mem>>) src(%arg16 : memref<128x64xf32, #tpu.memory_space<vmem>>) dst(%dma_wait3A_83 : memref<128x64xf32, #tpu.memory_space<vmem_shared>>)
      tpu.yield
    }) : () -> ()
    %add3A_18 = arith.constant 512 : i32
    %add3A_19 = arith.addi %mul3A_0, %add3A_18 : i32
    "tpu.region"() ({
      %run_scoped3A = tpu.sem_alloc : memref<!tpu.dma_semaphore, #tpu.memory_space<semaphore_mem>>
      %dma_start3A_77 = arith.constant 0 : i32
      %dma_start3A_78 = tpu.memref_slice %arg22[%add3A_19, %dma_start3A_77] : memref<10240x16xf32, #tpu.memory_space<vmem_shared>> -> memref<128x16xf32, #tpu.memory_space<vmem_shared>>
      %dma_start3A_79 = arith.constant 0 : i32
      %dma_start3A_80 = tpu.memref_slice %arg22[%add3A_19, %dma_start3A_79] : memref<10240x16xf32, #tpu.memory_space<vmem_shared>> -> memref<128x16xf32, #tpu.memory_space<vmem_shared>>
      tpu.enqueue_dma source(%arg21 : memref<128x16xf32, #tpu.memory_space<vmem>>) target(%dma_start3A_80 : memref<128x16xf32, #tpu.memory_space<vmem_shared>>) target_semaphore(%run_scoped3A : memref<!tpu.dma_semaphore, #tpu.memory_space<semaphore_mem>>)
      %dma_wait3A = arith.constant 0 : i32
      %dma_wait3A_81 = tpu.memref_slice %arg22[%add3A_19, %dma_wait3A] : memref<10240x16xf32, #tpu.memory_space<vmem_shared>> -> memref<128x16xf32, #tpu.memory_space<vmem_shared>>
      %dma_wait3A_82 = arith.constant 0 : i32
      %dma_wait3A_83 = tpu.memref_slice %arg22[%add3A_19, %dma_wait3A_82] : memref<10240x16xf32, #tpu.memory_space<vmem_shared>> -> memref<128x16xf32, #tpu.memory_space<vmem_shared>>
      tpu.wait_dma2 semaphore(%run_scoped3A : memref<!tpu.dma_semaphore, #tpu.memory_space<semaphore_mem>>) src(%arg21 : memref<128x16xf32, #tpu.memory_space<vmem>>) dst(%dma_wait3A_83 : memref<128x16xf32, #tpu.memory_space<vmem_shared>>)
      tpu.yield
    }) : () -> ()
    %barrier3A = arith.constant 0 : index
    tpu.barrier barrier_id(%barrier3A)
    %dma_start3A = arith.constant 0 : i32
    %dma_start3A_20 = arith.constant 0 : i32
    %dma_start3A_21 = tpu.memref_slice %arg12[%dma_start3A, %dma_start3A_20] : memref<80x125xi32, #tpu.memory_space<vmem>> -> memref<1x125xi32, #tpu.memory_space<vmem>>
    %dma_start3A_22 = tpu.memref_squeeze %dma_start3A_21 : memref<1x125xi32, #tpu.memory_space<vmem>> -> memref<125xi32, #tpu.memory_space<vmem>>
    %dma_start3A_23 = arith.constant 0 : i32
    %dma_start3A_24 = arith.constant 0 : i32
    %dma_start3A_25 = tpu.memref_slice %arg2[%dma_start3A_23, %dma_start3A_24] : memref<10000x64xf32, #tpu.memory_space<hbm>> -> memref<10000x64xf32, #tpu.memory_space<hbm>>
    tpu.enqueue_indirect_dma source(%dma_start3A_25 : memref<10000x64xf32, #tpu.memory_space<hbm>>) target(%arg14 : memref<125x64xf32, #tpu.memory_space<vmem>>) offsets(%dma_start3A_22 : memref<125xi32, #tpu.memory_space<vmem>>) semaphore(%arg17 : memref<!tpu.dma_semaphore, #tpu.memory_space<semaphore_mem>>)
    %scan3A = arith.constant 0 : i32
    %scan3A_26 = arith.constant 0 : i32
    %scan3A_27 = arith.constant 40 : i32
    %scan3A_28 = arith.addi %scan3A_26, %scan3A_27 : i32
    %scan3A_29 = arith.constant 1 : i32
    scf.for %scan3A_77 = %scan3A_26 to %scan3A_28 step %scan3A_29  : i32 {
      %mul3A_78 = arith.constant 2 : i32
      %mul3A_79 = arith.muli %mul3A_78, %scan3A_77 : i32
      %add3A_80 = arith.constant 0 : i32
      %add3A_81 = arith.addi %mul3A_79, %add3A_80 : i32
      %add3A_82 = arith.constant 1 : i32
      %add3A_83 = arith.addi %add3A_81, %add3A_82 : i32
      %lt3A = arith.constant 80 : i32
      %lt3A_84 = arith.cmpi slt, %add3A_83, %lt3A : i32
      %convert_element_type3A = arith.extui %lt3A_84 : i1 to i32
      %cond3A = arith.constant 0 : i32
      %cond3A_85 = arith.cmpi ne, %convert_element_type3A, %cond3A : i32
      scf.if %cond3A_85 {
        %add3A_108 = arith.constant 1 : i32
        %add3A_109 = arith.addi %add3A_81, %add3A_108 : i32
        %dma_start3A_110 = arith.constant 0 : i32
        %dma_start3A_111 = tpu.memref_slice %arg12[%add3A_109, %dma_start3A_110] : memref<80x125xi32, #tpu.memory_space<vmem>> -> memref<1x125xi32, #tpu.memory_space<vmem>>
        %dma_start3A_112 = tpu.memref_squeeze %dma_start3A_111 : memref<1x125xi32, #tpu.memory_space<vmem>> -> memref<125xi32, #tpu.memory_space<vmem>>
        %dma_start3A_113 = arith.constant 0 : i32
        %dma_start3A_114 = arith.constant 0 : i32
        %dma_start3A_115 = tpu.memref_slice %arg2[%dma_start3A_113, %dma_start3A_114] : memref<10000x64xf32, #tpu.memory_space<hbm>> -> memref<10000x64xf32, #tpu.memory_space<hbm>>
        tpu.enqueue_indirect_dma source(%dma_start3A_115 : memref<10000x64xf32, #tpu.memory_space<hbm>>) target(%arg15 : memref<125x64xf32, #tpu.memory_space<vmem>>) offsets(%dma_start3A_112 : memref<125xi32, #tpu.memory_space<vmem>>) semaphore(%arg18 : memref<!tpu.dma_semaphore, #tpu.memory_space<semaphore_mem>>)
      } else {
      }
      %dma_wait3A = arith.constant 0 : i32
      %dma_wait3A_86 = tpu.memref_slice %arg12[%add3A_81, %dma_wait3A] : memref<80x125xi32, #tpu.memory_space<vmem>> -> memref<1x125xi32, #tpu.memory_space<vmem>>
      %dma_wait3A_87 = tpu.memref_squeeze %dma_wait3A_86 : memref<1x125xi32, #tpu.memory_space<vmem>> -> memref<125xi32, #tpu.memory_space<vmem>>
      %dma_wait3A_88 = arith.constant 0 : i32
      %dma_wait3A_89 = arith.constant 0 : i32
      %dma_wait3A_90 = tpu.memref_slice %arg2[%dma_wait3A_88, %dma_wait3A_89] : memref<10000x64xf32, #tpu.memory_space<hbm>> -> memref<10000x64xf32, #tpu.memory_space<hbm>>
      tpu.wait_indirect_dma semaphore(%arg17 : memref<!tpu.dma_semaphore, #tpu.memory_space<semaphore_mem>>) src(%dma_wait3A_90 : memref<10000x64xf32, #tpu.memory_space<hbm>>) dst(%arg14 : memref<125x64xf32, #tpu.memory_space<vmem>>)
      "tpu.region"() ({
        %run_scoped3A = tpu.sem_alloc : memref<!tpu.dma_semaphore, #tpu.memory_space<semaphore_mem>>
        %dma_start3A_108 = arith.constant 0 : i32
        %dma_start3A_109 = tpu.memref_slice %arg13[%add3A_81, %dma_start3A_108] : memref<80x125xi32, #tpu.memory_space<vmem>> -> memref<1x125xi32, #tpu.memory_space<vmem>>
        %dma_start3A_110 = tpu.memref_squeeze %dma_start3A_109 : memref<1x125xi32, #tpu.memory_space<vmem>> -> memref<125xi32, #tpu.memory_space<vmem>>
        %dma_start3A_111 = arith.constant 0 : i32
        %dma_start3A_112 = arith.constant 0 : i32
        %dma_start3A_113 = tpu.memref_slice %arg19[%dma_start3A_111, %dma_start3A_112] : memref<10240x64xf32, #tpu.memory_space<vmem_shared>> -> memref<10240x64xf32, #tpu.memory_space<vmem_shared>>
        tpu.enqueue_indirect_dma source(%arg14 : memref<125x64xf32, #tpu.memory_space<vmem>>) target(%dma_start3A_113 : memref<10240x64xf32, #tpu.memory_space<vmem_shared>>) offsets(%dma_start3A_110 : memref<125xi32, #tpu.memory_space<vmem>>) semaphore(%run_scoped3A : memref<!tpu.dma_semaphore, #tpu.memory_space<semaphore_mem>>) {add = true}
        %dma_wait3A_114 = arith.constant 0 : i32
        %dma_wait3A_115 = tpu.memref_slice %arg13[%add3A_81, %dma_wait3A_114] : memref<80x125xi32, #tpu.memory_space<vmem>> -> memref<1x125xi32, #tpu.memory_space<vmem>>
        %dma_wait3A_116 = tpu.memref_squeeze %dma_wait3A_115 : memref<1x125xi32, #tpu.memory_space<vmem>> -> memref<125xi32, #tpu.memory_space<vmem>>
        %dma_wait3A_117 = arith.constant 0 : i32
        %dma_wait3A_118 = arith.constant 0 : i32
        %dma_wait3A_119 = tpu.memref_slice %arg19[%dma_wait3A_117, %dma_wait3A_118] : memref<10240x64xf32, #tpu.memory_space<vmem_shared>> -> memref<10240x64xf32, #tpu.memory_space<vmem_shared>>
        tpu.wait_indirect_dma semaphore(%run_scoped3A : memref<!tpu.dma_semaphore, #tpu.memory_space<semaphore_mem>>) src(%arg14 : memref<125x64xf32, #tpu.memory_space<vmem>>) dst(%dma_wait3A_119 : memref<10240x64xf32, #tpu.memory_space<vmem_shared>>)
        tpu.yield
      }) : () -> ()
      "tpu.region"() ({
        %run_scoped3A = tpu.sem_alloc : memref<!tpu.dma_semaphore, #tpu.memory_space<semaphore_mem>>
        %dma_start3A_108 = arith.constant 0 : i32
        %dma_start3A_109 = tpu.memref_slice %arg13[%add3A_81, %dma_start3A_108] : memref<80x125xi32, #tpu.memory_space<vmem>> -> memref<1x125xi32, #tpu.memory_space<vmem>>
        %dma_start3A_110 = tpu.memref_squeeze %dma_start3A_109 : memref<1x125xi32, #tpu.memory_space<vmem>> -> memref<125xi32, #tpu.memory_space<vmem>>
        %dma_start3A_111 = arith.constant 0 : i32
        %dma_start3A_112 = arith.constant 0 : i32
        %dma_start3A_113 = tpu.memref_slice %arg22[%dma_start3A_111, %dma_start3A_112] : memref<10240x16xf32, #tpu.memory_space<vmem_shared>> -> memref<10240x16xf32, #tpu.memory_space<vmem_shared>>
        tpu.enqueue_indirect_dma source(%arg20 : memref<125x16xf32, #tpu.memory_space<vmem>>) target(%dma_start3A_113 : memref<10240x16xf32, #tpu.memory_space<vmem_shared>>) offsets(%dma_start3A_110 : memref<125xi32, #tpu.memory_space<vmem>>) semaphore(%run_scoped3A : memref<!tpu.dma_semaphore, #tpu.memory_space<semaphore_mem>>) {add = true}
        %dma_wait3A_114 = arith.constant 0 : i32
        %dma_wait3A_115 = tpu.memref_slice %arg13[%add3A_81, %dma_wait3A_114] : memref<80x125xi32, #tpu.memory_space<vmem>> -> memref<1x125xi32, #tpu.memory_space<vmem>>
        %dma_wait3A_116 = tpu.memref_squeeze %dma_wait3A_115 : memref<1x125xi32, #tpu.memory_space<vmem>> -> memref<125xi32, #tpu.memory_space<vmem>>
        %dma_wait3A_117 = arith.constant 0 : i32
        %dma_wait3A_118 = arith.constant 0 : i32
        %dma_wait3A_119 = tpu.memref_slice %arg22[%dma_wait3A_117, %dma_wait3A_118] : memref<10240x16xf32, #tpu.memory_space<vmem_shared>> -> memref<10240x16xf32, #tpu.memory_space<vmem_shared>>
        tpu.wait_indirect_dma semaphore(%run_scoped3A : memref<!tpu.dma_semaphore, #tpu.memory_space<semaphore_mem>>) src(%arg20 : memref<125x16xf32, #tpu.memory_space<vmem>>) dst(%dma_wait3A_119 : memref<10240x16xf32, #tpu.memory_space<vmem_shared>>)
        tpu.yield
      }) : () -> ()
      %mul3A_91 = arith.constant 2 : i32
      %mul3A_92 = arith.muli %mul3A_91, %scan3A_77 : i32
      %add3A_93 = arith.constant 1 : i32
      %add3A_94 = arith.addi %mul3A_92, %add3A_93 : i32
      %add3A_95 = arith.constant 1 : i32
      %add3A_96 = arith.addi %add3A_94, %add3A_95 : i32
      %lt3A_97 = arith.constant 80 : i32
      %lt3A_98 = arith.cmpi slt, %add3A_96, %lt3A_97 : i32
      %convert_element_type3A_99 = arith.extui %lt3A_98 : i1 to i32
      %cond3A_100 = arith.constant 0 : i32
      %cond3A_101 = arith.cmpi ne, %convert_element_type3A_99, %cond3A_100 : i32
      scf.if %cond3A_101 {
        %add3A_108 = arith.constant 1 : i32
        %add3A_109 = arith.addi %add3A_94, %add3A_108 : i32
        %dma_start3A_110 = arith.constant 0 : i32
        %dma_start3A_111 = tpu.memref_slice %arg12[%add3A_109, %dma_start3A_110] : memref<80x125xi32, #tpu.memory_space<vmem>> -> memref<1x125xi32, #tpu.memory_space<vmem>>
        %dma_start3A_112 = tpu.memref_squeeze %dma_start3A_111 : memref<1x125xi32, #tpu.memory_space<vmem>> -> memref<125xi32, #tpu.memory_space<vmem>>
        %dma_start3A_113 = arith.constant 0 : i32
        %dma_start3A_114 = arith.constant 0 : i32
        %dma_start3A_115 = tpu.memref_slice %arg2[%dma_start3A_113, %dma_start3A_114] : memref<10000x64xf32, #tpu.memory_space<hbm>> -> memref<10000x64xf32, #tpu.memory_space<hbm>>
        tpu.enqueue_indirect_dma source(%dma_start3A_115 : memref<10000x64xf32, #tpu.memory_space<hbm>>) target(%arg14 : memref<125x64xf32, #tpu.memory_space<vmem>>) offsets(%dma_start3A_112 : memref<125xi32, #tpu.memory_space<vmem>>) semaphore(%arg17 : memref<!tpu.dma_semaphore, #tpu.memory_space<semaphore_mem>>)
      } else {
      }
      %dma_wait3A_102 = arith.constant 0 : i32
      %dma_wait3A_103 = tpu.memref_slice %arg12[%add3A_94, %dma_wait3A_102] : memref<80x125xi32, #tpu.memory_space<vmem>> -> memref<1x125xi32, #tpu.memory_space<vmem>>
      %dma_wait3A_104 = tpu.memref_squeeze %dma_wait3A_103 : memref<1x125xi32, #tpu.memory_space<vmem>> -> memref<125xi32, #tpu.memory_space<vmem>>
      %dma_wait3A_105 = arith.constant 0 : i32
      %dma_wait3A_106 = arith.constant 0 : i32
      %dma_wait3A_107 = tpu.memref_slice %arg2[%dma_wait3A_105, %dma_wait3A_106] : memref<10000x64xf32, #tpu.memory_space<hbm>> -> memref<10000x64xf32, #tpu.memory_space<hbm>>
      tpu.wait_indirect_dma semaphore(%arg18 : memref<!tpu.dma_semaphore, #tpu.memory_space<semaphore_mem>>) src(%dma_wait3A_107 : memref<10000x64xf32, #tpu.memory_space<hbm>>) dst(%arg15 : memref<125x64xf32, #tpu.memory_space<vmem>>)
      "tpu.region"() ({
        %run_scoped3A = tpu.sem_alloc : memref<!tpu.dma_semaphore, #tpu.memory_space<semaphore_mem>>
        %dma_start3A_108 = arith.constant 0 : i32
        %dma_start3A_109 = tpu.memref_slice %arg13[%add3A_94, %dma_start3A_108] : memref<80x125xi32, #tpu.memory_space<vmem>> -> memref<1x125xi32, #tpu.memory_space<vmem>>
        %dma_start3A_110 = tpu.memref_squeeze %dma_start3A_109 : memref<1x125xi32, #tpu.memory_space<vmem>> -> memref<125xi32, #tpu.memory_space<vmem>>
        %dma_start3A_111 = arith.constant 0 : i32
        %dma_start3A_112 = arith.constant 0 : i32
        %dma_start3A_113 = tpu.memref_slice %arg19[%dma_start3A_111, %dma_start3A_112] : memref<10240x64xf32, #tpu.memory_space<vmem_shared>> -> memref<10240x64xf32, #tpu.memory_space<vmem_shared>>
        tpu.enqueue_indirect_dma source(%arg15 : memref<125x64xf32, #tpu.memory_space<vmem>>) target(%dma_start3A_113 : memref<10240x64xf32, #tpu.memory_space<vmem_shared>>) offsets(%dma_start3A_110 : memref<125xi32, #tpu.memory_space<vmem>>) semaphore(%run_scoped3A : memref<!tpu.dma_semaphore, #tpu.memory_space<semaphore_mem>>) {add = true}
        %dma_wait3A_114 = arith.constant 0 : i32
        %dma_wait3A_115 = tpu.memref_slice %arg13[%add3A_94, %dma_wait3A_114] : memref<80x125xi32, #tpu.memory_space<vmem>> -> memref<1x125xi32, #tpu.memory_space<vmem>>
        %dma_wait3A_116 = tpu.memref_squeeze %dma_wait3A_115 : memref<1x125xi32, #tpu.memory_space<vmem>> -> memref<125xi32, #tpu.memory_space<vmem>>
        %dma_wait3A_117 = arith.constant 0 : i32
        %dma_wait3A_118 = arith.constant 0 : i32
        %dma_wait3A_119 = tpu.memref_slice %arg19[%dma_wait3A_117, %dma_wait3A_118] : memref<10240x64xf32, #tpu.memory_space<vmem_shared>> -> memref<10240x64xf32, #tpu.memory_space<vmem_shared>>
        tpu.wait_indirect_dma semaphore(%run_scoped3A : memref<!tpu.dma_semaphore, #tpu.memory_space<semaphore_mem>>) src(%arg15 : memref<125x64xf32, #tpu.memory_space<vmem>>) dst(%dma_wait3A_119 : memref<10240x64xf32, #tpu.memory_space<vmem_shared>>)
        tpu.yield
      }) : () -> ()
      "tpu.region"() ({
        %run_scoped3A = tpu.sem_alloc : memref<!tpu.dma_semaphore, #tpu.memory_space<semaphore_mem>>
        %dma_start3A_108 = arith.constant 0 : i32
        %dma_start3A_109 = tpu.memref_slice %arg13[%add3A_94, %dma_start3A_108] : memref<80x125xi32, #tpu.memory_space<vmem>> -> memref<1x125xi32, #tpu.memory_space<vmem>>
        %dma_start3A_110 = tpu.memref_squeeze %dma_start3A_109 : memref<1x125xi32, #tpu.memory_space<vmem>> -> memref<125xi32, #tpu.memory_space<vmem>>
        %dma_start3A_111 = arith.constant 0 : i32
        %dma_start3A_112 = arith.constant 0 : i32
        %dma_start3A_113 = tpu.memref_slice %arg22[%dma_start3A_111, %dma_start3A_112] : memref<10240x16xf32, #tpu.memory_space<vmem_shared>> -> memref<10240x16xf32, #tpu.memory_space<vmem_shared>>
        tpu.enqueue_indirect_dma source(%arg20 : memref<125x16xf32, #tpu.memory_space<vmem>>) target(%dma_start3A_113 : memref<10240x16xf32, #tpu.memory_space<vmem_shared>>) offsets(%dma_start3A_110 : memref<125xi32, #tpu.memory_space<vmem>>) semaphore(%run_scoped3A : memref<!tpu.dma_semaphore, #tpu.memory_space<semaphore_mem>>) {add = true}
        %dma_wait3A_114 = arith.constant 0 : i32
        %dma_wait3A_115 = tpu.memref_slice %arg13[%add3A_94, %dma_wait3A_114] : memref<80x125xi32, #tpu.memory_space<vmem>> -> memref<1x125xi32, #tpu.memory_space<vmem>>
        %dma_wait3A_116 = tpu.memref_squeeze %dma_wait3A_115 : memref<1x125xi32, #tpu.memory_space<vmem>> -> memref<125xi32, #tpu.memory_space<vmem>>
        %dma_wait3A_117 = arith.constant 0 : i32
        %dma_wait3A_118 = arith.constant 0 : i32
        %dma_wait3A_119 = tpu.memref_slice %arg22[%dma_wait3A_117, %dma_wait3A_118] : memref<10240x16xf32, #tpu.memory_space<vmem_shared>> -> memref<10240x16xf32, #tpu.memory_space<vmem_shared>>
        tpu.wait_indirect_dma semaphore(%run_scoped3A : memref<!tpu.dma_semaphore, #tpu.memory_space<semaphore_mem>>) src(%arg20 : memref<125x16xf32, #tpu.memory_space<vmem>>) dst(%dma_wait3A_119 : memref<10240x16xf32, #tpu.memory_space<vmem_shared>>)
        tpu.yield
      }) : () -> ()
    }
    %scan3A_30 = arith.constant 40 : i32
    %barrier3A_31 = arith.constant 0 : index
    tpu.barrier barrier_id(%barrier3A_31)
    %add3A_32 = arith.constant 0 : i32
    %add3A_33 = arith.addi %mul3A_0, %add3A_32 : i32
    "tpu.region"() ({
      %run_scoped3A = tpu.sem_alloc : memref<!tpu.dma_semaphore, #tpu.memory_space<semaphore_mem>>
      %dma_start3A_77 = arith.constant 0 : i32
      %dma_start3A_78 = tpu.memref_slice %arg19[%add3A_33, %dma_start3A_77] : memref<10240x64xf32, #tpu.memory_space<vmem_shared>> -> memref<128x64xf32, #tpu.memory_space<vmem_shared>>
      %dma_start3A_79 = arith.constant 0 : i32
      %dma_start3A_80 = tpu.memref_slice %arg19[%add3A_33, %dma_start3A_79] : memref<10240x64xf32, #tpu.memory_space<vmem_shared>> -> memref<128x64xf32, #tpu.memory_space<vmem_shared>>
      tpu.enqueue_dma source(%dma_start3A_80 : memref<128x64xf32, #tpu.memory_space<vmem_shared>>) target(%arg16 : memref<128x64xf32, #tpu.memory_space<vmem>>) target_semaphore(%run_scoped3A : memref<!tpu.dma_semaphore, #tpu.memory_space<semaphore_mem>>)
      %dma_wait3A = arith.constant 0 : i32
      %dma_wait3A_81 = tpu.memref_slice %arg19[%add3A_33, %dma_wait3A] : memref<10240x64xf32, #tpu.memory_space<vmem_shared>> -> memref<128x64xf32, #tpu.memory_space<vmem_shared>>
      %dma_wait3A_82 = arith.constant 0 : i32
      %dma_wait3A_83 = tpu.memref_slice %arg19[%add3A_33, %dma_wait3A_82] : memref<10240x64xf32, #tpu.memory_space<vmem_shared>> -> memref<128x64xf32, #tpu.memory_space<vmem_shared>>
      tpu.wait_dma2 semaphore(%run_scoped3A : memref<!tpu.dma_semaphore, #tpu.memory_space<semaphore_mem>>) src(%dma_wait3A_83 : memref<128x64xf32, #tpu.memory_space<vmem_shared>>) dst(%arg16 : memref<128x64xf32, #tpu.memory_space<vmem>>)
      tpu.yield
    }) : () -> ()
    "tpu.region"() ({
      %run_scoped3A = tpu.sem_alloc : memref<!tpu.dma_semaphore, #tpu.memory_space<semaphore_mem>>
      %dma_start3A_77 = arith.constant 0 : i32
      %dma_start3A_78 = tpu.memref_slice %arg9[%arg0, %add3A_33, %dma_start3A_77] : memref<2x10240x64xf32, #tpu.memory_space<hbm>> -> memref<1x128x64xf32, #tpu.memory_space<hbm>>
      %dma_start3A_79 = tpu.memref_squeeze %dma_start3A_78 : memref<1x128x64xf32, #tpu.memory_space<hbm>> -> memref<128x64xf32, #tpu.memory_space<hbm>>
      %dma_start3A_80 = arith.constant 0 : i32
      %dma_start3A_81 = tpu.memref_slice %arg9[%arg0, %add3A_33, %dma_start3A_80] : memref<2x10240x64xf32, #tpu.memory_space<hbm>> -> memref<1x128x64xf32, #tpu.memory_space<hbm>>
      %dma_start3A_82 = tpu.memref_squeeze %dma_start3A_81 : memref<1x128x64xf32, #tpu.memory_space<hbm>> -> memref<128x64xf32, #tpu.memory_space<hbm>>
      tpu.enqueue_dma source(%arg16 : memref<128x64xf32, #tpu.memory_space<vmem>>) target(%dma_start3A_82 : memref<128x64xf32, #tpu.memory_space<hbm>>) target_semaphore(%run_scoped3A : memref<!tpu.dma_semaphore, #tpu.memory_space<semaphore_mem>>)
      %dma_wait3A = arith.constant 0 : i32
      %dma_wait3A_83 = tpu.memref_slice %arg9[%arg0, %add3A_33, %dma_wait3A] : memref<2x10240x64xf32, #tpu.memory_space<hbm>> -> memref<1x128x64xf32, #tpu.memory_space<hbm>>
      %dma_wait3A_84 = tpu.memref_squeeze %dma_wait3A_83 : memref<1x128x64xf32, #tpu.memory_space<hbm>> -> memref<128x64xf32, #tpu.memory_space<hbm>>
      %dma_wait3A_85 = arith.constant 0 : i32
      %dma_wait3A_86 = tpu.memref_slice %arg9[%arg0, %add3A_33, %dma_wait3A_85] : memref<2x10240x64xf32, #tpu.memory_space<hbm>> -> memref<1x128x64xf32, #tpu.memory_space<hbm>>
      %dma_wait3A_87 = tpu.memref_squeeze %dma_wait3A_86 : memref<1x128x64xf32, #tpu.memory_space<hbm>> -> memref<128x64xf32, #tpu.memory_space<hbm>>
      tpu.wait_dma2 semaphore(%run_scoped3A : memref<!tpu.dma_semaphore, #tpu.memory_space<semaphore_mem>>) src(%arg16 : memref<128x64xf32, #tpu.memory_space<vmem>>) dst(%dma_wait3A_87 : memref<128x64xf32, #tpu.memory_space<hbm>>)
      tpu.yield
    }) : () -> ()
    "tpu.region"() ({
      %run_scoped3A = tpu.sem_alloc : memref<!tpu.dma_semaphore, #tpu.memory_space<semaphore_mem>>
      %dma_start3A_77 = arith.constant 0 : i32
      %dma_start3A_78 = tpu.memref_slice %arg22[%add3A_33, %dma_start3A_77] : memref<10240x16xf32, #tpu.memory_space<vmem_shared>> -> memref<128x16xf32, #tpu.memory_space<vmem_shared>>
      %dma_start3A_79 = arith.constant 0 : i32
      %dma_start3A_80 = tpu.memref_slice %arg22[%add3A_33, %dma_start3A_79] : memref<10240x16xf32, #tpu.memory_space<vmem_shared>> -> memref<128x16xf32, #tpu.memory_space<vmem_shared>>
      tpu.enqueue_dma source(%dma_start3A_80 : memref<128x16xf32, #tpu.memory_space<vmem_shared>>) target(%arg21 : memref<128x16xf32, #tpu.memory_space<vmem>>) target_semaphore(%run_scoped3A : memref<!tpu.dma_semaphore, #tpu.memory_space<semaphore_mem>>)
      %dma_wait3A = arith.constant 0 : i32
      %dma_wait3A_81 = tpu.memref_slice %arg22[%add3A_33, %dma_wait3A] : memref<10240x16xf32, #tpu.memory_space<vmem_shared>> -> memref<128x16xf32, #tpu.memory_space<vmem_shared>>
      %dma_wait3A_82 = arith.constant 0 : i32
      %dma_wait3A_83 = tpu.memref_slice %arg22[%add3A_33, %dma_wait3A_82] : memref<10240x16xf32, #tpu.memory_space<vmem_shared>> -> memref<128x16xf32, #tpu.memory_space<vmem_shared>>
      tpu.wait_dma2 semaphore(%run_scoped3A : memref<!tpu.dma_semaphore, #tpu.memory_space<semaphore_mem>>) src(%dma_wait3A_83 : memref<128x16xf32, #tpu.memory_space<vmem_shared>>) dst(%arg21 : memref<128x16xf32, #tpu.memory_space<vmem>>)
      tpu.yield
    }) : () -> ()
    "tpu.region"() ({
      %run_scoped3A = tpu.sem_alloc : memref<!tpu.dma_semaphore, #tpu.memory_space<semaphore_mem>>
      %dma_start3A_77 = arith.constant 0 : i32
      %dma_start3A_78 = tpu.memref_slice %arg11[%arg0, %add3A_33, %dma_start3A_77] : memref<2x10240x16xf32, #tpu.memory_space<hbm>> -> memref<1x128x16xf32, #tpu.memory_space<hbm>>
      %dma_start3A_79 = tpu.memref_squeeze %dma_start3A_78 : memref<1x128x16xf32, #tpu.memory_space<hbm>> -> memref<128x16xf32, #tpu.memory_space<hbm>>
      %dma_start3A_80 = arith.constant 0 : i32
      %dma_start3A_81 = tpu.memref_slice %arg11[%arg0, %add3A_33, %dma_start3A_80] : memref<2x10240x16xf32, #tpu.memory_space<hbm>> -> memref<1x128x16xf32, #tpu.memory_space<hbm>>
      %dma_start3A_82 = tpu.memref_squeeze %dma_start3A_81 : memref<1x128x16xf32, #tpu.memory_space<hbm>> -> memref<128x16xf32, #tpu.memory_space<hbm>>
      tpu.enqueue_dma source(%arg21 : memref<128x16xf32, #tpu.memory_space<vmem>>) target(%dma_start3A_82 : memref<128x16xf32, #tpu.memory_space<hbm>>) target_semaphore(%run_scoped3A : memref<!tpu.dma_semaphore, #tpu.memory_space<semaphore_mem>>)
      %dma_wait3A = arith.constant 0 : i32
      %dma_wait3A_83 = tpu.memref_slice %arg11[%arg0, %add3A_33, %dma_wait3A] : memref<2x10240x16xf32, #tpu.memory_space<hbm>> -> memref<1x128x16xf32, #tpu.memory_space<hbm>>
      %dma_wait3A_84 = tpu.memref_squeeze %dma_wait3A_83 : memref<1x128x16xf32, #tpu.memory_space<hbm>> -> memref<128x16xf32, #tpu.memory_space<hbm>>
      %dma_wait3A_85 = arith.constant 0 : i32
      %dma_wait3A_86 = tpu.memref_slice %arg11[%arg0, %add3A_33, %dma_wait3A_85] : memref<2x10240x16xf32, #tpu.memory_space<hbm>> -> memref<1x128x16xf32, #tpu.memory_space<hbm>>
      %dma_wait3A_87 = tpu.memref_squeeze %dma_wait3A_86 : memref<1x128x16xf32, #tpu.memory_space<hbm>> -> memref<128x16xf32, #tpu.memory_space<hbm>>
      tpu.wait_dma2 semaphore(%run_scoped3A : memref<!tpu.dma_semaphore, #tpu.memory_space<semaphore_mem>>) src(%arg21 : memref<128x16xf32, #tpu.memory_space<vmem>>) dst(%dma_wait3A_87 : memref<128x16xf32, #tpu.memory_space<hbm>>)
      tpu.yield
    }) : () -> ()
    %add3A_34 = arith.constant 128 : i32
    %add3A_35 = arith.addi %mul3A_0, %add3A_34 : i32
    "tpu.region"() ({
      %run_scoped3A = tpu.sem_alloc : memref<!tpu.dma_semaphore, #tpu.memory_space<semaphore_mem>>
      %dma_start3A_77 = arith.constant 0 : i32
      %dma_start3A_78 = tpu.memref_slice %arg19[%add3A_35, %dma_start3A_77] : memref<10240x64xf32, #tpu.memory_space<vmem_shared>> -> memref<128x64xf32, #tpu.memory_space<vmem_shared>>
      %dma_start3A_79 = arith.constant 0 : i32
      %dma_start3A_80 = tpu.memref_slice %arg19[%add3A_35, %dma_start3A_79] : memref<10240x64xf32, #tpu.memory_space<vmem_shared>> -> memref<128x64xf32, #tpu.memory_space<vmem_shared>>
      tpu.enqueue_dma source(%dma_start3A_80 : memref<128x64xf32, #tpu.memory_space<vmem_shared>>) target(%arg16 : memref<128x64xf32, #tpu.memory_space<vmem>>) target_semaphore(%run_scoped3A : memref<!tpu.dma_semaphore, #tpu.memory_space<semaphore_mem>>)
      %dma_wait3A = arith.constant 0 : i32
      %dma_wait3A_81 = tpu.memref_slice %arg19[%add3A_35, %dma_wait3A] : memref<10240x64xf32, #tpu.memory_space<vmem_shared>> -> memref<128x64xf32, #tpu.memory_space<vmem_shared>>
      %dma_wait3A_82 = arith.constant 0 : i32
      %dma_wait3A_83 = tpu.memref_slice %arg19[%add3A_35, %dma_wait3A_82] : memref<10240x64xf32, #tpu.memory_space<vmem_shared>> -> memref<128x64xf32, #tpu.memory_space<vmem_shared>>
      tpu.wait_dma2 semaphore(%run_scoped3A : memref<!tpu.dma_semaphore, #tpu.memory_space<semaphore_mem>>) src(%dma_wait3A_83 : memref<128x64xf32, #tpu.memory_space<vmem_shared>>) dst(%arg16 : memref<128x64xf32, #tpu.memory_space<vmem>>)
      tpu.yield
    }) : () -> ()
    "tpu.region"() ({
      %run_scoped3A = tpu.sem_alloc : memref<!tpu.dma_semaphore, #tpu.memory_space<semaphore_mem>>
      %dma_start3A_77 = arith.constant 0 : i32
      %dma_start3A_78 = tpu.memref_slice %arg9[%arg0, %add3A_35, %dma_start3A_77] : memref<2x10240x64xf32, #tpu.memory_space<hbm>> -> memref<1x128x64xf32, #tpu.memory_space<hbm>>
      %dma_start3A_79 = tpu.memref_squeeze %dma_start3A_78 : memref<1x128x64xf32, #tpu.memory_space<hbm>> -> memref<128x64xf32, #tpu.memory_space<hbm>>
      %dma_start3A_80 = arith.constant 0 : i32
      %dma_start3A_81 = tpu.memref_slice %arg9[%arg0, %add3A_35, %dma_start3A_80] : memref<2x10240x64xf32, #tpu.memory_space<hbm>> -> memref<1x128x64xf32, #tpu.memory_space<hbm>>
      %dma_start3A_82 = tpu.memref_squeeze %dma_start3A_81 : memref<1x128x64xf32, #tpu.memory_space<hbm>> -> memref<128x64xf32, #tpu.memory_space<hbm>>
      tpu.enqueue_dma source(%arg16 : memref<128x64xf32, #tpu.memory_space<vmem>>) target(%dma_start3A_82 : memref<128x64xf32, #tpu.memory_space<hbm>>) target_semaphore(%run_scoped3A : memref<!tpu.dma_semaphore, #tpu.memory_space<semaphore_mem>>)
      %dma_wait3A = arith.constant 0 : i32
      %dma_wait3A_83 = tpu.memref_slice %arg9[%arg0, %add3A_35, %dma_wait3A] : memref<2x10240x64xf32, #tpu.memory_space<hbm>> -> memref<1x128x64xf32, #tpu.memory_space<hbm>>
      %dma_wait3A_84 = tpu.memref_squeeze %dma_wait3A_83 : memref<1x128x64xf32, #tpu.memory_space<hbm>> -> memref<128x64xf32, #tpu.memory_space<hbm>>
      %dma_wait3A_85 = arith.constant 0 : i32
      %dma_wait3A_86 = tpu.memref_slice %arg9[%arg0, %add3A_35, %dma_wait3A_85] : memref<2x10240x64xf32, #tpu.memory_space<hbm>> -> memref<1x128x64xf32, #tpu.memory_space<hbm>>
      %dma_wait3A_87 = tpu.memref_squeeze %dma_wait3A_86 : memref<1x128x64xf32, #tpu.memory_space<hbm>> -> memref<128x64xf32, #tpu.memory_space<hbm>>
      tpu.wait_dma2 semaphore(%run_scoped3A : memref<!tpu.dma_semaphore, #tpu.memory_space<semaphore_mem>>) src(%arg16 : memref<128x64xf32, #tpu.memory_space<vmem>>) dst(%dma_wait3A_87 : memref<128x64xf32, #tpu.memory_space<hbm>>)
      tpu.yield
    }) : () -> ()
    "tpu.region"() ({
      %run_scoped3A = tpu.sem_alloc : memref<!tpu.dma_semaphore, #tpu.memory_space<semaphore_mem>>
      %dma_start3A_77 = arith.constant 0 : i32
      %dma_start3A_78 = tpu.memref_slice %arg22[%add3A_35, %dma_start3A_77] : memref<10240x16xf32, #tpu.memory_space<vmem_shared>> -> memref<128x16xf32, #tpu.memory_space<vmem_shared>>
      %dma_start3A_79 = arith.constant 0 : i32
      %dma_start3A_80 = tpu.memref_slice %arg22[%add3A_35, %dma_start3A_79] : memref<10240x16xf32, #tpu.memory_space<vmem_shared>> -> memref<128x16xf32, #tpu.memory_space<vmem_shared>>
      tpu.enqueue_dma source(%dma_start3A_80 : memref<128x16xf32, #tpu.memory_space<vmem_shared>>) target(%arg21 : memref<128x16xf32, #tpu.memory_space<vmem>>) target_semaphore(%run_scoped3A : memref<!tpu.dma_semaphore, #tpu.memory_space<semaphore_mem>>)
      %dma_wait3A = arith.constant 0 : i32
      %dma_wait3A_81 = tpu.memref_slice %arg22[%add3A_35, %dma_wait3A] : memref<10240x16xf32, #tpu.memory_space<vmem_shared>> -> memref<128x16xf32, #tpu.memory_space<vmem_shared>>
      %dma_wait3A_82 = arith.constant 0 : i32
      %dma_wait3A_83 = tpu.memref_slice %arg22[%add3A_35, %dma_wait3A_82] : memref<10240x16xf32, #tpu.memory_space<vmem_shared>> -> memref<128x16xf32, #tpu.memory_space<vmem_shared>>
      tpu.wait_dma2 semaphore(%run_scoped3A : memref<!tpu.dma_semaphore, #tpu.memory_space<semaphore_mem>>) src(%dma_wait3A_83 : memref<128x16xf32, #tpu.memory_space<vmem_shared>>) dst(%arg21 : memref<128x16xf32, #tpu.memory_space<vmem>>)
      tpu.yield
    }) : () -> ()
    "tpu.region"() ({
      %run_scoped3A = tpu.sem_alloc : memref<!tpu.dma_semaphore, #tpu.memory_space<semaphore_mem>>
      %dma_start3A_77 = arith.constant 0 : i32
      %dma_start3A_78 = tpu.memref_slice %arg11[%arg0, %add3A_35, %dma_start3A_77] : memref<2x10240x16xf32, #tpu.memory_space<hbm>> -> memref<1x128x16xf32, #tpu.memory_space<hbm>>
      %dma_start3A_79 = tpu.memref_squeeze %dma_start3A_78 : memref<1x128x16xf32, #tpu.memory_space<hbm>> -> memref<128x16xf32, #tpu.memory_space<hbm>>
      %dma_start3A_80 = arith.constant 0 : i32
      %dma_start3A_81 = tpu.memref_slice %arg11[%arg0, %add3A_35, %dma_start3A_80] : memref<2x10240x16xf32, #tpu.memory_space<hbm>> -> memref<1x128x16xf32, #tpu.memory_space<hbm>>
      %dma_start3A_82 = tpu.memref_squeeze %dma_start3A_81 : memref<1x128x16xf32, #tpu.memory_space<hbm>> -> memref<128x16xf32, #tpu.memory_space<hbm>>
      tpu.enqueue_dma source(%arg21 : memref<128x16xf32, #tpu.memory_space<vmem>>) target(%dma_start3A_82 : memref<128x16xf32, #tpu.memory_space<hbm>>) target_semaphore(%run_scoped3A : memref<!tpu.dma_semaphore, #tpu.memory_space<semaphore_mem>>)
      %dma_wait3A = arith.constant 0 : i32
      %dma_wait3A_83 = tpu.memref_slice %arg11[%arg0, %add3A_35, %dma_wait3A] : memref<2x10240x16xf32, #tpu.memory_space<hbm>> -> memref<1x128x16xf32, #tpu.memory_space<hbm>>
      %dma_wait3A_84 = tpu.memref_squeeze %dma_wait3A_83 : memref<1x128x16xf32, #tpu.memory_space<hbm>> -> memref<128x16xf32, #tpu.memory_space<hbm>>
      %dma_wait3A_85 = arith.constant 0 : i32
      %dma_wait3A_86 = tpu.memref_slice %arg11[%arg0, %add3A_35, %dma_wait3A_85] : memref<2x10240x16xf32, #tpu.memory_space<hbm>> -> memref<1x128x16xf32, #tpu.memory_space<hbm>>
      %dma_wait3A_87 = tpu.memref_squeeze %dma_wait3A_86 : memref<1x128x16xf32, #tpu.memory_space<hbm>> -> memref<128x16xf32, #tpu.memory_space<hbm>>
      tpu.wait_dma2 semaphore(%run_scoped3A : memref<!tpu.dma_semaphore, #tpu.memory_space<semaphore_mem>>) src(%arg21 : memref<128x16xf32, #tpu.memory_space<vmem>>) dst(%dma_wait3A_87 : memref<128x16xf32, #tpu.memory_space<hbm>>)
      tpu.yield
    }) : () -> ()
    %add3A_36 = arith.constant 256 : i32
    %add3A_37 = arith.addi %mul3A_0, %add3A_36 : i32
    "tpu.region"() ({
      %run_scoped3A = tpu.sem_alloc : memref<!tpu.dma_semaphore, #tpu.memory_space<semaphore_mem>>
      %dma_start3A_77 = arith.constant 0 : i32
      %dma_start3A_78 = tpu.memref_slice %arg19[%add3A_37, %dma_start3A_77] : memref<10240x64xf32, #tpu.memory_space<vmem_shared>> -> memref<128x64xf32, #tpu.memory_space<vmem_shared>>
      %dma_start3A_79 = arith.constant 0 : i32
      %dma_start3A_80 = tpu.memref_slice %arg19[%add3A_37, %dma_start3A_79] : memref<10240x64xf32, #tpu.memory_space<vmem_shared>> -> memref<128x64xf32, #tpu.memory_space<vmem_shared>>
      tpu.enqueue_dma source(%dma_start3A_80 : memref<128x64xf32, #tpu.memory_space<vmem_shared>>) target(%arg16 : memref<128x64xf32, #tpu.memory_space<vmem>>) target_semaphore(%run_scoped3A : memref<!tpu.dma_semaphore, #tpu.memory_space<semaphore_mem>>)
      %dma_wait3A = arith.constant 0 : i32
      %dma_wait3A_81 = tpu.memref_slice %arg19[%add3A_37, %dma_wait3A] : memref<10240x64xf32, #tpu.memory_space<vmem_shared>> -> memref<128x64xf32, #tpu.memory_space<vmem_shared>>
      %dma_wait3A_82 = arith.constant 0 : i32
      %dma_wait3A_83 = tpu.memref_slice %arg19[%add3A_37, %dma_wait3A_82] : memref<10240x64xf32, #tpu.memory_space<vmem_shared>> -> memref<128x64xf32, #tpu.memory_space<vmem_shared>>
      tpu.wait_dma2 semaphore(%run_scoped3A : memref<!tpu.dma_semaphore, #tpu.memory_space<semaphore_mem>>) src(%dma_wait3A_83 : memref<128x64xf32, #tpu.memory_space<vmem_shared>>) dst(%arg16 : memref<128x64xf32, #tpu.memory_space<vmem>>)
      tpu.yield
    }) : () -> ()
    "tpu.region"() ({
      %run_scoped3A = tpu.sem_alloc : memref<!tpu.dma_semaphore, #tpu.memory_space<semaphore_mem>>
      %dma_start3A_77 = arith.constant 0 : i32
      %dma_start3A_78 = tpu.memref_slice %arg9[%arg0, %add3A_37, %dma_start3A_77] : memref<2x10240x64xf32, #tpu.memory_space<hbm>> -> memref<1x128x64xf32, #tpu.memory_space<hbm>>
      %dma_start3A_79 = tpu.memref_squeeze %dma_start3A_78 : memref<1x128x64xf32, #tpu.memory_space<hbm>> -> memref<128x64xf32, #tpu.memory_space<hbm>>
      %dma_start3A_80 = arith.constant 0 : i32
      %dma_start3A_81 = tpu.memref_slice %arg9[%arg0, %add3A_37, %dma_start3A_80] : memref<2x10240x64xf32, #tpu.memory_space<hbm>> -> memref<1x128x64xf32, #tpu.memory_space<hbm>>
      %dma_start3A_82 = tpu.memref_squeeze %dma_start3A_81 : memref<1x128x64xf32, #tpu.memory_space<hbm>> -> memref<128x64xf32, #tpu.memory_space<hbm>>
      tpu.enqueue_dma source(%arg16 : memref<128x64xf32, #tpu.memory_space<vmem>>) target(%dma_start3A_82 : memref<128x64xf32, #tpu.memory_space<hbm>>) target_semaphore(%run_scoped3A : memref<!tpu.dma_semaphore, #tpu.memory_space<semaphore_mem>>)
      %dma_wait3A = arith.constant 0 : i32
      %dma_wait3A_83 = tpu.memref_slice %arg9[%arg0, %add3A_37, %dma_wait3A] : memref<2x10240x64xf32, #tpu.memory_space<hbm>> -> memref<1x128x64xf32, #tpu.memory_space<hbm>>
      %dma_wait3A_84 = tpu.memref_squeeze %dma_wait3A_83 : memref<1x128x64xf32, #tpu.memory_space<hbm>> -> memref<128x64xf32, #tpu.memory_space<hbm>>
      %dma_wait3A_85 = arith.constant 0 : i32
      %dma_wait3A_86 = tpu.memref_slice %arg9[%arg0, %add3A_37, %dma_wait3A_85] : memref<2x10240x64xf32, #tpu.memory_space<hbm>> -> memref<1x128x64xf32, #tpu.memory_space<hbm>>
      %dma_wait3A_87 = tpu.memref_squeeze %dma_wait3A_86 : memref<1x128x64xf32, #tpu.memory_space<hbm>> -> memref<128x64xf32, #tpu.memory_space<hbm>>
      tpu.wait_dma2 semaphore(%run_scoped3A : memref<!tpu.dma_semaphore, #tpu.memory_space<semaphore_mem>>) src(%arg16 : memref<128x64xf32, #tpu.memory_space<vmem>>) dst(%dma_wait3A_87 : memref<128x64xf32, #tpu.memory_space<hbm>>)
      tpu.yield
    }) : () -> ()
    "tpu.region"() ({
      %run_scoped3A = tpu.sem_alloc : memref<!tpu.dma_semaphore, #tpu.memory_space<semaphore_mem>>
      %dma_start3A_77 = arith.constant 0 : i32
      %dma_start3A_78 = tpu.memref_slice %arg22[%add3A_37, %dma_start3A_77] : memref<10240x16xf32, #tpu.memory_space<vmem_shared>> -> memref<128x16xf32, #tpu.memory_space<vmem_shared>>
      %dma_start3A_79 = arith.constant 0 : i32
      %dma_start3A_80 = tpu.memref_slice %arg22[%add3A_37, %dma_start3A_79] : memref<10240x16xf32, #tpu.memory_space<vmem_shared>> -> memref<128x16xf32, #tpu.memory_space<vmem_shared>>
      tpu.enqueue_dma source(%dma_start3A_80 : memref<128x16xf32, #tpu.memory_space<vmem_shared>>) target(%arg21 : memref<128x16xf32, #tpu.memory_space<vmem>>) target_semaphore(%run_scoped3A : memref<!tpu.dma_semaphore, #tpu.memory_space<semaphore_mem>>)
      %dma_wait3A = arith.constant 0 : i32
      %dma_wait3A_81 = tpu.memref_slice %arg22[%add3A_37, %dma_wait3A] : memref<10240x16xf32, #tpu.memory_space<vmem_shared>> -> memref<128x16xf32, #tpu.memory_space<vmem_shared>>
      %dma_wait3A_82 = arith.constant 0 : i32
      %dma_wait3A_83 = tpu.memref_slice %arg22[%add3A_37, %dma_wait3A_82] : memref<10240x16xf32, #tpu.memory_space<vmem_shared>> -> memref<128x16xf32, #tpu.memory_space<vmem_shared>>
      tpu.wait_dma2 semaphore(%run_scoped3A : memref<!tpu.dma_semaphore, #tpu.memory_space<semaphore_mem>>) src(%dma_wait3A_83 : memref<128x16xf32, #tpu.memory_space<vmem_shared>>) dst(%arg21 : memref<128x16xf32, #tpu.memory_space<vmem>>)
      tpu.yield
    }) : () -> ()
    "tpu.region"() ({
      %run_scoped3A = tpu.sem_alloc : memref<!tpu.dma_semaphore, #tpu.memory_space<semaphore_mem>>
      %dma_start3A_77 = arith.constant 0 : i32
      %dma_start3A_78 = tpu.memref_slice %arg11[%arg0, %add3A_37, %dma_start3A_77] : memref<2x10240x16xf32, #tpu.memory_space<hbm>> -> memref<1x128x16xf32, #tpu.memory_space<hbm>>
      %dma_start3A_79 = tpu.memref_squeeze %dma_start3A_78 : memref<1x128x16xf32, #tpu.memory_space<hbm>> -> memref<128x16xf32, #tpu.memory_space<hbm>>
      %dma_start3A_80 = arith.constant 0 : i32
      %dma_start3A_81 = tpu.memref_slice %arg11[%arg0, %add3A_37, %dma_start3A_80] : memref<2x10240x16xf32, #tpu.memory_space<hbm>> -> memref<1x128x16xf32, #tpu.memory_space<hbm>>
      %dma_start3A_82 = tpu.memref_squeeze %dma_start3A_81 : memref<1x128x16xf32, #tpu.memory_space<hbm>> -> memref<128x16xf32, #tpu.memory_space<hbm>>
      tpu.enqueue_dma source(%arg21 : memref<128x16xf32, #tpu.memory_space<vmem>>) target(%dma_start3A_82 : memref<128x16xf32, #tpu.memory_space<hbm>>) target_semaphore(%run_scoped3A : memref<!tpu.dma_semaphore, #tpu.memory_space<semaphore_mem>>)
      %dma_wait3A = arith.constant 0 : i32
      %dma_wait3A_83 = tpu.memref_slice %arg11[%arg0, %add3A_37, %dma_wait3A] : memref<2x10240x16xf32, #tpu.memory_space<hbm>> -> memref<1x128x16xf32, #tpu.memory_space<hbm>>
      %dma_wait3A_84 = tpu.memref_squeeze %dma_wait3A_83 : memref<1x128x16xf32, #tpu.memory_space<hbm>> -> memref<128x16xf32, #tpu.memory_space<hbm>>
      %dma_wait3A_85 = arith.constant 0 : i32
      %dma_wait3A_86 = tpu.memref_slice %arg11[%arg0, %add3A_37, %dma_wait3A_85] : memref<2x10240x16xf32, #tpu.memory_space<hbm>> -> memref<1x128x16xf32, #tpu.memory_space<hbm>>
      %dma_wait3A_87 = tpu.memref_squeeze %dma_wait3A_86 : memref<1x128x16xf32, #tpu.memory_space<hbm>> -> memref<128x16xf32, #tpu.memory_space<hbm>>
      tpu.wait_dma2 semaphore(%run_scoped3A : memref<!tpu.dma_semaphore, #tpu.memory_space<semaphore_mem>>) src(%arg21 : memref<128x16xf32, #tpu.memory_space<vmem>>) dst(%dma_wait3A_87 : memref<128x16xf32, #tpu.memory_space<hbm>>)
      tpu.yield
    }) : () -> ()
    %add3A_38 = arith.constant 384 : i32
    %add3A_39 = arith.addi %mul3A_0, %add3A_38 : i32
    "tpu.region"() ({
      %run_scoped3A = tpu.sem_alloc : memref<!tpu.dma_semaphore, #tpu.memory_space<semaphore_mem>>
      %dma_start3A_77 = arith.constant 0 : i32
      %dma_start3A_78 = tpu.memref_slice %arg19[%add3A_39, %dma_start3A_77] : memref<10240x64xf32, #tpu.memory_space<vmem_shared>> -> memref<128x64xf32, #tpu.memory_space<vmem_shared>>
      %dma_start3A_79 = arith.constant 0 : i32
      %dma_start3A_80 = tpu.memref_slice %arg19[%add3A_39, %dma_start3A_79] : memref<10240x64xf32, #tpu.memory_space<vmem_shared>> -> memref<128x64xf32, #tpu.memory_space<vmem_shared>>
      tpu.enqueue_dma source(%dma_start3A_80 : memref<128x64xf32, #tpu.memory_space<vmem_shared>>) target(%arg16 : memref<128x64xf32, #tpu.memory_space<vmem>>) target_semaphore(%run_scoped3A : memref<!tpu.dma_semaphore, #tpu.memory_space<semaphore_mem>>)
      %dma_wait3A = arith.constant 0 : i32
      %dma_wait3A_81 = tpu.memref_slice %arg19[%add3A_39, %dma_wait3A] : memref<10240x64xf32, #tpu.memory_space<vmem_shared>> -> memref<128x64xf32, #tpu.memory_space<vmem_shared>>
      %dma_wait3A_82 = arith.constant 0 : i32
      %dma_wait3A_83 = tpu.memref_slice %arg19[%add3A_39, %dma_wait3A_82] : memref<10240x64xf32, #tpu.memory_space<vmem_shared>> -> memref<128x64xf32, #tpu.memory_space<vmem_shared>>
      tpu.wait_dma2 semaphore(%run_scoped3A : memref<!tpu.dma_semaphore, #tpu.memory_space<semaphore_mem>>) src(%dma_wait3A_83 : memref<128x64xf32, #tpu.memory_space<vmem_shared>>) dst(%arg16 : memref<128x64xf32, #tpu.memory_space<vmem>>)
      tpu.yield
    }) : () -> ()
    "tpu.region"() ({
      %run_scoped3A = tpu.sem_alloc : memref<!tpu.dma_semaphore, #tpu.memory_space<semaphore_mem>>
      %dma_start3A_77 = arith.constant 0 : i32
      %dma_start3A_78 = tpu.memref_slice %arg9[%arg0, %add3A_39, %dma_start3A_77] : memref<2x10240x64xf32, #tpu.memory_space<hbm>> -> memref<1x128x64xf32, #tpu.memory_space<hbm>>
      %dma_start3A_79 = tpu.memref_squeeze %dma_start3A_78 : memref<1x128x64xf32, #tpu.memory_space<hbm>> -> memref<128x64xf32, #tpu.memory_space<hbm>>
      %dma_start3A_80 = arith.constant 0 : i32
      %dma_start3A_81 = tpu.memref_slice %arg9[%arg0, %add3A_39, %dma_start3A_80] : memref<2x10240x64xf32, #tpu.memory_space<hbm>> -> memref<1x128x64xf32, #tpu.memory_space<hbm>>
      %dma_start3A_82 = tpu.memref_squeeze %dma_start3A_81 : memref<1x128x64xf32, #tpu.memory_space<hbm>> -> memref<128x64xf32, #tpu.memory_space<hbm>>
      tpu.enqueue_dma source(%arg16 : memref<128x64xf32, #tpu.memory_space<vmem>>) target(%dma_start3A_82 : memref<128x64xf32, #tpu.memory_space<hbm>>) target_semaphore(%run_scoped3A : memref<!tpu.dma_semaphore, #tpu.memory_space<semaphore_mem>>)
      %dma_wait3A = arith.constant 0 : i32
      %dma_wait3A_83 = tpu.memref_slice %arg9[%arg0, %add3A_39, %dma_wait3A] : memref<2x10240x64xf32, #tpu.memory_space<hbm>> -> memref<1x128x64xf32, #tpu.memory_space<hbm>>
      %dma_wait3A_84 = tpu.memref_squeeze %dma_wait3A_83 : memref<1x128x64xf32, #tpu.memory_space<hbm>> -> memref<128x64xf32, #tpu.memory_space<hbm>>
      %dma_wait3A_85 = arith.constant 0 : i32
      %dma_wait3A_86 = tpu.memref_slice %arg9[%arg0, %add3A_39, %dma_wait3A_85] : memref<2x10240x64xf32, #tpu.memory_space<hbm>> -> memref<1x128x64xf32, #tpu.memory_space<hbm>>
      %dma_wait3A_87 = tpu.memref_squeeze %dma_wait3A_86 : memref<1x128x64xf32, #tpu.memory_space<hbm>> -> memref<128x64xf32, #tpu.memory_space<hbm>>
      tpu.wait_dma2 semaphore(%run_scoped3A : memref<!tpu.dma_semaphore, #tpu.memory_space<semaphore_mem>>) src(%arg16 : memref<128x64xf32, #tpu.memory_space<vmem>>) dst(%dma_wait3A_87 : memref<128x64xf32, #tpu.memory_space<hbm>>)
      tpu.yield
    }) : () -> ()
    "tpu.region"() ({
      %run_scoped3A = tpu.sem_alloc : memref<!tpu.dma_semaphore, #tpu.memory_space<semaphore_mem>>
      %dma_start3A_77 = arith.constant 0 : i32
      %dma_start3A_78 = tpu.memref_slice %arg22[%add3A_39, %dma_start3A_77] : memref<10240x16xf32, #tpu.memory_space<vmem_shared>> -> memref<128x16xf32, #tpu.memory_space<vmem_shared>>
      %dma_start3A_79 = arith.constant 0 : i32
      %dma_start3A_80 = tpu.memref_slice %arg22[%add3A_39, %dma_start3A_79] : memref<10240x16xf32, #tpu.memory_space<vmem_shared>> -> memref<128x16xf32, #tpu.memory_space<vmem_shared>>
      tpu.enqueue_dma source(%dma_start3A_80 : memref<128x16xf32, #tpu.memory_space<vmem_shared>>) target(%arg21 : memref<128x16xf32, #tpu.memory_space<vmem>>) target_semaphore(%run_scoped3A : memref<!tpu.dma_semaphore, #tpu.memory_space<semaphore_mem>>)
      %dma_wait3A = arith.constant 0 : i32
      %dma_wait3A_81 = tpu.memref_slice %arg22[%add3A_39, %dma_wait3A] : memref<10240x16xf32, #tpu.memory_space<vmem_shared>> -> memref<128x16xf32, #tpu.memory_space<vmem_shared>>
      %dma_wait3A_82 = arith.constant 0 : i32
      %dma_wait3A_83 = tpu.memref_slice %arg22[%add3A_39, %dma_wait3A_82] : memref<10240x16xf32, #tpu.memory_space<vmem_shared>> -> memref<128x16xf32, #tpu.memory_space<vmem_shared>>
      tpu.wait_dma2 semaphore(%run_scoped3A : memref<!tpu.dma_semaphore, #tpu.memory_space<semaphore_mem>>) src(%dma_wait3A_83 : memref<128x16xf32, #tpu.memory_space<vmem_shared>>) dst(%arg21 : memref<128x16xf32, #tpu.memory_space<vmem>>)
      tpu.yield
    }) : () -> ()
    "tpu.region"() ({
      %run_scoped3A = tpu.sem_alloc : memref<!tpu.dma_semaphore, #tpu.memory_space<semaphore_mem>>
      %dma_start3A_77 = arith.constant 0 : i32
      %dma_start3A_78 = tpu.memref_slice %arg11[%arg0, %add3A_39, %dma_start3A_77] : memref<2x10240x16xf32, #tpu.memory_space<hbm>> -> memref<1x128x16xf32, #tpu.memory_space<hbm>>
      %dma_start3A_79 = tpu.memref_squeeze %dma_start3A_78 : memref<1x128x16xf32, #tpu.memory_space<hbm>> -> memref<128x16xf32, #tpu.memory_space<hbm>>
      %dma_start3A_80 = arith.constant 0 : i32
      %dma_start3A_81 = tpu.memref_slice %arg11[%arg0, %add3A_39, %dma_start3A_80] : memref<2x10240x16xf32, #tpu.memory_space<hbm>> -> memref<1x128x16xf32, #tpu.memory_space<hbm>>
      %dma_start3A_82 = tpu.memref_squeeze %dma_start3A_81 : memref<1x128x16xf32, #tpu.memory_space<hbm>> -> memref<128x16xf32, #tpu.memory_space<hbm>>
      tpu.enqueue_dma source(%arg21 : memref<128x16xf32, #tpu.memory_space<vmem>>) target(%dma_start3A_82 : memref<128x16xf32, #tpu.memory_space<hbm>>) target_semaphore(%run_scoped3A : memref<!tpu.dma_semaphore, #tpu.memory_space<semaphore_mem>>)
      %dma_wait3A = arith.constant 0 : i32
      %dma_wait3A_83 = tpu.memref_slice %arg11[%arg0, %add3A_39, %dma_wait3A] : memref<2x10240x16xf32, #tpu.memory_space<hbm>> -> memref<1x128x16xf32, #tpu.memory_space<hbm>>
      %dma_wait3A_84 = tpu.memref_squeeze %dma_wait3A_83 : memref<1x128x16xf32, #tpu.memory_space<hbm>> -> memref<128x16xf32, #tpu.memory_space<hbm>>
      %dma_wait3A_85 = arith.constant 0 : i32
      %dma_wait3A_86 = tpu.memref_slice %arg11[%arg0, %add3A_39, %dma_wait3A_85] : memref<2x10240x16xf32, #tpu.memory_space<hbm>> -> memref<1x128x16xf32, #tpu.memory_space<hbm>>
      %dma_wait3A_87 = tpu.memref_squeeze %dma_wait3A_86 : memref<1x128x16xf32, #tpu.memory_space<hbm>> -> memref<128x16xf32, #tpu.memory_space<hbm>>
      tpu.wait_dma2 semaphore(%run_scoped3A : memref<!tpu.dma_semaphore, #tpu.memory_space<semaphore_mem>>) src(%arg21 : memref<128x16xf32, #tpu.memory_space<vmem>>) dst(%dma_wait3A_87 : memref<128x16xf32, #tpu.memory_space<hbm>>)
      tpu.yield
    }) : () -> ()
    %add3A_40 = arith.constant 512 : i32
    %add3A_41 = arith.addi %mul3A_0, %add3A_40 : i32
    "tpu.region"() ({
      %run_scoped3A = tpu.sem_alloc : memref<!tpu.dma_semaphore, #tpu.memory_space<semaphore_mem>>
      %dma_start3A_77 = arith.constant 0 : i32
      %dma_start3A_78 = tpu.memref_slice %arg19[%add3A_41, %dma_start3A_77] : memref<10240x64xf32, #tpu.memory_space<vmem_shared>> -> memref<128x64xf32, #tpu.memory_space<vmem_shared>>
      %dma_start3A_79 = arith.constant 0 : i32
      %dma_start3A_80 = tpu.memref_slice %arg19[%add3A_41, %dma_start3A_79] : memref<10240x64xf32, #tpu.memory_space<vmem_shared>> -> memref<128x64xf32, #tpu.memory_space<vmem_shared>>
      tpu.enqueue_dma source(%dma_start3A_80 : memref<128x64xf32, #tpu.memory_space<vmem_shared>>) target(%arg16 : memref<128x64xf32, #tpu.memory_space<vmem>>) target_semaphore(%run_scoped3A : memref<!tpu.dma_semaphore, #tpu.memory_space<semaphore_mem>>)
      %dma_wait3A = arith.constant 0 : i32
      %dma_wait3A_81 = tpu.memref_slice %arg19[%add3A_41, %dma_wait3A] : memref<10240x64xf32, #tpu.memory_space<vmem_shared>> -> memref<128x64xf32, #tpu.memory_space<vmem_shared>>
      %dma_wait3A_82 = arith.constant 0 : i32
      %dma_wait3A_83 = tpu.memref_slice %arg19[%add3A_41, %dma_wait3A_82] : memref<10240x64xf32, #tpu.memory_space<vmem_shared>> -> memref<128x64xf32, #tpu.memory_space<vmem_shared>>
      tpu.wait_dma2 semaphore(%run_scoped3A : memref<!tpu.dma_semaphore, #tpu.memory_space<semaphore_mem>>) src(%dma_wait3A_83 : memref<128x64xf32, #tpu.memory_space<vmem_shared>>) dst(%arg16 : memref<128x64xf32, #tpu.memory_space<vmem>>)
      tpu.yield
    }) : () -> ()
    "tpu.region"() ({
      %run_scoped3A = tpu.sem_alloc : memref<!tpu.dma_semaphore, #tpu.memory_space<semaphore_mem>>
      %dma_start3A_77 = arith.constant 0 : i32
      %dma_start3A_78 = tpu.memref_slice %arg9[%arg0, %add3A_41, %dma_start3A_77] : memref<2x10240x64xf32, #tpu.memory_space<hbm>> -> memref<1x128x64xf32, #tpu.memory_space<hbm>>
      %dma_start3A_79 = tpu.memref_squeeze %dma_start3A_78 : memref<1x128x64xf32, #tpu.memory_space<hbm>> -> memref<128x64xf32, #tpu.memory_space<hbm>>
      %dma_start3A_80 = arith.constant 0 : i32
      %dma_start3A_81 = tpu.memref_slice %arg9[%arg0, %add3A_41, %dma_start3A_80] : memref<2x10240x64xf32, #tpu.memory_space<hbm>> -> memref<1x128x64xf32, #tpu.memory_space<hbm>>
      %dma_start3A_82 = tpu.memref_squeeze %dma_start3A_81 : memref<1x128x64xf32, #tpu.memory_space<hbm>> -> memref<128x64xf32, #tpu.memory_space<hbm>>
      tpu.enqueue_dma source(%arg16 : memref<128x64xf32, #tpu.memory_space<vmem>>) target(%dma_start3A_82 : memref<128x64xf32, #tpu.memory_space<hbm>>) target_semaphore(%run_scoped3A : memref<!tpu.dma_semaphore, #tpu.memory_space<semaphore_mem>>)
      %dma_wait3A = arith.constant 0 : i32
      %dma_wait3A_83 = tpu.memref_slice %arg9[%arg0, %add3A_41, %dma_wait3A] : memref<2x10240x64xf32, #tpu.memory_space<hbm>> -> memref<1x128x64xf32, #tpu.memory_space<hbm>>
      %dma_wait3A_84 = tpu.memref_squeeze %dma_wait3A_83 : memref<1x128x64xf32, #tpu.memory_space<hbm>> -> memref<128x64xf32, #tpu.memory_space<hbm>>
      %dma_wait3A_85 = arith.constant 0 : i32
      %dma_wait3A_86 = tpu.memref_slice %arg9[%arg0, %add3A_41, %dma_wait3A_85] : memref<2x10240x64xf32, #tpu.memory_space<hbm>> -> memref<1x128x64xf32, #tpu.memory_space<hbm>>
      %dma_wait3A_87 = tpu.memref_squeeze %dma_wait3A_86 : memref<1x128x64xf32, #tpu.memory_space<hbm>> -> memref<128x64xf32, #tpu.memory_space<hbm>>
      tpu.wait_dma2 semaphore(%run_scoped3A : memref<!tpu.dma_semaphore, #tpu.memory_space<semaphore_mem>>) src(%arg16 : memref<128x64xf32, #tpu.memory_space<vmem>>) dst(%dma_wait3A_87 : memref<128x64xf32, #tpu.memory_space<hbm>>)
      tpu.yield
    }) : () -> ()
    "tpu.region"() ({
      %run_scoped3A = tpu.sem_alloc : memref<!tpu.dma_semaphore, #tpu.memory_space<semaphore_mem>>
      %dma_start3A_77 = arith.constant 0 : i32
      %dma_start3A_78 = tpu.memref_slice %arg22[%add3A_41, %dma_start3A_77] : memref<10240x16xf32, #tpu.memory_space<vmem_shared>> -> memref<128x16xf32, #tpu.memory_space<vmem_shared>>
      %dma_start3A_79 = arith.constant 0 : i32
      %dma_start3A_80 = tpu.memref_slice %arg22[%add3A_41, %dma_start3A_79] : memref<10240x16xf32, #tpu.memory_space<vmem_shared>> -> memref<128x16xf32, #tpu.memory_space<vmem_shared>>
      tpu.enqueue_dma source(%dma_start3A_80 : memref<128x16xf32, #tpu.memory_space<vmem_shared>>) target(%arg21 : memref<128x16xf32, #tpu.memory_space<vmem>>) target_semaphore(%run_scoped3A : memref<!tpu.dma_semaphore, #tpu.memory_space<semaphore_mem>>)
      %dma_wait3A = arith.constant 0 : i32
      %dma_wait3A_81 = tpu.memref_slice %arg22[%add3A_41, %dma_wait3A] : memref<10240x16xf32, #tpu.memory_space<vmem_shared>> -> memref<128x16xf32, #tpu.memory_space<vmem_shared>>
      %dma_wait3A_82 = arith.constant 0 : i32
      %dma_wait3A_83 = tpu.memref_slice %arg22[%add3A_41, %dma_wait3A_82] : memref<10240x16xf32, #tpu.memory_space<vmem_shared>> -> memref<128x16xf32, #tpu.memory_space<vmem_shared>>
      tpu.wait_dma2 semaphore(%run_scoped3A : memref<!tpu.dma_semaphore, #tpu.memory_space<semaphore_mem>>) src(%dma_wait3A_83 : memref<128x16xf32, #tpu.memory_space<vmem_shared>>) dst(%arg21 : memref<128x16xf32, #tpu.memory_space<vmem>>)
      tpu.yield
    }) : () -> ()
    "tpu.region"() ({
      %run_scoped3A = tpu.sem_alloc : memref<!tpu.dma_semaphore, #tpu.memory_space<semaphore_mem>>
      %dma_start3A_77 = arith.constant 0 : i32
      %dma_start3A_78 = tpu.memref_slice %arg11[%arg0, %add3A_41, %dma_start3A_77] : memref<2x10240x16xf32, #tpu.memory_space<hbm>> -> memref<1x128x16xf32, #tpu.memory_space<hbm>>
      %dma_start3A_79 = tpu.memref_squeeze %dma_start3A_78 : memref<1x128x16xf32, #tpu.memory_space<hbm>> -> memref<128x16xf32, #tpu.memory_space<hbm>>
      %dma_start3A_80 = arith.constant 0 : i32
      %dma_start3A_81 = tpu.memref_slice %arg11[%arg0, %add3A_41, %dma_start3A_80] : memref<2x10240x16xf32, #tpu.memory_space<hbm>> -> memref<1x128x16xf32, #tpu.memory_space<hbm>>
      %dma_start3A_82 = tpu.memref_squeeze %dma_start3A_81 : memref<1x128x16xf32, #tpu.memory_space<hbm>> -> memref<128x16xf32, #tpu.memory_space<hbm>>
      tpu.enqueue_dma source(%arg21 : memref<128x16xf32, #tpu.memory_space<vmem>>) target(%dma_start3A_82 : memref<128x16xf32, #tpu.memory_space<hbm>>) target_semaphore(%run_scoped3A : memref<!tpu.dma_semaphore, #tpu.memory_space<semaphore_mem>>)
      %dma_wait3A = arith.constant 0 : i32
      %dma_wait3A_83 = tpu.memref_slice %arg11[%arg0, %add3A_41, %dma_wait3A] : memref<2x10240x16xf32, #tpu.memory_space<hbm>> -> memref<1x128x16xf32, #tpu.memory_space<hbm>>
      %dma_wait3A_84 = tpu.memref_squeeze %dma_wait3A_83 : memref<1x128x16xf32, #tpu.memory_space<hbm>> -> memref<128x16xf32, #tpu.memory_space<hbm>>
      %dma_wait3A_85 = arith.constant 0 : i32
      %dma_wait3A_86 = tpu.memref_slice %arg11[%arg0, %add3A_41, %dma_wait3A_85] : memref<2x10240x16xf32, #tpu.memory_space<hbm>> -> memref<1x128x16xf32, #tpu.memory_space<hbm>>
      %dma_wait3A_87 = tpu.memref_squeeze %dma_wait3A_86 : memref<1x128x16xf32, #tpu.memory_space<hbm>> -> memref<128x16xf32, #tpu.memory_space<hbm>>
      tpu.wait_dma2 semaphore(%run_scoped3A : memref<!tpu.dma_semaphore, #tpu.memory_space<semaphore_mem>>) src(%arg21 : memref<128x16xf32, #tpu.memory_space<vmem>>) dst(%dma_wait3A_87 : memref<128x16xf32, #tpu.memory_space<hbm>>)
      tpu.yield
    }) : () -> ()
    "tpu.region"() ({
      %run_scoped3A = tpu.sem_alloc : memref<!tpu.dma_semaphore, #tpu.memory_space<semaphore_mem>>
      tpu.enqueue_dma source(%arg6 : memref<128x64xf32, #tpu.memory_space<hbm>>) target(%arg16 : memref<128x64xf32, #tpu.memory_space<vmem>>) target_semaphore(%run_scoped3A : memref<!tpu.dma_semaphore, #tpu.memory_space<semaphore_mem>>)
      tpu.wait_dma2 semaphore(%run_scoped3A : memref<!tpu.dma_semaphore, #tpu.memory_space<semaphore_mem>>) src(%arg6 : memref<128x64xf32, #tpu.memory_space<hbm>>) dst(%arg16 : memref<128x64xf32, #tpu.memory_space<vmem>>)
      tpu.yield
    }) : () -> ()
    %add3A_42 = arith.constant 0 : i32
    %add3A_43 = arith.addi %mul3A_0, %add3A_42 : i32
    "tpu.region"() ({
      %run_scoped3A = tpu.sem_alloc : memref<!tpu.dma_semaphore, #tpu.memory_space<semaphore_mem>>
      %dma_start3A_77 = arith.constant 0 : i32
      %dma_start3A_78 = tpu.memref_slice %arg19[%add3A_43, %dma_start3A_77] : memref<10240x64xf32, #tpu.memory_space<vmem_shared>> -> memref<128x64xf32, #tpu.memory_space<vmem_shared>>
      %dma_start3A_79 = arith.constant 0 : i32
      %dma_start3A_80 = tpu.memref_slice %arg19[%add3A_43, %dma_start3A_79] : memref<10240x64xf32, #tpu.memory_space<vmem_shared>> -> memref<128x64xf32, #tpu.memory_space<vmem_shared>>
      tpu.enqueue_dma source(%arg16 : memref<128x64xf32, #tpu.memory_space<vmem>>) target(%dma_start3A_80 : memref<128x64xf32, #tpu.memory_space<vmem_shared>>) target_semaphore(%run_scoped3A : memref<!tpu.dma_semaphore, #tpu.memory_space<semaphore_mem>>)
      %dma_wait3A = arith.constant 0 : i32
      %dma_wait3A_81 = tpu.memref_slice %arg19[%add3A_43, %dma_wait3A] : memref<10240x64xf32, #tpu.memory_space<vmem_shared>> -> memref<128x64xf32, #tpu.memory_space<vmem_shared>>
      %dma_wait3A_82 = arith.constant 0 : i32
      %dma_wait3A_83 = tpu.memref_slice %arg19[%add3A_43, %dma_wait3A_82] : memref<10240x64xf32, #tpu.memory_space<vmem_shared>> -> memref<128x64xf32, #tpu.memory_space<vmem_shared>>
      tpu.wait_dma2 semaphore(%run_scoped3A : memref<!tpu.dma_semaphore, #tpu.memory_space<semaphore_mem>>) src(%arg16 : memref<128x64xf32, #tpu.memory_space<vmem>>) dst(%dma_wait3A_83 : memref<128x64xf32, #tpu.memory_space<vmem_shared>>)
      tpu.yield
    }) : () -> ()
    %add3A_44 = arith.constant 128 : i32
    %add3A_45 = arith.addi %mul3A_0, %add3A_44 : i32
    "tpu.region"() ({
      %run_scoped3A = tpu.sem_alloc : memref<!tpu.dma_semaphore, #tpu.memory_space<semaphore_mem>>
      %dma_start3A_77 = arith.constant 0 : i32
      %dma_start3A_78 = tpu.memref_slice %arg19[%add3A_45, %dma_start3A_77] : memref<10240x64xf32, #tpu.memory_space<vmem_shared>> -> memref<128x64xf32, #tpu.memory_space<vmem_shared>>
      %dma_start3A_79 = arith.constant 0 : i32
      %dma_start3A_80 = tpu.memref_slice %arg19[%add3A_45, %dma_start3A_79] : memref<10240x64xf32, #tpu.memory_space<vmem_shared>> -> memref<128x64xf32, #tpu.memory_space<vmem_shared>>
      tpu.enqueue_dma source(%arg16 : memref<128x64xf32, #tpu.memory_space<vmem>>) target(%dma_start3A_80 : memref<128x64xf32, #tpu.memory_space<vmem_shared>>) target_semaphore(%run_scoped3A : memref<!tpu.dma_semaphore, #tpu.memory_space<semaphore_mem>>)
      %dma_wait3A = arith.constant 0 : i32
      %dma_wait3A_81 = tpu.memref_slice %arg19[%add3A_45, %dma_wait3A] : memref<10240x64xf32, #tpu.memory_space<vmem_shared>> -> memref<128x64xf32, #tpu.memory_space<vmem_shared>>
      %dma_wait3A_82 = arith.constant 0 : i32
      %dma_wait3A_83 = tpu.memref_slice %arg19[%add3A_45, %dma_wait3A_82] : memref<10240x64xf32, #tpu.memory_space<vmem_shared>> -> memref<128x64xf32, #tpu.memory_space<vmem_shared>>
      tpu.wait_dma2 semaphore(%run_scoped3A : memref<!tpu.dma_semaphore, #tpu.memory_space<semaphore_mem>>) src(%arg16 : memref<128x64xf32, #tpu.memory_space<vmem>>) dst(%dma_wait3A_83 : memref<128x64xf32, #tpu.memory_space<vmem_shared>>)
      tpu.yield
    }) : () -> ()
    %add3A_46 = arith.constant 256 : i32
    %add3A_47 = arith.addi %mul3A_0, %add3A_46 : i32
    "tpu.region"() ({
      %run_scoped3A = tpu.sem_alloc : memref<!tpu.dma_semaphore, #tpu.memory_space<semaphore_mem>>
      %dma_start3A_77 = arith.constant 0 : i32
      %dma_start3A_78 = tpu.memref_slice %arg19[%add3A_47, %dma_start3A_77] : memref<10240x64xf32, #tpu.memory_space<vmem_shared>> -> memref<128x64xf32, #tpu.memory_space<vmem_shared>>
      %dma_start3A_79 = arith.constant 0 : i32
      %dma_start3A_80 = tpu.memref_slice %arg19[%add3A_47, %dma_start3A_79] : memref<10240x64xf32, #tpu.memory_space<vmem_shared>> -> memref<128x64xf32, #tpu.memory_space<vmem_shared>>
      tpu.enqueue_dma source(%arg16 : memref<128x64xf32, #tpu.memory_space<vmem>>) target(%dma_start3A_80 : memref<128x64xf32, #tpu.memory_space<vmem_shared>>) target_semaphore(%run_scoped3A : memref<!tpu.dma_semaphore, #tpu.memory_space<semaphore_mem>>)
      %dma_wait3A = arith.constant 0 : i32
      %dma_wait3A_81 = tpu.memref_slice %arg19[%add3A_47, %dma_wait3A] : memref<10240x64xf32, #tpu.memory_space<vmem_shared>> -> memref<128x64xf32, #tpu.memory_space<vmem_shared>>
      %dma_wait3A_82 = arith.constant 0 : i32
      %dma_wait3A_83 = tpu.memref_slice %arg19[%add3A_47, %dma_wait3A_82] : memref<10240x64xf32, #tpu.memory_space<vmem_shared>> -> memref<128x64xf32, #tpu.memory_space<vmem_shared>>
      tpu.wait_dma2 semaphore(%run_scoped3A : memref<!tpu.dma_semaphore, #tpu.memory_space<semaphore_mem>>) src(%arg16 : memref<128x64xf32, #tpu.memory_space<vmem>>) dst(%dma_wait3A_83 : memref<128x64xf32, #tpu.memory_space<vmem_shared>>)
      tpu.yield
    }) : () -> ()
    %add3A_48 = arith.constant 384 : i32
    %add3A_49 = arith.addi %mul3A_0, %add3A_48 : i32
    "tpu.region"() ({
      %run_scoped3A = tpu.sem_alloc : memref<!tpu.dma_semaphore, #tpu.memory_space<semaphore_mem>>
      %dma_start3A_77 = arith.constant 0 : i32
      %dma_start3A_78 = tpu.memref_slice %arg19[%add3A_49, %dma_start3A_77] : memref<10240x64xf32, #tpu.memory_space<vmem_shared>> -> memref<128x64xf32, #tpu.memory_space<vmem_shared>>
      %dma_start3A_79 = arith.constant 0 : i32
      %dma_start3A_80 = tpu.memref_slice %arg19[%add3A_49, %dma_start3A_79] : memref<10240x64xf32, #tpu.memory_space<vmem_shared>> -> memref<128x64xf32, #tpu.memory_space<vmem_shared>>
      tpu.enqueue_dma source(%arg16 : memref<128x64xf32, #tpu.memory_space<vmem>>) target(%dma_start3A_80 : memref<128x64xf32, #tpu.memory_space<vmem_shared>>) target_semaphore(%run_scoped3A : memref<!tpu.dma_semaphore, #tpu.memory_space<semaphore_mem>>)
      %dma_wait3A = arith.constant 0 : i32
      %dma_wait3A_81 = tpu.memref_slice %arg19[%add3A_49, %dma_wait3A] : memref<10240x64xf32, #tpu.memory_space<vmem_shared>> -> memref<128x64xf32, #tpu.memory_space<vmem_shared>>
      %dma_wait3A_82 = arith.constant 0 : i32
      %dma_wait3A_83 = tpu.memref_slice %arg19[%add3A_49, %dma_wait3A_82] : memref<10240x64xf32, #tpu.memory_space<vmem_shared>> -> memref<128x64xf32, #tpu.memory_space<vmem_shared>>
      tpu.wait_dma2 semaphore(%run_scoped3A : memref<!tpu.dma_semaphore, #tpu.memory_space<semaphore_mem>>) src(%arg16 : memref<128x64xf32, #tpu.memory_space<vmem>>) dst(%dma_wait3A_83 : memref<128x64xf32, #tpu.memory_space<vmem_shared>>)
      tpu.yield
    }) : () -> ()
    %add3A_50 = arith.constant 512 : i32
    %add3A_51 = arith.addi %mul3A_0, %add3A_50 : i32
    "tpu.region"() ({
      %run_scoped3A = tpu.sem_alloc : memref<!tpu.dma_semaphore, #tpu.memory_space<semaphore_mem>>
      %dma_start3A_77 = arith.constant 0 : i32
      %dma_start3A_78 = tpu.memref_slice %arg19[%add3A_51, %dma_start3A_77] : memref<10240x64xf32, #tpu.memory_space<vmem_shared>> -> memref<128x64xf32, #tpu.memory_space<vmem_shared>>
      %dma_start3A_79 = arith.constant 0 : i32
      %dma_start3A_80 = tpu.memref_slice %arg19[%add3A_51, %dma_start3A_79] : memref<10240x64xf32, #tpu.memory_space<vmem_shared>> -> memref<128x64xf32, #tpu.memory_space<vmem_shared>>
      tpu.enqueue_dma source(%arg16 : memref<128x64xf32, #tpu.memory_space<vmem>>) target(%dma_start3A_80 : memref<128x64xf32, #tpu.memory_space<vmem_shared>>) target_semaphore(%run_scoped3A : memref<!tpu.dma_semaphore, #tpu.memory_space<semaphore_mem>>)
      %dma_wait3A = arith.constant 0 : i32
      %dma_wait3A_81 = tpu.memref_slice %arg19[%add3A_51, %dma_wait3A] : memref<10240x64xf32, #tpu.memory_space<vmem_shared>> -> memref<128x64xf32, #tpu.memory_space<vmem_shared>>
      %dma_wait3A_82 = arith.constant 0 : i32
      %dma_wait3A_83 = tpu.memref_slice %arg19[%add3A_51, %dma_wait3A_82] : memref<10240x64xf32, #tpu.memory_space<vmem_shared>> -> memref<128x64xf32, #tpu.memory_space<vmem_shared>>
      tpu.wait_dma2 semaphore(%run_scoped3A : memref<!tpu.dma_semaphore, #tpu.memory_space<semaphore_mem>>) src(%arg16 : memref<128x64xf32, #tpu.memory_space<vmem>>) dst(%dma_wait3A_83 : memref<128x64xf32, #tpu.memory_space<vmem_shared>>)
      tpu.yield
    }) : () -> ()
    %barrier3A_52 = arith.constant 0 : index
    tpu.barrier barrier_id(%barrier3A_52)
    %dma_start3A_53 = arith.constant 0 : i32
    %dma_start3A_54 = arith.constant 0 : i32
    %dma_start3A_55 = tpu.memref_slice %arg12[%dma_start3A_53, %dma_start3A_54] : memref<80x125xi32, #tpu.memory_space<vmem>> -> memref<1x125xi32, #tpu.memory_space<vmem>>
    %dma_start3A_56 = tpu.memref_squeeze %dma_start3A_55 : memref<1x125xi32, #tpu.memory_space<vmem>> -> memref<125xi32, #tpu.memory_space<vmem>>
    %dma_start3A_57 = arith.constant 0 : i32
    %dma_start3A_58 = arith.constant 0 : i32
    %dma_start3A_59 = tpu.memref_slice %arg3[%dma_start3A_57, %dma_start3A_58] : memref<10000x64xf32, #tpu.memory_space<hbm>> -> memref<10000x64xf32, #tpu.memory_space<hbm>>
    tpu.enqueue_indirect_dma source(%dma_start3A_59 : memref<10000x64xf32, #tpu.memory_space<hbm>>) target(%arg14 : memref<125x64xf32, #tpu.memory_space<vmem>>) offsets(%dma_start3A_56 : memref<125xi32, #tpu.memory_space<vmem>>) semaphore(%arg17 : memref<!tpu.dma_semaphore, #tpu.memory_space<semaphore_mem>>)
    %scan3A_60 = arith.constant 0 : i32
    %scan3A_61 = arith.constant 0 : i32
    %scan3A_62 = arith.constant 40 : i32
    %scan3A_63 = arith.addi %scan3A_61, %scan3A_62 : i32
    %scan3A_64 = arith.constant 1 : i32
    scf.for %scan3A_77 = %scan3A_61 to %scan3A_63 step %scan3A_64  : i32 {
      %mul3A_78 = arith.constant 2 : i32
      %mul3A_79 = arith.muli %mul3A_78, %scan3A_77 : i32
      %add3A_80 = arith.constant 0 : i32
      %add3A_81 = arith.addi %mul3A_79, %add3A_80 : i32
      %add3A_82 = arith.constant 1 : i32
      %add3A_83 = arith.addi %add3A_81, %add3A_82 : i32
      %lt3A = arith.constant 80 : i32
      %lt3A_84 = arith.cmpi slt, %add3A_83, %lt3A : i32
      %convert_element_type3A = arith.extui %lt3A_84 : i1 to i32
      %cond3A = arith.constant 0 : i32
      %cond3A_85 = arith.cmpi ne, %convert_element_type3A, %cond3A : i32
      scf.if %cond3A_85 {
        %add3A_108 = arith.constant 1 : i32
        %add3A_109 = arith.addi %add3A_81, %add3A_108 : i32
        %dma_start3A_110 = arith.constant 0 : i32
        %dma_start3A_111 = tpu.memref_slice %arg12[%add3A_109, %dma_start3A_110] : memref<80x125xi32, #tpu.memory_space<vmem>> -> memref<1x125xi32, #tpu.memory_space<vmem>>
        %dma_start3A_112 = tpu.memref_squeeze %dma_start3A_111 : memref<1x125xi32, #tpu.memory_space<vmem>> -> memref<125xi32, #tpu.memory_space<vmem>>
        %dma_start3A_113 = arith.constant 0 : i32
        %dma_start3A_114 = arith.constant 0 : i32
        %dma_start3A_115 = tpu.memref_slice %arg3[%dma_start3A_113, %dma_start3A_114] : memref<10000x64xf32, #tpu.memory_space<hbm>> -> memref<10000x64xf32, #tpu.memory_space<hbm>>
        tpu.enqueue_indirect_dma source(%dma_start3A_115 : memref<10000x64xf32, #tpu.memory_space<hbm>>) target(%arg15 : memref<125x64xf32, #tpu.memory_space<vmem>>) offsets(%dma_start3A_112 : memref<125xi32, #tpu.memory_space<vmem>>) semaphore(%arg18 : memref<!tpu.dma_semaphore, #tpu.memory_space<semaphore_mem>>)
      } else {
      }
      %dma_wait3A = arith.constant 0 : i32
      %dma_wait3A_86 = tpu.memref_slice %arg12[%add3A_81, %dma_wait3A] : memref<80x125xi32, #tpu.memory_space<vmem>> -> memref<1x125xi32, #tpu.memory_space<vmem>>
      %dma_wait3A_87 = tpu.memref_squeeze %dma_wait3A_86 : memref<1x125xi32, #tpu.memory_space<vmem>> -> memref<125xi32, #tpu.memory_space<vmem>>
      %dma_wait3A_88 = arith.constant 0 : i32
      %dma_wait3A_89 = arith.constant 0 : i32
      %dma_wait3A_90 = tpu.memref_slice %arg3[%dma_wait3A_88, %dma_wait3A_89] : memref<10000x64xf32, #tpu.memory_space<hbm>> -> memref<10000x64xf32, #tpu.memory_space<hbm>>
      tpu.wait_indirect_dma semaphore(%arg17 : memref<!tpu.dma_semaphore, #tpu.memory_space<semaphore_mem>>) src(%dma_wait3A_90 : memref<10000x64xf32, #tpu.memory_space<hbm>>) dst(%arg14 : memref<125x64xf32, #tpu.memory_space<vmem>>)
      "tpu.region"() ({
        %run_scoped3A = tpu.sem_alloc : memref<!tpu.dma_semaphore, #tpu.memory_space<semaphore_mem>>
        %dma_start3A_108 = arith.constant 0 : i32
        %dma_start3A_109 = tpu.memref_slice %arg13[%add3A_81, %dma_start3A_108] : memref<80x125xi32, #tpu.memory_space<vmem>> -> memref<1x125xi32, #tpu.memory_space<vmem>>
        %dma_start3A_110 = tpu.memref_squeeze %dma_start3A_109 : memref<1x125xi32, #tpu.memory_space<vmem>> -> memref<125xi32, #tpu.memory_space<vmem>>
        %dma_start3A_111 = arith.constant 0 : i32
        %dma_start3A_112 = arith.constant 0 : i32
        %dma_start3A_113 = tpu.memref_slice %arg19[%dma_start3A_111, %dma_start3A_112] : memref<10240x64xf32, #tpu.memory_space<vmem_shared>> -> memref<10240x64xf32, #tpu.memory_space<vmem_shared>>
        tpu.enqueue_indirect_dma source(%arg14 : memref<125x64xf32, #tpu.memory_space<vmem>>) target(%dma_start3A_113 : memref<10240x64xf32, #tpu.memory_space<vmem_shared>>) offsets(%dma_start3A_110 : memref<125xi32, #tpu.memory_space<vmem>>) semaphore(%run_scoped3A : memref<!tpu.dma_semaphore, #tpu.memory_space<semaphore_mem>>) {add = true}
        %dma_wait3A_114 = arith.constant 0 : i32
        %dma_wait3A_115 = tpu.memref_slice %arg13[%add3A_81, %dma_wait3A_114] : memref<80x125xi32, #tpu.memory_space<vmem>> -> memref<1x125xi32, #tpu.memory_space<vmem>>
        %dma_wait3A_116 = tpu.memref_squeeze %dma_wait3A_115 : memref<1x125xi32, #tpu.memory_space<vmem>> -> memref<125xi32, #tpu.memory_space<vmem>>
        %dma_wait3A_117 = arith.constant 0 : i32
        %dma_wait3A_118 = arith.constant 0 : i32
        %dma_wait3A_119 = tpu.memref_slice %arg19[%dma_wait3A_117, %dma_wait3A_118] : memref<10240x64xf32, #tpu.memory_space<vmem_shared>> -> memref<10240x64xf32, #tpu.memory_space<vmem_shared>>
        tpu.wait_indirect_dma semaphore(%run_scoped3A : memref<!tpu.dma_semaphore, #tpu.memory_space<semaphore_mem>>) src(%arg14 : memref<125x64xf32, #tpu.memory_space<vmem>>) dst(%dma_wait3A_119 : memref<10240x64xf32, #tpu.memory_space<vmem_shared>>)
        tpu.yield
      }) : () -> ()
      %mul3A_91 = arith.constant 2 : i32
      %mul3A_92 = arith.muli %mul3A_91, %scan3A_77 : i32
      %add3A_93 = arith.constant 1 : i32
      %add3A_94 = arith.addi %mul3A_92, %add3A_93 : i32
      %add3A_95 = arith.constant 1 : i32
      %add3A_96 = arith.addi %add3A_94, %add3A_95 : i32
      %lt3A_97 = arith.constant 80 : i32
      %lt3A_98 = arith.cmpi slt, %add3A_96, %lt3A_97 : i32
      %convert_element_type3A_99 = arith.extui %lt3A_98 : i1 to i32
      %cond3A_100 = arith.constant 0 : i32
      %cond3A_101 = arith.cmpi ne, %convert_element_type3A_99, %cond3A_100 : i32
      scf.if %cond3A_101 {
        %add3A_108 = arith.constant 1 : i32
        %add3A_109 = arith.addi %add3A_94, %add3A_108 : i32
        %dma_start3A_110 = arith.constant 0 : i32
        %dma_start3A_111 = tpu.memref_slice %arg12[%add3A_109, %dma_start3A_110] : memref<80x125xi32, #tpu.memory_space<vmem>> -> memref<1x125xi32, #tpu.memory_space<vmem>>
        %dma_start3A_112 = tpu.memref_squeeze %dma_start3A_111 : memref<1x125xi32, #tpu.memory_space<vmem>> -> memref<125xi32, #tpu.memory_space<vmem>>
        %dma_start3A_113 = arith.constant 0 : i32
        %dma_start3A_114 = arith.constant 0 : i32
        %dma_start3A_115 = tpu.memref_slice %arg3[%dma_start3A_113, %dma_start3A_114] : memref<10000x64xf32, #tpu.memory_space<hbm>> -> memref<10000x64xf32, #tpu.memory_space<hbm>>
        tpu.enqueue_indirect_dma source(%dma_start3A_115 : memref<10000x64xf32, #tpu.memory_space<hbm>>) target(%arg14 : memref<125x64xf32, #tpu.memory_space<vmem>>) offsets(%dma_start3A_112 : memref<125xi32, #tpu.memory_space<vmem>>) semaphore(%arg17 : memref<!tpu.dma_semaphore, #tpu.memory_space<semaphore_mem>>)
      } else {
      }
      %dma_wait3A_102 = arith.constant 0 : i32
      %dma_wait3A_103 = tpu.memref_slice %arg12[%add3A_94, %dma_wait3A_102] : memref<80x125xi32, #tpu.memory_space<vmem>> -> memref<1x125xi32, #tpu.memory_space<vmem>>
      %dma_wait3A_104 = tpu.memref_squeeze %dma_wait3A_103 : memref<1x125xi32, #tpu.memory_space<vmem>> -> memref<125xi32, #tpu.memory_space<vmem>>
      %dma_wait3A_105 = arith.constant 0 : i32
      %dma_wait3A_106 = arith.constant 0 : i32
      %dma_wait3A_107 = tpu.memref_slice %arg3[%dma_wait3A_105, %dma_wait3A_106] : memref<10000x64xf32, #tpu.memory_space<hbm>> -> memref<10000x64xf32, #tpu.memory_space<hbm>>
      tpu.wait_indirect_dma semaphore(%arg18 : memref<!tpu.dma_semaphore, #tpu.memory_space<semaphore_mem>>) src(%dma_wait3A_107 : memref<10000x64xf32, #tpu.memory_space<hbm>>) dst(%arg15 : memref<125x64xf32, #tpu.memory_space<vmem>>)
      "tpu.region"() ({
        %run_scoped3A = tpu.sem_alloc : memref<!tpu.dma_semaphore, #tpu.memory_space<semaphore_mem>>
        %dma_start3A_108 = arith.constant 0 : i32
        %dma_start3A_109 = tpu.memref_slice %arg13[%add3A_94, %dma_start3A_108] : memref<80x125xi32, #tpu.memory_space<vmem>> -> memref<1x125xi32, #tpu.memory_space<vmem>>
        %dma_start3A_110 = tpu.memref_squeeze %dma_start3A_109 : memref<1x125xi32, #tpu.memory_space<vmem>> -> memref<125xi32, #tpu.memory_space<vmem>>
        %dma_start3A_111 = arith.constant 0 : i32
        %dma_start3A_112 = arith.constant 0 : i32
        %dma_start3A_113 = tpu.memref_slice %arg19[%dma_start3A_111, %dma_start3A_112] : memref<10240x64xf32, #tpu.memory_space<vmem_shared>> -> memref<10240x64xf32, #tpu.memory_space<vmem_shared>>
        tpu.enqueue_indirect_dma source(%arg15 : memref<125x64xf32, #tpu.memory_space<vmem>>) target(%dma_start3A_113 : memref<10240x64xf32, #tpu.memory_space<vmem_shared>>) offsets(%dma_start3A_110 : memref<125xi32, #tpu.memory_space<vmem>>) semaphore(%run_scoped3A : memref<!tpu.dma_semaphore, #tpu.memory_space<semaphore_mem>>) {add = true}
        %dma_wait3A_114 = arith.constant 0 : i32
        %dma_wait3A_115 = tpu.memref_slice %arg13[%add3A_94, %dma_wait3A_114] : memref<80x125xi32, #tpu.memory_space<vmem>> -> memref<1x125xi32, #tpu.memory_space<vmem>>
        %dma_wait3A_116 = tpu.memref_squeeze %dma_wait3A_115 : memref<1x125xi32, #tpu.memory_space<vmem>> -> memref<125xi32, #tpu.memory_space<vmem>>
        %dma_wait3A_117 = arith.constant 0 : i32
        %dma_wait3A_118 = arith.constant 0 : i32
        %dma_wait3A_119 = tpu.memref_slice %arg19[%dma_wait3A_117, %dma_wait3A_118] : memref<10240x64xf32, #tpu.memory_space<vmem_shared>> -> memref<10240x64xf32, #tpu.memory_space<vmem_shared>>
        tpu.wait_indirect_dma semaphore(%run_scoped3A : memref<!tpu.dma_semaphore, #tpu.memory_space<semaphore_mem>>) src(%arg15 : memref<125x64xf32, #tpu.memory_space<vmem>>) dst(%dma_wait3A_119 : memref<10240x64xf32, #tpu.memory_space<vmem_shared>>)
        tpu.yield
      }) : () -> ()
    }
    %scan3A_65 = arith.constant 40 : i32
    %barrier3A_66 = arith.constant 0 : index
    tpu.barrier barrier_id(%barrier3A_66)
    %add3A_67 = arith.constant 0 : i32
    %add3A_68 = arith.addi %mul3A_0, %add3A_67 : i32
    "tpu.region"() ({
      %run_scoped3A = tpu.sem_alloc : memref<!tpu.dma_semaphore, #tpu.memory_space<semaphore_mem>>
      %dma_start3A_77 = arith.constant 0 : i32
      %dma_start3A_78 = tpu.memref_slice %arg19[%add3A_68, %dma_start3A_77] : memref<10240x64xf32, #tpu.memory_space<vmem_shared>> -> memref<128x64xf32, #tpu.memory_space<vmem_shared>>
      %dma_start3A_79 = arith.constant 0 : i32
      %dma_start3A_80 = tpu.memref_slice %arg19[%add3A_68, %dma_start3A_79] : memref<10240x64xf32, #tpu.memory_space<vmem_shared>> -> memref<128x64xf32, #tpu.memory_space<vmem_shared>>
      tpu.enqueue_dma source(%dma_start3A_80 : memref<128x64xf32, #tpu.memory_space<vmem_shared>>) target(%arg16 : memref<128x64xf32, #tpu.memory_space<vmem>>) target_semaphore(%run_scoped3A : memref<!tpu.dma_semaphore, #tpu.memory_space<semaphore_mem>>)
      %dma_wait3A = arith.constant 0 : i32
      %dma_wait3A_81 = tpu.memref_slice %arg19[%add3A_68, %dma_wait3A] : memref<10240x64xf32, #tpu.memory_space<vmem_shared>> -> memref<128x64xf32, #tpu.memory_space<vmem_shared>>
      %dma_wait3A_82 = arith.constant 0 : i32
      %dma_wait3A_83 = tpu.memref_slice %arg19[%add3A_68, %dma_wait3A_82] : memref<10240x64xf32, #tpu.memory_space<vmem_shared>> -> memref<128x64xf32, #tpu.memory_space<vmem_shared>>
      tpu.wait_dma2 semaphore(%run_scoped3A : memref<!tpu.dma_semaphore, #tpu.memory_space<semaphore_mem>>) src(%dma_wait3A_83 : memref<128x64xf32, #tpu.memory_space<vmem_shared>>) dst(%arg16 : memref<128x64xf32, #tpu.memory_space<vmem>>)
      tpu.yield
    }) : () -> ()
    "tpu.region"() ({
      %run_scoped3A = tpu.sem_alloc : memref<!tpu.dma_semaphore, #tpu.memory_space<semaphore_mem>>
      %dma_start3A_77 = arith.constant 0 : i32
      %dma_start3A_78 = tpu.memref_slice %arg10[%arg0, %add3A_68, %dma_start3A_77] : memref<2x10240x64xf32, #tpu.memory_space<hbm>> -> memref<1x128x64xf32, #tpu.memory_space<hbm>>
      %dma_start3A_79 = tpu.memref_squeeze %dma_start3A_78 : memref<1x128x64xf32, #tpu.memory_space<hbm>> -> memref<128x64xf32, #tpu.memory_space<hbm>>
      %dma_start3A_80 = arith.constant 0 : i32
      %dma_start3A_81 = tpu.memref_slice %arg10[%arg0, %add3A_68, %dma_start3A_80] : memref<2x10240x64xf32, #tpu.memory_space<hbm>> -> memref<1x128x64xf32, #tpu.memory_space<hbm>>
      %dma_start3A_82 = tpu.memref_squeeze %dma_start3A_81 : memref<1x128x64xf32, #tpu.memory_space<hbm>> -> memref<128x64xf32, #tpu.memory_space<hbm>>
      tpu.enqueue_dma source(%arg16 : memref<128x64xf32, #tpu.memory_space<vmem>>) target(%dma_start3A_82 : memref<128x64xf32, #tpu.memory_space<hbm>>) target_semaphore(%run_scoped3A : memref<!tpu.dma_semaphore, #tpu.memory_space<semaphore_mem>>)
      %dma_wait3A = arith.constant 0 : i32
      %dma_wait3A_83 = tpu.memref_slice %arg10[%arg0, %add3A_68, %dma_wait3A] : memref<2x10240x64xf32, #tpu.memory_space<hbm>> -> memref<1x128x64xf32, #tpu.memory_space<hbm>>
      %dma_wait3A_84 = tpu.memref_squeeze %dma_wait3A_83 : memref<1x128x64xf32, #tpu.memory_space<hbm>> -> memref<128x64xf32, #tpu.memory_space<hbm>>
      %dma_wait3A_85 = arith.constant 0 : i32
      %dma_wait3A_86 = tpu.memref_slice %arg10[%arg0, %add3A_68, %dma_wait3A_85] : memref<2x10240x64xf32, #tpu.memory_space<hbm>> -> memref<1x128x64xf32, #tpu.memory_space<hbm>>
      %dma_wait3A_87 = tpu.memref_squeeze %dma_wait3A_86 : memref<1x128x64xf32, #tpu.memory_space<hbm>> -> memref<128x64xf32, #tpu.memory_space<hbm>>
      tpu.wait_dma2 semaphore(%run_scoped3A : memref<!tpu.dma_semaphore, #tpu.memory_space<semaphore_mem>>) src(%arg16 : memref<128x64xf32, #tpu.memory_space<vmem>>) dst(%dma_wait3A_87 : memref<128x64xf32, #tpu.memory_space<hbm>>)
      tpu.yield
    }) : () -> ()
    %add3A_69 = arith.constant 128 : i32
    %add3A_70 = arith.addi %mul3A_0, %add3A_69 : i32
    "tpu.region"() ({
      %run_scoped3A = tpu.sem_alloc : memref<!tpu.dma_semaphore, #tpu.memory_space<semaphore_mem>>
      %dma_start3A_77 = arith.constant 0 : i32
      %dma_start3A_78 = tpu.memref_slice %arg19[%add3A_70, %dma_start3A_77] : memref<10240x64xf32, #tpu.memory_space<vmem_shared>> -> memref<128x64xf32, #tpu.memory_space<vmem_shared>>
      %dma_start3A_79 = arith.constant 0 : i32
      %dma_start3A_80 = tpu.memref_slice %arg19[%add3A_70, %dma_start3A_79] : memref<10240x64xf32, #tpu.memory_space<vmem_shared>> -> memref<128x64xf32, #tpu.memory_space<vmem_shared>>
      tpu.enqueue_dma source(%dma_start3A_80 : memref<128x64xf32, #tpu.memory_space<vmem_shared>>) target(%arg16 : memref<128x64xf32, #tpu.memory_space<vmem>>) target_semaphore(%run_scoped3A : memref<!tpu.dma_semaphore, #tpu.memory_space<semaphore_mem>>)
      %dma_wait3A = arith.constant 0 : i32
      %dma_wait3A_81 = tpu.memref_slice %arg19[%add3A_70, %dma_wait3A] : memref<10240x64xf32, #tpu.memory_space<vmem_shared>> -> memref<128x64xf32, #tpu.memory_space<vmem_shared>>
      %dma_wait3A_82 = arith.constant 0 : i32
      %dma_wait3A_83 = tpu.memref_slice %arg19[%add3A_70, %dma_wait3A_82] : memref<10240x64xf32, #tpu.memory_space<vmem_shared>> -> memref<128x64xf32, #tpu.memory_space<vmem_shared>>
      tpu.wait_dma2 semaphore(%run_scoped3A : memref<!tpu.dma_semaphore, #tpu.memory_space<semaphore_mem>>) src(%dma_wait3A_83 : memref<128x64xf32, #tpu.memory_space<vmem_shared>>) dst(%arg16 : memref<128x64xf32, #tpu.memory_space<vmem>>)
      tpu.yield
    }) : () -> ()
    "tpu.region"() ({
      %run_scoped3A = tpu.sem_alloc : memref<!tpu.dma_semaphore, #tpu.memory_space<semaphore_mem>>
      %dma_start3A_77 = arith.constant 0 : i32
      %dma_start3A_78 = tpu.memref_slice %arg10[%arg0, %add3A_70, %dma_start3A_77] : memref<2x10240x64xf32, #tpu.memory_space<hbm>> -> memref<1x128x64xf32, #tpu.memory_space<hbm>>
      %dma_start3A_79 = tpu.memref_squeeze %dma_start3A_78 : memref<1x128x64xf32, #tpu.memory_space<hbm>> -> memref<128x64xf32, #tpu.memory_space<hbm>>
      %dma_start3A_80 = arith.constant 0 : i32
      %dma_start3A_81 = tpu.memref_slice %arg10[%arg0, %add3A_70, %dma_start3A_80] : memref<2x10240x64xf32, #tpu.memory_space<hbm>> -> memref<1x128x64xf32, #tpu.memory_space<hbm>>
      %dma_start3A_82 = tpu.memref_squeeze %dma_start3A_81 : memref<1x128x64xf32, #tpu.memory_space<hbm>> -> memref<128x64xf32, #tpu.memory_space<hbm>>
      tpu.enqueue_dma source(%arg16 : memref<128x64xf32, #tpu.memory_space<vmem>>) target(%dma_start3A_82 : memref<128x64xf32, #tpu.memory_space<hbm>>) target_semaphore(%run_scoped3A : memref<!tpu.dma_semaphore, #tpu.memory_space<semaphore_mem>>)
      %dma_wait3A = arith.constant 0 : i32
      %dma_wait3A_83 = tpu.memref_slice %arg10[%arg0, %add3A_70, %dma_wait3A] : memref<2x10240x64xf32, #tpu.memory_space<hbm>> -> memref<1x128x64xf32, #tpu.memory_space<hbm>>
      %dma_wait3A_84 = tpu.memref_squeeze %dma_wait3A_83 : memref<1x128x64xf32, #tpu.memory_space<hbm>> -> memref<128x64xf32, #tpu.memory_space<hbm>>
      %dma_wait3A_85 = arith.constant 0 : i32
      %dma_wait3A_86 = tpu.memref_slice %arg10[%arg0, %add3A_70, %dma_wait3A_85] : memref<2x10240x64xf32, #tpu.memory_space<hbm>> -> memref<1x128x64xf32, #tpu.memory_space<hbm>>
      %dma_wait3A_87 = tpu.memref_squeeze %dma_wait3A_86 : memref<1x128x64xf32, #tpu.memory_space<hbm>> -> memref<128x64xf32, #tpu.memory_space<hbm>>
      tpu.wait_dma2 semaphore(%run_scoped3A : memref<!tpu.dma_semaphore, #tpu.memory_space<semaphore_mem>>) src(%arg16 : memref<128x64xf32, #tpu.memory_space<vmem>>) dst(%dma_wait3A_87 : memref<128x64xf32, #tpu.memory_space<hbm>>)
      tpu.yield
    }) : () -> ()
    %add3A_71 = arith.constant 256 : i32
    %add3A_72 = arith.addi %mul3A_0, %add3A_71 : i32
    "tpu.region"() ({
      %run_scoped3A = tpu.sem_alloc : memref<!tpu.dma_semaphore, #tpu.memory_space<semaphore_mem>>
      %dma_start3A_77 = arith.constant 0 : i32
      %dma_start3A_78 = tpu.memref_slice %arg19[%add3A_72, %dma_start3A_77] : memref<10240x64xf32, #tpu.memory_space<vmem_shared>> -> memref<128x64xf32, #tpu.memory_space<vmem_shared>>
      %dma_start3A_79 = arith.constant 0 : i32
      %dma_start3A_80 = tpu.memref_slice %arg19[%add3A_72, %dma_start3A_79] : memref<10240x64xf32, #tpu.memory_space<vmem_shared>> -> memref<128x64xf32, #tpu.memory_space<vmem_shared>>
      tpu.enqueue_dma source(%dma_start3A_80 : memref<128x64xf32, #tpu.memory_space<vmem_shared>>) target(%arg16 : memref<128x64xf32, #tpu.memory_space<vmem>>) target_semaphore(%run_scoped3A : memref<!tpu.dma_semaphore, #tpu.memory_space<semaphore_mem>>)
      %dma_wait3A = arith.constant 0 : i32
      %dma_wait3A_81 = tpu.memref_slice %arg19[%add3A_72, %dma_wait3A] : memref<10240x64xf32, #tpu.memory_space<vmem_shared>> -> memref<128x64xf32, #tpu.memory_space<vmem_shared>>
      %dma_wait3A_82 = arith.constant 0 : i32
      %dma_wait3A_83 = tpu.memref_slice %arg19[%add3A_72, %dma_wait3A_82] : memref<10240x64xf32, #tpu.memory_space<vmem_shared>> -> memref<128x64xf32, #tpu.memory_space<vmem_shared>>
      tpu.wait_dma2 semaphore(%run_scoped3A : memref<!tpu.dma_semaphore, #tpu.memory_space<semaphore_mem>>) src(%dma_wait3A_83 : memref<128x64xf32, #tpu.memory_space<vmem_shared>>) dst(%arg16 : memref<128x64xf32, #tpu.memory_space<vmem>>)
      tpu.yield
    }) : () -> ()
    "tpu.region"() ({
      %run_scoped3A = tpu.sem_alloc : memref<!tpu.dma_semaphore, #tpu.memory_space<semaphore_mem>>
      %dma_start3A_77 = arith.constant 0 : i32
      %dma_start3A_78 = tpu.memref_slice %arg10[%arg0, %add3A_72, %dma_start3A_77] : memref<2x10240x64xf32, #tpu.memory_space<hbm>> -> memref<1x128x64xf32, #tpu.memory_space<hbm>>
      %dma_start3A_79 = tpu.memref_squeeze %dma_start3A_78 : memref<1x128x64xf32, #tpu.memory_space<hbm>> -> memref<128x64xf32, #tpu.memory_space<hbm>>
      %dma_start3A_80 = arith.constant 0 : i32
      %dma_start3A_81 = tpu.memref_slice %arg10[%arg0, %add3A_72, %dma_start3A_80] : memref<2x10240x64xf32, #tpu.memory_space<hbm>> -> memref<1x128x64xf32, #tpu.memory_space<hbm>>
      %dma_start3A_82 = tpu.memref_squeeze %dma_start3A_81 : memref<1x128x64xf32, #tpu.memory_space<hbm>> -> memref<128x64xf32, #tpu.memory_space<hbm>>
      tpu.enqueue_dma source(%arg16 : memref<128x64xf32, #tpu.memory_space<vmem>>) target(%dma_start3A_82 : memref<128x64xf32, #tpu.memory_space<hbm>>) target_semaphore(%run_scoped3A : memref<!tpu.dma_semaphore, #tpu.memory_space<semaphore_mem>>)
      %dma_wait3A = arith.constant 0 : i32
      %dma_wait3A_83 = tpu.memref_slice %arg10[%arg0, %add3A_72, %dma_wait3A] : memref<2x10240x64xf32, #tpu.memory_space<hbm>> -> memref<1x128x64xf32, #tpu.memory_space<hbm>>
      %dma_wait3A_84 = tpu.memref_squeeze %dma_wait3A_83 : memref<1x128x64xf32, #tpu.memory_space<hbm>> -> memref<128x64xf32, #tpu.memory_space<hbm>>
      %dma_wait3A_85 = arith.constant 0 : i32
      %dma_wait3A_86 = tpu.memref_slice %arg10[%arg0, %add3A_72, %dma_wait3A_85] : memref<2x10240x64xf32, #tpu.memory_space<hbm>> -> memref<1x128x64xf32, #tpu.memory_space<hbm>>
      %dma_wait3A_87 = tpu.memref_squeeze %dma_wait3A_86 : memref<1x128x64xf32, #tpu.memory_space<hbm>> -> memref<128x64xf32, #tpu.memory_space<hbm>>
      tpu.wait_dma2 semaphore(%run_scoped3A : memref<!tpu.dma_semaphore, #tpu.memory_space<semaphore_mem>>) src(%arg16 : memref<128x64xf32, #tpu.memory_space<vmem>>) dst(%dma_wait3A_87 : memref<128x64xf32, #tpu.memory_space<hbm>>)
      tpu.yield
    }) : () -> ()
    %add3A_73 = arith.constant 384 : i32
    %add3A_74 = arith.addi %mul3A_0, %add3A_73 : i32
    "tpu.region"() ({
      %run_scoped3A = tpu.sem_alloc : memref<!tpu.dma_semaphore, #tpu.memory_space<semaphore_mem>>
      %dma_start3A_77 = arith.constant 0 : i32
      %dma_start3A_78 = tpu.memref_slice %arg19[%add3A_74, %dma_start3A_77] : memref<10240x64xf32, #tpu.memory_space<vmem_shared>> -> memref<128x64xf32, #tpu.memory_space<vmem_shared>>
      %dma_start3A_79 = arith.constant 0 : i32
      %dma_start3A_80 = tpu.memref_slice %arg19[%add3A_74, %dma_start3A_79] : memref<10240x64xf32, #tpu.memory_space<vmem_shared>> -> memref<128x64xf32, #tpu.memory_space<vmem_shared>>
      tpu.enqueue_dma source(%dma_start3A_80 : memref<128x64xf32, #tpu.memory_space<vmem_shared>>) target(%arg16 : memref<128x64xf32, #tpu.memory_space<vmem>>) target_semaphore(%run_scoped3A : memref<!tpu.dma_semaphore, #tpu.memory_space<semaphore_mem>>)
      %dma_wait3A = arith.constant 0 : i32
      %dma_wait3A_81 = tpu.memref_slice %arg19[%add3A_74, %dma_wait3A] : memref<10240x64xf32, #tpu.memory_space<vmem_shared>> -> memref<128x64xf32, #tpu.memory_space<vmem_shared>>
      %dma_wait3A_82 = arith.constant 0 : i32
      %dma_wait3A_83 = tpu.memref_slice %arg19[%add3A_74, %dma_wait3A_82] : memref<10240x64xf32, #tpu.memory_space<vmem_shared>> -> memref<128x64xf32, #tpu.memory_space<vmem_shared>>
      tpu.wait_dma2 semaphore(%run_scoped3A : memref<!tpu.dma_semaphore, #tpu.memory_space<semaphore_mem>>) src(%dma_wait3A_83 : memref<128x64xf32, #tpu.memory_space<vmem_shared>>) dst(%arg16 : memref<128x64xf32, #tpu.memory_space<vmem>>)
      tpu.yield
    }) : () -> ()
    "tpu.region"() ({
      %run_scoped3A = tpu.sem_alloc : memref<!tpu.dma_semaphore, #tpu.memory_space<semaphore_mem>>
      %dma_start3A_77 = arith.constant 0 : i32
      %dma_start3A_78 = tpu.memref_slice %arg10[%arg0, %add3A_74, %dma_start3A_77] : memref<2x10240x64xf32, #tpu.memory_space<hbm>> -> memref<1x128x64xf32, #tpu.memory_space<hbm>>
      %dma_start3A_79 = tpu.memref_squeeze %dma_start3A_78 : memref<1x128x64xf32, #tpu.memory_space<hbm>> -> memref<128x64xf32, #tpu.memory_space<hbm>>
      %dma_start3A_80 = arith.constant 0 : i32
      %dma_start3A_81 = tpu.memref_slice %arg10[%arg0, %add3A_74, %dma_start3A_80] : memref<2x10240x64xf32, #tpu.memory_space<hbm>> -> memref<1x128x64xf32, #tpu.memory_space<hbm>>
      %dma_start3A_82 = tpu.memref_squeeze %dma_start3A_81 : memref<1x128x64xf32, #tpu.memory_space<hbm>> -> memref<128x64xf32, #tpu.memory_space<hbm>>
      tpu.enqueue_dma source(%arg16 : memref<128x64xf32, #tpu.memory_space<vmem>>) target(%dma_start3A_82 : memref<128x64xf32, #tpu.memory_space<hbm>>) target_semaphore(%run_scoped3A : memref<!tpu.dma_semaphore, #tpu.memory_space<semaphore_mem>>)
      %dma_wait3A = arith.constant 0 : i32
      %dma_wait3A_83 = tpu.memref_slice %arg10[%arg0, %add3A_74, %dma_wait3A] : memref<2x10240x64xf32, #tpu.memory_space<hbm>> -> memref<1x128x64xf32, #tpu.memory_space<hbm>>
      %dma_wait3A_84 = tpu.memref_squeeze %dma_wait3A_83 : memref<1x128x64xf32, #tpu.memory_space<hbm>> -> memref<128x64xf32, #tpu.memory_space<hbm>>
      %dma_wait3A_85 = arith.constant 0 : i32
      %dma_wait3A_86 = tpu.memref_slice %arg10[%arg0, %add3A_74, %dma_wait3A_85] : memref<2x10240x64xf32, #tpu.memory_space<hbm>> -> memref<1x128x64xf32, #tpu.memory_space<hbm>>
      %dma_wait3A_87 = tpu.memref_squeeze %dma_wait3A_86 : memref<1x128x64xf32, #tpu.memory_space<hbm>> -> memref<128x64xf32, #tpu.memory_space<hbm>>
      tpu.wait_dma2 semaphore(%run_scoped3A : memref<!tpu.dma_semaphore, #tpu.memory_space<semaphore_mem>>) src(%arg16 : memref<128x64xf32, #tpu.memory_space<vmem>>) dst(%dma_wait3A_87 : memref<128x64xf32, #tpu.memory_space<hbm>>)
      tpu.yield
    }) : () -> ()
    %add3A_75 = arith.constant 512 : i32
    %add3A_76 = arith.addi %mul3A_0, %add3A_75 : i32
    "tpu.region"() ({
      %run_scoped3A = tpu.sem_alloc : memref<!tpu.dma_semaphore, #tpu.memory_space<semaphore_mem>>
      %dma_start3A_77 = arith.constant 0 : i32
      %dma_start3A_78 = tpu.memref_slice %arg19[%add3A_76, %dma_start3A_77] : memref<10240x64xf32, #tpu.memory_space<vmem_shared>> -> memref<128x64xf32, #tpu.memory_space<vmem_shared>>
      %dma_start3A_79 = arith.constant 0 : i32
      %dma_start3A_80 = tpu.memref_slice %arg19[%add3A_76, %dma_start3A_79] : memref<10240x64xf32, #tpu.memory_space<vmem_shared>> -> memref<128x64xf32, #tpu.memory_space<vmem_shared>>
      tpu.enqueue_dma source(%dma_start3A_80 : memref<128x64xf32, #tpu.memory_space<vmem_shared>>) target(%arg16 : memref<128x64xf32, #tpu.memory_space<vmem>>) target_semaphore(%run_scoped3A : memref<!tpu.dma_semaphore, #tpu.memory_space<semaphore_mem>>)
      %dma_wait3A = arith.constant 0 : i32
      %dma_wait3A_81 = tpu.memref_slice %arg19[%add3A_76, %dma_wait3A] : memref<10240x64xf32, #tpu.memory_space<vmem_shared>> -> memref<128x64xf32, #tpu.memory_space<vmem_shared>>
      %dma_wait3A_82 = arith.constant 0 : i32
      %dma_wait3A_83 = tpu.memref_slice %arg19[%add3A_76, %dma_wait3A_82] : memref<10240x64xf32, #tpu.memory_space<vmem_shared>> -> memref<128x64xf32, #tpu.memory_space<vmem_shared>>
      tpu.wait_dma2 semaphore(%run_scoped3A : memref<!tpu.dma_semaphore, #tpu.memory_space<semaphore_mem>>) src(%dma_wait3A_83 : memref<128x64xf32, #tpu.memory_space<vmem_shared>>) dst(%arg16 : memref<128x64xf32, #tpu.memory_space<vmem>>)
      tpu.yield
    }) : () -> ()
    "tpu.region"() ({
      %run_scoped3A = tpu.sem_alloc : memref<!tpu.dma_semaphore, #tpu.memory_space<semaphore_mem>>
      %dma_start3A_77 = arith.constant 0 : i32
      %dma_start3A_78 = tpu.memref_slice %arg10[%arg0, %add3A_76, %dma_start3A_77] : memref<2x10240x64xf32, #tpu.memory_space<hbm>> -> memref<1x128x64xf32, #tpu.memory_space<hbm>>
      %dma_start3A_79 = tpu.memref_squeeze %dma_start3A_78 : memref<1x128x64xf32, #tpu.memory_space<hbm>> -> memref<128x64xf32, #tpu.memory_space<hbm>>
      %dma_start3A_80 = arith.constant 0 : i32
      %dma_start3A_81 = tpu.memref_slice %arg10[%arg0, %add3A_76, %dma_start3A_80] : memref<2x10240x64xf32, #tpu.memory_space<hbm>> -> memref<1x128x64xf32, #tpu.memory_space<hbm>>
      %dma_start3A_82 = tpu.memref_squeeze %dma_start3A_81 : memref<1x128x64xf32, #tpu.memory_space<hbm>> -> memref<128x64xf32, #tpu.memory_space<hbm>>
      tpu.enqueue_dma source(%arg16 : memref<128x64xf32, #tpu.memory_space<vmem>>) target(%dma_start3A_82 : memref<128x64xf32, #tpu.memory_space<hbm>>) target_semaphore(%run_scoped3A : memref<!tpu.dma_semaphore, #tpu.memory_space<semaphore_mem>>)
      %dma_wait3A = arith.constant 0 : i32
      %dma_wait3A_83 = tpu.memref_slice %arg10[%arg0, %add3A_76, %dma_wait3A] : memref<2x10240x64xf32, #tpu.memory_space<hbm>> -> memref<1x128x64xf32, #tpu.memory_space<hbm>>
      %dma_wait3A_84 = tpu.memref_squeeze %dma_wait3A_83 : memref<1x128x64xf32, #tpu.memory_space<hbm>> -> memref<128x64xf32, #tpu.memory_space<hbm>>
      %dma_wait3A_85 = arith.constant 0 : i32
      %dma_wait3A_86 = tpu.memref_slice %arg10[%arg0, %add3A_76, %dma_wait3A_85] : memref<2x10240x64xf32, #tpu.memory_space<hbm>> -> memref<1x128x64xf32, #tpu.memory_space<hbm>>
      %dma_wait3A_87 = tpu.memref_squeeze %dma_wait3A_86 : memref<1x128x64xf32, #tpu.memory_space<hbm>> -> memref<128x64xf32, #tpu.memory_space<hbm>>
      tpu.wait_dma2 semaphore(%run_scoped3A : memref<!tpu.dma_semaphore, #tpu.memory_space<semaphore_mem>>) src(%arg16 : memref<128x64xf32, #tpu.memory_space<vmem>>) dst(%dma_wait3A_87 : memref<128x64xf32, #tpu.memory_space<hbm>>)
      tpu.yield
    }) : () -> ()
    return
  }
}

#map = affine_map<(d0, d1) -> (0, 0)>
#map1 = affine_map<(d0, d1) -> (0, 0, 0, 0)>
#map2 = affine_map<(d0, d1) -> (0, 0, 0)>
module attributes {stable_mosaic.version = 14 : i64} {
  func.func @sc_kernel(%arg0: i32, %arg1: i32, %arg2: memref<10000x64xf32, #tpu.memory_space<hbm>>, %arg3: memref<2x16x80x125xi32, #tpu.memory_space<hbm>>, %arg4: memref<2x16x80x125xi32, #tpu.memory_space<hbm>>, %arg5: memref<128x64xf32, #tpu.memory_space<hbm>>, %arg6: memref<2x10240x64xf32, #tpu.memory_space<hbm>>, %arg7: memref<80x125xi32, #tpu.memory_space<vmem>>, %arg8: memref<80x125xi32, #tpu.memory_space<vmem>>, %arg9: memref<125x64xf32, #tpu.memory_space<vmem>>, %arg10: memref<125x64xf32, #tpu.memory_space<vmem>>, %arg11: memref<128x64xf32, #tpu.memory_space<vmem>>, %arg12: memref<!tpu.dma_semaphore, #tpu.memory_space<semaphore_mem>>, %arg13: memref<!tpu.dma_semaphore, #tpu.memory_space<semaphore_mem>>, %arg14: memref<10240x64xf32, #tpu.memory_space<vmem_shared>>) attributes {dimension_semantics = [#tpu.dimension_semantics<core_parallel>, #tpu.dimension_semantics<subcore_parallel>], iteration_bounds = array<i64: 2, 16>, scalar_prefetch = 0 : i64, scratch_operands = 8 : i64, tpu.core_type = #tpu.core_type<sc_vector_subcore>, window_params = [{transform_indices = #map}, {transform_indices = #map1}, {transform_indices = #map1}, {transform_indices = #map}, {transform_indices = #map2}]} {
    %mul3A = arith.constant 640 : i32
    %mul3A_0 = arith.muli %arg1, %mul3A : i32
    "tpu.region"() ({
      %run_scoped3A = tpu.sem_alloc : memref<!tpu.dma_semaphore, #tpu.memory_space<semaphore_mem>>
      tpu.enqueue_dma source(%arg5 : memref<128x64xf32, #tpu.memory_space<hbm>>) target(%arg11 : memref<128x64xf32, #tpu.memory_space<vmem>>) target_semaphore(%run_scoped3A : memref<!tpu.dma_semaphore, #tpu.memory_space<semaphore_mem>>)
      tpu.wait_dma2 semaphore(%run_scoped3A : memref<!tpu.dma_semaphore, #tpu.memory_space<semaphore_mem>>) src(%arg5 : memref<128x64xf32, #tpu.memory_space<hbm>>) dst(%arg11 : memref<128x64xf32, #tpu.memory_space<vmem>>)
      tpu.yield
    }) : () -> ()
    "tpu.region"() ({
      %run_scoped3A = tpu.sem_alloc : memref<!tpu.dma_semaphore, #tpu.memory_space<semaphore_mem>>
      %dma_start3A_32 = arith.constant 0 : i32
      %dma_start3A_33 = arith.constant 0 : i32
      %dma_start3A_34 = tpu.memref_slice %arg3[%arg0, %arg1, %dma_start3A_32, %dma_start3A_33] : memref<2x16x80x125xi32, #tpu.memory_space<hbm>> -> memref<1x1x80x125xi32, #tpu.memory_space<hbm>>
      %dma_start3A_35 = tpu.memref_squeeze %dma_start3A_34 : memref<1x1x80x125xi32, #tpu.memory_space<hbm>> -> memref<80x125xi32, #tpu.memory_space<hbm>>
      %dma_start3A_36 = arith.constant 0 : i32
      %dma_start3A_37 = arith.constant 0 : i32
      %dma_start3A_38 = tpu.memref_slice %arg3[%arg0, %arg1, %dma_start3A_36, %dma_start3A_37] : memref<2x16x80x125xi32, #tpu.memory_space<hbm>> -> memref<1x1x80x125xi32, #tpu.memory_space<hbm>>
      %dma_start3A_39 = tpu.memref_squeeze %dma_start3A_38 : memref<1x1x80x125xi32, #tpu.memory_space<hbm>> -> memref<80x125xi32, #tpu.memory_space<hbm>>
      tpu.enqueue_dma source(%dma_start3A_39 : memref<80x125xi32, #tpu.memory_space<hbm>>) target(%arg7 : memref<80x125xi32, #tpu.memory_space<vmem>>) target_semaphore(%run_scoped3A : memref<!tpu.dma_semaphore, #tpu.memory_space<semaphore_mem>>)
      %dma_wait3A = arith.constant 0 : i32
      %dma_wait3A_40 = arith.constant 0 : i32
      %dma_wait3A_41 = tpu.memref_slice %arg3[%arg0, %arg1, %dma_wait3A, %dma_wait3A_40] : memref<2x16x80x125xi32, #tpu.memory_space<hbm>> -> memref<1x1x80x125xi32, #tpu.memory_space<hbm>>
      %dma_wait3A_42 = tpu.memref_squeeze %dma_wait3A_41 : memref<1x1x80x125xi32, #tpu.memory_space<hbm>> -> memref<80x125xi32, #tpu.memory_space<hbm>>
      %dma_wait3A_43 = arith.constant 0 : i32
      %dma_wait3A_44 = arith.constant 0 : i32
      %dma_wait3A_45 = tpu.memref_slice %arg3[%arg0, %arg1, %dma_wait3A_43, %dma_wait3A_44] : memref<2x16x80x125xi32, #tpu.memory_space<hbm>> -> memref<1x1x80x125xi32, #tpu.memory_space<hbm>>
      %dma_wait3A_46 = tpu.memref_squeeze %dma_wait3A_45 : memref<1x1x80x125xi32, #tpu.memory_space<hbm>> -> memref<80x125xi32, #tpu.memory_space<hbm>>
      tpu.wait_dma2 semaphore(%run_scoped3A : memref<!tpu.dma_semaphore, #tpu.memory_space<semaphore_mem>>) src(%dma_wait3A_46 : memref<80x125xi32, #tpu.memory_space<hbm>>) dst(%arg7 : memref<80x125xi32, #tpu.memory_space<vmem>>)
      tpu.yield
    }) : () -> ()
    "tpu.region"() ({
      %run_scoped3A = tpu.sem_alloc : memref<!tpu.dma_semaphore, #tpu.memory_space<semaphore_mem>>
      %dma_start3A_32 = arith.constant 0 : i32
      %dma_start3A_33 = arith.constant 0 : i32
      %dma_start3A_34 = tpu.memref_slice %arg4[%arg0, %arg1, %dma_start3A_32, %dma_start3A_33] : memref<2x16x80x125xi32, #tpu.memory_space<hbm>> -> memref<1x1x80x125xi32, #tpu.memory_space<hbm>>
      %dma_start3A_35 = tpu.memref_squeeze %dma_start3A_34 : memref<1x1x80x125xi32, #tpu.memory_space<hbm>> -> memref<80x125xi32, #tpu.memory_space<hbm>>
      %dma_start3A_36 = arith.constant 0 : i32
      %dma_start3A_37 = arith.constant 0 : i32
      %dma_start3A_38 = tpu.memref_slice %arg4[%arg0, %arg1, %dma_start3A_36, %dma_start3A_37] : memref<2x16x80x125xi32, #tpu.memory_space<hbm>> -> memref<1x1x80x125xi32, #tpu.memory_space<hbm>>
      %dma_start3A_39 = tpu.memref_squeeze %dma_start3A_38 : memref<1x1x80x125xi32, #tpu.memory_space<hbm>> -> memref<80x125xi32, #tpu.memory_space<hbm>>
      tpu.enqueue_dma source(%dma_start3A_39 : memref<80x125xi32, #tpu.memory_space<hbm>>) target(%arg8 : memref<80x125xi32, #tpu.memory_space<vmem>>) target_semaphore(%run_scoped3A : memref<!tpu.dma_semaphore, #tpu.memory_space<semaphore_mem>>)
      %dma_wait3A = arith.constant 0 : i32
      %dma_wait3A_40 = arith.constant 0 : i32
      %dma_wait3A_41 = tpu.memref_slice %arg4[%arg0, %arg1, %dma_wait3A, %dma_wait3A_40] : memref<2x16x80x125xi32, #tpu.memory_space<hbm>> -> memref<1x1x80x125xi32, #tpu.memory_space<hbm>>
      %dma_wait3A_42 = tpu.memref_squeeze %dma_wait3A_41 : memref<1x1x80x125xi32, #tpu.memory_space<hbm>> -> memref<80x125xi32, #tpu.memory_space<hbm>>
      %dma_wait3A_43 = arith.constant 0 : i32
      %dma_wait3A_44 = arith.constant 0 : i32
      %dma_wait3A_45 = tpu.memref_slice %arg4[%arg0, %arg1, %dma_wait3A_43, %dma_wait3A_44] : memref<2x16x80x125xi32, #tpu.memory_space<hbm>> -> memref<1x1x80x125xi32, #tpu.memory_space<hbm>>
      %dma_wait3A_46 = tpu.memref_squeeze %dma_wait3A_45 : memref<1x1x80x125xi32, #tpu.memory_space<hbm>> -> memref<80x125xi32, #tpu.memory_space<hbm>>
      tpu.wait_dma2 semaphore(%run_scoped3A : memref<!tpu.dma_semaphore, #tpu.memory_space<semaphore_mem>>) src(%dma_wait3A_46 : memref<80x125xi32, #tpu.memory_space<hbm>>) dst(%arg8 : memref<80x125xi32, #tpu.memory_space<vmem>>)
      tpu.yield
    }) : () -> ()
    %add3A = arith.constant 0 : i32
    %add3A_1 = arith.addi %mul3A_0, %add3A : i32
    "tpu.region"() ({
      %run_scoped3A = tpu.sem_alloc : memref<!tpu.dma_semaphore, #tpu.memory_space<semaphore_mem>>
      %dma_start3A_32 = arith.constant 0 : i32
      %dma_start3A_33 = tpu.memref_slice %arg14[%add3A_1, %dma_start3A_32] : memref<10240x64xf32, #tpu.memory_space<vmem_shared>> -> memref<128x64xf32, #tpu.memory_space<vmem_shared>>
      %dma_start3A_34 = arith.constant 0 : i32
      %dma_start3A_35 = tpu.memref_slice %arg14[%add3A_1, %dma_start3A_34] : memref<10240x64xf32, #tpu.memory_space<vmem_shared>> -> memref<128x64xf32, #tpu.memory_space<vmem_shared>>
      tpu.enqueue_dma source(%arg11 : memref<128x64xf32, #tpu.memory_space<vmem>>) target(%dma_start3A_35 : memref<128x64xf32, #tpu.memory_space<vmem_shared>>) target_semaphore(%run_scoped3A : memref<!tpu.dma_semaphore, #tpu.memory_space<semaphore_mem>>)
      %dma_wait3A = arith.constant 0 : i32
      %dma_wait3A_36 = tpu.memref_slice %arg14[%add3A_1, %dma_wait3A] : memref<10240x64xf32, #tpu.memory_space<vmem_shared>> -> memref<128x64xf32, #tpu.memory_space<vmem_shared>>
      %dma_wait3A_37 = arith.constant 0 : i32
      %dma_wait3A_38 = tpu.memref_slice %arg14[%add3A_1, %dma_wait3A_37] : memref<10240x64xf32, #tpu.memory_space<vmem_shared>> -> memref<128x64xf32, #tpu.memory_space<vmem_shared>>
      tpu.wait_dma2 semaphore(%run_scoped3A : memref<!tpu.dma_semaphore, #tpu.memory_space<semaphore_mem>>) src(%arg11 : memref<128x64xf32, #tpu.memory_space<vmem>>) dst(%dma_wait3A_38 : memref<128x64xf32, #tpu.memory_space<vmem_shared>>)
      tpu.yield
    }) : () -> ()
    %add3A_2 = arith.constant 128 : i32
    %add3A_3 = arith.addi %mul3A_0, %add3A_2 : i32
    "tpu.region"() ({
      %run_scoped3A = tpu.sem_alloc : memref<!tpu.dma_semaphore, #tpu.memory_space<semaphore_mem>>
      %dma_start3A_32 = arith.constant 0 : i32
      %dma_start3A_33 = tpu.memref_slice %arg14[%add3A_3, %dma_start3A_32] : memref<10240x64xf32, #tpu.memory_space<vmem_shared>> -> memref<128x64xf32, #tpu.memory_space<vmem_shared>>
      %dma_start3A_34 = arith.constant 0 : i32
      %dma_start3A_35 = tpu.memref_slice %arg14[%add3A_3, %dma_start3A_34] : memref<10240x64xf32, #tpu.memory_space<vmem_shared>> -> memref<128x64xf32, #tpu.memory_space<vmem_shared>>
      tpu.enqueue_dma source(%arg11 : memref<128x64xf32, #tpu.memory_space<vmem>>) target(%dma_start3A_35 : memref<128x64xf32, #tpu.memory_space<vmem_shared>>) target_semaphore(%run_scoped3A : memref<!tpu.dma_semaphore, #tpu.memory_space<semaphore_mem>>)
      %dma_wait3A = arith.constant 0 : i32
      %dma_wait3A_36 = tpu.memref_slice %arg14[%add3A_3, %dma_wait3A] : memref<10240x64xf32, #tpu.memory_space<vmem_shared>> -> memref<128x64xf32, #tpu.memory_space<vmem_shared>>
      %dma_wait3A_37 = arith.constant 0 : i32
      %dma_wait3A_38 = tpu.memref_slice %arg14[%add3A_3, %dma_wait3A_37] : memref<10240x64xf32, #tpu.memory_space<vmem_shared>> -> memref<128x64xf32, #tpu.memory_space<vmem_shared>>
      tpu.wait_dma2 semaphore(%run_scoped3A : memref<!tpu.dma_semaphore, #tpu.memory_space<semaphore_mem>>) src(%arg11 : memref<128x64xf32, #tpu.memory_space<vmem>>) dst(%dma_wait3A_38 : memref<128x64xf32, #tpu.memory_space<vmem_shared>>)
      tpu.yield
    }) : () -> ()
    %add3A_4 = arith.constant 256 : i32
    %add3A_5 = arith.addi %mul3A_0, %add3A_4 : i32
    "tpu.region"() ({
      %run_scoped3A = tpu.sem_alloc : memref<!tpu.dma_semaphore, #tpu.memory_space<semaphore_mem>>
      %dma_start3A_32 = arith.constant 0 : i32
      %dma_start3A_33 = tpu.memref_slice %arg14[%add3A_5, %dma_start3A_32] : memref<10240x64xf32, #tpu.memory_space<vmem_shared>> -> memref<128x64xf32, #tpu.memory_space<vmem_shared>>
      %dma_start3A_34 = arith.constant 0 : i32
      %dma_start3A_35 = tpu.memref_slice %arg14[%add3A_5, %dma_start3A_34] : memref<10240x64xf32, #tpu.memory_space<vmem_shared>> -> memref<128x64xf32, #tpu.memory_space<vmem_shared>>
      tpu.enqueue_dma source(%arg11 : memref<128x64xf32, #tpu.memory_space<vmem>>) target(%dma_start3A_35 : memref<128x64xf32, #tpu.memory_space<vmem_shared>>) target_semaphore(%run_scoped3A : memref<!tpu.dma_semaphore, #tpu.memory_space<semaphore_mem>>)
      %dma_wait3A = arith.constant 0 : i32
      %dma_wait3A_36 = tpu.memref_slice %arg14[%add3A_5, %dma_wait3A] : memref<10240x64xf32, #tpu.memory_space<vmem_shared>> -> memref<128x64xf32, #tpu.memory_space<vmem_shared>>
      %dma_wait3A_37 = arith.constant 0 : i32
      %dma_wait3A_38 = tpu.memref_slice %arg14[%add3A_5, %dma_wait3A_37] : memref<10240x64xf32, #tpu.memory_space<vmem_shared>> -> memref<128x64xf32, #tpu.memory_space<vmem_shared>>
      tpu.wait_dma2 semaphore(%run_scoped3A : memref<!tpu.dma_semaphore, #tpu.memory_space<semaphore_mem>>) src(%arg11 : memref<128x64xf32, #tpu.memory_space<vmem>>) dst(%dma_wait3A_38 : memref<128x64xf32, #tpu.memory_space<vmem_shared>>)
      tpu.yield
    }) : () -> ()
    %add3A_6 = arith.constant 384 : i32
    %add3A_7 = arith.addi %mul3A_0, %add3A_6 : i32
    "tpu.region"() ({
      %run_scoped3A = tpu.sem_alloc : memref<!tpu.dma_semaphore, #tpu.memory_space<semaphore_mem>>
      %dma_start3A_32 = arith.constant 0 : i32
      %dma_start3A_33 = tpu.memref_slice %arg14[%add3A_7, %dma_start3A_32] : memref<10240x64xf32, #tpu.memory_space<vmem_shared>> -> memref<128x64xf32, #tpu.memory_space<vmem_shared>>
      %dma_start3A_34 = arith.constant 0 : i32
      %dma_start3A_35 = tpu.memref_slice %arg14[%add3A_7, %dma_start3A_34] : memref<10240x64xf32, #tpu.memory_space<vmem_shared>> -> memref<128x64xf32, #tpu.memory_space<vmem_shared>>
      tpu.enqueue_dma source(%arg11 : memref<128x64xf32, #tpu.memory_space<vmem>>) target(%dma_start3A_35 : memref<128x64xf32, #tpu.memory_space<vmem_shared>>) target_semaphore(%run_scoped3A : memref<!tpu.dma_semaphore, #tpu.memory_space<semaphore_mem>>)
      %dma_wait3A = arith.constant 0 : i32
      %dma_wait3A_36 = tpu.memref_slice %arg14[%add3A_7, %dma_wait3A] : memref<10240x64xf32, #tpu.memory_space<vmem_shared>> -> memref<128x64xf32, #tpu.memory_space<vmem_shared>>
      %dma_wait3A_37 = arith.constant 0 : i32
      %dma_wait3A_38 = tpu.memref_slice %arg14[%add3A_7, %dma_wait3A_37] : memref<10240x64xf32, #tpu.memory_space<vmem_shared>> -> memref<128x64xf32, #tpu.memory_space<vmem_shared>>
      tpu.wait_dma2 semaphore(%run_scoped3A : memref<!tpu.dma_semaphore, #tpu.memory_space<semaphore_mem>>) src(%arg11 : memref<128x64xf32, #tpu.memory_space<vmem>>) dst(%dma_wait3A_38 : memref<128x64xf32, #tpu.memory_space<vmem_shared>>)
      tpu.yield
    }) : () -> ()
    %add3A_8 = arith.constant 512 : i32
    %add3A_9 = arith.addi %mul3A_0, %add3A_8 : i32
    "tpu.region"() ({
      %run_scoped3A = tpu.sem_alloc : memref<!tpu.dma_semaphore, #tpu.memory_space<semaphore_mem>>
      %dma_start3A_32 = arith.constant 0 : i32
      %dma_start3A_33 = tpu.memref_slice %arg14[%add3A_9, %dma_start3A_32] : memref<10240x64xf32, #tpu.memory_space<vmem_shared>> -> memref<128x64xf32, #tpu.memory_space<vmem_shared>>
      %dma_start3A_34 = arith.constant 0 : i32
      %dma_start3A_35 = tpu.memref_slice %arg14[%add3A_9, %dma_start3A_34] : memref<10240x64xf32, #tpu.memory_space<vmem_shared>> -> memref<128x64xf32, #tpu.memory_space<vmem_shared>>
      tpu.enqueue_dma source(%arg11 : memref<128x64xf32, #tpu.memory_space<vmem>>) target(%dma_start3A_35 : memref<128x64xf32, #tpu.memory_space<vmem_shared>>) target_semaphore(%run_scoped3A : memref<!tpu.dma_semaphore, #tpu.memory_space<semaphore_mem>>)
      %dma_wait3A = arith.constant 0 : i32
      %dma_wait3A_36 = tpu.memref_slice %arg14[%add3A_9, %dma_wait3A] : memref<10240x64xf32, #tpu.memory_space<vmem_shared>> -> memref<128x64xf32, #tpu.memory_space<vmem_shared>>
      %dma_wait3A_37 = arith.constant 0 : i32
      %dma_wait3A_38 = tpu.memref_slice %arg14[%add3A_9, %dma_wait3A_37] : memref<10240x64xf32, #tpu.memory_space<vmem_shared>> -> memref<128x64xf32, #tpu.memory_space<vmem_shared>>
      tpu.wait_dma2 semaphore(%run_scoped3A : memref<!tpu.dma_semaphore, #tpu.memory_space<semaphore_mem>>) src(%arg11 : memref<128x64xf32, #tpu.memory_space<vmem>>) dst(%dma_wait3A_38 : memref<128x64xf32, #tpu.memory_space<vmem_shared>>)
      tpu.yield
    }) : () -> ()
    %barrier3A = arith.constant 0 : index
    tpu.barrier barrier_id(%barrier3A)
    %dma_start3A = arith.constant 0 : i32
    %dma_start3A_10 = arith.constant 0 : i32
    %dma_start3A_11 = tpu.memref_slice %arg7[%dma_start3A, %dma_start3A_10] : memref<80x125xi32, #tpu.memory_space<vmem>> -> memref<1x125xi32, #tpu.memory_space<vmem>>
    %dma_start3A_12 = tpu.memref_squeeze %dma_start3A_11 : memref<1x125xi32, #tpu.memory_space<vmem>> -> memref<125xi32, #tpu.memory_space<vmem>>
    %dma_start3A_13 = arith.constant 0 : i32
    %dma_start3A_14 = arith.constant 0 : i32
    %dma_start3A_15 = tpu.memref_slice %arg2[%dma_start3A_13, %dma_start3A_14] : memref<10000x64xf32, #tpu.memory_space<hbm>> -> memref<10000x64xf32, #tpu.memory_space<hbm>>
    tpu.enqueue_indirect_dma source(%dma_start3A_15 : memref<10000x64xf32, #tpu.memory_space<hbm>>) target(%arg9 : memref<125x64xf32, #tpu.memory_space<vmem>>) offsets(%dma_start3A_12 : memref<125xi32, #tpu.memory_space<vmem>>) semaphore(%arg12 : memref<!tpu.dma_semaphore, #tpu.memory_space<semaphore_mem>>)
    %scan3A = arith.constant 0 : i32
    %scan3A_16 = arith.constant 0 : i32
    %scan3A_17 = arith.constant 40 : i32
    %scan3A_18 = arith.addi %scan3A_16, %scan3A_17 : i32
    %scan3A_19 = arith.constant 1 : i32
    scf.for %scan3A_32 = %scan3A_16 to %scan3A_18 step %scan3A_19  : i32 {
      %mul3A_33 = arith.constant 2 : i32
      %mul3A_34 = arith.muli %mul3A_33, %scan3A_32 : i32
      %add3A_35 = arith.constant 0 : i32
      %add3A_36 = arith.addi %mul3A_34, %add3A_35 : i32
      %add3A_37 = arith.constant 1 : i32
      %add3A_38 = arith.addi %add3A_36, %add3A_37 : i32
      %lt3A = arith.constant 80 : i32
      %lt3A_39 = arith.cmpi slt, %add3A_38, %lt3A : i32
      %convert_element_type3A = arith.extui %lt3A_39 : i1 to i32
      %cond3A = arith.constant 0 : i32
      %cond3A_40 = arith.cmpi ne, %convert_element_type3A, %cond3A : i32
      scf.if %cond3A_40 {
        %add3A_63 = arith.constant 1 : i32
        %add3A_64 = arith.addi %add3A_36, %add3A_63 : i32
        %dma_start3A_65 = arith.constant 0 : i32
        %dma_start3A_66 = tpu.memref_slice %arg7[%add3A_64, %dma_start3A_65] : memref<80x125xi32, #tpu.memory_space<vmem>> -> memref<1x125xi32, #tpu.memory_space<vmem>>
        %dma_start3A_67 = tpu.memref_squeeze %dma_start3A_66 : memref<1x125xi32, #tpu.memory_space<vmem>> -> memref<125xi32, #tpu.memory_space<vmem>>
        %dma_start3A_68 = arith.constant 0 : i32
        %dma_start3A_69 = arith.constant 0 : i32
        %dma_start3A_70 = tpu.memref_slice %arg2[%dma_start3A_68, %dma_start3A_69] : memref<10000x64xf32, #tpu.memory_space<hbm>> -> memref<10000x64xf32, #tpu.memory_space<hbm>>
        tpu.enqueue_indirect_dma source(%dma_start3A_70 : memref<10000x64xf32, #tpu.memory_space<hbm>>) target(%arg10 : memref<125x64xf32, #tpu.memory_space<vmem>>) offsets(%dma_start3A_67 : memref<125xi32, #tpu.memory_space<vmem>>) semaphore(%arg13 : memref<!tpu.dma_semaphore, #tpu.memory_space<semaphore_mem>>)
      } else {
      }
      %dma_wait3A = arith.constant 0 : i32
      %dma_wait3A_41 = tpu.memref_slice %arg7[%add3A_36, %dma_wait3A] : memref<80x125xi32, #tpu.memory_space<vmem>> -> memref<1x125xi32, #tpu.memory_space<vmem>>
      %dma_wait3A_42 = tpu.memref_squeeze %dma_wait3A_41 : memref<1x125xi32, #tpu.memory_space<vmem>> -> memref<125xi32, #tpu.memory_space<vmem>>
      %dma_wait3A_43 = arith.constant 0 : i32
      %dma_wait3A_44 = arith.constant 0 : i32
      %dma_wait3A_45 = tpu.memref_slice %arg2[%dma_wait3A_43, %dma_wait3A_44] : memref<10000x64xf32, #tpu.memory_space<hbm>> -> memref<10000x64xf32, #tpu.memory_space<hbm>>
      tpu.wait_indirect_dma semaphore(%arg12 : memref<!tpu.dma_semaphore, #tpu.memory_space<semaphore_mem>>) src(%dma_wait3A_45 : memref<10000x64xf32, #tpu.memory_space<hbm>>) dst(%arg9 : memref<125x64xf32, #tpu.memory_space<vmem>>)
      "tpu.region"() ({
        %run_scoped3A = tpu.sem_alloc : memref<!tpu.dma_semaphore, #tpu.memory_space<semaphore_mem>>
        %dma_start3A_63 = arith.constant 0 : i32
        %dma_start3A_64 = tpu.memref_slice %arg8[%add3A_36, %dma_start3A_63] : memref<80x125xi32, #tpu.memory_space<vmem>> -> memref<1x125xi32, #tpu.memory_space<vmem>>
        %dma_start3A_65 = tpu.memref_squeeze %dma_start3A_64 : memref<1x125xi32, #tpu.memory_space<vmem>> -> memref<125xi32, #tpu.memory_space<vmem>>
        %dma_start3A_66 = arith.constant 0 : i32
        %dma_start3A_67 = arith.constant 0 : i32
        %dma_start3A_68 = tpu.memref_slice %arg14[%dma_start3A_66, %dma_start3A_67] : memref<10240x64xf32, #tpu.memory_space<vmem_shared>> -> memref<10240x64xf32, #tpu.memory_space<vmem_shared>>
        tpu.enqueue_indirect_dma source(%arg9 : memref<125x64xf32, #tpu.memory_space<vmem>>) target(%dma_start3A_68 : memref<10240x64xf32, #tpu.memory_space<vmem_shared>>) offsets(%dma_start3A_65 : memref<125xi32, #tpu.memory_space<vmem>>) semaphore(%run_scoped3A : memref<!tpu.dma_semaphore, #tpu.memory_space<semaphore_mem>>) {add = true}
        %dma_wait3A_69 = arith.constant 0 : i32
        %dma_wait3A_70 = tpu.memref_slice %arg8[%add3A_36, %dma_wait3A_69] : memref<80x125xi32, #tpu.memory_space<vmem>> -> memref<1x125xi32, #tpu.memory_space<vmem>>
        %dma_wait3A_71 = tpu.memref_squeeze %dma_wait3A_70 : memref<1x125xi32, #tpu.memory_space<vmem>> -> memref<125xi32, #tpu.memory_space<vmem>>
        %dma_wait3A_72 = arith.constant 0 : i32
        %dma_wait3A_73 = arith.constant 0 : i32
        %dma_wait3A_74 = tpu.memref_slice %arg14[%dma_wait3A_72, %dma_wait3A_73] : memref<10240x64xf32, #tpu.memory_space<vmem_shared>> -> memref<10240x64xf32, #tpu.memory_space<vmem_shared>>
        tpu.wait_indirect_dma semaphore(%run_scoped3A : memref<!tpu.dma_semaphore, #tpu.memory_space<semaphore_mem>>) src(%arg9 : memref<125x64xf32, #tpu.memory_space<vmem>>) dst(%dma_wait3A_74 : memref<10240x64xf32, #tpu.memory_space<vmem_shared>>)
        tpu.yield
      }) : () -> ()
      %mul3A_46 = arith.constant 2 : i32
      %mul3A_47 = arith.muli %mul3A_46, %scan3A_32 : i32
      %add3A_48 = arith.constant 1 : i32
      %add3A_49 = arith.addi %mul3A_47, %add3A_48 : i32
      %add3A_50 = arith.constant 1 : i32
      %add3A_51 = arith.addi %add3A_49, %add3A_50 : i32
      %lt3A_52 = arith.constant 80 : i32
      %lt3A_53 = arith.cmpi slt, %add3A_51, %lt3A_52 : i32
      %convert_element_type3A_54 = arith.extui %lt3A_53 : i1 to i32
      %cond3A_55 = arith.constant 0 : i32
      %cond3A_56 = arith.cmpi ne, %convert_element_type3A_54, %cond3A_55 : i32
      scf.if %cond3A_56 {
        %add3A_63 = arith.constant 1 : i32
        %add3A_64 = arith.addi %add3A_49, %add3A_63 : i32
        %dma_start3A_65 = arith.constant 0 : i32
        %dma_start3A_66 = tpu.memref_slice %arg7[%add3A_64, %dma_start3A_65] : memref<80x125xi32, #tpu.memory_space<vmem>> -> memref<1x125xi32, #tpu.memory_space<vmem>>
        %dma_start3A_67 = tpu.memref_squeeze %dma_start3A_66 : memref<1x125xi32, #tpu.memory_space<vmem>> -> memref<125xi32, #tpu.memory_space<vmem>>
        %dma_start3A_68 = arith.constant 0 : i32
        %dma_start3A_69 = arith.constant 0 : i32
        %dma_start3A_70 = tpu.memref_slice %arg2[%dma_start3A_68, %dma_start3A_69] : memref<10000x64xf32, #tpu.memory_space<hbm>> -> memref<10000x64xf32, #tpu.memory_space<hbm>>
        tpu.enqueue_indirect_dma source(%dma_start3A_70 : memref<10000x64xf32, #tpu.memory_space<hbm>>) target(%arg9 : memref<125x64xf32, #tpu.memory_space<vmem>>) offsets(%dma_start3A_67 : memref<125xi32, #tpu.memory_space<vmem>>) semaphore(%arg12 : memref<!tpu.dma_semaphore, #tpu.memory_space<semaphore_mem>>)
      } else {
      }
      %dma_wait3A_57 = arith.constant 0 : i32
      %dma_wait3A_58 = tpu.memref_slice %arg7[%add3A_49, %dma_wait3A_57] : memref<80x125xi32, #tpu.memory_space<vmem>> -> memref<1x125xi32, #tpu.memory_space<vmem>>
      %dma_wait3A_59 = tpu.memref_squeeze %dma_wait3A_58 : memref<1x125xi32, #tpu.memory_space<vmem>> -> memref<125xi32, #tpu.memory_space<vmem>>
      %dma_wait3A_60 = arith.constant 0 : i32
      %dma_wait3A_61 = arith.constant 0 : i32
      %dma_wait3A_62 = tpu.memref_slice %arg2[%dma_wait3A_60, %dma_wait3A_61] : memref<10000x64xf32, #tpu.memory_space<hbm>> -> memref<10000x64xf32, #tpu.memory_space<hbm>>
      tpu.wait_indirect_dma semaphore(%arg13 : memref<!tpu.dma_semaphore, #tpu.memory_space<semaphore_mem>>) src(%dma_wait3A_62 : memref<10000x64xf32, #tpu.memory_space<hbm>>) dst(%arg10 : memref<125x64xf32, #tpu.memory_space<vmem>>)
      "tpu.region"() ({
        %run_scoped3A = tpu.sem_alloc : memref<!tpu.dma_semaphore, #tpu.memory_space<semaphore_mem>>
        %dma_start3A_63 = arith.constant 0 : i32
        %dma_start3A_64 = tpu.memref_slice %arg8[%add3A_49, %dma_start3A_63] : memref<80x125xi32, #tpu.memory_space<vmem>> -> memref<1x125xi32, #tpu.memory_space<vmem>>
        %dma_start3A_65 = tpu.memref_squeeze %dma_start3A_64 : memref<1x125xi32, #tpu.memory_space<vmem>> -> memref<125xi32, #tpu.memory_space<vmem>>
        %dma_start3A_66 = arith.constant 0 : i32
        %dma_start3A_67 = arith.constant 0 : i32
        %dma_start3A_68 = tpu.memref_slice %arg14[%dma_start3A_66, %dma_start3A_67] : memref<10240x64xf32, #tpu.memory_space<vmem_shared>> -> memref<10240x64xf32, #tpu.memory_space<vmem_shared>>
        tpu.enqueue_indirect_dma source(%arg10 : memref<125x64xf32, #tpu.memory_space<vmem>>) target(%dma_start3A_68 : memref<10240x64xf32, #tpu.memory_space<vmem_shared>>) offsets(%dma_start3A_65 : memref<125xi32, #tpu.memory_space<vmem>>) semaphore(%run_scoped3A : memref<!tpu.dma_semaphore, #tpu.memory_space<semaphore_mem>>) {add = true}
        %dma_wait3A_69 = arith.constant 0 : i32
        %dma_wait3A_70 = tpu.memref_slice %arg8[%add3A_49, %dma_wait3A_69] : memref<80x125xi32, #tpu.memory_space<vmem>> -> memref<1x125xi32, #tpu.memory_space<vmem>>
        %dma_wait3A_71 = tpu.memref_squeeze %dma_wait3A_70 : memref<1x125xi32, #tpu.memory_space<vmem>> -> memref<125xi32, #tpu.memory_space<vmem>>
        %dma_wait3A_72 = arith.constant 0 : i32
        %dma_wait3A_73 = arith.constant 0 : i32
        %dma_wait3A_74 = tpu.memref_slice %arg14[%dma_wait3A_72, %dma_wait3A_73] : memref<10240x64xf32, #tpu.memory_space<vmem_shared>> -> memref<10240x64xf32, #tpu.memory_space<vmem_shared>>
        tpu.wait_indirect_dma semaphore(%run_scoped3A : memref<!tpu.dma_semaphore, #tpu.memory_space<semaphore_mem>>) src(%arg10 : memref<125x64xf32, #tpu.memory_space<vmem>>) dst(%dma_wait3A_74 : memref<10240x64xf32, #tpu.memory_space<vmem_shared>>)
        tpu.yield
      }) : () -> ()
    }
    %scan3A_20 = arith.constant 40 : i32
    %barrier3A_21 = arith.constant 0 : index
    tpu.barrier barrier_id(%barrier3A_21)
    %add3A_22 = arith.constant 0 : i32
    %add3A_23 = arith.addi %mul3A_0, %add3A_22 : i32
    "tpu.region"() ({
      %run_scoped3A = tpu.sem_alloc : memref<!tpu.dma_semaphore, #tpu.memory_space<semaphore_mem>>
      %dma_start3A_32 = arith.constant 0 : i32
      %dma_start3A_33 = tpu.memref_slice %arg14[%add3A_23, %dma_start3A_32] : memref<10240x64xf32, #tpu.memory_space<vmem_shared>> -> memref<128x64xf32, #tpu.memory_space<vmem_shared>>
      %dma_start3A_34 = arith.constant 0 : i32
      %dma_start3A_35 = tpu.memref_slice %arg14[%add3A_23, %dma_start3A_34] : memref<10240x64xf32, #tpu.memory_space<vmem_shared>> -> memref<128x64xf32, #tpu.memory_space<vmem_shared>>
      tpu.enqueue_dma source(%dma_start3A_35 : memref<128x64xf32, #tpu.memory_space<vmem_shared>>) target(%arg11 : memref<128x64xf32, #tpu.memory_space<vmem>>) target_semaphore(%run_scoped3A : memref<!tpu.dma_semaphore, #tpu.memory_space<semaphore_mem>>)
      %dma_wait3A = arith.constant 0 : i32
      %dma_wait3A_36 = tpu.memref_slice %arg14[%add3A_23, %dma_wait3A] : memref<10240x64xf32, #tpu.memory_space<vmem_shared>> -> memref<128x64xf32, #tpu.memory_space<vmem_shared>>
      %dma_wait3A_37 = arith.constant 0 : i32
      %dma_wait3A_38 = tpu.memref_slice %arg14[%add3A_23, %dma_wait3A_37] : memref<10240x64xf32, #tpu.memory_space<vmem_shared>> -> memref<128x64xf32, #tpu.memory_space<vmem_shared>>
      tpu.wait_dma2 semaphore(%run_scoped3A : memref<!tpu.dma_semaphore, #tpu.memory_space<semaphore_mem>>) src(%dma_wait3A_38 : memref<128x64xf32, #tpu.memory_space<vmem_shared>>) dst(%arg11 : memref<128x64xf32, #tpu.memory_space<vmem>>)
      tpu.yield
    }) : () -> ()
    "tpu.region"() ({
      %run_scoped3A = tpu.sem_alloc : memref<!tpu.dma_semaphore, #tpu.memory_space<semaphore_mem>>
      %dma_start3A_32 = arith.constant 0 : i32
      %dma_start3A_33 = tpu.memref_slice %arg6[%arg0, %add3A_23, %dma_start3A_32] : memref<2x10240x64xf32, #tpu.memory_space<hbm>> -> memref<1x128x64xf32, #tpu.memory_space<hbm>>
      %dma_start3A_34 = tpu.memref_squeeze %dma_start3A_33 : memref<1x128x64xf32, #tpu.memory_space<hbm>> -> memref<128x64xf32, #tpu.memory_space<hbm>>
      %dma_start3A_35 = arith.constant 0 : i32
      %dma_start3A_36 = tpu.memref_slice %arg6[%arg0, %add3A_23, %dma_start3A_35] : memref<2x10240x64xf32, #tpu.memory_space<hbm>> -> memref<1x128x64xf32, #tpu.memory_space<hbm>>
      %dma_start3A_37 = tpu.memref_squeeze %dma_start3A_36 : memref<1x128x64xf32, #tpu.memory_space<hbm>> -> memref<128x64xf32, #tpu.memory_space<hbm>>
      tpu.enqueue_dma source(%arg11 : memref<128x64xf32, #tpu.memory_space<vmem>>) target(%dma_start3A_37 : memref<128x64xf32, #tpu.memory_space<hbm>>) target_semaphore(%run_scoped3A : memref<!tpu.dma_semaphore, #tpu.memory_space<semaphore_mem>>)
      %dma_wait3A = arith.constant 0 : i32
      %dma_wait3A_38 = tpu.memref_slice %arg6[%arg0, %add3A_23, %dma_wait3A] : memref<2x10240x64xf32, #tpu.memory_space<hbm>> -> memref<1x128x64xf32, #tpu.memory_space<hbm>>
      %dma_wait3A_39 = tpu.memref_squeeze %dma_wait3A_38 : memref<1x128x64xf32, #tpu.memory_space<hbm>> -> memref<128x64xf32, #tpu.memory_space<hbm>>
      %dma_wait3A_40 = arith.constant 0 : i32
      %dma_wait3A_41 = tpu.memref_slice %arg6[%arg0, %add3A_23, %dma_wait3A_40] : memref<2x10240x64xf32, #tpu.memory_space<hbm>> -> memref<1x128x64xf32, #tpu.memory_space<hbm>>
      %dma_wait3A_42 = tpu.memref_squeeze %dma_wait3A_41 : memref<1x128x64xf32, #tpu.memory_space<hbm>> -> memref<128x64xf32, #tpu.memory_space<hbm>>
      tpu.wait_dma2 semaphore(%run_scoped3A : memref<!tpu.dma_semaphore, #tpu.memory_space<semaphore_mem>>) src(%arg11 : memref<128x64xf32, #tpu.memory_space<vmem>>) dst(%dma_wait3A_42 : memref<128x64xf32, #tpu.memory_space<hbm>>)
      tpu.yield
    }) : () -> ()
    %add3A_24 = arith.constant 128 : i32
    %add3A_25 = arith.addi %mul3A_0, %add3A_24 : i32
    "tpu.region"() ({
      %run_scoped3A = tpu.sem_alloc : memref<!tpu.dma_semaphore, #tpu.memory_space<semaphore_mem>>
      %dma_start3A_32 = arith.constant 0 : i32
      %dma_start3A_33 = tpu.memref_slice %arg14[%add3A_25, %dma_start3A_32] : memref<10240x64xf32, #tpu.memory_space<vmem_shared>> -> memref<128x64xf32, #tpu.memory_space<vmem_shared>>
      %dma_start3A_34 = arith.constant 0 : i32
      %dma_start3A_35 = tpu.memref_slice %arg14[%add3A_25, %dma_start3A_34] : memref<10240x64xf32, #tpu.memory_space<vmem_shared>> -> memref<128x64xf32, #tpu.memory_space<vmem_shared>>
      tpu.enqueue_dma source(%dma_start3A_35 : memref<128x64xf32, #tpu.memory_space<vmem_shared>>) target(%arg11 : memref<128x64xf32, #tpu.memory_space<vmem>>) target_semaphore(%run_scoped3A : memref<!tpu.dma_semaphore, #tpu.memory_space<semaphore_mem>>)
      %dma_wait3A = arith.constant 0 : i32
      %dma_wait3A_36 = tpu.memref_slice %arg14[%add3A_25, %dma_wait3A] : memref<10240x64xf32, #tpu.memory_space<vmem_shared>> -> memref<128x64xf32, #tpu.memory_space<vmem_shared>>
      %dma_wait3A_37 = arith.constant 0 : i32
      %dma_wait3A_38 = tpu.memref_slice %arg14[%add3A_25, %dma_wait3A_37] : memref<10240x64xf32, #tpu.memory_space<vmem_shared>> -> memref<128x64xf32, #tpu.memory_space<vmem_shared>>
      tpu.wait_dma2 semaphore(%run_scoped3A : memref<!tpu.dma_semaphore, #tpu.memory_space<semaphore_mem>>) src(%dma_wait3A_38 : memref<128x64xf32, #tpu.memory_space<vmem_shared>>) dst(%arg11 : memref<128x64xf32, #tpu.memory_space<vmem>>)
      tpu.yield
    }) : () -> ()
    "tpu.region"() ({
      %run_scoped3A = tpu.sem_alloc : memref<!tpu.dma_semaphore, #tpu.memory_space<semaphore_mem>>
      %dma_start3A_32 = arith.constant 0 : i32
      %dma_start3A_33 = tpu.memref_slice %arg6[%arg0, %add3A_25, %dma_start3A_32] : memref<2x10240x64xf32, #tpu.memory_space<hbm>> -> memref<1x128x64xf32, #tpu.memory_space<hbm>>
      %dma_start3A_34 = tpu.memref_squeeze %dma_start3A_33 : memref<1x128x64xf32, #tpu.memory_space<hbm>> -> memref<128x64xf32, #tpu.memory_space<hbm>>
      %dma_start3A_35 = arith.constant 0 : i32
      %dma_start3A_36 = tpu.memref_slice %arg6[%arg0, %add3A_25, %dma_start3A_35] : memref<2x10240x64xf32, #tpu.memory_space<hbm>> -> memref<1x128x64xf32, #tpu.memory_space<hbm>>
      %dma_start3A_37 = tpu.memref_squeeze %dma_start3A_36 : memref<1x128x64xf32, #tpu.memory_space<hbm>> -> memref<128x64xf32, #tpu.memory_space<hbm>>
      tpu.enqueue_dma source(%arg11 : memref<128x64xf32, #tpu.memory_space<vmem>>) target(%dma_start3A_37 : memref<128x64xf32, #tpu.memory_space<hbm>>) target_semaphore(%run_scoped3A : memref<!tpu.dma_semaphore, #tpu.memory_space<semaphore_mem>>)
      %dma_wait3A = arith.constant 0 : i32
      %dma_wait3A_38 = tpu.memref_slice %arg6[%arg0, %add3A_25, %dma_wait3A] : memref<2x10240x64xf32, #tpu.memory_space<hbm>> -> memref<1x128x64xf32, #tpu.memory_space<hbm>>
      %dma_wait3A_39 = tpu.memref_squeeze %dma_wait3A_38 : memref<1x128x64xf32, #tpu.memory_space<hbm>> -> memref<128x64xf32, #tpu.memory_space<hbm>>
      %dma_wait3A_40 = arith.constant 0 : i32
      %dma_wait3A_41 = tpu.memref_slice %arg6[%arg0, %add3A_25, %dma_wait3A_40] : memref<2x10240x64xf32, #tpu.memory_space<hbm>> -> memref<1x128x64xf32, #tpu.memory_space<hbm>>
      %dma_wait3A_42 = tpu.memref_squeeze %dma_wait3A_41 : memref<1x128x64xf32, #tpu.memory_space<hbm>> -> memref<128x64xf32, #tpu.memory_space<hbm>>
      tpu.wait_dma2 semaphore(%run_scoped3A : memref<!tpu.dma_semaphore, #tpu.memory_space<semaphore_mem>>) src(%arg11 : memref<128x64xf32, #tpu.memory_space<vmem>>) dst(%dma_wait3A_42 : memref<128x64xf32, #tpu.memory_space<hbm>>)
      tpu.yield
    }) : () -> ()
    %add3A_26 = arith.constant 256 : i32
    %add3A_27 = arith.addi %mul3A_0, %add3A_26 : i32
    "tpu.region"() ({
      %run_scoped3A = tpu.sem_alloc : memref<!tpu.dma_semaphore, #tpu.memory_space<semaphore_mem>>
      %dma_start3A_32 = arith.constant 0 : i32
      %dma_start3A_33 = tpu.memref_slice %arg14[%add3A_27, %dma_start3A_32] : memref<10240x64xf32, #tpu.memory_space<vmem_shared>> -> memref<128x64xf32, #tpu.memory_space<vmem_shared>>
      %dma_start3A_34 = arith.constant 0 : i32
      %dma_start3A_35 = tpu.memref_slice %arg14[%add3A_27, %dma_start3A_34] : memref<10240x64xf32, #tpu.memory_space<vmem_shared>> -> memref<128x64xf32, #tpu.memory_space<vmem_shared>>
      tpu.enqueue_dma source(%dma_start3A_35 : memref<128x64xf32, #tpu.memory_space<vmem_shared>>) target(%arg11 : memref<128x64xf32, #tpu.memory_space<vmem>>) target_semaphore(%run_scoped3A : memref<!tpu.dma_semaphore, #tpu.memory_space<semaphore_mem>>)
      %dma_wait3A = arith.constant 0 : i32
      %dma_wait3A_36 = tpu.memref_slice %arg14[%add3A_27, %dma_wait3A] : memref<10240x64xf32, #tpu.memory_space<vmem_shared>> -> memref<128x64xf32, #tpu.memory_space<vmem_shared>>
      %dma_wait3A_37 = arith.constant 0 : i32
      %dma_wait3A_38 = tpu.memref_slice %arg14[%add3A_27, %dma_wait3A_37] : memref<10240x64xf32, #tpu.memory_space<vmem_shared>> -> memref<128x64xf32, #tpu.memory_space<vmem_shared>>
      tpu.wait_dma2 semaphore(%run_scoped3A : memref<!tpu.dma_semaphore, #tpu.memory_space<semaphore_mem>>) src(%dma_wait3A_38 : memref<128x64xf32, #tpu.memory_space<vmem_shared>>) dst(%arg11 : memref<128x64xf32, #tpu.memory_space<vmem>>)
      tpu.yield
    }) : () -> ()
    "tpu.region"() ({
      %run_scoped3A = tpu.sem_alloc : memref<!tpu.dma_semaphore, #tpu.memory_space<semaphore_mem>>
      %dma_start3A_32 = arith.constant 0 : i32
      %dma_start3A_33 = tpu.memref_slice %arg6[%arg0, %add3A_27, %dma_start3A_32] : memref<2x10240x64xf32, #tpu.memory_space<hbm>> -> memref<1x128x64xf32, #tpu.memory_space<hbm>>
      %dma_start3A_34 = tpu.memref_squeeze %dma_start3A_33 : memref<1x128x64xf32, #tpu.memory_space<hbm>> -> memref<128x64xf32, #tpu.memory_space<hbm>>
      %dma_start3A_35 = arith.constant 0 : i32
      %dma_start3A_36 = tpu.memref_slice %arg6[%arg0, %add3A_27, %dma_start3A_35] : memref<2x10240x64xf32, #tpu.memory_space<hbm>> -> memref<1x128x64xf32, #tpu.memory_space<hbm>>
      %dma_start3A_37 = tpu.memref_squeeze %dma_start3A_36 : memref<1x128x64xf32, #tpu.memory_space<hbm>> -> memref<128x64xf32, #tpu.memory_space<hbm>>
      tpu.enqueue_dma source(%arg11 : memref<128x64xf32, #tpu.memory_space<vmem>>) target(%dma_start3A_37 : memref<128x64xf32, #tpu.memory_space<hbm>>) target_semaphore(%run_scoped3A : memref<!tpu.dma_semaphore, #tpu.memory_space<semaphore_mem>>)
      %dma_wait3A = arith.constant 0 : i32
      %dma_wait3A_38 = tpu.memref_slice %arg6[%arg0, %add3A_27, %dma_wait3A] : memref<2x10240x64xf32, #tpu.memory_space<hbm>> -> memref<1x128x64xf32, #tpu.memory_space<hbm>>
      %dma_wait3A_39 = tpu.memref_squeeze %dma_wait3A_38 : memref<1x128x64xf32, #tpu.memory_space<hbm>> -> memref<128x64xf32, #tpu.memory_space<hbm>>
      %dma_wait3A_40 = arith.constant 0 : i32
      %dma_wait3A_41 = tpu.memref_slice %arg6[%arg0, %add3A_27, %dma_wait3A_40] : memref<2x10240x64xf32, #tpu.memory_space<hbm>> -> memref<1x128x64xf32, #tpu.memory_space<hbm>>
      %dma_wait3A_42 = tpu.memref_squeeze %dma_wait3A_41 : memref<1x128x64xf32, #tpu.memory_space<hbm>> -> memref<128x64xf32, #tpu.memory_space<hbm>>
      tpu.wait_dma2 semaphore(%run_scoped3A : memref<!tpu.dma_semaphore, #tpu.memory_space<semaphore_mem>>) src(%arg11 : memref<128x64xf32, #tpu.memory_space<vmem>>) dst(%dma_wait3A_42 : memref<128x64xf32, #tpu.memory_space<hbm>>)
      tpu.yield
    }) : () -> ()
    %add3A_28 = arith.constant 384 : i32
    %add3A_29 = arith.addi %mul3A_0, %add3A_28 : i32
    "tpu.region"() ({
      %run_scoped3A = tpu.sem_alloc : memref<!tpu.dma_semaphore, #tpu.memory_space<semaphore_mem>>
      %dma_start3A_32 = arith.constant 0 : i32
      %dma_start3A_33 = tpu.memref_slice %arg14[%add3A_29, %dma_start3A_32] : memref<10240x64xf32, #tpu.memory_space<vmem_shared>> -> memref<128x64xf32, #tpu.memory_space<vmem_shared>>
      %dma_start3A_34 = arith.constant 0 : i32
      %dma_start3A_35 = tpu.memref_slice %arg14[%add3A_29, %dma_start3A_34] : memref<10240x64xf32, #tpu.memory_space<vmem_shared>> -> memref<128x64xf32, #tpu.memory_space<vmem_shared>>
      tpu.enqueue_dma source(%dma_start3A_35 : memref<128x64xf32, #tpu.memory_space<vmem_shared>>) target(%arg11 : memref<128x64xf32, #tpu.memory_space<vmem>>) target_semaphore(%run_scoped3A : memref<!tpu.dma_semaphore, #tpu.memory_space<semaphore_mem>>)
      %dma_wait3A = arith.constant 0 : i32
      %dma_wait3A_36 = tpu.memref_slice %arg14[%add3A_29, %dma_wait3A] : memref<10240x64xf32, #tpu.memory_space<vmem_shared>> -> memref<128x64xf32, #tpu.memory_space<vmem_shared>>
      %dma_wait3A_37 = arith.constant 0 : i32
      %dma_wait3A_38 = tpu.memref_slice %arg14[%add3A_29, %dma_wait3A_37] : memref<10240x64xf32, #tpu.memory_space<vmem_shared>> -> memref<128x64xf32, #tpu.memory_space<vmem_shared>>
      tpu.wait_dma2 semaphore(%run_scoped3A : memref<!tpu.dma_semaphore, #tpu.memory_space<semaphore_mem>>) src(%dma_wait3A_38 : memref<128x64xf32, #tpu.memory_space<vmem_shared>>) dst(%arg11 : memref<128x64xf32, #tpu.memory_space<vmem>>)
      tpu.yield
    }) : () -> ()
    "tpu.region"() ({
      %run_scoped3A = tpu.sem_alloc : memref<!tpu.dma_semaphore, #tpu.memory_space<semaphore_mem>>
      %dma_start3A_32 = arith.constant 0 : i32
      %dma_start3A_33 = tpu.memref_slice %arg6[%arg0, %add3A_29, %dma_start3A_32] : memref<2x10240x64xf32, #tpu.memory_space<hbm>> -> memref<1x128x64xf32, #tpu.memory_space<hbm>>
      %dma_start3A_34 = tpu.memref_squeeze %dma_start3A_33 : memref<1x128x64xf32, #tpu.memory_space<hbm>> -> memref<128x64xf32, #tpu.memory_space<hbm>>
      %dma_start3A_35 = arith.constant 0 : i32
      %dma_start3A_36 = tpu.memref_slice %arg6[%arg0, %add3A_29, %dma_start3A_35] : memref<2x10240x64xf32, #tpu.memory_space<hbm>> -> memref<1x128x64xf32, #tpu.memory_space<hbm>>
      %dma_start3A_37 = tpu.memref_squeeze %dma_start3A_36 : memref<1x128x64xf32, #tpu.memory_space<hbm>> -> memref<128x64xf32, #tpu.memory_space<hbm>>
      tpu.enqueue_dma source(%arg11 : memref<128x64xf32, #tpu.memory_space<vmem>>) target(%dma_start3A_37 : memref<128x64xf32, #tpu.memory_space<hbm>>) target_semaphore(%run_scoped3A : memref<!tpu.dma_semaphore, #tpu.memory_space<semaphore_mem>>)
      %dma_wait3A = arith.constant 0 : i32
      %dma_wait3A_38 = tpu.memref_slice %arg6[%arg0, %add3A_29, %dma_wait3A] : memref<2x10240x64xf32, #tpu.memory_space<hbm>> -> memref<1x128x64xf32, #tpu.memory_space<hbm>>
      %dma_wait3A_39 = tpu.memref_squeeze %dma_wait3A_38 : memref<1x128x64xf32, #tpu.memory_space<hbm>> -> memref<128x64xf32, #tpu.memory_space<hbm>>
      %dma_wait3A_40 = arith.constant 0 : i32
      %dma_wait3A_41 = tpu.memref_slice %arg6[%arg0, %add3A_29, %dma_wait3A_40] : memref<2x10240x64xf32, #tpu.memory_space<hbm>> -> memref<1x128x64xf32, #tpu.memory_space<hbm>>
      %dma_wait3A_42 = tpu.memref_squeeze %dma_wait3A_41 : memref<1x128x64xf32, #tpu.memory_space<hbm>> -> memref<128x64xf32, #tpu.memory_space<hbm>>
      tpu.wait_dma2 semaphore(%run_scoped3A : memref<!tpu.dma_semaphore, #tpu.memory_space<semaphore_mem>>) src(%arg11 : memref<128x64xf32, #tpu.memory_space<vmem>>) dst(%dma_wait3A_42 : memref<128x64xf32, #tpu.memory_space<hbm>>)
      tpu.yield
    }) : () -> ()
    %add3A_30 = arith.constant 512 : i32
    %add3A_31 = arith.addi %mul3A_0, %add3A_30 : i32
    "tpu.region"() ({
      %run_scoped3A = tpu.sem_alloc : memref<!tpu.dma_semaphore, #tpu.memory_space<semaphore_mem>>
      %dma_start3A_32 = arith.constant 0 : i32
      %dma_start3A_33 = tpu.memref_slice %arg14[%add3A_31, %dma_start3A_32] : memref<10240x64xf32, #tpu.memory_space<vmem_shared>> -> memref<128x64xf32, #tpu.memory_space<vmem_shared>>
      %dma_start3A_34 = arith.constant 0 : i32
      %dma_start3A_35 = tpu.memref_slice %arg14[%add3A_31, %dma_start3A_34] : memref<10240x64xf32, #tpu.memory_space<vmem_shared>> -> memref<128x64xf32, #tpu.memory_space<vmem_shared>>
      tpu.enqueue_dma source(%dma_start3A_35 : memref<128x64xf32, #tpu.memory_space<vmem_shared>>) target(%arg11 : memref<128x64xf32, #tpu.memory_space<vmem>>) target_semaphore(%run_scoped3A : memref<!tpu.dma_semaphore, #tpu.memory_space<semaphore_mem>>)
      %dma_wait3A = arith.constant 0 : i32
      %dma_wait3A_36 = tpu.memref_slice %arg14[%add3A_31, %dma_wait3A] : memref<10240x64xf32, #tpu.memory_space<vmem_shared>> -> memref<128x64xf32, #tpu.memory_space<vmem_shared>>
      %dma_wait3A_37 = arith.constant 0 : i32
      %dma_wait3A_38 = tpu.memref_slice %arg14[%add3A_31, %dma_wait3A_37] : memref<10240x64xf32, #tpu.memory_space<vmem_shared>> -> memref<128x64xf32, #tpu.memory_space<vmem_shared>>
      tpu.wait_dma2 semaphore(%run_scoped3A : memref<!tpu.dma_semaphore, #tpu.memory_space<semaphore_mem>>) src(%dma_wait3A_38 : memref<128x64xf32, #tpu.memory_space<vmem_shared>>) dst(%arg11 : memref<128x64xf32, #tpu.memory_space<vmem>>)
      tpu.yield
    }) : () -> ()
    "tpu.region"() ({
      %run_scoped3A = tpu.sem_alloc : memref<!tpu.dma_semaphore, #tpu.memory_space<semaphore_mem>>
      %dma_start3A_32 = arith.constant 0 : i32
      %dma_start3A_33 = tpu.memref_slice %arg6[%arg0, %add3A_31, %dma_start3A_32] : memref<2x10240x64xf32, #tpu.memory_space<hbm>> -> memref<1x128x64xf32, #tpu.memory_space<hbm>>
      %dma_start3A_34 = tpu.memref_squeeze %dma_start3A_33 : memref<1x128x64xf32, #tpu.memory_space<hbm>> -> memref<128x64xf32, #tpu.memory_space<hbm>>
      %dma_start3A_35 = arith.constant 0 : i32
      %dma_start3A_36 = tpu.memref_slice %arg6[%arg0, %add3A_31, %dma_start3A_35] : memref<2x10240x64xf32, #tpu.memory_space<hbm>> -> memref<1x128x64xf32, #tpu.memory_space<hbm>>
      %dma_start3A_37 = tpu.memref_squeeze %dma_start3A_36 : memref<1x128x64xf32, #tpu.memory_space<hbm>> -> memref<128x64xf32, #tpu.memory_space<hbm>>
      tpu.enqueue_dma source(%arg11 : memref<128x64xf32, #tpu.memory_space<vmem>>) target(%dma_start3A_37 : memref<128x64xf32, #tpu.memory_space<hbm>>) target_semaphore(%run_scoped3A : memref<!tpu.dma_semaphore, #tpu.memory_space<semaphore_mem>>)
      %dma_wait3A = arith.constant 0 : i32
      %dma_wait3A_38 = tpu.memref_slice %arg6[%arg0, %add3A_31, %dma_wait3A] : memref<2x10240x64xf32, #tpu.memory_space<hbm>> -> memref<1x128x64xf32, #tpu.memory_space<hbm>>
      %dma_wait3A_39 = tpu.memref_squeeze %dma_wait3A_38 : memref<1x128x64xf32, #tpu.memory_space<hbm>> -> memref<128x64xf32, #tpu.memory_space<hbm>>
      %dma_wait3A_40 = arith.constant 0 : i32
      %dma_wait3A_41 = tpu.memref_slice %arg6[%arg0, %add3A_31, %dma_wait3A_40] : memref<2x10240x64xf32, #tpu.memory_space<hbm>> -> memref<1x128x64xf32, #tpu.memory_space<hbm>>
      %dma_wait3A_42 = tpu.memref_squeeze %dma_wait3A_41 : memref<1x128x64xf32, #tpu.memory_space<hbm>> -> memref<128x64xf32, #tpu.memory_space<hbm>>
      tpu.wait_dma2 semaphore(%run_scoped3A : memref<!tpu.dma_semaphore, #tpu.memory_space<semaphore_mem>>) src(%arg11 : memref<128x64xf32, #tpu.memory_space<vmem>>) dst(%dma_wait3A_42 : memref<128x64xf32, #tpu.memory_space<hbm>>)
      tpu.yield
    }) : () -> ()
    return
  }
}

#map = affine_map<(d0, d1) -> (0, 0)>
#map1 = affine_map<(d0, d1) -> (0, 0, 0, 0)>
#map2 = affine_map<(d0, d1) -> (0, 0, 0)>
module attributes {stable_mosaic.version = 14 : i64} {
  func.func @sc_kernel(%arg0: i32, %arg1: i32, %arg2: memref<10000x64xf32, #tpu.memory_space<hbm>>, %arg3: memref<10000x64xf32, #tpu.memory_space<hbm>>, %arg4: memref<2x16x80x125xi32, #tpu.memory_space<hbm>>, %arg5: memref<2x16x80x125xi32, #tpu.memory_space<hbm>>, %arg6: memref<128x64xf32, #tpu.memory_space<hbm>>, %arg7: memref<128x16xf32, #tpu.memory_space<hbm>>, %arg8: memref<125x16xf32, #tpu.memory_space<hbm>>, %arg9: memref<2x10240x64xf32, #tpu.memory_space<hbm>>, %arg10: memref<2x10240x64xf32, #tpu.memory_space<hbm>>, %arg11: memref<2x10240x16xf32, #tpu.memory_space<hbm>>, %arg12: memref<80x125xi32, #tpu.memory_space<vmem>>, %arg13: memref<80x125xi32, #tpu.memory_space<vmem>>, %arg14: memref<125x64xf32, #tpu.memory_space<vmem>>, %arg15: memref<125x64xf32, #tpu.memory_space<vmem>>, %arg16: memref<128x64xf32, #tpu.memory_space<vmem>>, %arg17: memref<!tpu.dma_semaphore, #tpu.memory_space<semaphore_mem>>, %arg18: memref<!tpu.dma_semaphore, #tpu.memory_space<semaphore_mem>>, %arg19: memref<10240x64xf32, #tpu.memory_space<vmem_shared>>, %arg20: memref<125x16xf32, #tpu.memory_space<vmem>>, %arg21: memref<128x16xf32, #tpu.memory_space<vmem>>, %arg22: memref<10240x16xf32, #tpu.memory_space<vmem_shared>>) attributes {dimension_semantics = [#tpu.dimension_semantics<core_parallel>, #tpu.dimension_semantics<subcore_parallel>], iteration_bounds = array<i64: 2, 16>, scalar_prefetch = 0 : i64, scratch_operands = 11 : i64, tpu.core_type = #tpu.core_type<sc_vector_subcore>, window_params = [{transform_indices = #map}, {transform_indices = #map}, {transform_indices = #map1}, {transform_indices = #map1}, {transform_indices = #map}, {transform_indices = #map}, {transform_indices = #map}, {transform_indices = #map2}, {transform_indices = #map2}, {transform_indices = #map2}]} {
    %mul3A = arith.constant 640 : i32
    %mul3A_0 = arith.muli %arg1, %mul3A : i32
    "tpu.region"() ({
      %run_scoped3A = tpu.sem_alloc : memref<!tpu.dma_semaphore, #tpu.memory_space<semaphore_mem>>
      tpu.enqueue_dma source(%arg6 : memref<128x64xf32, #tpu.memory_space<hbm>>) target(%arg16 : memref<128x64xf32, #tpu.memory_space<vmem>>) target_semaphore(%run_scoped3A : memref<!tpu.dma_semaphore, #tpu.memory_space<semaphore_mem>>)
      tpu.wait_dma2 semaphore(%run_scoped3A : memref<!tpu.dma_semaphore, #tpu.memory_space<semaphore_mem>>) src(%arg6 : memref<128x64xf32, #tpu.memory_space<hbm>>) dst(%arg16 : memref<128x64xf32, #tpu.memory_space<vmem>>)
      tpu.yield
    }) : () -> ()
    "tpu.region"() ({
      %run_scoped3A = tpu.sem_alloc : memref<!tpu.dma_semaphore, #tpu.memory_space<semaphore_mem>>
      tpu.enqueue_dma source(%arg7 : memref<128x16xf32, #tpu.memory_space<hbm>>) target(%arg21 : memref<128x16xf32, #tpu.memory_space<vmem>>) target_semaphore(%run_scoped3A : memref<!tpu.dma_semaphore, #tpu.memory_space<semaphore_mem>>)
      tpu.wait_dma2 semaphore(%run_scoped3A : memref<!tpu.dma_semaphore, #tpu.memory_space<semaphore_mem>>) src(%arg7 : memref<128x16xf32, #tpu.memory_space<hbm>>) dst(%arg21 : memref<128x16xf32, #tpu.memory_space<vmem>>)
      tpu.yield
    }) : () -> ()
    "tpu.region"() ({
      %run_scoped3A = tpu.sem_alloc : memref<!tpu.dma_semaphore, #tpu.memory_space<semaphore_mem>>
      tpu.enqueue_dma source(%arg8 : memref<125x16xf32, #tpu.memory_space<hbm>>) target(%arg20 : memref<125x16xf32, #tpu.memory_space<vmem>>) target_semaphore(%run_scoped3A : memref<!tpu.dma_semaphore, #tpu.memory_space<semaphore_mem>>)
      tpu.wait_dma2 semaphore(%run_scoped3A : memref<!tpu.dma_semaphore, #tpu.memory_space<semaphore_mem>>) src(%arg8 : memref<125x16xf32, #tpu.memory_space<hbm>>) dst(%arg20 : memref<125x16xf32, #tpu.memory_space<vmem>>)
      tpu.yield
    }) : () -> ()
    "tpu.region"() ({
      %run_scoped3A = tpu.sem_alloc : memref<!tpu.dma_semaphore, #tpu.memory_space<semaphore_mem>>
      %dma_start3A_77 = arith.constant 0 : i32
      %dma_start3A_78 = arith.constant 0 : i32
      %dma_start3A_79 = tpu.memref_slice %arg4[%arg0, %arg1, %dma_start3A_77, %dma_start3A_78] : memref<2x16x80x125xi32, #tpu.memory_space<hbm>> -> memref<1x1x80x125xi32, #tpu.memory_space<hbm>>
      %dma_start3A_80 = tpu.memref_squeeze %dma_start3A_79 : memref<1x1x80x125xi32, #tpu.memory_space<hbm>> -> memref<80x125xi32, #tpu.memory_space<hbm>>
      %dma_start3A_81 = arith.constant 0 : i32
      %dma_start3A_82 = arith.constant 0 : i32
      %dma_start3A_83 = tpu.memref_slice %arg4[%arg0, %arg1, %dma_start3A_81, %dma_start3A_82] : memref<2x16x80x125xi32, #tpu.memory_space<hbm>> -> memref<1x1x80x125xi32, #tpu.memory_space<hbm>>
      %dma_start3A_84 = tpu.memref_squeeze %dma_start3A_83 : memref<1x1x80x125xi32, #tpu.memory_space<hbm>> -> memref<80x125xi32, #tpu.memory_space<hbm>>
      tpu.enqueue_dma source(%dma_start3A_84 : memref<80x125xi32, #tpu.memory_space<hbm>>) target(%arg12 : memref<80x125xi32, #tpu.memory_space<vmem>>) target_semaphore(%run_scoped3A : memref<!tpu.dma_semaphore, #tpu.memory_space<semaphore_mem>>)
      %dma_wait3A = arith.constant 0 : i32
      %dma_wait3A_85 = arith.constant 0 : i32
      %dma_wait3A_86 = tpu.memref_slice %arg4[%arg0, %arg1, %dma_wait3A, %dma_wait3A_85] : memref<2x16x80x125xi32, #tpu.memory_space<hbm>> -> memref<1x1x80x125xi32, #tpu.memory_space<hbm>>
      %dma_wait3A_87 = tpu.memref_squeeze %dma_wait3A_86 : memref<1x1x80x125xi32, #tpu.memory_space<hbm>> -> memref<80x125xi32, #tpu.memory_space<hbm>>
      %dma_wait3A_88 = arith.constant 0 : i32
      %dma_wait3A_89 = arith.constant 0 : i32
      %dma_wait3A_90 = tpu.memref_slice %arg4[%arg0, %arg1, %dma_wait3A_88, %dma_wait3A_89] : memref<2x16x80x125xi32, #tpu.memory_space<hbm>> -> memref<1x1x80x125xi32, #tpu.memory_space<hbm>>
      %dma_wait3A_91 = tpu.memref_squeeze %dma_wait3A_90 : memref<1x1x80x125xi32, #tpu.memory_space<hbm>> -> memref<80x125xi32, #tpu.memory_space<hbm>>
      tpu.wait_dma2 semaphore(%run_scoped3A : memref<!tpu.dma_semaphore, #tpu.memory_space<semaphore_mem>>) src(%dma_wait3A_91 : memref<80x125xi32, #tpu.memory_space<hbm>>) dst(%arg12 : memref<80x125xi32, #tpu.memory_space<vmem>>)
      tpu.yield
    }) : () -> ()
    "tpu.region"() ({
      %run_scoped3A = tpu.sem_alloc : memref<!tpu.dma_semaphore, #tpu.memory_space<semaphore_mem>>
      %dma_start3A_77 = arith.constant 0 : i32
      %dma_start3A_78 = arith.constant 0 : i32
      %dma_start3A_79 = tpu.memref_slice %arg5[%arg0, %arg1, %dma_start3A_77, %dma_start3A_78] : memref<2x16x80x125xi32, #tpu.memory_space<hbm>> -> memref<1x1x80x125xi32, #tpu.memory_space<hbm>>
      %dma_start3A_80 = tpu.memref_squeeze %dma_start3A_79 : memref<1x1x80x125xi32, #tpu.memory_space<hbm>> -> memref<80x125xi32, #tpu.memory_space<hbm>>
      %dma_start3A_81 = arith.constant 0 : i32
      %dma_start3A_82 = arith.constant 0 : i32
      %dma_start3A_83 = tpu.memref_slice %arg5[%arg0, %arg1, %dma_start3A_81, %dma_start3A_82] : memref<2x16x80x125xi32, #tpu.memory_space<hbm>> -> memref<1x1x80x125xi32, #tpu.memory_space<hbm>>
      %dma_start3A_84 = tpu.memref_squeeze %dma_start3A_83 : memref<1x1x80x125xi32, #tpu.memory_space<hbm>> -> memref<80x125xi32, #tpu.memory_space<hbm>>
      tpu.enqueue_dma source(%dma_start3A_84 : memref<80x125xi32, #tpu.memory_space<hbm>>) target(%arg13 : memref<80x125xi32, #tpu.memory_space<vmem>>) target_semaphore(%run_scoped3A : memref<!tpu.dma_semaphore, #tpu.memory_space<semaphore_mem>>)
      %dma_wait3A = arith.constant 0 : i32
      %dma_wait3A_85 = arith.constant 0 : i32
      %dma_wait3A_86 = tpu.memref_slice %arg5[%arg0, %arg1, %dma_wait3A, %dma_wait3A_85] : memref<2x16x80x125xi32, #tpu.memory_space<hbm>> -> memref<1x1x80x125xi32, #tpu.memory_space<hbm>>
      %dma_wait3A_87 = tpu.memref_squeeze %dma_wait3A_86 : memref<1x1x80x125xi32, #tpu.memory_space<hbm>> -> memref<80x125xi32, #tpu.memory_space<hbm>>
      %dma_wait3A_88 = arith.constant 0 : i32
      %dma_wait3A_89 = arith.constant 0 : i32
      %dma_wait3A_90 = tpu.memref_slice %arg5[%arg0, %arg1, %dma_wait3A_88, %dma_wait3A_89] : memref<2x16x80x125xi32, #tpu.memory_space<hbm>> -> memref<1x1x80x125xi32, #tpu.memory_space<hbm>>
      %dma_wait3A_91 = tpu.memref_squeeze %dma_wait3A_90 : memref<1x1x80x125xi32, #tpu.memory_space<hbm>> -> memref<80x125xi32, #tpu.memory_space<hbm>>
      tpu.wait_dma2 semaphore(%run_scoped3A : memref<!tpu.dma_semaphore, #tpu.memory_space<semaphore_mem>>) src(%dma_wait3A_91 : memref<80x125xi32, #tpu.memory_space<hbm>>) dst(%arg13 : memref<80x125xi32, #tpu.memory_space<vmem>>)
      tpu.yield
    }) : () -> ()
    %add3A = arith.constant 0 : i32
    %add3A_1 = arith.addi %mul3A_0, %add3A : i32
    "tpu.region"() ({
      %run_scoped3A = tpu.sem_alloc : memref<!tpu.dma_semaphore, #tpu.memory_space<semaphore_mem>>
      %dma_start3A_77 = arith.constant 0 : i32
      %dma_start3A_78 = tpu.memref_slice %arg19[%add3A_1, %dma_start3A_77] : memref<10240x64xf32, #tpu.memory_space<vmem_shared>> -> memref<128x64xf32, #tpu.memory_space<vmem_shared>>
      %dma_start3A_79 = arith.constant 0 : i32
      %dma_start3A_80 = tpu.memref_slice %arg19[%add3A_1, %dma_start3A_79] : memref<10240x64xf32, #tpu.memory_space<vmem_shared>> -> memref<128x64xf32, #tpu.memory_space<vmem_shared>>
      tpu.enqueue_dma source(%arg16 : memref<128x64xf32, #tpu.memory_space<vmem>>) target(%dma_start3A_80 : memref<128x64xf32, #tpu.memory_space<vmem_shared>>) target_semaphore(%run_scoped3A : memref<!tpu.dma_semaphore, #tpu.memory_space<semaphore_mem>>)
      %dma_wait3A = arith.constant 0 : i32
      %dma_wait3A_81 = tpu.memref_slice %arg19[%add3A_1, %dma_wait3A] : memref<10240x64xf32, #tpu.memory_space<vmem_shared>> -> memref<128x64xf32, #tpu.memory_space<vmem_shared>>
      %dma_wait3A_82 = arith.constant 0 : i32
      %dma_wait3A_83 = tpu.memref_slice %arg19[%add3A_1, %dma_wait3A_82] : memref<10240x64xf32, #tpu.memory_space<vmem_shared>> -> memref<128x64xf32, #tpu.memory_space<vmem_shared>>
      tpu.wait_dma2 semaphore(%run_scoped3A : memref<!tpu.dma_semaphore, #tpu.memory_space<semaphore_mem>>) src(%arg16 : memref<128x64xf32, #tpu.memory_space<vmem>>) dst(%dma_wait3A_83 : memref<128x64xf32, #tpu.memory_space<vmem_shared>>)
      tpu.yield
    }) : () -> ()
    %add3A_2 = arith.constant 0 : i32
    %add3A_3 = arith.addi %mul3A_0, %add3A_2 : i32
    "tpu.region"() ({
      %run_scoped3A = tpu.sem_alloc : memref<!tpu.dma_semaphore, #tpu.memory_space<semaphore_mem>>
      %dma_start3A_77 = arith.constant 0 : i32
      %dma_start3A_78 = tpu.memref_slice %arg22[%add3A_3, %dma_start3A_77] : memref<10240x16xf32, #tpu.memory_space<vmem_shared>> -> memref<128x16xf32, #tpu.memory_space<vmem_shared>>
      %dma_start3A_79 = arith.constant 0 : i32
      %dma_start3A_80 = tpu.memref_slice %arg22[%add3A_3, %dma_start3A_79] : memref<10240x16xf32, #tpu.memory_space<vmem_shared>> -> memref<128x16xf32, #tpu.memory_space<vmem_shared>>
      tpu.enqueue_dma source(%arg21 : memref<128x16xf32, #tpu.memory_space<vmem>>) target(%dma_start3A_80 : memref<128x16xf32, #tpu.memory_space<vmem_shared>>) target_semaphore(%run_scoped3A : memref<!tpu.dma_semaphore, #tpu.memory_space<semaphore_mem>>)
      %dma_wait3A = arith.constant 0 : i32
      %dma_wait3A_81 = tpu.memref_slice %arg22[%add3A_3, %dma_wait3A] : memref<10240x16xf32, #tpu.memory_space<vmem_shared>> -> memref<128x16xf32, #tpu.memory_space<vmem_shared>>
      %dma_wait3A_82 = arith.constant 0 : i32
      %dma_wait3A_83 = tpu.memref_slice %arg22[%add3A_3, %dma_wait3A_82] : memref<10240x16xf32, #tpu.memory_space<vmem_shared>> -> memref<128x16xf32, #tpu.memory_space<vmem_shared>>
      tpu.wait_dma2 semaphore(%run_scoped3A : memref<!tpu.dma_semaphore, #tpu.memory_space<semaphore_mem>>) src(%arg21 : memref<128x16xf32, #tpu.memory_space<vmem>>) dst(%dma_wait3A_83 : memref<128x16xf32, #tpu.memory_space<vmem_shared>>)
      tpu.yield
    }) : () -> ()
    %add3A_4 = arith.constant 128 : i32
    %add3A_5 = arith.addi %mul3A_0, %add3A_4 : i32
    "tpu.region"() ({
      %run_scoped3A = tpu.sem_alloc : memref<!tpu.dma_semaphore, #tpu.memory_space<semaphore_mem>>
      %dma_start3A_77 = arith.constant 0 : i32
      %dma_start3A_78 = tpu.memref_slice %arg19[%add3A_5, %dma_start3A_77] : memref<10240x64xf32, #tpu.memory_space<vmem_shared>> -> memref<128x64xf32, #tpu.memory_space<vmem_shared>>
      %dma_start3A_79 = arith.constant 0 : i32
      %dma_start3A_80 = tpu.memref_slice %arg19[%add3A_5, %dma_start3A_79] : memref<10240x64xf32, #tpu.memory_space<vmem_shared>> -> memref<128x64xf32, #tpu.memory_space<vmem_shared>>
      tpu.enqueue_dma source(%arg16 : memref<128x64xf32, #tpu.memory_space<vmem>>) target(%dma_start3A_80 : memref<128x64xf32, #tpu.memory_space<vmem_shared>>) target_semaphore(%run_scoped3A : memref<!tpu.dma_semaphore, #tpu.memory_space<semaphore_mem>>)
      %dma_wait3A = arith.constant 0 : i32
      %dma_wait3A_81 = tpu.memref_slice %arg19[%add3A_5, %dma_wait3A] : memref<10240x64xf32, #tpu.memory_space<vmem_shared>> -> memref<128x64xf32, #tpu.memory_space<vmem_shared>>
      %dma_wait3A_82 = arith.constant 0 : i32
      %dma_wait3A_83 = tpu.memref_slice %arg19[%add3A_5, %dma_wait3A_82] : memref<10240x64xf32, #tpu.memory_space<vmem_shared>> -> memref<128x64xf32, #tpu.memory_space<vmem_shared>>
      tpu.wait_dma2 semaphore(%run_scoped3A : memref<!tpu.dma_semaphore, #tpu.memory_space<semaphore_mem>>) src(%arg16 : memref<128x64xf32, #tpu.memory_space<vmem>>) dst(%dma_wait3A_83 : memref<128x64xf32, #tpu.memory_space<vmem_shared>>)
      tpu.yield
    }) : () -> ()
    %add3A_6 = arith.constant 128 : i32
    %add3A_7 = arith.addi %mul3A_0, %add3A_6 : i32
    "tpu.region"() ({
      %run_scoped3A = tpu.sem_alloc : memref<!tpu.dma_semaphore, #tpu.memory_space<semaphore_mem>>
      %dma_start3A_77 = arith.constant 0 : i32
      %dma_start3A_78 = tpu.memref_slice %arg22[%add3A_7, %dma_start3A_77] : memref<10240x16xf32, #tpu.memory_space<vmem_shared>> -> memref<128x16xf32, #tpu.memory_space<vmem_shared>>
      %dma_start3A_79 = arith.constant 0 : i32
      %dma_start3A_80 = tpu.memref_slice %arg22[%add3A_7, %dma_start3A_79] : memref<10240x16xf32, #tpu.memory_space<vmem_shared>> -> memref<128x16xf32, #tpu.memory_space<vmem_shared>>
      tpu.enqueue_dma source(%arg21 : memref<128x16xf32, #tpu.memory_space<vmem>>) target(%dma_start3A_80 : memref<128x16xf32, #tpu.memory_space<vmem_shared>>) target_semaphore(%run_scoped3A : memref<!tpu.dma_semaphore, #tpu.memory_space<semaphore_mem>>)
      %dma_wait3A = arith.constant 0 : i32
      %dma_wait3A_81 = tpu.memref_slice %arg22[%add3A_7, %dma_wait3A] : memref<10240x16xf32, #tpu.memory_space<vmem_shared>> -> memref<128x16xf32, #tpu.memory_space<vmem_shared>>
      %dma_wait3A_82 = arith.constant 0 : i32
      %dma_wait3A_83 = tpu.memref_slice %arg22[%add3A_7, %dma_wait3A_82] : memref<10240x16xf32, #tpu.memory_space<vmem_shared>> -> memref<128x16xf32, #tpu.memory_space<vmem_shared>>
      tpu.wait_dma2 semaphore(%run_scoped3A : memref<!tpu.dma_semaphore, #tpu.memory_space<semaphore_mem>>) src(%arg21 : memref<128x16xf32, #tpu.memory_space<vmem>>) dst(%dma_wait3A_83 : memref<128x16xf32, #tpu.memory_space<vmem_shared>>)
      tpu.yield
    }) : () -> ()
    %add3A_8 = arith.constant 256 : i32
    %add3A_9 = arith.addi %mul3A_0, %add3A_8 : i32
    "tpu.region"() ({
      %run_scoped3A = tpu.sem_alloc : memref<!tpu.dma_semaphore, #tpu.memory_space<semaphore_mem>>
      %dma_start3A_77 = arith.constant 0 : i32
      %dma_start3A_78 = tpu.memref_slice %arg19[%add3A_9, %dma_start3A_77] : memref<10240x64xf32, #tpu.memory_space<vmem_shared>> -> memref<128x64xf32, #tpu.memory_space<vmem_shared>>
      %dma_start3A_79 = arith.constant 0 : i32
      %dma_start3A_80 = tpu.memref_slice %arg19[%add3A_9, %dma_start3A_79] : memref<10240x64xf32, #tpu.memory_space<vmem_shared>> -> memref<128x64xf32, #tpu.memory_space<vmem_shared>>
      tpu.enqueue_dma source(%arg16 : memref<128x64xf32, #tpu.memory_space<vmem>>) target(%dma_start3A_80 : memref<128x64xf32, #tpu.memory_space<vmem_shared>>) target_semaphore(%run_scoped3A : memref<!tpu.dma_semaphore, #tpu.memory_space<semaphore_mem>>)
      %dma_wait3A = arith.constant 0 : i32
      %dma_wait3A_81 = tpu.memref_slice %arg19[%add3A_9, %dma_wait3A] : memref<10240x64xf32, #tpu.memory_space<vmem_shared>> -> memref<128x64xf32, #tpu.memory_space<vmem_shared>>
      %dma_wait3A_82 = arith.constant 0 : i32
      %dma_wait3A_83 = tpu.memref_slice %arg19[%add3A_9, %dma_wait3A_82] : memref<10240x64xf32, #tpu.memory_space<vmem_shared>> -> memref<128x64xf32, #tpu.memory_space<vmem_shared>>
      tpu.wait_dma2 semaphore(%run_scoped3A : memref<!tpu.dma_semaphore, #tpu.memory_space<semaphore_mem>>) src(%arg16 : memref<128x64xf32, #tpu.memory_space<vmem>>) dst(%dma_wait3A_83 : memref<128x64xf32, #tpu.memory_space<vmem_shared>>)
      tpu.yield
    }) : () -> ()
    %add3A_10 = arith.constant 256 : i32
    %add3A_11 = arith.addi %mul3A_0, %add3A_10 : i32
    "tpu.region"() ({
      %run_scoped3A = tpu.sem_alloc : memref<!tpu.dma_semaphore, #tpu.memory_space<semaphore_mem>>
      %dma_start3A_77 = arith.constant 0 : i32
      %dma_start3A_78 = tpu.memref_slice %arg22[%add3A_11, %dma_start3A_77] : memref<10240x16xf32, #tpu.memory_space<vmem_shared>> -> memref<128x16xf32, #tpu.memory_space<vmem_shared>>
      %dma_start3A_79 = arith.constant 0 : i32
      %dma_start3A_80 = tpu.memref_slice %arg22[%add3A_11, %dma_start3A_79] : memref<10240x16xf32, #tpu.memory_space<vmem_shared>> -> memref<128x16xf32, #tpu.memory_space<vmem_shared>>
      tpu.enqueue_dma source(%arg21 : memref<128x16xf32, #tpu.memory_space<vmem>>) target(%dma_start3A_80 : memref<128x16xf32, #tpu.memory_space<vmem_shared>>) target_semaphore(%run_scoped3A : memref<!tpu.dma_semaphore, #tpu.memory_space<semaphore_mem>>)
      %dma_wait3A = arith.constant 0 : i32
      %dma_wait3A_81 = tpu.memref_slice %arg22[%add3A_11, %dma_wait3A] : memref<10240x16xf32, #tpu.memory_space<vmem_shared>> -> memref<128x16xf32, #tpu.memory_space<vmem_shared>>
      %dma_wait3A_82 = arith.constant 0 : i32
      %dma_wait3A_83 = tpu.memref_slice %arg22[%add3A_11, %dma_wait3A_82] : memref<10240x16xf32, #tpu.memory_space<vmem_shared>> -> memref<128x16xf32, #tpu.memory_space<vmem_shared>>
      tpu.wait_dma2 semaphore(%run_scoped3A : memref<!tpu.dma_semaphore, #tpu.memory_space<semaphore_mem>>) src(%arg21 : memref<128x16xf32, #tpu.memory_space<vmem>>) dst(%dma_wait3A_83 : memref<128x16xf32, #tpu.memory_space<vmem_shared>>)
      tpu.yield
    }) : () -> ()
    %add3A_12 = arith.constant 384 : i32
    %add3A_13 = arith.addi %mul3A_0, %add3A_12 : i32
    "tpu.region"() ({
      %run_scoped3A = tpu.sem_alloc : memref<!tpu.dma_semaphore, #tpu.memory_space<semaphore_mem>>
      %dma_start3A_77 = arith.constant 0 : i32
      %dma_start3A_78 = tpu.memref_slice %arg19[%add3A_13, %dma_start3A_77] : memref<10240x64xf32, #tpu.memory_space<vmem_shared>> -> memref<128x64xf32, #tpu.memory_space<vmem_shared>>
      %dma_start3A_79 = arith.constant 0 : i32
      %dma_start3A_80 = tpu.memref_slice %arg19[%add3A_13, %dma_start3A_79] : memref<10240x64xf32, #tpu.memory_space<vmem_shared>> -> memref<128x64xf32, #tpu.memory_space<vmem_shared>>
      tpu.enqueue_dma source(%arg16 : memref<128x64xf32, #tpu.memory_space<vmem>>) target(%dma_start3A_80 : memref<128x64xf32, #tpu.memory_space<vmem_shared>>) target_semaphore(%run_scoped3A : memref<!tpu.dma_semaphore, #tpu.memory_space<semaphore_mem>>)
      %dma_wait3A = arith.constant 0 : i32
      %dma_wait3A_81 = tpu.memref_slice %arg19[%add3A_13, %dma_wait3A] : memref<10240x64xf32, #tpu.memory_space<vmem_shared>> -> memref<128x64xf32, #tpu.memory_space<vmem_shared>>
      %dma_wait3A_82 = arith.constant 0 : i32
      %dma_wait3A_83 = tpu.memref_slice %arg19[%add3A_13, %dma_wait3A_82] : memref<10240x64xf32, #tpu.memory_space<vmem_shared>> -> memref<128x64xf32, #tpu.memory_space<vmem_shared>>
      tpu.wait_dma2 semaphore(%run_scoped3A : memref<!tpu.dma_semaphore, #tpu.memory_space<semaphore_mem>>) src(%arg16 : memref<128x64xf32, #tpu.memory_space<vmem>>) dst(%dma_wait3A_83 : memref<128x64xf32, #tpu.memory_space<vmem_shared>>)
      tpu.yield
    }) : () -> ()
    %add3A_14 = arith.constant 384 : i32
    %add3A_15 = arith.addi %mul3A_0, %add3A_14 : i32
    "tpu.region"() ({
      %run_scoped3A = tpu.sem_alloc : memref<!tpu.dma_semaphore, #tpu.memory_space<semaphore_mem>>
      %dma_start3A_77 = arith.constant 0 : i32
      %dma_start3A_78 = tpu.memref_slice %arg22[%add3A_15, %dma_start3A_77] : memref<10240x16xf32, #tpu.memory_space<vmem_shared>> -> memref<128x16xf32, #tpu.memory_space<vmem_shared>>
      %dma_start3A_79 = arith.constant 0 : i32
      %dma_start3A_80 = tpu.memref_slice %arg22[%add3A_15, %dma_start3A_79] : memref<10240x16xf32, #tpu.memory_space<vmem_shared>> -> memref<128x16xf32, #tpu.memory_space<vmem_shared>>
      tpu.enqueue_dma source(%arg21 : memref<128x16xf32, #tpu.memory_space<vmem>>) target(%dma_start3A_80 : memref<128x16xf32, #tpu.memory_space<vmem_shared>>) target_semaphore(%run_scoped3A : memref<!tpu.dma_semaphore, #tpu.memory_space<semaphore_mem>>)
      %dma_wait3A = arith.constant 0 : i32
      %dma_wait3A_81 = tpu.memref_slice %arg22[%add3A_15, %dma_wait3A] : memref<10240x16xf32, #tpu.memory_space<vmem_shared>> -> memref<128x16xf32, #tpu.memory_space<vmem_shared>>
      %dma_wait3A_82 = arith.constant 0 : i32
      %dma_wait3A_83 = tpu.memref_slice %arg22[%add3A_15, %dma_wait3A_82] : memref<10240x16xf32, #tpu.memory_space<vmem_shared>> -> memref<128x16xf32, #tpu.memory_space<vmem_shared>>
      tpu.wait_dma2 semaphore(%run_scoped3A : memref<!tpu.dma_semaphore, #tpu.memory_space<semaphore_mem>>) src(%arg21 : memref<128x16xf32, #tpu.memory_space<vmem>>) dst(%dma_wait3A_83 : memref<128x16xf32, #tpu.memory_space<vmem_shared>>)
      tpu.yield
    }) : () -> ()
    %add3A_16 = arith.constant 512 : i32
    %add3A_17 = arith.addi %mul3A_0, %add3A_16 : i32
    "tpu.region"() ({
      %run_scoped3A = tpu.sem_alloc : memref<!tpu.dma_semaphore, #tpu.memory_space<semaphore_mem>>
      %dma_start3A_77 = arith.constant 0 : i32
      %dma_start3A_78 = tpu.memref_slice %arg19[%add3A_17, %dma_start3A_77] : memref<10240x64xf32, #tpu.memory_space<vmem_shared>> -> memref<128x64xf32, #tpu.memory_space<vmem_shared>>
      %dma_start3A_79 = arith.constant 0 : i32
      %dma_start3A_80 = tpu.memref_slice %arg19[%add3A_17, %dma_start3A_79] : memref<10240x64xf32, #tpu.memory_space<vmem_shared>> -> memref<128x64xf32, #tpu.memory_space<vmem_shared>>
      tpu.enqueue_dma source(%arg16 : memref<128x64xf32, #tpu.memory_space<vmem>>) target(%dma_start3A_80 : memref<128x64xf32, #tpu.memory_space<vmem_shared>>) target_semaphore(%run_scoped3A : memref<!tpu.dma_semaphore, #tpu.memory_space<semaphore_mem>>)
      %dma_wait3A = arith.constant 0 : i32
      %dma_wait3A_81 = tpu.memref_slice %arg19[%add3A_17, %dma_wait3A] : memref<10240x64xf32, #tpu.memory_space<vmem_shared>> -> memref<128x64xf32, #tpu.memory_space<vmem_shared>>
      %dma_wait3A_82 = arith.constant 0 : i32
      %dma_wait3A_83 = tpu.memref_slice %arg19[%add3A_17, %dma_wait3A_82] : memref<10240x64xf32, #tpu.memory_space<vmem_shared>> -> memref<128x64xf32, #tpu.memory_space<vmem_shared>>
      tpu.wait_dma2 semaphore(%run_scoped3A : memref<!tpu.dma_semaphore, #tpu.memory_space<semaphore_mem>>) src(%arg16 : memref<128x64xf32, #tpu.memory_space<vmem>>) dst(%dma_wait3A_83 : memref<128x64xf32, #tpu.memory_space<vmem_shared>>)
      tpu.yield
    }) : () -> ()
    %add3A_18 = arith.constant 512 : i32
    %add3A_19 = arith.addi %mul3A_0, %add3A_18 : i32
    "tpu.region"() ({
      %run_scoped3A = tpu.sem_alloc : memref<!tpu.dma_semaphore, #tpu.memory_space<semaphore_mem>>
      %dma_start3A_77 = arith.constant 0 : i32
      %dma_start3A_78 = tpu.memref_slice %arg22[%add3A_19, %dma_start3A_77] : memref<10240x16xf32, #tpu.memory_space<vmem_shared>> -> memref<128x16xf32, #tpu.memory_space<vmem_shared>>
      %dma_start3A_79 = arith.constant 0 : i32
      %dma_start3A_80 = tpu.memref_slice %arg22[%add3A_19, %dma_start3A_79] : memref<10240x16xf32, #tpu.memory_space<vmem_shared>> -> memref<128x16xf32, #tpu.memory_space<vmem_shared>>
      tpu.enqueue_dma source(%arg21 : memref<128x16xf32, #tpu.memory_space<vmem>>) target(%dma_start3A_80 : memref<128x16xf32, #tpu.memory_space<vmem_shared>>) target_semaphore(%run_scoped3A : memref<!tpu.dma_semaphore, #tpu.memory_space<semaphore_mem>>)
      %dma_wait3A = arith.constant 0 : i32
      %dma_wait3A_81 = tpu.memref_slice %arg22[%add3A_19, %dma_wait3A] : memref<10240x16xf32, #tpu.memory_space<vmem_shared>> -> memref<128x16xf32, #tpu.memory_space<vmem_shared>>
      %dma_wait3A_82 = arith.constant 0 : i32
      %dma_wait3A_83 = tpu.memref_slice %arg22[%add3A_19, %dma_wait3A_82] : memref<10240x16xf32, #tpu.memory_space<vmem_shared>> -> memref<128x16xf32, #tpu.memory_space<vmem_shared>>
      tpu.wait_dma2 semaphore(%run_scoped3A : memref<!tpu.dma_semaphore, #tpu.memory_space<semaphore_mem>>) src(%arg21 : memref<128x16xf32, #tpu.memory_space<vmem>>) dst(%dma_wait3A_83 : memref<128x16xf32, #tpu.memory_space<vmem_shared>>)
      tpu.yield
    }) : () -> ()
    %barrier3A = arith.constant 0 : index
    tpu.barrier barrier_id(%barrier3A)
    %dma_start3A = arith.constant 0 : i32
    %dma_start3A_20 = arith.constant 0 : i32
    %dma_start3A_21 = tpu.memref_slice %arg12[%dma_start3A, %dma_start3A_20] : memref<80x125xi32, #tpu.memory_space<vmem>> -> memref<1x125xi32, #tpu.memory_space<vmem>>
    %dma_start3A_22 = tpu.memref_squeeze %dma_start3A_21 : memref<1x125xi32, #tpu.memory_space<vmem>> -> memref<125xi32, #tpu.memory_space<vmem>>
    %dma_start3A_23 = arith.constant 0 : i32
    %dma_start3A_24 = arith.constant 0 : i32
    %dma_start3A_25 = tpu.memref_slice %arg2[%dma_start3A_23, %dma_start3A_24] : memref<10000x64xf32, #tpu.memory_space<hbm>> -> memref<10000x64xf32, #tpu.memory_space<hbm>>
    tpu.enqueue_indirect_dma source(%dma_start3A_25 : memref<10000x64xf32, #tpu.memory_space<hbm>>) target(%arg14 : memref<125x64xf32, #tpu.memory_space<vmem>>) offsets(%dma_start3A_22 : memref<125xi32, #tpu.memory_space<vmem>>) semaphore(%arg17 : memref<!tpu.dma_semaphore, #tpu.memory_space<semaphore_mem>>)
    %scan3A = arith.constant 0 : i32
    %scan3A_26 = arith.constant 0 : i32
    %scan3A_27 = arith.constant 40 : i32
    %scan3A_28 = arith.addi %scan3A_26, %scan3A_27 : i32
    %scan3A_29 = arith.constant 1 : i32
    scf.for %scan3A_77 = %scan3A_26 to %scan3A_28 step %scan3A_29  : i32 {
      %mul3A_78 = arith.constant 2 : i32
      %mul3A_79 = arith.muli %mul3A_78, %scan3A_77 : i32
      %add3A_80 = arith.constant 0 : i32
      %add3A_81 = arith.addi %mul3A_79, %add3A_80 : i32
      %add3A_82 = arith.constant 1 : i32
      %add3A_83 = arith.addi %add3A_81, %add3A_82 : i32
      %lt3A = arith.constant 80 : i32
      %lt3A_84 = arith.cmpi slt, %add3A_83, %lt3A : i32
      %convert_element_type3A = arith.extui %lt3A_84 : i1 to i32
      %cond3A = arith.constant 0 : i32
      %cond3A_85 = arith.cmpi ne, %convert_element_type3A, %cond3A : i32
      scf.if %cond3A_85 {
        %add3A_108 = arith.constant 1 : i32
        %add3A_109 = arith.addi %add3A_81, %add3A_108 : i32
        %dma_start3A_110 = arith.constant 0 : i32
        %dma_start3A_111 = tpu.memref_slice %arg12[%add3A_109, %dma_start3A_110] : memref<80x125xi32, #tpu.memory_space<vmem>> -> memref<1x125xi32, #tpu.memory_space<vmem>>
        %dma_start3A_112 = tpu.memref_squeeze %dma_start3A_111 : memref<1x125xi32, #tpu.memory_space<vmem>> -> memref<125xi32, #tpu.memory_space<vmem>>
        %dma_start3A_113 = arith.constant 0 : i32
        %dma_start3A_114 = arith.constant 0 : i32
        %dma_start3A_115 = tpu.memref_slice %arg2[%dma_start3A_113, %dma_start3A_114] : memref<10000x64xf32, #tpu.memory_space<hbm>> -> memref<10000x64xf32, #tpu.memory_space<hbm>>
        tpu.enqueue_indirect_dma source(%dma_start3A_115 : memref<10000x64xf32, #tpu.memory_space<hbm>>) target(%arg15 : memref<125x64xf32, #tpu.memory_space<vmem>>) offsets(%dma_start3A_112 : memref<125xi32, #tpu.memory_space<vmem>>) semaphore(%arg18 : memref<!tpu.dma_semaphore, #tpu.memory_space<semaphore_mem>>)
      } else {
      }
      %dma_wait3A = arith.constant 0 : i32
      %dma_wait3A_86 = tpu.memref_slice %arg12[%add3A_81, %dma_wait3A] : memref<80x125xi32, #tpu.memory_space<vmem>> -> memref<1x125xi32, #tpu.memory_space<vmem>>
      %dma_wait3A_87 = tpu.memref_squeeze %dma_wait3A_86 : memref<1x125xi32, #tpu.memory_space<vmem>> -> memref<125xi32, #tpu.memory_space<vmem>>
      %dma_wait3A_88 = arith.constant 0 : i32
      %dma_wait3A_89 = arith.constant 0 : i32
      %dma_wait3A_90 = tpu.memref_slice %arg2[%dma_wait3A_88, %dma_wait3A_89] : memref<10000x64xf32, #tpu.memory_space<hbm>> -> memref<10000x64xf32, #tpu.memory_space<hbm>>
      tpu.wait_indirect_dma semaphore(%arg17 : memref<!tpu.dma_semaphore, #tpu.memory_space<semaphore_mem>>) src(%dma_wait3A_90 : memref<10000x64xf32, #tpu.memory_space<hbm>>) dst(%arg14 : memref<125x64xf32, #tpu.memory_space<vmem>>)
      "tpu.region"() ({
        %run_scoped3A = tpu.sem_alloc : memref<!tpu.dma_semaphore, #tpu.memory_space<semaphore_mem>>
        %dma_start3A_108 = arith.constant 0 : i32
        %dma_start3A_109 = tpu.memref_slice %arg13[%add3A_81, %dma_start3A_108] : memref<80x125xi32, #tpu.memory_space<vmem>> -> memref<1x125xi32, #tpu.memory_space<vmem>>
        %dma_start3A_110 = tpu.memref_squeeze %dma_start3A_109 : memref<1x125xi32, #tpu.memory_space<vmem>> -> memref<125xi32, #tpu.memory_space<vmem>>
        %dma_start3A_111 = arith.constant 0 : i32
        %dma_start3A_112 = arith.constant 0 : i32
        %dma_start3A_113 = tpu.memref_slice %arg19[%dma_start3A_111, %dma_start3A_112] : memref<10240x64xf32, #tpu.memory_space<vmem_shared>> -> memref<10240x64xf32, #tpu.memory_space<vmem_shared>>
        tpu.enqueue_indirect_dma source(%arg14 : memref<125x64xf32, #tpu.memory_space<vmem>>) target(%dma_start3A_113 : memref<10240x64xf32, #tpu.memory_space<vmem_shared>>) offsets(%dma_start3A_110 : memref<125xi32, #tpu.memory_space<vmem>>) semaphore(%run_scoped3A : memref<!tpu.dma_semaphore, #tpu.memory_space<semaphore_mem>>) {add = true}
        %dma_wait3A_114 = arith.constant 0 : i32
        %dma_wait3A_115 = tpu.memref_slice %arg13[%add3A_81, %dma_wait3A_114] : memref<80x125xi32, #tpu.memory_space<vmem>> -> memref<1x125xi32, #tpu.memory_space<vmem>>
        %dma_wait3A_116 = tpu.memref_squeeze %dma_wait3A_115 : memref<1x125xi32, #tpu.memory_space<vmem>> -> memref<125xi32, #tpu.memory_space<vmem>>
        %dma_wait3A_117 = arith.constant 0 : i32
        %dma_wait3A_118 = arith.constant 0 : i32
        %dma_wait3A_119 = tpu.memref_slice %arg19[%dma_wait3A_117, %dma_wait3A_118] : memref<10240x64xf32, #tpu.memory_space<vmem_shared>> -> memref<10240x64xf32, #tpu.memory_space<vmem_shared>>
        tpu.wait_indirect_dma semaphore(%run_scoped3A : memref<!tpu.dma_semaphore, #tpu.memory_space<semaphore_mem>>) src(%arg14 : memref<125x64xf32, #tpu.memory_space<vmem>>) dst(%dma_wait3A_119 : memref<10240x64xf32, #tpu.memory_space<vmem_shared>>)
        tpu.yield
      }) : () -> ()
      "tpu.region"() ({
        %run_scoped3A = tpu.sem_alloc : memref<!tpu.dma_semaphore, #tpu.memory_space<semaphore_mem>>
        %dma_start3A_108 = arith.constant 0 : i32
        %dma_start3A_109 = tpu.memref_slice %arg13[%add3A_81, %dma_start3A_108] : memref<80x125xi32, #tpu.memory_space<vmem>> -> memref<1x125xi32, #tpu.memory_space<vmem>>
        %dma_start3A_110 = tpu.memref_squeeze %dma_start3A_109 : memref<1x125xi32, #tpu.memory_space<vmem>> -> memref<125xi32, #tpu.memory_space<vmem>>
        %dma_start3A_111 = arith.constant 0 : i32
        %dma_start3A_112 = arith.constant 0 : i32
        %dma_start3A_113 = tpu.memref_slice %arg22[%dma_start3A_111, %dma_start3A_112] : memref<10240x16xf32, #tpu.memory_space<vmem_shared>> -> memref<10240x16xf32, #tpu.memory_space<vmem_shared>>
        tpu.enqueue_indirect_dma source(%arg20 : memref<125x16xf32, #tpu.memory_space<vmem>>) target(%dma_start3A_113 : memref<10240x16xf32, #tpu.memory_space<vmem_shared>>) offsets(%dma_start3A_110 : memref<125xi32, #tpu.memory_space<vmem>>) semaphore(%run_scoped3A : memref<!tpu.dma_semaphore, #tpu.memory_space<semaphore_mem>>) {add = true}
        %dma_wait3A_114 = arith.constant 0 : i32
        %dma_wait3A_115 = tpu.memref_slice %arg13[%add3A_81, %dma_wait3A_114] : memref<80x125xi32, #tpu.memory_space<vmem>> -> memref<1x125xi32, #tpu.memory_space<vmem>>
        %dma_wait3A_116 = tpu.memref_squeeze %dma_wait3A_115 : memref<1x125xi32, #tpu.memory_space<vmem>> -> memref<125xi32, #tpu.memory_space<vmem>>
        %dma_wait3A_117 = arith.constant 0 : i32
        %dma_wait3A_118 = arith.constant 0 : i32
        %dma_wait3A_119 = tpu.memref_slice %arg22[%dma_wait3A_117, %dma_wait3A_118] : memref<10240x16xf32, #tpu.memory_space<vmem_shared>> -> memref<10240x16xf32, #tpu.memory_space<vmem_shared>>
        tpu.wait_indirect_dma semaphore(%run_scoped3A : memref<!tpu.dma_semaphore, #tpu.memory_space<semaphore_mem>>) src(%arg20 : memref<125x16xf32, #tpu.memory_space<vmem>>) dst(%dma_wait3A_119 : memref<10240x16xf32, #tpu.memory_space<vmem_shared>>)
        tpu.yield
      }) : () -> ()
      %mul3A_91 = arith.constant 2 : i32
      %mul3A_92 = arith.muli %mul3A_91, %scan3A_77 : i32
      %add3A_93 = arith.constant 1 : i32
      %add3A_94 = arith.addi %mul3A_92, %add3A_93 : i32
      %add3A_95 = arith.constant 1 : i32
      %add3A_96 = arith.addi %add3A_94, %add3A_95 : i32
      %lt3A_97 = arith.constant 80 : i32
      %lt3A_98 = arith.cmpi slt, %add3A_96, %lt3A_97 : i32
      %convert_element_type3A_99 = arith.extui %lt3A_98 : i1 to i32
      %cond3A_100 = arith.constant 0 : i32
      %cond3A_101 = arith.cmpi ne, %convert_element_type3A_99, %cond3A_100 : i32
      scf.if %cond3A_101 {
        %add3A_108 = arith.constant 1 : i32
        %add3A_109 = arith.addi %add3A_94, %add3A_108 : i32
        %dma_start3A_110 = arith.constant 0 : i32
        %dma_start3A_111 = tpu.memref_slice %arg12[%add3A_109, %dma_start3A_110] : memref<80x125xi32, #tpu.memory_space<vmem>> -> memref<1x125xi32, #tpu.memory_space<vmem>>
        %dma_start3A_112 = tpu.memref_squeeze %dma_start3A_111 : memref<1x125xi32, #tpu.memory_space<vmem>> -> memref<125xi32, #tpu.memory_space<vmem>>
        %dma_start3A_113 = arith.constant 0 : i32
        %dma_start3A_114 = arith.constant 0 : i32
        %dma_start3A_115 = tpu.memref_slice %arg2[%dma_start3A_113, %dma_start3A_114] : memref<10000x64xf32, #tpu.memory_space<hbm>> -> memref<10000x64xf32, #tpu.memory_space<hbm>>
        tpu.enqueue_indirect_dma source(%dma_start3A_115 : memref<10000x64xf32, #tpu.memory_space<hbm>>) target(%arg14 : memref<125x64xf32, #tpu.memory_space<vmem>>) offsets(%dma_start3A_112 : memref<125xi32, #tpu.memory_space<vmem>>) semaphore(%arg17 : memref<!tpu.dma_semaphore, #tpu.memory_space<semaphore_mem>>)
      } else {
      }
      %dma_wait3A_102 = arith.constant 0 : i32
      %dma_wait3A_103 = tpu.memref_slice %arg12[%add3A_94, %dma_wait3A_102] : memref<80x125xi32, #tpu.memory_space<vmem>> -> memref<1x125xi32, #tpu.memory_space<vmem>>
      %dma_wait3A_104 = tpu.memref_squeeze %dma_wait3A_103 : memref<1x125xi32, #tpu.memory_space<vmem>> -> memref<125xi32, #tpu.memory_space<vmem>>
      %dma_wait3A_105 = arith.constant 0 : i32
      %dma_wait3A_106 = arith.constant 0 : i32
      %dma_wait3A_107 = tpu.memref_slice %arg2[%dma_wait3A_105, %dma_wait3A_106] : memref<10000x64xf32, #tpu.memory_space<hbm>> -> memref<10000x64xf32, #tpu.memory_space<hbm>>
      tpu.wait_indirect_dma semaphore(%arg18 : memref<!tpu.dma_semaphore, #tpu.memory_space<semaphore_mem>>) src(%dma_wait3A_107 : memref<10000x64xf32, #tpu.memory_space<hbm>>) dst(%arg15 : memref<125x64xf32, #tpu.memory_space<vmem>>)
      "tpu.region"() ({
        %run_scoped3A = tpu.sem_alloc : memref<!tpu.dma_semaphore, #tpu.memory_space<semaphore_mem>>
        %dma_start3A_108 = arith.constant 0 : i32
        %dma_start3A_109 = tpu.memref_slice %arg13[%add3A_94, %dma_start3A_108] : memref<80x125xi32, #tpu.memory_space<vmem>> -> memref<1x125xi32, #tpu.memory_space<vmem>>
        %dma_start3A_110 = tpu.memref_squeeze %dma_start3A_109 : memref<1x125xi32, #tpu.memory_space<vmem>> -> memref<125xi32, #tpu.memory_space<vmem>>
        %dma_start3A_111 = arith.constant 0 : i32
        %dma_start3A_112 = arith.constant 0 : i32
        %dma_start3A_113 = tpu.memref_slice %arg19[%dma_start3A_111, %dma_start3A_112] : memref<10240x64xf32, #tpu.memory_space<vmem_shared>> -> memref<10240x64xf32, #tpu.memory_space<vmem_shared>>
        tpu.enqueue_indirect_dma source(%arg15 : memref<125x64xf32, #tpu.memory_space<vmem>>) target(%dma_start3A_113 : memref<10240x64xf32, #tpu.memory_space<vmem_shared>>) offsets(%dma_start3A_110 : memref<125xi32, #tpu.memory_space<vmem>>) semaphore(%run_scoped3A : memref<!tpu.dma_semaphore, #tpu.memory_space<semaphore_mem>>) {add = true}
        %dma_wait3A_114 = arith.constant 0 : i32
        %dma_wait3A_115 = tpu.memref_slice %arg13[%add3A_94, %dma_wait3A_114] : memref<80x125xi32, #tpu.memory_space<vmem>> -> memref<1x125xi32, #tpu.memory_space<vmem>>
        %dma_wait3A_116 = tpu.memref_squeeze %dma_wait3A_115 : memref<1x125xi32, #tpu.memory_space<vmem>> -> memref<125xi32, #tpu.memory_space<vmem>>
        %dma_wait3A_117 = arith.constant 0 : i32
        %dma_wait3A_118 = arith.constant 0 : i32
        %dma_wait3A_119 = tpu.memref_slice %arg19[%dma_wait3A_117, %dma_wait3A_118] : memref<10240x64xf32, #tpu.memory_space<vmem_shared>> -> memref<10240x64xf32, #tpu.memory_space<vmem_shared>>
        tpu.wait_indirect_dma semaphore(%run_scoped3A : memref<!tpu.dma_semaphore, #tpu.memory_space<semaphore_mem>>) src(%arg15 : memref<125x64xf32, #tpu.memory_space<vmem>>) dst(%dma_wait3A_119 : memref<10240x64xf32, #tpu.memory_space<vmem_shared>>)
        tpu.yield
      }) : () -> ()
      "tpu.region"() ({
        %run_scoped3A = tpu.sem_alloc : memref<!tpu.dma_semaphore, #tpu.memory_space<semaphore_mem>>
        %dma_start3A_108 = arith.constant 0 : i32
        %dma_start3A_109 = tpu.memref_slice %arg13[%add3A_94, %dma_start3A_108] : memref<80x125xi32, #tpu.memory_space<vmem>> -> memref<1x125xi32, #tpu.memory_space<vmem>>
        %dma_start3A_110 = tpu.memref_squeeze %dma_start3A_109 : memref<1x125xi32, #tpu.memory_space<vmem>> -> memref<125xi32, #tpu.memory_space<vmem>>
        %dma_start3A_111 = arith.constant 0 : i32
        %dma_start3A_112 = arith.constant 0 : i32
        %dma_start3A_113 = tpu.memref_slice %arg22[%dma_start3A_111, %dma_start3A_112] : memref<10240x16xf32, #tpu.memory_space<vmem_shared>> -> memref<10240x16xf32, #tpu.memory_space<vmem_shared>>
        tpu.enqueue_indirect_dma source(%arg20 : memref<125x16xf32, #tpu.memory_space<vmem>>) target(%dma_start3A_113 : memref<10240x16xf32, #tpu.memory_space<vmem_shared>>) offsets(%dma_start3A_110 : memref<125xi32, #tpu.memory_space<vmem>>) semaphore(%run_scoped3A : memref<!tpu.dma_semaphore, #tpu.memory_space<semaphore_mem>>) {add = true}
        %dma_wait3A_114 = arith.constant 0 : i32
        %dma_wait3A_115 = tpu.memref_slice %arg13[%add3A_94, %dma_wait3A_114] : memref<80x125xi32, #tpu.memory_space<vmem>> -> memref<1x125xi32, #tpu.memory_space<vmem>>
        %dma_wait3A_116 = tpu.memref_squeeze %dma_wait3A_115 : memref<1x125xi32, #tpu.memory_space<vmem>> -> memref<125xi32, #tpu.memory_space<vmem>>
        %dma_wait3A_117 = arith.constant 0 : i32
        %dma_wait3A_118 = arith.constant 0 : i32
        %dma_wait3A_119 = tpu.memref_slice %arg22[%dma_wait3A_117, %dma_wait3A_118] : memref<10240x16xf32, #tpu.memory_space<vmem_shared>> -> memref<10240x16xf32, #tpu.memory_space<vmem_shared>>
        tpu.wait_indirect_dma semaphore(%run_scoped3A : memref<!tpu.dma_semaphore, #tpu.memory_space<semaphore_mem>>) src(%arg20 : memref<125x16xf32, #tpu.memory_space<vmem>>) dst(%dma_wait3A_119 : memref<10240x16xf32, #tpu.memory_space<vmem_shared>>)
        tpu.yield
      }) : () -> ()
    }
    %scan3A_30 = arith.constant 40 : i32
    %barrier3A_31 = arith.constant 0 : index
    tpu.barrier barrier_id(%barrier3A_31)
    %add3A_32 = arith.constant 0 : i32
    %add3A_33 = arith.addi %mul3A_0, %add3A_32 : i32
    "tpu.region"() ({
      %run_scoped3A = tpu.sem_alloc : memref<!tpu.dma_semaphore, #tpu.memory_space<semaphore_mem>>
      %dma_start3A_77 = arith.constant 0 : i32
      %dma_start3A_78 = tpu.memref_slice %arg19[%add3A_33, %dma_start3A_77] : memref<10240x64xf32, #tpu.memory_space<vmem_shared>> -> memref<128x64xf32, #tpu.memory_space<vmem_shared>>
      %dma_start3A_79 = arith.constant 0 : i32
      %dma_start3A_80 = tpu.memref_slice %arg19[%add3A_33, %dma_start3A_79] : memref<10240x64xf32, #tpu.memory_space<vmem_shared>> -> memref<128x64xf32, #tpu.memory_space<vmem_shared>>
      tpu.enqueue_dma source(%dma_start3A_80 : memref<128x64xf32, #tpu.memory_space<vmem_shared>>) target(%arg16 : memref<128x64xf32, #tpu.memory_space<vmem>>) target_semaphore(%run_scoped3A : memref<!tpu.dma_semaphore, #tpu.memory_space<semaphore_mem>>)
      %dma_wait3A = arith.constant 0 : i32
      %dma_wait3A_81 = tpu.memref_slice %arg19[%add3A_33, %dma_wait3A] : memref<10240x64xf32, #tpu.memory_space<vmem_shared>> -> memref<128x64xf32, #tpu.memory_space<vmem_shared>>
      %dma_wait3A_82 = arith.constant 0 : i32
      %dma_wait3A_83 = tpu.memref_slice %arg19[%add3A_33, %dma_wait3A_82] : memref<10240x64xf32, #tpu.memory_space<vmem_shared>> -> memref<128x64xf32, #tpu.memory_space<vmem_shared>>
      tpu.wait_dma2 semaphore(%run_scoped3A : memref<!tpu.dma_semaphore, #tpu.memory_space<semaphore_mem>>) src(%dma_wait3A_83 : memref<128x64xf32, #tpu.memory_space<vmem_shared>>) dst(%arg16 : memref<128x64xf32, #tpu.memory_space<vmem>>)
      tpu.yield
    }) : () -> ()
    "tpu.region"() ({
      %run_scoped3A = tpu.sem_alloc : memref<!tpu.dma_semaphore, #tpu.memory_space<semaphore_mem>>
      %dma_start3A_77 = arith.constant 0 : i32
      %dma_start3A_78 = tpu.memref_slice %arg9[%arg0, %add3A_33, %dma_start3A_77] : memref<2x10240x64xf32, #tpu.memory_space<hbm>> -> memref<1x128x64xf32, #tpu.memory_space<hbm>>
      %dma_start3A_79 = tpu.memref_squeeze %dma_start3A_78 : memref<1x128x64xf32, #tpu.memory_space<hbm>> -> memref<128x64xf32, #tpu.memory_space<hbm>>
      %dma_start3A_80 = arith.constant 0 : i32
      %dma_start3A_81 = tpu.memref_slice %arg9[%arg0, %add3A_33, %dma_start3A_80] : memref<2x10240x64xf32, #tpu.memory_space<hbm>> -> memref<1x128x64xf32, #tpu.memory_space<hbm>>
      %dma_start3A_82 = tpu.memref_squeeze %dma_start3A_81 : memref<1x128x64xf32, #tpu.memory_space<hbm>> -> memref<128x64xf32, #tpu.memory_space<hbm>>
      tpu.enqueue_dma source(%arg16 : memref<128x64xf32, #tpu.memory_space<vmem>>) target(%dma_start3A_82 : memref<128x64xf32, #tpu.memory_space<hbm>>) target_semaphore(%run_scoped3A : memref<!tpu.dma_semaphore, #tpu.memory_space<semaphore_mem>>)
      %dma_wait3A = arith.constant 0 : i32
      %dma_wait3A_83 = tpu.memref_slice %arg9[%arg0, %add3A_33, %dma_wait3A] : memref<2x10240x64xf32, #tpu.memory_space<hbm>> -> memref<1x128x64xf32, #tpu.memory_space<hbm>>
      %dma_wait3A_84 = tpu.memref_squeeze %dma_wait3A_83 : memref<1x128x64xf32, #tpu.memory_space<hbm>> -> memref<128x64xf32, #tpu.memory_space<hbm>>
      %dma_wait3A_85 = arith.constant 0 : i32
      %dma_wait3A_86 = tpu.memref_slice %arg9[%arg0, %add3A_33, %dma_wait3A_85] : memref<2x10240x64xf32, #tpu.memory_space<hbm>> -> memref<1x128x64xf32, #tpu.memory_space<hbm>>
      %dma_wait3A_87 = tpu.memref_squeeze %dma_wait3A_86 : memref<1x128x64xf32, #tpu.memory_space<hbm>> -> memref<128x64xf32, #tpu.memory_space<hbm>>
      tpu.wait_dma2 semaphore(%run_scoped3A : memref<!tpu.dma_semaphore, #tpu.memory_space<semaphore_mem>>) src(%arg16 : memref<128x64xf32, #tpu.memory_space<vmem>>) dst(%dma_wait3A_87 : memref<128x64xf32, #tpu.memory_space<hbm>>)
      tpu.yield
    }) : () -> ()
    "tpu.region"() ({
      %run_scoped3A = tpu.sem_alloc : memref<!tpu.dma_semaphore, #tpu.memory_space<semaphore_mem>>
      %dma_start3A_77 = arith.constant 0 : i32
      %dma_start3A_78 = tpu.memref_slice %arg22[%add3A_33, %dma_start3A_77] : memref<10240x16xf32, #tpu.memory_space<vmem_shared>> -> memref<128x16xf32, #tpu.memory_space<vmem_shared>>
      %dma_start3A_79 = arith.constant 0 : i32
      %dma_start3A_80 = tpu.memref_slice %arg22[%add3A_33, %dma_start3A_79] : memref<10240x16xf32, #tpu.memory_space<vmem_shared>> -> memref<128x16xf32, #tpu.memory_space<vmem_shared>>
      tpu.enqueue_dma source(%dma_start3A_80 : memref<128x16xf32, #tpu.memory_space<vmem_shared>>) target(%arg21 : memref<128x16xf32, #tpu.memory_space<vmem>>) target_semaphore(%run_scoped3A : memref<!tpu.dma_semaphore, #tpu.memory_space<semaphore_mem>>)
      %dma_wait3A = arith.constant 0 : i32
      %dma_wait3A_81 = tpu.memref_slice %arg22[%add3A_33, %dma_wait3A] : memref<10240x16xf32, #tpu.memory_space<vmem_shared>> -> memref<128x16xf32, #tpu.memory_space<vmem_shared>>
      %dma_wait3A_82 = arith.constant 0 : i32
      %dma_wait3A_83 = tpu.memref_slice %arg22[%add3A_33, %dma_wait3A_82] : memref<10240x16xf32, #tpu.memory_space<vmem_shared>> -> memref<128x16xf32, #tpu.memory_space<vmem_shared>>
      tpu.wait_dma2 semaphore(%run_scoped3A : memref<!tpu.dma_semaphore, #tpu.memory_space<semaphore_mem>>) src(%dma_wait3A_83 : memref<128x16xf32, #tpu.memory_space<vmem_shared>>) dst(%arg21 : memref<128x16xf32, #tpu.memory_space<vmem>>)
      tpu.yield
    }) : () -> ()
    "tpu.region"() ({
      %run_scoped3A = tpu.sem_alloc : memref<!tpu.dma_semaphore, #tpu.memory_space<semaphore_mem>>
      %dma_start3A_77 = arith.constant 0 : i32
      %dma_start3A_78 = tpu.memref_slice %arg11[%arg0, %add3A_33, %dma_start3A_77] : memref<2x10240x16xf32, #tpu.memory_space<hbm>> -> memref<1x128x16xf32, #tpu.memory_space<hbm>>
      %dma_start3A_79 = tpu.memref_squeeze %dma_start3A_78 : memref<1x128x16xf32, #tpu.memory_space<hbm>> -> memref<128x16xf32, #tpu.memory_space<hbm>>
      %dma_start3A_80 = arith.constant 0 : i32
      %dma_start3A_81 = tpu.memref_slice %arg11[%arg0, %add3A_33, %dma_start3A_80] : memref<2x10240x16xf32, #tpu.memory_space<hbm>> -> memref<1x128x16xf32, #tpu.memory_space<hbm>>
      %dma_start3A_82 = tpu.memref_squeeze %dma_start3A_81 : memref<1x128x16xf32, #tpu.memory_space<hbm>> -> memref<128x16xf32, #tpu.memory_space<hbm>>
      tpu.enqueue_dma source(%arg21 : memref<128x16xf32, #tpu.memory_space<vmem>>) target(%dma_start3A_82 : memref<128x16xf32, #tpu.memory_space<hbm>>) target_semaphore(%run_scoped3A : memref<!tpu.dma_semaphore, #tpu.memory_space<semaphore_mem>>)
      %dma_wait3A = arith.constant 0 : i32
      %dma_wait3A_83 = tpu.memref_slice %arg11[%arg0, %add3A_33, %dma_wait3A] : memref<2x10240x16xf32, #tpu.memory_space<hbm>> -> memref<1x128x16xf32, #tpu.memory_space<hbm>>
      %dma_wait3A_84 = tpu.memref_squeeze %dma_wait3A_83 : memref<1x128x16xf32, #tpu.memory_space<hbm>> -> memref<128x16xf32, #tpu.memory_space<hbm>>
      %dma_wait3A_85 = arith.constant 0 : i32
      %dma_wait3A_86 = tpu.memref_slice %arg11[%arg0, %add3A_33, %dma_wait3A_85] : memref<2x10240x16xf32, #tpu.memory_space<hbm>> -> memref<1x128x16xf32, #tpu.memory_space<hbm>>
      %dma_wait3A_87 = tpu.memref_squeeze %dma_wait3A_86 : memref<1x128x16xf32, #tpu.memory_space<hbm>> -> memref<128x16xf32, #tpu.memory_space<hbm>>
      tpu.wait_dma2 semaphore(%run_scoped3A : memref<!tpu.dma_semaphore, #tpu.memory_space<semaphore_mem>>) src(%arg21 : memref<128x16xf32, #tpu.memory_space<vmem>>) dst(%dma_wait3A_87 : memref<128x16xf32, #tpu.memory_space<hbm>>)
      tpu.yield
    }) : () -> ()
    %add3A_34 = arith.constant 128 : i32
    %add3A_35 = arith.addi %mul3A_0, %add3A_34 : i32
    "tpu.region"() ({
      %run_scoped3A = tpu.sem_alloc : memref<!tpu.dma_semaphore, #tpu.memory_space<semaphore_mem>>
      %dma_start3A_77 = arith.constant 0 : i32
      %dma_start3A_78 = tpu.memref_slice %arg19[%add3A_35, %dma_start3A_77] : memref<10240x64xf32, #tpu.memory_space<vmem_shared>> -> memref<128x64xf32, #tpu.memory_space<vmem_shared>>
      %dma_start3A_79 = arith.constant 0 : i32
      %dma_start3A_80 = tpu.memref_slice %arg19[%add3A_35, %dma_start3A_79] : memref<10240x64xf32, #tpu.memory_space<vmem_shared>> -> memref<128x64xf32, #tpu.memory_space<vmem_shared>>
      tpu.enqueue_dma source(%dma_start3A_80 : memref<128x64xf32, #tpu.memory_space<vmem_shared>>) target(%arg16 : memref<128x64xf32, #tpu.memory_space<vmem>>) target_semaphore(%run_scoped3A : memref<!tpu.dma_semaphore, #tpu.memory_space<semaphore_mem>>)
      %dma_wait3A = arith.constant 0 : i32
      %dma_wait3A_81 = tpu.memref_slice %arg19[%add3A_35, %dma_wait3A] : memref<10240x64xf32, #tpu.memory_space<vmem_shared>> -> memref<128x64xf32, #tpu.memory_space<vmem_shared>>
      %dma_wait3A_82 = arith.constant 0 : i32
      %dma_wait3A_83 = tpu.memref_slice %arg19[%add3A_35, %dma_wait3A_82] : memref<10240x64xf32, #tpu.memory_space<vmem_shared>> -> memref<128x64xf32, #tpu.memory_space<vmem_shared>>
      tpu.wait_dma2 semaphore(%run_scoped3A : memref<!tpu.dma_semaphore, #tpu.memory_space<semaphore_mem>>) src(%dma_wait3A_83 : memref<128x64xf32, #tpu.memory_space<vmem_shared>>) dst(%arg16 : memref<128x64xf32, #tpu.memory_space<vmem>>)
      tpu.yield
    }) : () -> ()
    "tpu.region"() ({
      %run_scoped3A = tpu.sem_alloc : memref<!tpu.dma_semaphore, #tpu.memory_space<semaphore_mem>>
      %dma_start3A_77 = arith.constant 0 : i32
      %dma_start3A_78 = tpu.memref_slice %arg9[%arg0, %add3A_35, %dma_start3A_77] : memref<2x10240x64xf32, #tpu.memory_space<hbm>> -> memref<1x128x64xf32, #tpu.memory_space<hbm>>
      %dma_start3A_79 = tpu.memref_squeeze %dma_start3A_78 : memref<1x128x64xf32, #tpu.memory_space<hbm>> -> memref<128x64xf32, #tpu.memory_space<hbm>>
      %dma_start3A_80 = arith.constant 0 : i32
      %dma_start3A_81 = tpu.memref_slice %arg9[%arg0, %add3A_35, %dma_start3A_80] : memref<2x10240x64xf32, #tpu.memory_space<hbm>> -> memref<1x128x64xf32, #tpu.memory_space<hbm>>
      %dma_start3A_82 = tpu.memref_squeeze %dma_start3A_81 : memref<1x128x64xf32, #tpu.memory_space<hbm>> -> memref<128x64xf32, #tpu.memory_space<hbm>>
      tpu.enqueue_dma source(%arg16 : memref<128x64xf32, #tpu.memory_space<vmem>>) target(%dma_start3A_82 : memref<128x64xf32, #tpu.memory_space<hbm>>) target_semaphore(%run_scoped3A : memref<!tpu.dma_semaphore, #tpu.memory_space<semaphore_mem>>)
      %dma_wait3A = arith.constant 0 : i32
      %dma_wait3A_83 = tpu.memref_slice %arg9[%arg0, %add3A_35, %dma_wait3A] : memref<2x10240x64xf32, #tpu.memory_space<hbm>> -> memref<1x128x64xf32, #tpu.memory_space<hbm>>
      %dma_wait3A_84 = tpu.memref_squeeze %dma_wait3A_83 : memref<1x128x64xf32, #tpu.memory_space<hbm>> -> memref<128x64xf32, #tpu.memory_space<hbm>>
      %dma_wait3A_85 = arith.constant 0 : i32
      %dma_wait3A_86 = tpu.memref_slice %arg9[%arg0, %add3A_35, %dma_wait3A_85] : memref<2x10240x64xf32, #tpu.memory_space<hbm>> -> memref<1x128x64xf32, #tpu.memory_space<hbm>>
      %dma_wait3A_87 = tpu.memref_squeeze %dma_wait3A_86 : memref<1x128x64xf32, #tpu.memory_space<hbm>> -> memref<128x64xf32, #tpu.memory_space<hbm>>
      tpu.wait_dma2 semaphore(%run_scoped3A : memref<!tpu.dma_semaphore, #tpu.memory_space<semaphore_mem>>) src(%arg16 : memref<128x64xf32, #tpu.memory_space<vmem>>) dst(%dma_wait3A_87 : memref<128x64xf32, #tpu.memory_space<hbm>>)
      tpu.yield
    }) : () -> ()
    "tpu.region"() ({
      %run_scoped3A = tpu.sem_alloc : memref<!tpu.dma_semaphore, #tpu.memory_space<semaphore_mem>>
      %dma_start3A_77 = arith.constant 0 : i32
      %dma_start3A_78 = tpu.memref_slice %arg22[%add3A_35, %dma_start3A_77] : memref<10240x16xf32, #tpu.memory_space<vmem_shared>> -> memref<128x16xf32, #tpu.memory_space<vmem_shared>>
      %dma_start3A_79 = arith.constant 0 : i32
      %dma_start3A_80 = tpu.memref_slice %arg22[%add3A_35, %dma_start3A_79] : memref<10240x16xf32, #tpu.memory_space<vmem_shared>> -> memref<128x16xf32, #tpu.memory_space<vmem_shared>>
      tpu.enqueue_dma source(%dma_start3A_80 : memref<128x16xf32, #tpu.memory_space<vmem_shared>>) target(%arg21 : memref<128x16xf32, #tpu.memory_space<vmem>>) target_semaphore(%run_scoped3A : memref<!tpu.dma_semaphore, #tpu.memory_space<semaphore_mem>>)
      %dma_wait3A = arith.constant 0 : i32
      %dma_wait3A_81 = tpu.memref_slice %arg22[%add3A_35, %dma_wait3A] : memref<10240x16xf32, #tpu.memory_space<vmem_shared>> -> memref<128x16xf32, #tpu.memory_space<vmem_shared>>
      %dma_wait3A_82 = arith.constant 0 : i32
      %dma_wait3A_83 = tpu.memref_slice %arg22[%add3A_35, %dma_wait3A_82] : memref<10240x16xf32, #tpu.memory_space<vmem_shared>> -> memref<128x16xf32, #tpu.memory_space<vmem_shared>>
      tpu.wait_dma2 semaphore(%run_scoped3A : memref<!tpu.dma_semaphore, #tpu.memory_space<semaphore_mem>>) src(%dma_wait3A_83 : memref<128x16xf32, #tpu.memory_space<vmem_shared>>) dst(%arg21 : memref<128x16xf32, #tpu.memory_space<vmem>>)
      tpu.yield
    }) : () -> ()
    "tpu.region"() ({
      %run_scoped3A = tpu.sem_alloc : memref<!tpu.dma_semaphore, #tpu.memory_space<semaphore_mem>>
      %dma_start3A_77 = arith.constant 0 : i32
      %dma_start3A_78 = tpu.memref_slice %arg11[%arg0, %add3A_35, %dma_start3A_77] : memref<2x10240x16xf32, #tpu.memory_space<hbm>> -> memref<1x128x16xf32, #tpu.memory_space<hbm>>
      %dma_start3A_79 = tpu.memref_squeeze %dma_start3A_78 : memref<1x128x16xf32, #tpu.memory_space<hbm>> -> memref<128x16xf32, #tpu.memory_space<hbm>>
      %dma_start3A_80 = arith.constant 0 : i32
      %dma_start3A_81 = tpu.memref_slice %arg11[%arg0, %add3A_35, %dma_start3A_80] : memref<2x10240x16xf32, #tpu.memory_space<hbm>> -> memref<1x128x16xf32, #tpu.memory_space<hbm>>
      %dma_start3A_82 = tpu.memref_squeeze %dma_start3A_81 : memref<1x128x16xf32, #tpu.memory_space<hbm>> -> memref<128x16xf32, #tpu.memory_space<hbm>>
      tpu.enqueue_dma source(%arg21 : memref<128x16xf32, #tpu.memory_space<vmem>>) target(%dma_start3A_82 : memref<128x16xf32, #tpu.memory_space<hbm>>) target_semaphore(%run_scoped3A : memref<!tpu.dma_semaphore, #tpu.memory_space<semaphore_mem>>)
      %dma_wait3A = arith.constant 0 : i32
      %dma_wait3A_83 = tpu.memref_slice %arg11[%arg0, %add3A_35, %dma_wait3A] : memref<2x10240x16xf32, #tpu.memory_space<hbm>> -> memref<1x128x16xf32, #tpu.memory_space<hbm>>
      %dma_wait3A_84 = tpu.memref_squeeze %dma_wait3A_83 : memref<1x128x16xf32, #tpu.memory_space<hbm>> -> memref<128x16xf32, #tpu.memory_space<hbm>>
      %dma_wait3A_85 = arith.constant 0 : i32
      %dma_wait3A_86 = tpu.memref_slice %arg11[%arg0, %add3A_35, %dma_wait3A_85] : memref<2x10240x16xf32, #tpu.memory_space<hbm>> -> memref<1x128x16xf32, #tpu.memory_space<hbm>>
      %dma_wait3A_87 = tpu.memref_squeeze %dma_wait3A_86 : memref<1x128x16xf32, #tpu.memory_space<hbm>> -> memref<128x16xf32, #tpu.memory_space<hbm>>
      tpu.wait_dma2 semaphore(%run_scoped3A : memref<!tpu.dma_semaphore, #tpu.memory_space<semaphore_mem>>) src(%arg21 : memref<128x16xf32, #tpu.memory_space<vmem>>) dst(%dma_wait3A_87 : memref<128x16xf32, #tpu.memory_space<hbm>>)
      tpu.yield
    }) : () -> ()
    %add3A_36 = arith.constant 256 : i32
    %add3A_37 = arith.addi %mul3A_0, %add3A_36 : i32
    "tpu.region"() ({
      %run_scoped3A = tpu.sem_alloc : memref<!tpu.dma_semaphore, #tpu.memory_space<semaphore_mem>>
      %dma_start3A_77 = arith.constant 0 : i32
      %dma_start3A_78 = tpu.memref_slice %arg19[%add3A_37, %dma_start3A_77] : memref<10240x64xf32, #tpu.memory_space<vmem_shared>> -> memref<128x64xf32, #tpu.memory_space<vmem_shared>>
      %dma_start3A_79 = arith.constant 0 : i32
      %dma_start3A_80 = tpu.memref_slice %arg19[%add3A_37, %dma_start3A_79] : memref<10240x64xf32, #tpu.memory_space<vmem_shared>> -> memref<128x64xf32, #tpu.memory_space<vmem_shared>>
      tpu.enqueue_dma source(%dma_start3A_80 : memref<128x64xf32, #tpu.memory_space<vmem_shared>>) target(%arg16 : memref<128x64xf32, #tpu.memory_space<vmem>>) target_semaphore(%run_scoped3A : memref<!tpu.dma_semaphore, #tpu.memory_space<semaphore_mem>>)
      %dma_wait3A = arith.constant 0 : i32
      %dma_wait3A_81 = tpu.memref_slice %arg19[%add3A_37, %dma_wait3A] : memref<10240x64xf32, #tpu.memory_space<vmem_shared>> -> memref<128x64xf32, #tpu.memory_space<vmem_shared>>
      %dma_wait3A_82 = arith.constant 0 : i32
      %dma_wait3A_83 = tpu.memref_slice %arg19[%add3A_37, %dma_wait3A_82] : memref<10240x64xf32, #tpu.memory_space<vmem_shared>> -> memref<128x64xf32, #tpu.memory_space<vmem_shared>>
      tpu.wait_dma2 semaphore(%run_scoped3A : memref<!tpu.dma_semaphore, #tpu.memory_space<semaphore_mem>>) src(%dma_wait3A_83 : memref<128x64xf32, #tpu.memory_space<vmem_shared>>) dst(%arg16 : memref<128x64xf32, #tpu.memory_space<vmem>>)
      tpu.yield
    }) : () -> ()
    "tpu.region"() ({
      %run_scoped3A = tpu.sem_alloc : memref<!tpu.dma_semaphore, #tpu.memory_space<semaphore_mem>>
      %dma_start3A_77 = arith.constant 0 : i32
      %dma_start3A_78 = tpu.memref_slice %arg9[%arg0, %add3A_37, %dma_start3A_77] : memref<2x10240x64xf32, #tpu.memory_space<hbm>> -> memref<1x128x64xf32, #tpu.memory_space<hbm>>
      %dma_start3A_79 = tpu.memref_squeeze %dma_start3A_78 : memref<1x128x64xf32, #tpu.memory_space<hbm>> -> memref<128x64xf32, #tpu.memory_space<hbm>>
      %dma_start3A_80 = arith.constant 0 : i32
      %dma_start3A_81 = tpu.memref_slice %arg9[%arg0, %add3A_37, %dma_start3A_80] : memref<2x10240x64xf32, #tpu.memory_space<hbm>> -> memref<1x128x64xf32, #tpu.memory_space<hbm>>
      %dma_start3A_82 = tpu.memref_squeeze %dma_start3A_81 : memref<1x128x64xf32, #tpu.memory_space<hbm>> -> memref<128x64xf32, #tpu.memory_space<hbm>>
      tpu.enqueue_dma source(%arg16 : memref<128x64xf32, #tpu.memory_space<vmem>>) target(%dma_start3A_82 : memref<128x64xf32, #tpu.memory_space<hbm>>) target_semaphore(%run_scoped3A : memref<!tpu.dma_semaphore, #tpu.memory_space<semaphore_mem>>)
      %dma_wait3A = arith.constant 0 : i32
      %dma_wait3A_83 = tpu.memref_slice %arg9[%arg0, %add3A_37, %dma_wait3A] : memref<2x10240x64xf32, #tpu.memory_space<hbm>> -> memref<1x128x64xf32, #tpu.memory_space<hbm>>
      %dma_wait3A_84 = tpu.memref_squeeze %dma_wait3A_83 : memref<1x128x64xf32, #tpu.memory_space<hbm>> -> memref<128x64xf32, #tpu.memory_space<hbm>>
      %dma_wait3A_85 = arith.constant 0 : i32
      %dma_wait3A_86 = tpu.memref_slice %arg9[%arg0, %add3A_37, %dma_wait3A_85] : memref<2x10240x64xf32, #tpu.memory_space<hbm>> -> memref<1x128x64xf32, #tpu.memory_space<hbm>>
      %dma_wait3A_87 = tpu.memref_squeeze %dma_wait3A_86 : memref<1x128x64xf32, #tpu.memory_space<hbm>> -> memref<128x64xf32, #tpu.memory_space<hbm>>
      tpu.wait_dma2 semaphore(%run_scoped3A : memref<!tpu.dma_semaphore, #tpu.memory_space<semaphore_mem>>) src(%arg16 : memref<128x64xf32, #tpu.memory_space<vmem>>) dst(%dma_wait3A_87 : memref<128x64xf32, #tpu.memory_space<hbm>>)
      tpu.yield
    }) : () -> ()
    "tpu.region"() ({
      %run_scoped3A = tpu.sem_alloc : memref<!tpu.dma_semaphore, #tpu.memory_space<semaphore_mem>>
      %dma_start3A_77 = arith.constant 0 : i32
      %dma_start3A_78 = tpu.memref_slice %arg22[%add3A_37, %dma_start3A_77] : memref<10240x16xf32, #tpu.memory_space<vmem_shared>> -> memref<128x16xf32, #tpu.memory_space<vmem_shared>>
      %dma_start3A_79 = arith.constant 0 : i32
      %dma_start3A_80 = tpu.memref_slice %arg22[%add3A_37, %dma_start3A_79] : memref<10240x16xf32, #tpu.memory_space<vmem_shared>> -> memref<128x16xf32, #tpu.memory_space<vmem_shared>>
      tpu.enqueue_dma source(%dma_start3A_80 : memref<128x16xf32, #tpu.memory_space<vmem_shared>>) target(%arg21 : memref<128x16xf32, #tpu.memory_space<vmem>>) target_semaphore(%run_scoped3A : memref<!tpu.dma_semaphore, #tpu.memory_space<semaphore_mem>>)
      %dma_wait3A = arith.constant 0 : i32
      %dma_wait3A_81 = tpu.memref_slice %arg22[%add3A_37, %dma_wait3A] : memref<10240x16xf32, #tpu.memory_space<vmem_shared>> -> memref<128x16xf32, #tpu.memory_space<vmem_shared>>
      %dma_wait3A_82 = arith.constant 0 : i32
      %dma_wait3A_83 = tpu.memref_slice %arg22[%add3A_37, %dma_wait3A_82] : memref<10240x16xf32, #tpu.memory_space<vmem_shared>> -> memref<128x16xf32, #tpu.memory_space<vmem_shared>>
      tpu.wait_dma2 semaphore(%run_scoped3A : memref<!tpu.dma_semaphore, #tpu.memory_space<semaphore_mem>>) src(%dma_wait3A_83 : memref<128x16xf32, #tpu.memory_space<vmem_shared>>) dst(%arg21 : memref<128x16xf32, #tpu.memory_space<vmem>>)
      tpu.yield
    }) : () -> ()
    "tpu.region"() ({
      %run_scoped3A = tpu.sem_alloc : memref<!tpu.dma_semaphore, #tpu.memory_space<semaphore_mem>>
      %dma_start3A_77 = arith.constant 0 : i32
      %dma_start3A_78 = tpu.memref_slice %arg11[%arg0, %add3A_37, %dma_start3A_77] : memref<2x10240x16xf32, #tpu.memory_space<hbm>> -> memref<1x128x16xf32, #tpu.memory_space<hbm>>
      %dma_start3A_79 = tpu.memref_squeeze %dma_start3A_78 : memref<1x128x16xf32, #tpu.memory_space<hbm>> -> memref<128x16xf32, #tpu.memory_space<hbm>>
      %dma_start3A_80 = arith.constant 0 : i32
      %dma_start3A_81 = tpu.memref_slice %arg11[%arg0, %add3A_37, %dma_start3A_80] : memref<2x10240x16xf32, #tpu.memory_space<hbm>> -> memref<1x128x16xf32, #tpu.memory_space<hbm>>
      %dma_start3A_82 = tpu.memref_squeeze %dma_start3A_81 : memref<1x128x16xf32, #tpu.memory_space<hbm>> -> memref<128x16xf32, #tpu.memory_space<hbm>>
      tpu.enqueue_dma source(%arg21 : memref<128x16xf32, #tpu.memory_space<vmem>>) target(%dma_start3A_82 : memref<128x16xf32, #tpu.memory_space<hbm>>) target_semaphore(%run_scoped3A : memref<!tpu.dma_semaphore, #tpu.memory_space<semaphore_mem>>)
      %dma_wait3A = arith.constant 0 : i32
      %dma_wait3A_83 = tpu.memref_slice %arg11[%arg0, %add3A_37, %dma_wait3A] : memref<2x10240x16xf32, #tpu.memory_space<hbm>> -> memref<1x128x16xf32, #tpu.memory_space<hbm>>
      %dma_wait3A_84 = tpu.memref_squeeze %dma_wait3A_83 : memref<1x128x16xf32, #tpu.memory_space<hbm>> -> memref<128x16xf32, #tpu.memory_space<hbm>>
      %dma_wait3A_85 = arith.constant 0 : i32
      %dma_wait3A_86 = tpu.memref_slice %arg11[%arg0, %add3A_37, %dma_wait3A_85] : memref<2x10240x16xf32, #tpu.memory_space<hbm>> -> memref<1x128x16xf32, #tpu.memory_space<hbm>>
      %dma_wait3A_87 = tpu.memref_squeeze %dma_wait3A_86 : memref<1x128x16xf32, #tpu.memory_space<hbm>> -> memref<128x16xf32, #tpu.memory_space<hbm>>
      tpu.wait_dma2 semaphore(%run_scoped3A : memref<!tpu.dma_semaphore, #tpu.memory_space<semaphore_mem>>) src(%arg21 : memref<128x16xf32, #tpu.memory_space<vmem>>) dst(%dma_wait3A_87 : memref<128x16xf32, #tpu.memory_space<hbm>>)
      tpu.yield
    }) : () -> ()
    %add3A_38 = arith.constant 384 : i32
    %add3A_39 = arith.addi %mul3A_0, %add3A_38 : i32
    "tpu.region"() ({
      %run_scoped3A = tpu.sem_alloc : memref<!tpu.dma_semaphore, #tpu.memory_space<semaphore_mem>>
      %dma_start3A_77 = arith.constant 0 : i32
      %dma_start3A_78 = tpu.memref_slice %arg19[%add3A_39, %dma_start3A_77] : memref<10240x64xf32, #tpu.memory_space<vmem_shared>> -> memref<128x64xf32, #tpu.memory_space<vmem_shared>>
      %dma_start3A_79 = arith.constant 0 : i32
      %dma_start3A_80 = tpu.memref_slice %arg19[%add3A_39, %dma_start3A_79] : memref<10240x64xf32, #tpu.memory_space<vmem_shared>> -> memref<128x64xf32, #tpu.memory_space<vmem_shared>>
      tpu.enqueue_dma source(%dma_start3A_80 : memref<128x64xf32, #tpu.memory_space<vmem_shared>>) target(%arg16 : memref<128x64xf32, #tpu.memory_space<vmem>>) target_semaphore(%run_scoped3A : memref<!tpu.dma_semaphore, #tpu.memory_space<semaphore_mem>>)
      %dma_wait3A = arith.constant 0 : i32
      %dma_wait3A_81 = tpu.memref_slice %arg19[%add3A_39, %dma_wait3A] : memref<10240x64xf32, #tpu.memory_space<vmem_shared>> -> memref<128x64xf32, #tpu.memory_space<vmem_shared>>
      %dma_wait3A_82 = arith.constant 0 : i32
      %dma_wait3A_83 = tpu.memref_slice %arg19[%add3A_39, %dma_wait3A_82] : memref<10240x64xf32, #tpu.memory_space<vmem_shared>> -> memref<128x64xf32, #tpu.memory_space<vmem_shared>>
      tpu.wait_dma2 semaphore(%run_scoped3A : memref<!tpu.dma_semaphore, #tpu.memory_space<semaphore_mem>>) src(%dma_wait3A_83 : memref<128x64xf32, #tpu.memory_space<vmem_shared>>) dst(%arg16 : memref<128x64xf32, #tpu.memory_space<vmem>>)
      tpu.yield
    }) : () -> ()
    "tpu.region"() ({
      %run_scoped3A = tpu.sem_alloc : memref<!tpu.dma_semaphore, #tpu.memory_space<semaphore_mem>>
      %dma_start3A_77 = arith.constant 0 : i32
      %dma_start3A_78 = tpu.memref_slice %arg9[%arg0, %add3A_39, %dma_start3A_77] : memref<2x10240x64xf32, #tpu.memory_space<hbm>> -> memref<1x128x64xf32, #tpu.memory_space<hbm>>
      %dma_start3A_79 = tpu.memref_squeeze %dma_start3A_78 : memref<1x128x64xf32, #tpu.memory_space<hbm>> -> memref<128x64xf32, #tpu.memory_space<hbm>>
      %dma_start3A_80 = arith.constant 0 : i32
      %dma_start3A_81 = tpu.memref_slice %arg9[%arg0, %add3A_39, %dma_start3A_80] : memref<2x10240x64xf32, #tpu.memory_space<hbm>> -> memref<1x128x64xf32, #tpu.memory_space<hbm>>
      %dma_start3A_82 = tpu.memref_squeeze %dma_start3A_81 : memref<1x128x64xf32, #tpu.memory_space<hbm>> -> memref<128x64xf32, #tpu.memory_space<hbm>>
      tpu.enqueue_dma source(%arg16 : memref<128x64xf32, #tpu.memory_space<vmem>>) target(%dma_start3A_82 : memref<128x64xf32, #tpu.memory_space<hbm>>) target_semaphore(%run_scoped3A : memref<!tpu.dma_semaphore, #tpu.memory_space<semaphore_mem>>)
      %dma_wait3A = arith.constant 0 : i32
      %dma_wait3A_83 = tpu.memref_slice %arg9[%arg0, %add3A_39, %dma_wait3A] : memref<2x10240x64xf32, #tpu.memory_space<hbm>> -> memref<1x128x64xf32, #tpu.memory_space<hbm>>
      %dma_wait3A_84 = tpu.memref_squeeze %dma_wait3A_83 : memref<1x128x64xf32, #tpu.memory_space<hbm>> -> memref<128x64xf32, #tpu.memory_space<hbm>>
      %dma_wait3A_85 = arith.constant 0 : i32
      %dma_wait3A_86 = tpu.memref_slice %arg9[%arg0, %add3A_39, %dma_wait3A_85] : memref<2x10240x64xf32, #tpu.memory_space<hbm>> -> memref<1x128x64xf32, #tpu.memory_space<hbm>>
      %dma_wait3A_87 = tpu.memref_squeeze %dma_wait3A_86 : memref<1x128x64xf32, #tpu.memory_space<hbm>> -> memref<128x64xf32, #tpu.memory_space<hbm>>
      tpu.wait_dma2 semaphore(%run_scoped3A : memref<!tpu.dma_semaphore, #tpu.memory_space<semaphore_mem>>) src(%arg16 : memref<128x64xf32, #tpu.memory_space<vmem>>) dst(%dma_wait3A_87 : memref<128x64xf32, #tpu.memory_space<hbm>>)
      tpu.yield
    }) : () -> ()
    "tpu.region"() ({
      %run_scoped3A = tpu.sem_alloc : memref<!tpu.dma_semaphore, #tpu.memory_space<semaphore_mem>>
      %dma_start3A_77 = arith.constant 0 : i32
      %dma_start3A_78 = tpu.memref_slice %arg22[%add3A_39, %dma_start3A_77] : memref<10240x16xf32, #tpu.memory_space<vmem_shared>> -> memref<128x16xf32, #tpu.memory_space<vmem_shared>>
      %dma_start3A_79 = arith.constant 0 : i32
      %dma_start3A_80 = tpu.memref_slice %arg22[%add3A_39, %dma_start3A_79] : memref<10240x16xf32, #tpu.memory_space<vmem_shared>> -> memref<128x16xf32, #tpu.memory_space<vmem_shared>>
      tpu.enqueue_dma source(%dma_start3A_80 : memref<128x16xf32, #tpu.memory_space<vmem_shared>>) target(%arg21 : memref<128x16xf32, #tpu.memory_space<vmem>>) target_semaphore(%run_scoped3A : memref<!tpu.dma_semaphore, #tpu.memory_space<semaphore_mem>>)
      %dma_wait3A = arith.constant 0 : i32
      %dma_wait3A_81 = tpu.memref_slice %arg22[%add3A_39, %dma_wait3A] : memref<10240x16xf32, #tpu.memory_space<vmem_shared>> -> memref<128x16xf32, #tpu.memory_space<vmem_shared>>
      %dma_wait3A_82 = arith.constant 0 : i32
      %dma_wait3A_83 = tpu.memref_slice %arg22[%add3A_39, %dma_wait3A_82] : memref<10240x16xf32, #tpu.memory_space<vmem_shared>> -> memref<128x16xf32, #tpu.memory_space<vmem_shared>>
      tpu.wait_dma2 semaphore(%run_scoped3A : memref<!tpu.dma_semaphore, #tpu.memory_space<semaphore_mem>>) src(%dma_wait3A_83 : memref<128x16xf32, #tpu.memory_space<vmem_shared>>) dst(%arg21 : memref<128x16xf32, #tpu.memory_space<vmem>>)
      tpu.yield
    }) : () -> ()
    "tpu.region"() ({
      %run_scoped3A = tpu.sem_alloc : memref<!tpu.dma_semaphore, #tpu.memory_space<semaphore_mem>>
      %dma_start3A_77 = arith.constant 0 : i32
      %dma_start3A_78 = tpu.memref_slice %arg11[%arg0, %add3A_39, %dma_start3A_77] : memref<2x10240x16xf32, #tpu.memory_space<hbm>> -> memref<1x128x16xf32, #tpu.memory_space<hbm>>
      %dma_start3A_79 = tpu.memref_squeeze %dma_start3A_78 : memref<1x128x16xf32, #tpu.memory_space<hbm>> -> memref<128x16xf32, #tpu.memory_space<hbm>>
      %dma_start3A_80 = arith.constant 0 : i32
      %dma_start3A_81 = tpu.memref_slice %arg11[%arg0, %add3A_39, %dma_start3A_80] : memref<2x10240x16xf32, #tpu.memory_space<hbm>> -> memref<1x128x16xf32, #tpu.memory_space<hbm>>
      %dma_start3A_82 = tpu.memref_squeeze %dma_start3A_81 : memref<1x128x16xf32, #tpu.memory_space<hbm>> -> memref<128x16xf32, #tpu.memory_space<hbm>>
      tpu.enqueue_dma source(%arg21 : memref<128x16xf32, #tpu.memory_space<vmem>>) target(%dma_start3A_82 : memref<128x16xf32, #tpu.memory_space<hbm>>) target_semaphore(%run_scoped3A : memref<!tpu.dma_semaphore, #tpu.memory_space<semaphore_mem>>)
      %dma_wait3A = arith.constant 0 : i32
      %dma_wait3A_83 = tpu.memref_slice %arg11[%arg0, %add3A_39, %dma_wait3A] : memref<2x10240x16xf32, #tpu.memory_space<hbm>> -> memref<1x128x16xf32, #tpu.memory_space<hbm>>
      %dma_wait3A_84 = tpu.memref_squeeze %dma_wait3A_83 : memref<1x128x16xf32, #tpu.memory_space<hbm>> -> memref<128x16xf32, #tpu.memory_space<hbm>>
      %dma_wait3A_85 = arith.constant 0 : i32
      %dma_wait3A_86 = tpu.memref_slice %arg11[%arg0, %add3A_39, %dma_wait3A_85] : memref<2x10240x16xf32, #tpu.memory_space<hbm>> -> memref<1x128x16xf32, #tpu.memory_space<hbm>>
      %dma_wait3A_87 = tpu.memref_squeeze %dma_wait3A_86 : memref<1x128x16xf32, #tpu.memory_space<hbm>> -> memref<128x16xf32, #tpu.memory_space<hbm>>
      tpu.wait_dma2 semaphore(%run_scoped3A : memref<!tpu.dma_semaphore, #tpu.memory_space<semaphore_mem>>) src(%arg21 : memref<128x16xf32, #tpu.memory_space<vmem>>) dst(%dma_wait3A_87 : memref<128x16xf32, #tpu.memory_space<hbm>>)
      tpu.yield
    }) : () -> ()
    %add3A_40 = arith.constant 512 : i32
    %add3A_41 = arith.addi %mul3A_0, %add3A_40 : i32
    "tpu.region"() ({
      %run_scoped3A = tpu.sem_alloc : memref<!tpu.dma_semaphore, #tpu.memory_space<semaphore_mem>>
      %dma_start3A_77 = arith.constant 0 : i32
      %dma_start3A_78 = tpu.memref_slice %arg19[%add3A_41, %dma_start3A_77] : memref<10240x64xf32, #tpu.memory_space<vmem_shared>> -> memref<128x64xf32, #tpu.memory_space<vmem_shared>>
      %dma_start3A_79 = arith.constant 0 : i32
      %dma_start3A_80 = tpu.memref_slice %arg19[%add3A_41, %dma_start3A_79] : memref<10240x64xf32, #tpu.memory_space<vmem_shared>> -> memref<128x64xf32, #tpu.memory_space<vmem_shared>>
      tpu.enqueue_dma source(%dma_start3A_80 : memref<128x64xf32, #tpu.memory_space<vmem_shared>>) target(%arg16 : memref<128x64xf32, #tpu.memory_space<vmem>>) target_semaphore(%run_scoped3A : memref<!tpu.dma_semaphore, #tpu.memory_space<semaphore_mem>>)
      %dma_wait3A = arith.constant 0 : i32
      %dma_wait3A_81 = tpu.memref_slice %arg19[%add3A_41, %dma_wait3A] : memref<10240x64xf32, #tpu.memory_space<vmem_shared>> -> memref<128x64xf32, #tpu.memory_space<vmem_shared>>
      %dma_wait3A_82 = arith.constant 0 : i32
      %dma_wait3A_83 = tpu.memref_slice %arg19[%add3A_41, %dma_wait3A_82] : memref<10240x64xf32, #tpu.memory_space<vmem_shared>> -> memref<128x64xf32, #tpu.memory_space<vmem_shared>>
      tpu.wait_dma2 semaphore(%run_scoped3A : memref<!tpu.dma_semaphore, #tpu.memory_space<semaphore_mem>>) src(%dma_wait3A_83 : memref<128x64xf32, #tpu.memory_space<vmem_shared>>) dst(%arg16 : memref<128x64xf32, #tpu.memory_space<vmem>>)
      tpu.yield
    }) : () -> ()
    "tpu.region"() ({
      %run_scoped3A = tpu.sem_alloc : memref<!tpu.dma_semaphore, #tpu.memory_space<semaphore_mem>>
      %dma_start3A_77 = arith.constant 0 : i32
      %dma_start3A_78 = tpu.memref_slice %arg9[%arg0, %add3A_41, %dma_start3A_77] : memref<2x10240x64xf32, #tpu.memory_space<hbm>> -> memref<1x128x64xf32, #tpu.memory_space<hbm>>
      %dma_start3A_79 = tpu.memref_squeeze %dma_start3A_78 : memref<1x128x64xf32, #tpu.memory_space<hbm>> -> memref<128x64xf32, #tpu.memory_space<hbm>>
      %dma_start3A_80 = arith.constant 0 : i32
      %dma_start3A_81 = tpu.memref_slice %arg9[%arg0, %add3A_41, %dma_start3A_80] : memref<2x10240x64xf32, #tpu.memory_space<hbm>> -> memref<1x128x64xf32, #tpu.memory_space<hbm>>
      %dma_start3A_82 = tpu.memref_squeeze %dma_start3A_81 : memref<1x128x64xf32, #tpu.memory_space<hbm>> -> memref<128x64xf32, #tpu.memory_space<hbm>>
      tpu.enqueue_dma source(%arg16 : memref<128x64xf32, #tpu.memory_space<vmem>>) target(%dma_start3A_82 : memref<128x64xf32, #tpu.memory_space<hbm>>) target_semaphore(%run_scoped3A : memref<!tpu.dma_semaphore, #tpu.memory_space<semaphore_mem>>)
      %dma_wait3A = arith.constant 0 : i32
      %dma_wait3A_83 = tpu.memref_slice %arg9[%arg0, %add3A_41, %dma_wait3A] : memref<2x10240x64xf32, #tpu.memory_space<hbm>> -> memref<1x128x64xf32, #tpu.memory_space<hbm>>
      %dma_wait3A_84 = tpu.memref_squeeze %dma_wait3A_83 : memref<1x128x64xf32, #tpu.memory_space<hbm>> -> memref<128x64xf32, #tpu.memory_space<hbm>>
      %dma_wait3A_85 = arith.constant 0 : i32
      %dma_wait3A_86 = tpu.memref_slice %arg9[%arg0, %add3A_41, %dma_wait3A_85] : memref<2x10240x64xf32, #tpu.memory_space<hbm>> -> memref<1x128x64xf32, #tpu.memory_space<hbm>>
      %dma_wait3A_87 = tpu.memref_squeeze %dma_wait3A_86 : memref<1x128x64xf32, #tpu.memory_space<hbm>> -> memref<128x64xf32, #tpu.memory_space<hbm>>
      tpu.wait_dma2 semaphore(%run_scoped3A : memref<!tpu.dma_semaphore, #tpu.memory_space<semaphore_mem>>) src(%arg16 : memref<128x64xf32, #tpu.memory_space<vmem>>) dst(%dma_wait3A_87 : memref<128x64xf32, #tpu.memory_space<hbm>>)
      tpu.yield
    }) : () -> ()
    "tpu.region"() ({
      %run_scoped3A = tpu.sem_alloc : memref<!tpu.dma_semaphore, #tpu.memory_space<semaphore_mem>>
      %dma_start3A_77 = arith.constant 0 : i32
      %dma_start3A_78 = tpu.memref_slice %arg22[%add3A_41, %dma_start3A_77] : memref<10240x16xf32, #tpu.memory_space<vmem_shared>> -> memref<128x16xf32, #tpu.memory_space<vmem_shared>>
      %dma_start3A_79 = arith.constant 0 : i32
      %dma_start3A_80 = tpu.memref_slice %arg22[%add3A_41, %dma_start3A_79] : memref<10240x16xf32, #tpu.memory_space<vmem_shared>> -> memref<128x16xf32, #tpu.memory_space<vmem_shared>>
      tpu.enqueue_dma source(%dma_start3A_80 : memref<128x16xf32, #tpu.memory_space<vmem_shared>>) target(%arg21 : memref<128x16xf32, #tpu.memory_space<vmem>>) target_semaphore(%run_scoped3A : memref<!tpu.dma_semaphore, #tpu.memory_space<semaphore_mem>>)
      %dma_wait3A = arith.constant 0 : i32
      %dma_wait3A_81 = tpu.memref_slice %arg22[%add3A_41, %dma_wait3A] : memref<10240x16xf32, #tpu.memory_space<vmem_shared>> -> memref<128x16xf32, #tpu.memory_space<vmem_shared>>
      %dma_wait3A_82 = arith.constant 0 : i32
      %dma_wait3A_83 = tpu.memref_slice %arg22[%add3A_41, %dma_wait3A_82] : memref<10240x16xf32, #tpu.memory_space<vmem_shared>> -> memref<128x16xf32, #tpu.memory_space<vmem_shared>>
      tpu.wait_dma2 semaphore(%run_scoped3A : memref<!tpu.dma_semaphore, #tpu.memory_space<semaphore_mem>>) src(%dma_wait3A_83 : memref<128x16xf32, #tpu.memory_space<vmem_shared>>) dst(%arg21 : memref<128x16xf32, #tpu.memory_space<vmem>>)
      tpu.yield
    }) : () -> ()
    "tpu.region"() ({
      %run_scoped3A = tpu.sem_alloc : memref<!tpu.dma_semaphore, #tpu.memory_space<semaphore_mem>>
      %dma_start3A_77 = arith.constant 0 : i32
      %dma_start3A_78 = tpu.memref_slice %arg11[%arg0, %add3A_41, %dma_start3A_77] : memref<2x10240x16xf32, #tpu.memory_space<hbm>> -> memref<1x128x16xf32, #tpu.memory_space<hbm>>
      %dma_start3A_79 = tpu.memref_squeeze %dma_start3A_78 : memref<1x128x16xf32, #tpu.memory_space<hbm>> -> memref<128x16xf32, #tpu.memory_space<hbm>>
      %dma_start3A_80 = arith.constant 0 : i32
      %dma_start3A_81 = tpu.memref_slice %arg11[%arg0, %add3A_41, %dma_start3A_80] : memref<2x10240x16xf32, #tpu.memory_space<hbm>> -> memref<1x128x16xf32, #tpu.memory_space<hbm>>
      %dma_start3A_82 = tpu.memref_squeeze %dma_start3A_81 : memref<1x128x16xf32, #tpu.memory_space<hbm>> -> memref<128x16xf32, #tpu.memory_space<hbm>>
      tpu.enqueue_dma source(%arg21 : memref<128x16xf32, #tpu.memory_space<vmem>>) target(%dma_start3A_82 : memref<128x16xf32, #tpu.memory_space<hbm>>) target_semaphore(%run_scoped3A : memref<!tpu.dma_semaphore, #tpu.memory_space<semaphore_mem>>)
      %dma_wait3A = arith.constant 0 : i32
      %dma_wait3A_83 = tpu.memref_slice %arg11[%arg0, %add3A_41, %dma_wait3A] : memref<2x10240x16xf32, #tpu.memory_space<hbm>> -> memref<1x128x16xf32, #tpu.memory_space<hbm>>
      %dma_wait3A_84 = tpu.memref_squeeze %dma_wait3A_83 : memref<1x128x16xf32, #tpu.memory_space<hbm>> -> memref<128x16xf32, #tpu.memory_space<hbm>>
      %dma_wait3A_85 = arith.constant 0 : i32
      %dma_wait3A_86 = tpu.memref_slice %arg11[%arg0, %add3A_41, %dma_wait3A_85] : memref<2x10240x16xf32, #tpu.memory_space<hbm>> -> memref<1x128x16xf32, #tpu.memory_space<hbm>>
      %dma_wait3A_87 = tpu.memref_squeeze %dma_wait3A_86 : memref<1x128x16xf32, #tpu.memory_space<hbm>> -> memref<128x16xf32, #tpu.memory_space<hbm>>
      tpu.wait_dma2 semaphore(%run_scoped3A : memref<!tpu.dma_semaphore, #tpu.memory_space<semaphore_mem>>) src(%arg21 : memref<128x16xf32, #tpu.memory_space<vmem>>) dst(%dma_wait3A_87 : memref<128x16xf32, #tpu.memory_space<hbm>>)
      tpu.yield
    }) : () -> ()
    "tpu.region"() ({
      %run_scoped3A = tpu.sem_alloc : memref<!tpu.dma_semaphore, #tpu.memory_space<semaphore_mem>>
      tpu.enqueue_dma source(%arg6 : memref<128x64xf32, #tpu.memory_space<hbm>>) target(%arg16 : memref<128x64xf32, #tpu.memory_space<vmem>>) target_semaphore(%run_scoped3A : memref<!tpu.dma_semaphore, #tpu.memory_space<semaphore_mem>>)
      tpu.wait_dma2 semaphore(%run_scoped3A : memref<!tpu.dma_semaphore, #tpu.memory_space<semaphore_mem>>) src(%arg6 : memref<128x64xf32, #tpu.memory_space<hbm>>) dst(%arg16 : memref<128x64xf32, #tpu.memory_space<vmem>>)
      tpu.yield
    }) : () -> ()
    %add3A_42 = arith.constant 0 : i32
    %add3A_43 = arith.addi %mul3A_0, %add3A_42 : i32
    "tpu.region"() ({
      %run_scoped3A = tpu.sem_alloc : memref<!tpu.dma_semaphore, #tpu.memory_space<semaphore_mem>>
      %dma_start3A_77 = arith.constant 0 : i32
      %dma_start3A_78 = tpu.memref_slice %arg19[%add3A_43, %dma_start3A_77] : memref<10240x64xf32, #tpu.memory_space<vmem_shared>> -> memref<128x64xf32, #tpu.memory_space<vmem_shared>>
      %dma_start3A_79 = arith.constant 0 : i32
      %dma_start3A_80 = tpu.memref_slice %arg19[%add3A_43, %dma_start3A_79] : memref<10240x64xf32, #tpu.memory_space<vmem_shared>> -> memref<128x64xf32, #tpu.memory_space<vmem_shared>>
      tpu.enqueue_dma source(%arg16 : memref<128x64xf32, #tpu.memory_space<vmem>>) target(%dma_start3A_80 : memref<128x64xf32, #tpu.memory_space<vmem_shared>>) target_semaphore(%run_scoped3A : memref<!tpu.dma_semaphore, #tpu.memory_space<semaphore_mem>>)
      %dma_wait3A = arith.constant 0 : i32
      %dma_wait3A_81 = tpu.memref_slice %arg19[%add3A_43, %dma_wait3A] : memref<10240x64xf32, #tpu.memory_space<vmem_shared>> -> memref<128x64xf32, #tpu.memory_space<vmem_shared>>
      %dma_wait3A_82 = arith.constant 0 : i32
      %dma_wait3A_83 = tpu.memref_slice %arg19[%add3A_43, %dma_wait3A_82] : memref<10240x64xf32, #tpu.memory_space<vmem_shared>> -> memref<128x64xf32, #tpu.memory_space<vmem_shared>>
      tpu.wait_dma2 semaphore(%run_scoped3A : memref<!tpu.dma_semaphore, #tpu.memory_space<semaphore_mem>>) src(%arg16 : memref<128x64xf32, #tpu.memory_space<vmem>>) dst(%dma_wait3A_83 : memref<128x64xf32, #tpu.memory_space<vmem_shared>>)
      tpu.yield
    }) : () -> ()
    %add3A_44 = arith.constant 128 : i32
    %add3A_45 = arith.addi %mul3A_0, %add3A_44 : i32
    "tpu.region"() ({
      %run_scoped3A = tpu.sem_alloc : memref<!tpu.dma_semaphore, #tpu.memory_space<semaphore_mem>>
      %dma_start3A_77 = arith.constant 0 : i32
      %dma_start3A_78 = tpu.memref_slice %arg19[%add3A_45, %dma_start3A_77] : memref<10240x64xf32, #tpu.memory_space<vmem_shared>> -> memref<128x64xf32, #tpu.memory_space<vmem_shared>>
      %dma_start3A_79 = arith.constant 0 : i32
      %dma_start3A_80 = tpu.memref_slice %arg19[%add3A_45, %dma_start3A_79] : memref<10240x64xf32, #tpu.memory_space<vmem_shared>> -> memref<128x64xf32, #tpu.memory_space<vmem_shared>>
      tpu.enqueue_dma source(%arg16 : memref<128x64xf32, #tpu.memory_space<vmem>>) target(%dma_start3A_80 : memref<128x64xf32, #tpu.memory_space<vmem_shared>>) target_semaphore(%run_scoped3A : memref<!tpu.dma_semaphore, #tpu.memory_space<semaphore_mem>>)
      %dma_wait3A = arith.constant 0 : i32
      %dma_wait3A_81 = tpu.memref_slice %arg19[%add3A_45, %dma_wait3A] : memref<10240x64xf32, #tpu.memory_space<vmem_shared>> -> memref<128x64xf32, #tpu.memory_space<vmem_shared>>
      %dma_wait3A_82 = arith.constant 0 : i32
      %dma_wait3A_83 = tpu.memref_slice %arg19[%add3A_45, %dma_wait3A_82] : memref<10240x64xf32, #tpu.memory_space<vmem_shared>> -> memref<128x64xf32, #tpu.memory_space<vmem_shared>>
      tpu.wait_dma2 semaphore(%run_scoped3A : memref<!tpu.dma_semaphore, #tpu.memory_space<semaphore_mem>>) src(%arg16 : memref<128x64xf32, #tpu.memory_space<vmem>>) dst(%dma_wait3A_83 : memref<128x64xf32, #tpu.memory_space<vmem_shared>>)
      tpu.yield
    }) : () -> ()
    %add3A_46 = arith.constant 256 : i32
    %add3A_47 = arith.addi %mul3A_0, %add3A_46 : i32
    "tpu.region"() ({
      %run_scoped3A = tpu.sem_alloc : memref<!tpu.dma_semaphore, #tpu.memory_space<semaphore_mem>>
      %dma_start3A_77 = arith.constant 0 : i32
      %dma_start3A_78 = tpu.memref_slice %arg19[%add3A_47, %dma_start3A_77] : memref<10240x64xf32, #tpu.memory_space<vmem_shared>> -> memref<128x64xf32, #tpu.memory_space<vmem_shared>>
      %dma_start3A_79 = arith.constant 0 : i32
      %dma_start3A_80 = tpu.memref_slice %arg19[%add3A_47, %dma_start3A_79] : memref<10240x64xf32, #tpu.memory_space<vmem_shared>> -> memref<128x64xf32, #tpu.memory_space<vmem_shared>>
      tpu.enqueue_dma source(%arg16 : memref<128x64xf32, #tpu.memory_space<vmem>>) target(%dma_start3A_80 : memref<128x64xf32, #tpu.memory_space<vmem_shared>>) target_semaphore(%run_scoped3A : memref<!tpu.dma_semaphore, #tpu.memory_space<semaphore_mem>>)
      %dma_wait3A = arith.constant 0 : i32
      %dma_wait3A_81 = tpu.memref_slice %arg19[%add3A_47, %dma_wait3A] : memref<10240x64xf32, #tpu.memory_space<vmem_shared>> -> memref<128x64xf32, #tpu.memory_space<vmem_shared>>
      %dma_wait3A_82 = arith.constant 0 : i32
      %dma_wait3A_83 = tpu.memref_slice %arg19[%add3A_47, %dma_wait3A_82] : memref<10240x64xf32, #tpu.memory_space<vmem_shared>> -> memref<128x64xf32, #tpu.memory_space<vmem_shared>>
      tpu.wait_dma2 semaphore(%run_scoped3A : memref<!tpu.dma_semaphore, #tpu.memory_space<semaphore_mem>>) src(%arg16 : memref<128x64xf32, #tpu.memory_space<vmem>>) dst(%dma_wait3A_83 : memref<128x64xf32, #tpu.memory_space<vmem_shared>>)
      tpu.yield
    }) : () -> ()
    %add3A_48 = arith.constant 384 : i32
    %add3A_49 = arith.addi %mul3A_0, %add3A_48 : i32
    "tpu.region"() ({
      %run_scoped3A = tpu.sem_alloc : memref<!tpu.dma_semaphore, #tpu.memory_space<semaphore_mem>>
      %dma_start3A_77 = arith.constant 0 : i32
      %dma_start3A_78 = tpu.memref_slice %arg19[%add3A_49, %dma_start3A_77] : memref<10240x64xf32, #tpu.memory_space<vmem_shared>> -> memref<128x64xf32, #tpu.memory_space<vmem_shared>>
      %dma_start3A_79 = arith.constant 0 : i32
      %dma_start3A_80 = tpu.memref_slice %arg19[%add3A_49, %dma_start3A_79] : memref<10240x64xf32, #tpu.memory_space<vmem_shared>> -> memref<128x64xf32, #tpu.memory_space<vmem_shared>>
      tpu.enqueue_dma source(%arg16 : memref<128x64xf32, #tpu.memory_space<vmem>>) target(%dma_start3A_80 : memref<128x64xf32, #tpu.memory_space<vmem_shared>>) target_semaphore(%run_scoped3A : memref<!tpu.dma_semaphore, #tpu.memory_space<semaphore_mem>>)
      %dma_wait3A = arith.constant 0 : i32
      %dma_wait3A_81 = tpu.memref_slice %arg19[%add3A_49, %dma_wait3A] : memref<10240x64xf32, #tpu.memory_space<vmem_shared>> -> memref<128x64xf32, #tpu.memory_space<vmem_shared>>
      %dma_wait3A_82 = arith.constant 0 : i32
      %dma_wait3A_83 = tpu.memref_slice %arg19[%add3A_49, %dma_wait3A_82] : memref<10240x64xf32, #tpu.memory_space<vmem_shared>> -> memref<128x64xf32, #tpu.memory_space<vmem_shared>>
      tpu.wait_dma2 semaphore(%run_scoped3A : memref<!tpu.dma_semaphore, #tpu.memory_space<semaphore_mem>>) src(%arg16 : memref<128x64xf32, #tpu.memory_space<vmem>>) dst(%dma_wait3A_83 : memref<128x64xf32, #tpu.memory_space<vmem_shared>>)
      tpu.yield
    }) : () -> ()
    %add3A_50 = arith.constant 512 : i32
    %add3A_51 = arith.addi %mul3A_0, %add3A_50 : i32
    "tpu.region"() ({
      %run_scoped3A = tpu.sem_alloc : memref<!tpu.dma_semaphore, #tpu.memory_space<semaphore_mem>>
      %dma_start3A_77 = arith.constant 0 : i32
      %dma_start3A_78 = tpu.memref_slice %arg19[%add3A_51, %dma_start3A_77] : memref<10240x64xf32, #tpu.memory_space<vmem_shared>> -> memref<128x64xf32, #tpu.memory_space<vmem_shared>>
      %dma_start3A_79 = arith.constant 0 : i32
      %dma_start3A_80 = tpu.memref_slice %arg19[%add3A_51, %dma_start3A_79] : memref<10240x64xf32, #tpu.memory_space<vmem_shared>> -> memref<128x64xf32, #tpu.memory_space<vmem_shared>>
      tpu.enqueue_dma source(%arg16 : memref<128x64xf32, #tpu.memory_space<vmem>>) target(%dma_start3A_80 : memref<128x64xf32, #tpu.memory_space<vmem_shared>>) target_semaphore(%run_scoped3A : memref<!tpu.dma_semaphore, #tpu.memory_space<semaphore_mem>>)
      %dma_wait3A = arith.constant 0 : i32
      %dma_wait3A_81 = tpu.memref_slice %arg19[%add3A_51, %dma_wait3A] : memref<10240x64xf32, #tpu.memory_space<vmem_shared>> -> memref<128x64xf32, #tpu.memory_space<vmem_shared>>
      %dma_wait3A_82 = arith.constant 0 : i32
      %dma_wait3A_83 = tpu.memref_slice %arg19[%add3A_51, %dma_wait3A_82] : memref<10240x64xf32, #tpu.memory_space<vmem_shared>> -> memref<128x64xf32, #tpu.memory_space<vmem_shared>>
      tpu.wait_dma2 semaphore(%run_scoped3A : memref<!tpu.dma_semaphore, #tpu.memory_space<semaphore_mem>>) src(%arg16 : memref<128x64xf32, #tpu.memory_space<vmem>>) dst(%dma_wait3A_83 : memref<128x64xf32, #tpu.memory_space<vmem_shared>>)
      tpu.yield
    }) : () -> ()
    %barrier3A_52 = arith.constant 0 : index
    tpu.barrier barrier_id(%barrier3A_52)
    %dma_start3A_53 = arith.constant 0 : i32
    %dma_start3A_54 = arith.constant 0 : i32
    %dma_start3A_55 = tpu.memref_slice %arg12[%dma_start3A_53, %dma_start3A_54] : memref<80x125xi32, #tpu.memory_space<vmem>> -> memref<1x125xi32, #tpu.memory_space<vmem>>
    %dma_start3A_56 = tpu.memref_squeeze %dma_start3A_55 : memref<1x125xi32, #tpu.memory_space<vmem>> -> memref<125xi32, #tpu.memory_space<vmem>>
    %dma_start3A_57 = arith.constant 0 : i32
    %dma_start3A_58 = arith.constant 0 : i32
    %dma_start3A_59 = tpu.memref_slice %arg3[%dma_start3A_57, %dma_start3A_58] : memref<10000x64xf32, #tpu.memory_space<hbm>> -> memref<10000x64xf32, #tpu.memory_space<hbm>>
    tpu.enqueue_indirect_dma source(%dma_start3A_59 : memref<10000x64xf32, #tpu.memory_space<hbm>>) target(%arg14 : memref<125x64xf32, #tpu.memory_space<vmem>>) offsets(%dma_start3A_56 : memref<125xi32, #tpu.memory_space<vmem>>) semaphore(%arg17 : memref<!tpu.dma_semaphore, #tpu.memory_space<semaphore_mem>>)
    %scan3A_60 = arith.constant 0 : i32
    %scan3A_61 = arith.constant 0 : i32
    %scan3A_62 = arith.constant 40 : i32
    %scan3A_63 = arith.addi %scan3A_61, %scan3A_62 : i32
    %scan3A_64 = arith.constant 1 : i32
    scf.for %scan3A_77 = %scan3A_61 to %scan3A_63 step %scan3A_64  : i32 {
      %mul3A_78 = arith.constant 2 : i32
      %mul3A_79 = arith.muli %mul3A_78, %scan3A_77 : i32
      %add3A_80 = arith.constant 0 : i32
      %add3A_81 = arith.addi %mul3A_79, %add3A_80 : i32
      %add3A_82 = arith.constant 1 : i32
      %add3A_83 = arith.addi %add3A_81, %add3A_82 : i32
      %lt3A = arith.constant 80 : i32
      %lt3A_84 = arith.cmpi slt, %add3A_83, %lt3A : i32
      %convert_element_type3A = arith.extui %lt3A_84 : i1 to i32
      %cond3A = arith.constant 0 : i32
      %cond3A_85 = arith.cmpi ne, %convert_element_type3A, %cond3A : i32
      scf.if %cond3A_85 {
        %add3A_108 = arith.constant 1 : i32
        %add3A_109 = arith.addi %add3A_81, %add3A_108 : i32
        %dma_start3A_110 = arith.constant 0 : i32
        %dma_start3A_111 = tpu.memref_slice %arg12[%add3A_109, %dma_start3A_110] : memref<80x125xi32, #tpu.memory_space<vmem>> -> memref<1x125xi32, #tpu.memory_space<vmem>>
        %dma_start3A_112 = tpu.memref_squeeze %dma_start3A_111 : memref<1x125xi32, #tpu.memory_space<vmem>> -> memref<125xi32, #tpu.memory_space<vmem>>
        %dma_start3A_113 = arith.constant 0 : i32
        %dma_start3A_114 = arith.constant 0 : i32
        %dma_start3A_115 = tpu.memref_slice %arg3[%dma_start3A_113, %dma_start3A_114] : memref<10000x64xf32, #tpu.memory_space<hbm>> -> memref<10000x64xf32, #tpu.memory_space<hbm>>
        tpu.enqueue_indirect_dma source(%dma_start3A_115 : memref<10000x64xf32, #tpu.memory_space<hbm>>) target(%arg15 : memref<125x64xf32, #tpu.memory_space<vmem>>) offsets(%dma_start3A_112 : memref<125xi32, #tpu.memory_space<vmem>>) semaphore(%arg18 : memref<!tpu.dma_semaphore, #tpu.memory_space<semaphore_mem>>)
      } else {
      }
      %dma_wait3A = arith.constant 0 : i32
      %dma_wait3A_86 = tpu.memref_slice %arg12[%add3A_81, %dma_wait3A] : memref<80x125xi32, #tpu.memory_space<vmem>> -> memref<1x125xi32, #tpu.memory_space<vmem>>
      %dma_wait3A_87 = tpu.memref_squeeze %dma_wait3A_86 : memref<1x125xi32, #tpu.memory_space<vmem>> -> memref<125xi32, #tpu.memory_space<vmem>>
      %dma_wait3A_88 = arith.constant 0 : i32
      %dma_wait3A_89 = arith.constant 0 : i32
      %dma_wait3A_90 = tpu.memref_slice %arg3[%dma_wait3A_88, %dma_wait3A_89] : memref<10000x64xf32, #tpu.memory_space<hbm>> -> memref<10000x64xf32, #tpu.memory_space<hbm>>
      tpu.wait_indirect_dma semaphore(%arg17 : memref<!tpu.dma_semaphore, #tpu.memory_space<semaphore_mem>>) src(%dma_wait3A_90 : memref<10000x64xf32, #tpu.memory_space<hbm>>) dst(%arg14 : memref<125x64xf32, #tpu.memory_space<vmem>>)
      "tpu.region"() ({
        %run_scoped3A = tpu.sem_alloc : memref<!tpu.dma_semaphore, #tpu.memory_space<semaphore_mem>>
        %dma_start3A_108 = arith.constant 0 : i32
        %dma_start3A_109 = tpu.memref_slice %arg13[%add3A_81, %dma_start3A_108] : memref<80x125xi32, #tpu.memory_space<vmem>> -> memref<1x125xi32, #tpu.memory_space<vmem>>
        %dma_start3A_110 = tpu.memref_squeeze %dma_start3A_109 : memref<1x125xi32, #tpu.memory_space<vmem>> -> memref<125xi32, #tpu.memory_space<vmem>>
        %dma_start3A_111 = arith.constant 0 : i32
        %dma_start3A_112 = arith.constant 0 : i32
        %dma_start3A_113 = tpu.memref_slice %arg19[%dma_start3A_111, %dma_start3A_112] : memref<10240x64xf32, #tpu.memory_space<vmem_shared>> -> memref<10240x64xf32, #tpu.memory_space<vmem_shared>>
        tpu.enqueue_indirect_dma source(%arg14 : memref<125x64xf32, #tpu.memory_space<vmem>>) target(%dma_start3A_113 : memref<10240x64xf32, #tpu.memory_space<vmem_shared>>) offsets(%dma_start3A_110 : memref<125xi32, #tpu.memory_space<vmem>>) semaphore(%run_scoped3A : memref<!tpu.dma_semaphore, #tpu.memory_space<semaphore_mem>>) {add = true}
        %dma_wait3A_114 = arith.constant 0 : i32
        %dma_wait3A_115 = tpu.memref_slice %arg13[%add3A_81, %dma_wait3A_114] : memref<80x125xi32, #tpu.memory_space<vmem>> -> memref<1x125xi32, #tpu.memory_space<vmem>>
        %dma_wait3A_116 = tpu.memref_squeeze %dma_wait3A_115 : memref<1x125xi32, #tpu.memory_space<vmem>> -> memref<125xi32, #tpu.memory_space<vmem>>
        %dma_wait3A_117 = arith.constant 0 : i32
        %dma_wait3A_118 = arith.constant 0 : i32
        %dma_wait3A_119 = tpu.memref_slice %arg19[%dma_wait3A_117, %dma_wait3A_118] : memref<10240x64xf32, #tpu.memory_space<vmem_shared>> -> memref<10240x64xf32, #tpu.memory_space<vmem_shared>>
        tpu.wait_indirect_dma semaphore(%run_scoped3A : memref<!tpu.dma_semaphore, #tpu.memory_space<semaphore_mem>>) src(%arg14 : memref<125x64xf32, #tpu.memory_space<vmem>>) dst(%dma_wait3A_119 : memref<10240x64xf32, #tpu.memory_space<vmem_shared>>)
        tpu.yield
      }) : () -> ()
      %mul3A_91 = arith.constant 2 : i32
      %mul3A_92 = arith.muli %mul3A_91, %scan3A_77 : i32
      %add3A_93 = arith.constant 1 : i32
      %add3A_94 = arith.addi %mul3A_92, %add3A_93 : i32
      %add3A_95 = arith.constant 1 : i32
      %add3A_96 = arith.addi %add3A_94, %add3A_95 : i32
      %lt3A_97 = arith.constant 80 : i32
      %lt3A_98 = arith.cmpi slt, %add3A_96, %lt3A_97 : i32
      %convert_element_type3A_99 = arith.extui %lt3A_98 : i1 to i32
      %cond3A_100 = arith.constant 0 : i32
      %cond3A_101 = arith.cmpi ne, %convert_element_type3A_99, %cond3A_100 : i32
      scf.if %cond3A_101 {
        %add3A_108 = arith.constant 1 : i32
        %add3A_109 = arith.addi %add3A_94, %add3A_108 : i32
        %dma_start3A_110 = arith.constant 0 : i32
        %dma_start3A_111 = tpu.memref_slice %arg12[%add3A_109, %dma_start3A_110] : memref<80x125xi32, #tpu.memory_space<vmem>> -> memref<1x125xi32, #tpu.memory_space<vmem>>
        %dma_start3A_112 = tpu.memref_squeeze %dma_start3A_111 : memref<1x125xi32, #tpu.memory_space<vmem>> -> memref<125xi32, #tpu.memory_space<vmem>>
        %dma_start3A_113 = arith.constant 0 : i32
        %dma_start3A_114 = arith.constant 0 : i32
        %dma_start3A_115 = tpu.memref_slice %arg3[%dma_start3A_113, %dma_start3A_114] : memref<10000x64xf32, #tpu.memory_space<hbm>> -> memref<10000x64xf32, #tpu.memory_space<hbm>>
        tpu.enqueue_indirect_dma source(%dma_start3A_115 : memref<10000x64xf32, #tpu.memory_space<hbm>>) target(%arg14 : memref<125x64xf32, #tpu.memory_space<vmem>>) offsets(%dma_start3A_112 : memref<125xi32, #tpu.memory_space<vmem>>) semaphore(%arg17 : memref<!tpu.dma_semaphore, #tpu.memory_space<semaphore_mem>>)
      } else {
      }
      %dma_wait3A_102 = arith.constant 0 : i32
      %dma_wait3A_103 = tpu.memref_slice %arg12[%add3A_94, %dma_wait3A_102] : memref<80x125xi32, #tpu.memory_space<vmem>> -> memref<1x125xi32, #tpu.memory_space<vmem>>
      %dma_wait3A_104 = tpu.memref_squeeze %dma_wait3A_103 : memref<1x125xi32, #tpu.memory_space<vmem>> -> memref<125xi32, #tpu.memory_space<vmem>>
      %dma_wait3A_105 = arith.constant 0 : i32
      %dma_wait3A_106 = arith.constant 0 : i32
      %dma_wait3A_107 = tpu.memref_slice %arg3[%dma_wait3A_105, %dma_wait3A_106] : memref<10000x64xf32, #tpu.memory_space<hbm>> -> memref<10000x64xf32, #tpu.memory_space<hbm>>
      tpu.wait_indirect_dma semaphore(%arg18 : memref<!tpu.dma_semaphore, #tpu.memory_space<semaphore_mem>>) src(%dma_wait3A_107 : memref<10000x64xf32, #tpu.memory_space<hbm>>) dst(%arg15 : memref<125x64xf32, #tpu.memory_space<vmem>>)
      "tpu.region"() ({
        %run_scoped3A = tpu.sem_alloc : memref<!tpu.dma_semaphore, #tpu.memory_space<semaphore_mem>>
        %dma_start3A_108 = arith.constant 0 : i32
        %dma_start3A_109 = tpu.memref_slice %arg13[%add3A_94, %dma_start3A_108] : memref<80x125xi32, #tpu.memory_space<vmem>> -> memref<1x125xi32, #tpu.memory_space<vmem>>
        %dma_start3A_110 = tpu.memref_squeeze %dma_start3A_109 : memref<1x125xi32, #tpu.memory_space<vmem>> -> memref<125xi32, #tpu.memory_space<vmem>>
        %dma_start3A_111 = arith.constant 0 : i32
        %dma_start3A_112 = arith.constant 0 : i32
        %dma_start3A_113 = tpu.memref_slice %arg19[%dma_start3A_111, %dma_start3A_112] : memref<10240x64xf32, #tpu.memory_space<vmem_shared>> -> memref<10240x64xf32, #tpu.memory_space<vmem_shared>>
        tpu.enqueue_indirect_dma source(%arg15 : memref<125x64xf32, #tpu.memory_space<vmem>>) target(%dma_start3A_113 : memref<10240x64xf32, #tpu.memory_space<vmem_shared>>) offsets(%dma_start3A_110 : memref<125xi32, #tpu.memory_space<vmem>>) semaphore(%run_scoped3A : memref<!tpu.dma_semaphore, #tpu.memory_space<semaphore_mem>>) {add = true}
        %dma_wait3A_114 = arith.constant 0 : i32
        %dma_wait3A_115 = tpu.memref_slice %arg13[%add3A_94, %dma_wait3A_114] : memref<80x125xi32, #tpu.memory_space<vmem>> -> memref<1x125xi32, #tpu.memory_space<vmem>>
        %dma_wait3A_116 = tpu.memref_squeeze %dma_wait3A_115 : memref<1x125xi32, #tpu.memory_space<vmem>> -> memref<125xi32, #tpu.memory_space<vmem>>
        %dma_wait3A_117 = arith.constant 0 : i32
        %dma_wait3A_118 = arith.constant 0 : i32
        %dma_wait3A_119 = tpu.memref_slice %arg19[%dma_wait3A_117, %dma_wait3A_118] : memref<10240x64xf32, #tpu.memory_space<vmem_shared>> -> memref<10240x64xf32, #tpu.memory_space<vmem_shared>>
        tpu.wait_indirect_dma semaphore(%run_scoped3A : memref<!tpu.dma_semaphore, #tpu.memory_space<semaphore_mem>>) src(%arg15 : memref<125x64xf32, #tpu.memory_space<vmem>>) dst(%dma_wait3A_119 : memref<10240x64xf32, #tpu.memory_space<vmem_shared>>)
        tpu.yield
      }) : () -> ()
    }
    %scan3A_65 = arith.constant 40 : i32
    %barrier3A_66 = arith.constant 0 : index
    tpu.barrier barrier_id(%barrier3A_66)
    %add3A_67 = arith.constant 0 : i32
    %add3A_68 = arith.addi %mul3A_0, %add3A_67 : i32
    "tpu.region"() ({
      %run_scoped3A = tpu.sem_alloc : memref<!tpu.dma_semaphore, #tpu.memory_space<semaphore_mem>>
      %dma_start3A_77 = arith.constant 0 : i32
      %dma_start3A_78 = tpu.memref_slice %arg19[%add3A_68, %dma_start3A_77] : memref<10240x64xf32, #tpu.memory_space<vmem_shared>> -> memref<128x64xf32, #tpu.memory_space<vmem_shared>>
      %dma_start3A_79 = arith.constant 0 : i32
      %dma_start3A_80 = tpu.memref_slice %arg19[%add3A_68, %dma_start3A_79] : memref<10240x64xf32, #tpu.memory_space<vmem_shared>> -> memref<128x64xf32, #tpu.memory_space<vmem_shared>>
      tpu.enqueue_dma source(%dma_start3A_80 : memref<128x64xf32, #tpu.memory_space<vmem_shared>>) target(%arg16 : memref<128x64xf32, #tpu.memory_space<vmem>>) target_semaphore(%run_scoped3A : memref<!tpu.dma_semaphore, #tpu.memory_space<semaphore_mem>>)
      %dma_wait3A = arith.constant 0 : i32
      %dma_wait3A_81 = tpu.memref_slice %arg19[%add3A_68, %dma_wait3A] : memref<10240x64xf32, #tpu.memory_space<vmem_shared>> -> memref<128x64xf32, #tpu.memory_space<vmem_shared>>
      %dma_wait3A_82 = arith.constant 0 : i32
      %dma_wait3A_83 = tpu.memref_slice %arg19[%add3A_68, %dma_wait3A_82] : memref<10240x64xf32, #tpu.memory_space<vmem_shared>> -> memref<128x64xf32, #tpu.memory_space<vmem_shared>>
      tpu.wait_dma2 semaphore(%run_scoped3A : memref<!tpu.dma_semaphore, #tpu.memory_space<semaphore_mem>>) src(%dma_wait3A_83 : memref<128x64xf32, #tpu.memory_space<vmem_shared>>) dst(%arg16 : memref<128x64xf32, #tpu.memory_space<vmem>>)
      tpu.yield
    }) : () -> ()
    "tpu.region"() ({
      %run_scoped3A = tpu.sem_alloc : memref<!tpu.dma_semaphore, #tpu.memory_space<semaphore_mem>>
      %dma_start3A_77 = arith.constant 0 : i32
      %dma_start3A_78 = tpu.memref_slice %arg10[%arg0, %add3A_68, %dma_start3A_77] : memref<2x10240x64xf32, #tpu.memory_space<hbm>> -> memref<1x128x64xf32, #tpu.memory_space<hbm>>
      %dma_start3A_79 = tpu.memref_squeeze %dma_start3A_78 : memref<1x128x64xf32, #tpu.memory_space<hbm>> -> memref<128x64xf32, #tpu.memory_space<hbm>>
      %dma_start3A_80 = arith.constant 0 : i32
      %dma_start3A_81 = tpu.memref_slice %arg10[%arg0, %add3A_68, %dma_start3A_80] : memref<2x10240x64xf32, #tpu.memory_space<hbm>> -> memref<1x128x64xf32, #tpu.memory_space<hbm>>
      %dma_start3A_82 = tpu.memref_squeeze %dma_start3A_81 : memref<1x128x64xf32, #tpu.memory_space<hbm>> -> memref<128x64xf32, #tpu.memory_space<hbm>>
      tpu.enqueue_dma source(%arg16 : memref<128x64xf32, #tpu.memory_space<vmem>>) target(%dma_start3A_82 : memref<128x64xf32, #tpu.memory_space<hbm>>) target_semaphore(%run_scoped3A : memref<!tpu.dma_semaphore, #tpu.memory_space<semaphore_mem>>)
      %dma_wait3A = arith.constant 0 : i32
      %dma_wait3A_83 = tpu.memref_slice %arg10[%arg0, %add3A_68, %dma_wait3A] : memref<2x10240x64xf32, #tpu.memory_space<hbm>> -> memref<1x128x64xf32, #tpu.memory_space<hbm>>
      %dma_wait3A_84 = tpu.memref_squeeze %dma_wait3A_83 : memref<1x128x64xf32, #tpu.memory_space<hbm>> -> memref<128x64xf32, #tpu.memory_space<hbm>>
      %dma_wait3A_85 = arith.constant 0 : i32
      %dma_wait3A_86 = tpu.memref_slice %arg10[%arg0, %add3A_68, %dma_wait3A_85] : memref<2x10240x64xf32, #tpu.memory_space<hbm>> -> memref<1x128x64xf32, #tpu.memory_space<hbm>>
      %dma_wait3A_87 = tpu.memref_squeeze %dma_wait3A_86 : memref<1x128x64xf32, #tpu.memory_space<hbm>> -> memref<128x64xf32, #tpu.memory_space<hbm>>
      tpu.wait_dma2 semaphore(%run_scoped3A : memref<!tpu.dma_semaphore, #tpu.memory_space<semaphore_mem>>) src(%arg16 : memref<128x64xf32, #tpu.memory_space<vmem>>) dst(%dma_wait3A_87 : memref<128x64xf32, #tpu.memory_space<hbm>>)
      tpu.yield
    }) : () -> ()
    %add3A_69 = arith.constant 128 : i32
    %add3A_70 = arith.addi %mul3A_0, %add3A_69 : i32
    "tpu.region"() ({
      %run_scoped3A = tpu.sem_alloc : memref<!tpu.dma_semaphore, #tpu.memory_space<semaphore_mem>>
      %dma_start3A_77 = arith.constant 0 : i32
      %dma_start3A_78 = tpu.memref_slice %arg19[%add3A_70, %dma_start3A_77] : memref<10240x64xf32, #tpu.memory_space<vmem_shared>> -> memref<128x64xf32, #tpu.memory_space<vmem_shared>>
      %dma_start3A_79 = arith.constant 0 : i32
      %dma_start3A_80 = tpu.memref_slice %arg19[%add3A_70, %dma_start3A_79] : memref<10240x64xf32, #tpu.memory_space<vmem_shared>> -> memref<128x64xf32, #tpu.memory_space<vmem_shared>>
      tpu.enqueue_dma source(%dma_start3A_80 : memref<128x64xf32, #tpu.memory_space<vmem_shared>>) target(%arg16 : memref<128x64xf32, #tpu.memory_space<vmem>>) target_semaphore(%run_scoped3A : memref<!tpu.dma_semaphore, #tpu.memory_space<semaphore_mem>>)
      %dma_wait3A = arith.constant 0 : i32
      %dma_wait3A_81 = tpu.memref_slice %arg19[%add3A_70, %dma_wait3A] : memref<10240x64xf32, #tpu.memory_space<vmem_shared>> -> memref<128x64xf32, #tpu.memory_space<vmem_shared>>
      %dma_wait3A_82 = arith.constant 0 : i32
      %dma_wait3A_83 = tpu.memref_slice %arg19[%add3A_70, %dma_wait3A_82] : memref<10240x64xf32, #tpu.memory_space<vmem_shared>> -> memref<128x64xf32, #tpu.memory_space<vmem_shared>>
      tpu.wait_dma2 semaphore(%run_scoped3A : memref<!tpu.dma_semaphore, #tpu.memory_space<semaphore_mem>>) src(%dma_wait3A_83 : memref<128x64xf32, #tpu.memory_space<vmem_shared>>) dst(%arg16 : memref<128x64xf32, #tpu.memory_space<vmem>>)
      tpu.yield
    }) : () -> ()
    "tpu.region"() ({
      %run_scoped3A = tpu.sem_alloc : memref<!tpu.dma_semaphore, #tpu.memory_space<semaphore_mem>>
      %dma_start3A_77 = arith.constant 0 : i32
      %dma_start3A_78 = tpu.memref_slice %arg10[%arg0, %add3A_70, %dma_start3A_77] : memref<2x10240x64xf32, #tpu.memory_space<hbm>> -> memref<1x128x64xf32, #tpu.memory_space<hbm>>
      %dma_start3A_79 = tpu.memref_squeeze %dma_start3A_78 : memref<1x128x64xf32, #tpu.memory_space<hbm>> -> memref<128x64xf32, #tpu.memory_space<hbm>>
      %dma_start3A_80 = arith.constant 0 : i32
      %dma_start3A_81 = tpu.memref_slice %arg10[%arg0, %add3A_70, %dma_start3A_80] : memref<2x10240x64xf32, #tpu.memory_space<hbm>> -> memref<1x128x64xf32, #tpu.memory_space<hbm>>
      %dma_start3A_82 = tpu.memref_squeeze %dma_start3A_81 : memref<1x128x64xf32, #tpu.memory_space<hbm>> -> memref<128x64xf32, #tpu.memory_space<hbm>>
      tpu.enqueue_dma source(%arg16 : memref<128x64xf32, #tpu.memory_space<vmem>>) target(%dma_start3A_82 : memref<128x64xf32, #tpu.memory_space<hbm>>) target_semaphore(%run_scoped3A : memref<!tpu.dma_semaphore, #tpu.memory_space<semaphore_mem>>)
      %dma_wait3A = arith.constant 0 : i32
      %dma_wait3A_83 = tpu.memref_slice %arg10[%arg0, %add3A_70, %dma_wait3A] : memref<2x10240x64xf32, #tpu.memory_space<hbm>> -> memref<1x128x64xf32, #tpu.memory_space<hbm>>
      %dma_wait3A_84 = tpu.memref_squeeze %dma_wait3A_83 : memref<1x128x64xf32, #tpu.memory_space<hbm>> -> memref<128x64xf32, #tpu.memory_space<hbm>>
      %dma_wait3A_85 = arith.constant 0 : i32
      %dma_wait3A_86 = tpu.memref_slice %arg10[%arg0, %add3A_70, %dma_wait3A_85] : memref<2x10240x64xf32, #tpu.memory_space<hbm>> -> memref<1x128x64xf32, #tpu.memory_space<hbm>>
      %dma_wait3A_87 = tpu.memref_squeeze %dma_wait3A_86 : memref<1x128x64xf32, #tpu.memory_space<hbm>> -> memref<128x64xf32, #tpu.memory_space<hbm>>
      tpu.wait_dma2 semaphore(%run_scoped3A : memref<!tpu.dma_semaphore, #tpu.memory_space<semaphore_mem>>) src(%arg16 : memref<128x64xf32, #tpu.memory_space<vmem>>) dst(%dma_wait3A_87 : memref<128x64xf32, #tpu.memory_space<hbm>>)
      tpu.yield
    }) : () -> ()
    %add3A_71 = arith.constant 256 : i32
    %add3A_72 = arith.addi %mul3A_0, %add3A_71 : i32
    "tpu.region"() ({
      %run_scoped3A = tpu.sem_alloc : memref<!tpu.dma_semaphore, #tpu.memory_space<semaphore_mem>>
      %dma_start3A_77 = arith.constant 0 : i32
      %dma_start3A_78 = tpu.memref_slice %arg19[%add3A_72, %dma_start3A_77] : memref<10240x64xf32, #tpu.memory_space<vmem_shared>> -> memref<128x64xf32, #tpu.memory_space<vmem_shared>>
      %dma_start3A_79 = arith.constant 0 : i32
      %dma_start3A_80 = tpu.memref_slice %arg19[%add3A_72, %dma_start3A_79] : memref<10240x64xf32, #tpu.memory_space<vmem_shared>> -> memref<128x64xf32, #tpu.memory_space<vmem_shared>>
      tpu.enqueue_dma source(%dma_start3A_80 : memref<128x64xf32, #tpu.memory_space<vmem_shared>>) target(%arg16 : memref<128x64xf32, #tpu.memory_space<vmem>>) target_semaphore(%run_scoped3A : memref<!tpu.dma_semaphore, #tpu.memory_space<semaphore_mem>>)
      %dma_wait3A = arith.constant 0 : i32
      %dma_wait3A_81 = tpu.memref_slice %arg19[%add3A_72, %dma_wait3A] : memref<10240x64xf32, #tpu.memory_space<vmem_shared>> -> memref<128x64xf32, #tpu.memory_space<vmem_shared>>
      %dma_wait3A_82 = arith.constant 0 : i32
      %dma_wait3A_83 = tpu.memref_slice %arg19[%add3A_72, %dma_wait3A_82] : memref<10240x64xf32, #tpu.memory_space<vmem_shared>> -> memref<128x64xf32, #tpu.memory_space<vmem_shared>>
      tpu.wait_dma2 semaphore(%run_scoped3A : memref<!tpu.dma_semaphore, #tpu.memory_space<semaphore_mem>>) src(%dma_wait3A_83 : memref<128x64xf32, #tpu.memory_space<vmem_shared>>) dst(%arg16 : memref<128x64xf32, #tpu.memory_space<vmem>>)
      tpu.yield
    }) : () -> ()
    "tpu.region"() ({
      %run_scoped3A = tpu.sem_alloc : memref<!tpu.dma_semaphore, #tpu.memory_space<semaphore_mem>>
      %dma_start3A_77 = arith.constant 0 : i32
      %dma_start3A_78 = tpu.memref_slice %arg10[%arg0, %add3A_72, %dma_start3A_77] : memref<2x10240x64xf32, #tpu.memory_space<hbm>> -> memref<1x128x64xf32, #tpu.memory_space<hbm>>
      %dma_start3A_79 = tpu.memref_squeeze %dma_start3A_78 : memref<1x128x64xf32, #tpu.memory_space<hbm>> -> memref<128x64xf32, #tpu.memory_space<hbm>>
      %dma_start3A_80 = arith.constant 0 : i32
      %dma_start3A_81 = tpu.memref_slice %arg10[%arg0, %add3A_72, %dma_start3A_80] : memref<2x10240x64xf32, #tpu.memory_space<hbm>> -> memref<1x128x64xf32, #tpu.memory_space<hbm>>
      %dma_start3A_82 = tpu.memref_squeeze %dma_start3A_81 : memref<1x128x64xf32, #tpu.memory_space<hbm>> -> memref<128x64xf32, #tpu.memory_space<hbm>>
      tpu.enqueue_dma source(%arg16 : memref<128x64xf32, #tpu.memory_space<vmem>>) target(%dma_start3A_82 : memref<128x64xf32, #tpu.memory_space<hbm>>) target_semaphore(%run_scoped3A : memref<!tpu.dma_semaphore, #tpu.memory_space<semaphore_mem>>)
      %dma_wait3A = arith.constant 0 : i32
      %dma_wait3A_83 = tpu.memref_slice %arg10[%arg0, %add3A_72, %dma_wait3A] : memref<2x10240x64xf32, #tpu.memory_space<hbm>> -> memref<1x128x64xf32, #tpu.memory_space<hbm>>
      %dma_wait3A_84 = tpu.memref_squeeze %dma_wait3A_83 : memref<1x128x64xf32, #tpu.memory_space<hbm>> -> memref<128x64xf32, #tpu.memory_space<hbm>>
      %dma_wait3A_85 = arith.constant 0 : i32
      %dma_wait3A_86 = tpu.memref_slice %arg10[%arg0, %add3A_72, %dma_wait3A_85] : memref<2x10240x64xf32, #tpu.memory_space<hbm>> -> memref<1x128x64xf32, #tpu.memory_space<hbm>>
      %dma_wait3A_87 = tpu.memref_squeeze %dma_wait3A_86 : memref<1x128x64xf32, #tpu.memory_space<hbm>> -> memref<128x64xf32, #tpu.memory_space<hbm>>
      tpu.wait_dma2 semaphore(%run_scoped3A : memref<!tpu.dma_semaphore, #tpu.memory_space<semaphore_mem>>) src(%arg16 : memref<128x64xf32, #tpu.memory_space<vmem>>) dst(%dma_wait3A_87 : memref<128x64xf32, #tpu.memory_space<hbm>>)
      tpu.yield
    }) : () -> ()
    %add3A_73 = arith.constant 384 : i32
    %add3A_74 = arith.addi %mul3A_0, %add3A_73 : i32
    "tpu.region"() ({
      %run_scoped3A = tpu.sem_alloc : memref<!tpu.dma_semaphore, #tpu.memory_space<semaphore_mem>>
      %dma_start3A_77 = arith.constant 0 : i32
      %dma_start3A_78 = tpu.memref_slice %arg19[%add3A_74, %dma_start3A_77] : memref<10240x64xf32, #tpu.memory_space<vmem_shared>> -> memref<128x64xf32, #tpu.memory_space<vmem_shared>>
      %dma_start3A_79 = arith.constant 0 : i32
      %dma_start3A_80 = tpu.memref_slice %arg19[%add3A_74, %dma_start3A_79] : memref<10240x64xf32, #tpu.memory_space<vmem_shared>> -> memref<128x64xf32, #tpu.memory_space<vmem_shared>>
      tpu.enqueue_dma source(%dma_start3A_80 : memref<128x64xf32, #tpu.memory_space<vmem_shared>>) target(%arg16 : memref<128x64xf32, #tpu.memory_space<vmem>>) target_semaphore(%run_scoped3A : memref<!tpu.dma_semaphore, #tpu.memory_space<semaphore_mem>>)
      %dma_wait3A = arith.constant 0 : i32
      %dma_wait3A_81 = tpu.memref_slice %arg19[%add3A_74, %dma_wait3A] : memref<10240x64xf32, #tpu.memory_space<vmem_shared>> -> memref<128x64xf32, #tpu.memory_space<vmem_shared>>
      %dma_wait3A_82 = arith.constant 0 : i32
      %dma_wait3A_83 = tpu.memref_slice %arg19[%add3A_74, %dma_wait3A_82] : memref<10240x64xf32, #tpu.memory_space<vmem_shared>> -> memref<128x64xf32, #tpu.memory_space<vmem_shared>>
      tpu.wait_dma2 semaphore(%run_scoped3A : memref<!tpu.dma_semaphore, #tpu.memory_space<semaphore_mem>>) src(%dma_wait3A_83 : memref<128x64xf32, #tpu.memory_space<vmem_shared>>) dst(%arg16 : memref<128x64xf32, #tpu.memory_space<vmem>>)
      tpu.yield
    }) : () -> ()
    "tpu.region"() ({
      %run_scoped3A = tpu.sem_alloc : memref<!tpu.dma_semaphore, #tpu.memory_space<semaphore_mem>>
      %dma_start3A_77 = arith.constant 0 : i32
      %dma_start3A_78 = tpu.memref_slice %arg10[%arg0, %add3A_74, %dma_start3A_77] : memref<2x10240x64xf32, #tpu.memory_space<hbm>> -> memref<1x128x64xf32, #tpu.memory_space<hbm>>
      %dma_start3A_79 = tpu.memref_squeeze %dma_start3A_78 : memref<1x128x64xf32, #tpu.memory_space<hbm>> -> memref<128x64xf32, #tpu.memory_space<hbm>>
      %dma_start3A_80 = arith.constant 0 : i32
      %dma_start3A_81 = tpu.memref_slice %arg10[%arg0, %add3A_74, %dma_start3A_80] : memref<2x10240x64xf32, #tpu.memory_space<hbm>> -> memref<1x128x64xf32, #tpu.memory_space<hbm>>
      %dma_start3A_82 = tpu.memref_squeeze %dma_start3A_81 : memref<1x128x64xf32, #tpu.memory_space<hbm>> -> memref<128x64xf32, #tpu.memory_space<hbm>>
      tpu.enqueue_dma source(%arg16 : memref<128x64xf32, #tpu.memory_space<vmem>>) target(%dma_start3A_82 : memref<128x64xf32, #tpu.memory_space<hbm>>) target_semaphore(%run_scoped3A : memref<!tpu.dma_semaphore, #tpu.memory_space<semaphore_mem>>)
      %dma_wait3A = arith.constant 0 : i32
      %dma_wait3A_83 = tpu.memref_slice %arg10[%arg0, %add3A_74, %dma_wait3A] : memref<2x10240x64xf32, #tpu.memory_space<hbm>> -> memref<1x128x64xf32, #tpu.memory_space<hbm>>
      %dma_wait3A_84 = tpu.memref_squeeze %dma_wait3A_83 : memref<1x128x64xf32, #tpu.memory_space<hbm>> -> memref<128x64xf32, #tpu.memory_space<hbm>>
      %dma_wait3A_85 = arith.constant 0 : i32
      %dma_wait3A_86 = tpu.memref_slice %arg10[%arg0, %add3A_74, %dma_wait3A_85] : memref<2x10240x64xf32, #tpu.memory_space<hbm>> -> memref<1x128x64xf32, #tpu.memory_space<hbm>>
      %dma_wait3A_87 = tpu.memref_squeeze %dma_wait3A_86 : memref<1x128x64xf32, #tpu.memory_space<hbm>> -> memref<128x64xf32, #tpu.memory_space<hbm>>
      tpu.wait_dma2 semaphore(%run_scoped3A : memref<!tpu.dma_semaphore, #tpu.memory_space<semaphore_mem>>) src(%arg16 : memref<128x64xf32, #tpu.memory_space<vmem>>) dst(%dma_wait3A_87 : memref<128x64xf32, #tpu.memory_space<hbm>>)
      tpu.yield
    }) : () -> ()
    %add3A_75 = arith.constant 512 : i32
    %add3A_76 = arith.addi %mul3A_0, %add3A_75 : i32
    "tpu.region"() ({
      %run_scoped3A = tpu.sem_alloc : memref<!tpu.dma_semaphore, #tpu.memory_space<semaphore_mem>>
      %dma_start3A_77 = arith.constant 0 : i32
      %dma_start3A_78 = tpu.memref_slice %arg19[%add3A_76, %dma_start3A_77] : memref<10240x64xf32, #tpu.memory_space<vmem_shared>> -> memref<128x64xf32, #tpu.memory_space<vmem_shared>>
      %dma_start3A_79 = arith.constant 0 : i32
      %dma_start3A_80 = tpu.memref_slice %arg19[%add3A_76, %dma_start3A_79] : memref<10240x64xf32, #tpu.memory_space<vmem_shared>> -> memref<128x64xf32, #tpu.memory_space<vmem_shared>>
      tpu.enqueue_dma source(%dma_start3A_80 : memref<128x64xf32, #tpu.memory_space<vmem_shared>>) target(%arg16 : memref<128x64xf32, #tpu.memory_space<vmem>>) target_semaphore(%run_scoped3A : memref<!tpu.dma_semaphore, #tpu.memory_space<semaphore_mem>>)
      %dma_wait3A = arith.constant 0 : i32
      %dma_wait3A_81 = tpu.memref_slice %arg19[%add3A_76, %dma_wait3A] : memref<10240x64xf32, #tpu.memory_space<vmem_shared>> -> memref<128x64xf32, #tpu.memory_space<vmem_shared>>
      %dma_wait3A_82 = arith.constant 0 : i32
      %dma_wait3A_83 = tpu.memref_slice %arg19[%add3A_76, %dma_wait3A_82] : memref<10240x64xf32, #tpu.memory_space<vmem_shared>> -> memref<128x64xf32, #tpu.memory_space<vmem_shared>>
      tpu.wait_dma2 semaphore(%run_scoped3A : memref<!tpu.dma_semaphore, #tpu.memory_space<semaphore_mem>>) src(%dma_wait3A_83 : memref<128x64xf32, #tpu.memory_space<vmem_shared>>) dst(%arg16 : memref<128x64xf32, #tpu.memory_space<vmem>>)
      tpu.yield
    }) : () -> ()
    "tpu.region"() ({
      %run_scoped3A = tpu.sem_alloc : memref<!tpu.dma_semaphore, #tpu.memory_space<semaphore_mem>>
      %dma_start3A_77 = arith.constant 0 : i32
      %dma_start3A_78 = tpu.memref_slice %arg10[%arg0, %add3A_76, %dma_start3A_77] : memref<2x10240x64xf32, #tpu.memory_space<hbm>> -> memref<1x128x64xf32, #tpu.memory_space<hbm>>
      %dma_start3A_79 = tpu.memref_squeeze %dma_start3A_78 : memref<1x128x64xf32, #tpu.memory_space<hbm>> -> memref<128x64xf32, #tpu.memory_space<hbm>>
      %dma_start3A_80 = arith.constant 0 : i32
      %dma_start3A_81 = tpu.memref_slice %arg10[%arg0, %add3A_76, %dma_start3A_80] : memref<2x10240x64xf32, #tpu.memory_space<hbm>> -> memref<1x128x64xf32, #tpu.memory_space<hbm>>
      %dma_start3A_82 = tpu.memref_squeeze %dma_start3A_81 : memref<1x128x64xf32, #tpu.memory_space<hbm>> -> memref<128x64xf32, #tpu.memory_space<hbm>>
      tpu.enqueue_dma source(%arg16 : memref<128x64xf32, #tpu.memory_space<vmem>>) target(%dma_start3A_82 : memref<128x64xf32, #tpu.memory_space<hbm>>) target_semaphore(%run_scoped3A : memref<!tpu.dma_semaphore, #tpu.memory_space<semaphore_mem>>)
      %dma_wait3A = arith.constant 0 : i32
      %dma_wait3A_83 = tpu.memref_slice %arg10[%arg0, %add3A_76, %dma_wait3A] : memref<2x10240x64xf32, #tpu.memory_space<hbm>> -> memref<1x128x64xf32, #tpu.memory_space<hbm>>
      %dma_wait3A_84 = tpu.memref_squeeze %dma_wait3A_83 : memref<1x128x64xf32, #tpu.memory_space<hbm>> -> memref<128x64xf32, #tpu.memory_space<hbm>>
      %dma_wait3A_85 = arith.constant 0 : i32
      %dma_wait3A_86 = tpu.memref_slice %arg10[%arg0, %add3A_76, %dma_wait3A_85] : memref<2x10240x64xf32, #tpu.memory_space<hbm>> -> memref<1x128x64xf32, #tpu.memory_space<hbm>>
      %dma_wait3A_87 = tpu.memref_squeeze %dma_wait3A_86 : memref<1x128x64xf32, #tpu.memory_space<hbm>> -> memref<128x64xf32, #tpu.memory_space<hbm>>
      tpu.wait_dma2 semaphore(%run_scoped3A : memref<!tpu.dma_semaphore, #tpu.memory_space<semaphore_mem>>) src(%arg16 : memref<128x64xf32, #tpu.memory_space<vmem>>) dst(%dma_wait3A_87 : memref<128x64xf32, #tpu.memory_space<hbm>>)
      tpu.yield
    }) : () -> ()
    return
  }
}

#map = affine_map<(d0, d1) -> (0, 0)>
#map1 = affine_map<(d0, d1) -> (0, 0, 0, 0)>
#map2 = affine_map<(d0, d1) -> (0, 0, 0)>
module attributes {stable_mosaic.version = 14 : i64} {
  func.func @sc_kernel(%arg0: i32, %arg1: i32, %arg2: memref<10000x64xf32, #tpu.memory_space<hbm>>, %arg3: memref<2x16x80x125xi32, #tpu.memory_space<hbm>>, %arg4: memref<2x16x80x125xi32, #tpu.memory_space<hbm>>, %arg5: memref<128x64xf32, #tpu.memory_space<hbm>>, %arg6: memref<2x10240x64xf32, #tpu.memory_space<hbm>>, %arg7: memref<80x125xi32, #tpu.memory_space<vmem>>, %arg8: memref<80x125xi32, #tpu.memory_space<vmem>>, %arg9: memref<125x64xf32, #tpu.memory_space<vmem>>, %arg10: memref<125x64xf32, #tpu.memory_space<vmem>>, %arg11: memref<128x64xf32, #tpu.memory_space<vmem>>, %arg12: memref<!tpu.dma_semaphore, #tpu.memory_space<semaphore_mem>>, %arg13: memref<!tpu.dma_semaphore, #tpu.memory_space<semaphore_mem>>, %arg14: memref<10240x64xf32, #tpu.memory_space<vmem_shared>>) attributes {dimension_semantics = [#tpu.dimension_semantics<core_parallel>, #tpu.dimension_semantics<subcore_parallel>], iteration_bounds = array<i64: 2, 16>, scalar_prefetch = 0 : i64, scratch_operands = 8 : i64, tpu.core_type = #tpu.core_type<sc_vector_subcore>, window_params = [{transform_indices = #map}, {transform_indices = #map1}, {transform_indices = #map1}, {transform_indices = #map}, {transform_indices = #map2}]} {
    %mul3A = arith.constant 640 : i32
    %mul3A_0 = arith.muli %arg1, %mul3A : i32
    "tpu.region"() ({
      %run_scoped3A = tpu.sem_alloc : memref<!tpu.dma_semaphore, #tpu.memory_space<semaphore_mem>>
      tpu.enqueue_dma source(%arg5 : memref<128x64xf32, #tpu.memory_space<hbm>>) target(%arg11 : memref<128x64xf32, #tpu.memory_space<vmem>>) target_semaphore(%run_scoped3A : memref<!tpu.dma_semaphore, #tpu.memory_space<semaphore_mem>>)
      tpu.wait_dma2 semaphore(%run_scoped3A : memref<!tpu.dma_semaphore, #tpu.memory_space<semaphore_mem>>) src(%arg5 : memref<128x64xf32, #tpu.memory_space<hbm>>) dst(%arg11 : memref<128x64xf32, #tpu.memory_space<vmem>>)
      tpu.yield
    }) : () -> ()
    "tpu.region"() ({
      %run_scoped3A = tpu.sem_alloc : memref<!tpu.dma_semaphore, #tpu.memory_space<semaphore_mem>>
      %dma_start3A_32 = arith.constant 0 : i32
      %dma_start3A_33 = arith.constant 0 : i32
      %dma_start3A_34 = tpu.memref_slice %arg3[%arg0, %arg1, %dma_start3A_32, %dma_start3A_33] : memref<2x16x80x125xi32, #tpu.memory_space<hbm>> -> memref<1x1x80x125xi32, #tpu.memory_space<hbm>>
      %dma_start3A_35 = tpu.memref_squeeze %dma_start3A_34 : memref<1x1x80x125xi32, #tpu.memory_space<hbm>> -> memref<80x125xi32, #tpu.memory_space<hbm>>
      %dma_start3A_36 = arith.constant 0 : i32
      %dma_start3A_37 = arith.constant 0 : i32
      %dma_start3A_38 = tpu.memref_slice %arg3[%arg0, %arg1, %dma_start3A_36, %dma_start3A_37] : memref<2x16x80x125xi32, #tpu.memory_space<hbm>> -> memref<1x1x80x125xi32, #tpu.memory_space<hbm>>
      %dma_start3A_39 = tpu.memref_squeeze %dma_start3A_38 : memref<1x1x80x125xi32, #tpu.memory_space<hbm>> -> memref<80x125xi32, #tpu.memory_space<hbm>>
      tpu.enqueue_dma source(%dma_start3A_39 : memref<80x125xi32, #tpu.memory_space<hbm>>) target(%arg7 : memref<80x125xi32, #tpu.memory_space<vmem>>) target_semaphore(%run_scoped3A : memref<!tpu.dma_semaphore, #tpu.memory_space<semaphore_mem>>)
      %dma_wait3A = arith.constant 0 : i32
      %dma_wait3A_40 = arith.constant 0 : i32
      %dma_wait3A_41 = tpu.memref_slice %arg3[%arg0, %arg1, %dma_wait3A, %dma_wait3A_40] : memref<2x16x80x125xi32, #tpu.memory_space<hbm>> -> memref<1x1x80x125xi32, #tpu.memory_space<hbm>>
      %dma_wait3A_42 = tpu.memref_squeeze %dma_wait3A_41 : memref<1x1x80x125xi32, #tpu.memory_space<hbm>> -> memref<80x125xi32, #tpu.memory_space<hbm>>
      %dma_wait3A_43 = arith.constant 0 : i32
      %dma_wait3A_44 = arith.constant 0 : i32
      %dma_wait3A_45 = tpu.memref_slice %arg3[%arg0, %arg1, %dma_wait3A_43, %dma_wait3A_44] : memref<2x16x80x125xi32, #tpu.memory_space<hbm>> -> memref<1x1x80x125xi32, #tpu.memory_space<hbm>>
      %dma_wait3A_46 = tpu.memref_squeeze %dma_wait3A_45 : memref<1x1x80x125xi32, #tpu.memory_space<hbm>> -> memref<80x125xi32, #tpu.memory_space<hbm>>
      tpu.wait_dma2 semaphore(%run_scoped3A : memref<!tpu.dma_semaphore, #tpu.memory_space<semaphore_mem>>) src(%dma_wait3A_46 : memref<80x125xi32, #tpu.memory_space<hbm>>) dst(%arg7 : memref<80x125xi32, #tpu.memory_space<vmem>>)
      tpu.yield
    }) : () -> ()
    "tpu.region"() ({
      %run_scoped3A = tpu.sem_alloc : memref<!tpu.dma_semaphore, #tpu.memory_space<semaphore_mem>>
      %dma_start3A_32 = arith.constant 0 : i32
      %dma_start3A_33 = arith.constant 0 : i32
      %dma_start3A_34 = tpu.memref_slice %arg4[%arg0, %arg1, %dma_start3A_32, %dma_start3A_33] : memref<2x16x80x125xi32, #tpu.memory_space<hbm>> -> memref<1x1x80x125xi32, #tpu.memory_space<hbm>>
      %dma_start3A_35 = tpu.memref_squeeze %dma_start3A_34 : memref<1x1x80x125xi32, #tpu.memory_space<hbm>> -> memref<80x125xi32, #tpu.memory_space<hbm>>
      %dma_start3A_36 = arith.constant 0 : i32
      %dma_start3A_37 = arith.constant 0 : i32
      %dma_start3A_38 = tpu.memref_slice %arg4[%arg0, %arg1, %dma_start3A_36, %dma_start3A_37] : memref<2x16x80x125xi32, #tpu.memory_space<hbm>> -> memref<1x1x80x125xi32, #tpu.memory_space<hbm>>
      %dma_start3A_39 = tpu.memref_squeeze %dma_start3A_38 : memref<1x1x80x125xi32, #tpu.memory_space<hbm>> -> memref<80x125xi32, #tpu.memory_space<hbm>>
      tpu.enqueue_dma source(%dma_start3A_39 : memref<80x125xi32, #tpu.memory_space<hbm>>) target(%arg8 : memref<80x125xi32, #tpu.memory_space<vmem>>) target_semaphore(%run_scoped3A : memref<!tpu.dma_semaphore, #tpu.memory_space<semaphore_mem>>)
      %dma_wait3A = arith.constant 0 : i32
      %dma_wait3A_40 = arith.constant 0 : i32
      %dma_wait3A_41 = tpu.memref_slice %arg4[%arg0, %arg1, %dma_wait3A, %dma_wait3A_40] : memref<2x16x80x125xi32, #tpu.memory_space<hbm>> -> memref<1x1x80x125xi32, #tpu.memory_space<hbm>>
      %dma_wait3A_42 = tpu.memref_squeeze %dma_wait3A_41 : memref<1x1x80x125xi32, #tpu.memory_space<hbm>> -> memref<80x125xi32, #tpu.memory_space<hbm>>
      %dma_wait3A_43 = arith.constant 0 : i32
      %dma_wait3A_44 = arith.constant 0 : i32
      %dma_wait3A_45 = tpu.memref_slice %arg4[%arg0, %arg1, %dma_wait3A_43, %dma_wait3A_44] : memref<2x16x80x125xi32, #tpu.memory_space<hbm>> -> memref<1x1x80x125xi32, #tpu.memory_space<hbm>>
      %dma_wait3A_46 = tpu.memref_squeeze %dma_wait3A_45 : memref<1x1x80x125xi32, #tpu.memory_space<hbm>> -> memref<80x125xi32, #tpu.memory_space<hbm>>
      tpu.wait_dma2 semaphore(%run_scoped3A : memref<!tpu.dma_semaphore, #tpu.memory_space<semaphore_mem>>) src(%dma_wait3A_46 : memref<80x125xi32, #tpu.memory_space<hbm>>) dst(%arg8 : memref<80x125xi32, #tpu.memory_space<vmem>>)
      tpu.yield
    }) : () -> ()
    %add3A = arith.constant 0 : i32
    %add3A_1 = arith.addi %mul3A_0, %add3A : i32
    "tpu.region"() ({
      %run_scoped3A = tpu.sem_alloc : memref<!tpu.dma_semaphore, #tpu.memory_space<semaphore_mem>>
      %dma_start3A_32 = arith.constant 0 : i32
      %dma_start3A_33 = tpu.memref_slice %arg14[%add3A_1, %dma_start3A_32] : memref<10240x64xf32, #tpu.memory_space<vmem_shared>> -> memref<128x64xf32, #tpu.memory_space<vmem_shared>>
      %dma_start3A_34 = arith.constant 0 : i32
      %dma_start3A_35 = tpu.memref_slice %arg14[%add3A_1, %dma_start3A_34] : memref<10240x64xf32, #tpu.memory_space<vmem_shared>> -> memref<128x64xf32, #tpu.memory_space<vmem_shared>>
      tpu.enqueue_dma source(%arg11 : memref<128x64xf32, #tpu.memory_space<vmem>>) target(%dma_start3A_35 : memref<128x64xf32, #tpu.memory_space<vmem_shared>>) target_semaphore(%run_scoped3A : memref<!tpu.dma_semaphore, #tpu.memory_space<semaphore_mem>>)
      %dma_wait3A = arith.constant 0 : i32
      %dma_wait3A_36 = tpu.memref_slice %arg14[%add3A_1, %dma_wait3A] : memref<10240x64xf32, #tpu.memory_space<vmem_shared>> -> memref<128x64xf32, #tpu.memory_space<vmem_shared>>
      %dma_wait3A_37 = arith.constant 0 : i32
      %dma_wait3A_38 = tpu.memref_slice %arg14[%add3A_1, %dma_wait3A_37] : memref<10240x64xf32, #tpu.memory_space<vmem_shared>> -> memref<128x64xf32, #tpu.memory_space<vmem_shared>>
      tpu.wait_dma2 semaphore(%run_scoped3A : memref<!tpu.dma_semaphore, #tpu.memory_space<semaphore_mem>>) src(%arg11 : memref<128x64xf32, #tpu.memory_space<vmem>>) dst(%dma_wait3A_38 : memref<128x64xf32, #tpu.memory_space<vmem_shared>>)
      tpu.yield
    }) : () -> ()
    %add3A_2 = arith.constant 128 : i32
    %add3A_3 = arith.addi %mul3A_0, %add3A_2 : i32
    "tpu.region"() ({
      %run_scoped3A = tpu.sem_alloc : memref<!tpu.dma_semaphore, #tpu.memory_space<semaphore_mem>>
      %dma_start3A_32 = arith.constant 0 : i32
      %dma_start3A_33 = tpu.memref_slice %arg14[%add3A_3, %dma_start3A_32] : memref<10240x64xf32, #tpu.memory_space<vmem_shared>> -> memref<128x64xf32, #tpu.memory_space<vmem_shared>>
      %dma_start3A_34 = arith.constant 0 : i32
      %dma_start3A_35 = tpu.memref_slice %arg14[%add3A_3, %dma_start3A_34] : memref<10240x64xf32, #tpu.memory_space<vmem_shared>> -> memref<128x64xf32, #tpu.memory_space<vmem_shared>>
      tpu.enqueue_dma source(%arg11 : memref<128x64xf32, #tpu.memory_space<vmem>>) target(%dma_start3A_35 : memref<128x64xf32, #tpu.memory_space<vmem_shared>>) target_semaphore(%run_scoped3A : memref<!tpu.dma_semaphore, #tpu.memory_space<semaphore_mem>>)
      %dma_wait3A = arith.constant 0 : i32
      %dma_wait3A_36 = tpu.memref_slice %arg14[%add3A_3, %dma_wait3A] : memref<10240x64xf32, #tpu.memory_space<vmem_shared>> -> memref<128x64xf32, #tpu.memory_space<vmem_shared>>
      %dma_wait3A_37 = arith.constant 0 : i32
      %dma_wait3A_38 = tpu.memref_slice %arg14[%add3A_3, %dma_wait3A_37] : memref<10240x64xf32, #tpu.memory_space<vmem_shared>> -> memref<128x64xf32, #tpu.memory_space<vmem_shared>>
      tpu.wait_dma2 semaphore(%run_scoped3A : memref<!tpu.dma_semaphore, #tpu.memory_space<semaphore_mem>>) src(%arg11 : memref<128x64xf32, #tpu.memory_space<vmem>>) dst(%dma_wait3A_38 : memref<128x64xf32, #tpu.memory_space<vmem_shared>>)
      tpu.yield
    }) : () -> ()
    %add3A_4 = arith.constant 256 : i32
    %add3A_5 = arith.addi %mul3A_0, %add3A_4 : i32
    "tpu.region"() ({
      %run_scoped3A = tpu.sem_alloc : memref<!tpu.dma_semaphore, #tpu.memory_space<semaphore_mem>>
      %dma_start3A_32 = arith.constant 0 : i32
      %dma_start3A_33 = tpu.memref_slice %arg14[%add3A_5, %dma_start3A_32] : memref<10240x64xf32, #tpu.memory_space<vmem_shared>> -> memref<128x64xf32, #tpu.memory_space<vmem_shared>>
      %dma_start3A_34 = arith.constant 0 : i32
      %dma_start3A_35 = tpu.memref_slice %arg14[%add3A_5, %dma_start3A_34] : memref<10240x64xf32, #tpu.memory_space<vmem_shared>> -> memref<128x64xf32, #tpu.memory_space<vmem_shared>>
      tpu.enqueue_dma source(%arg11 : memref<128x64xf32, #tpu.memory_space<vmem>>) target(%dma_start3A_35 : memref<128x64xf32, #tpu.memory_space<vmem_shared>>) target_semaphore(%run_scoped3A : memref<!tpu.dma_semaphore, #tpu.memory_space<semaphore_mem>>)
      %dma_wait3A = arith.constant 0 : i32
      %dma_wait3A_36 = tpu.memref_slice %arg14[%add3A_5, %dma_wait3A] : memref<10240x64xf32, #tpu.memory_space<vmem_shared>> -> memref<128x64xf32, #tpu.memory_space<vmem_shared>>
      %dma_wait3A_37 = arith.constant 0 : i32
      %dma_wait3A_38 = tpu.memref_slice %arg14[%add3A_5, %dma_wait3A_37] : memref<10240x64xf32, #tpu.memory_space<vmem_shared>> -> memref<128x64xf32, #tpu.memory_space<vmem_shared>>
      tpu.wait_dma2 semaphore(%run_scoped3A : memref<!tpu.dma_semaphore, #tpu.memory_space<semaphore_mem>>) src(%arg11 : memref<128x64xf32, #tpu.memory_space<vmem>>) dst(%dma_wait3A_38 : memref<128x64xf32, #tpu.memory_space<vmem_shared>>)
      tpu.yield
    }) : () -> ()
    %add3A_6 = arith.constant 384 : i32
    %add3A_7 = arith.addi %mul3A_0, %add3A_6 : i32
    "tpu.region"() ({
      %run_scoped3A = tpu.sem_alloc : memref<!tpu.dma_semaphore, #tpu.memory_space<semaphore_mem>>
      %dma_start3A_32 = arith.constant 0 : i32
      %dma_start3A_33 = tpu.memref_slice %arg14[%add3A_7, %dma_start3A_32] : memref<10240x64xf32, #tpu.memory_space<vmem_shared>> -> memref<128x64xf32, #tpu.memory_space<vmem_shared>>
      %dma_start3A_34 = arith.constant 0 : i32
      %dma_start3A_35 = tpu.memref_slice %arg14[%add3A_7, %dma_start3A_34] : memref<10240x64xf32, #tpu.memory_space<vmem_shared>> -> memref<128x64xf32, #tpu.memory_space<vmem_shared>>
      tpu.enqueue_dma source(%arg11 : memref<128x64xf32, #tpu.memory_space<vmem>>) target(%dma_start3A_35 : memref<128x64xf32, #tpu.memory_space<vmem_shared>>) target_semaphore(%run_scoped3A : memref<!tpu.dma_semaphore, #tpu.memory_space<semaphore_mem>>)
      %dma_wait3A = arith.constant 0 : i32
      %dma_wait3A_36 = tpu.memref_slice %arg14[%add3A_7, %dma_wait3A] : memref<10240x64xf32, #tpu.memory_space<vmem_shared>> -> memref<128x64xf32, #tpu.memory_space<vmem_shared>>
      %dma_wait3A_37 = arith.constant 0 : i32
      %dma_wait3A_38 = tpu.memref_slice %arg14[%add3A_7, %dma_wait3A_37] : memref<10240x64xf32, #tpu.memory_space<vmem_shared>> -> memref<128x64xf32, #tpu.memory_space<vmem_shared>>
      tpu.wait_dma2 semaphore(%run_scoped3A : memref<!tpu.dma_semaphore, #tpu.memory_space<semaphore_mem>>) src(%arg11 : memref<128x64xf32, #tpu.memory_space<vmem>>) dst(%dma_wait3A_38 : memref<128x64xf32, #tpu.memory_space<vmem_shared>>)
      tpu.yield
    }) : () -> ()
    %add3A_8 = arith.constant 512 : i32
    %add3A_9 = arith.addi %mul3A_0, %add3A_8 : i32
    "tpu.region"() ({
      %run_scoped3A = tpu.sem_alloc : memref<!tpu.dma_semaphore, #tpu.memory_space<semaphore_mem>>
      %dma_start3A_32 = arith.constant 0 : i32
      %dma_start3A_33 = tpu.memref_slice %arg14[%add3A_9, %dma_start3A_32] : memref<10240x64xf32, #tpu.memory_space<vmem_shared>> -> memref<128x64xf32, #tpu.memory_space<vmem_shared>>
      %dma_start3A_34 = arith.constant 0 : i32
      %dma_start3A_35 = tpu.memref_slice %arg14[%add3A_9, %dma_start3A_34] : memref<10240x64xf32, #tpu.memory_space<vmem_shared>> -> memref<128x64xf32, #tpu.memory_space<vmem_shared>>
      tpu.enqueue_dma source(%arg11 : memref<128x64xf32, #tpu.memory_space<vmem>>) target(%dma_start3A_35 : memref<128x64xf32, #tpu.memory_space<vmem_shared>>) target_semaphore(%run_scoped3A : memref<!tpu.dma_semaphore, #tpu.memory_space<semaphore_mem>>)
      %dma_wait3A = arith.constant 0 : i32
      %dma_wait3A_36 = tpu.memref_slice %arg14[%add3A_9, %dma_wait3A] : memref<10240x64xf32, #tpu.memory_space<vmem_shared>> -> memref<128x64xf32, #tpu.memory_space<vmem_shared>>
      %dma_wait3A_37 = arith.constant 0 : i32
      %dma_wait3A_38 = tpu.memref_slice %arg14[%add3A_9, %dma_wait3A_37] : memref<10240x64xf32, #tpu.memory_space<vmem_shared>> -> memref<128x64xf32, #tpu.memory_space<vmem_shared>>
      tpu.wait_dma2 semaphore(%run_scoped3A : memref<!tpu.dma_semaphore, #tpu.memory_space<semaphore_mem>>) src(%arg11 : memref<128x64xf32, #tpu.memory_space<vmem>>) dst(%dma_wait3A_38 : memref<128x64xf32, #tpu.memory_space<vmem_shared>>)
      tpu.yield
    }) : () -> ()
    %barrier3A = arith.constant 0 : index
    tpu.barrier barrier_id(%barrier3A)
    %dma_start3A = arith.constant 0 : i32
    %dma_start3A_10 = arith.constant 0 : i32
    %dma_start3A_11 = tpu.memref_slice %arg7[%dma_start3A, %dma_start3A_10] : memref<80x125xi32, #tpu.memory_space<vmem>> -> memref<1x125xi32, #tpu.memory_space<vmem>>
    %dma_start3A_12 = tpu.memref_squeeze %dma_start3A_11 : memref<1x125xi32, #tpu.memory_space<vmem>> -> memref<125xi32, #tpu.memory_space<vmem>>
    %dma_start3A_13 = arith.constant 0 : i32
    %dma_start3A_14 = arith.constant 0 : i32
    %dma_start3A_15 = tpu.memref_slice %arg2[%dma_start3A_13, %dma_start3A_14] : memref<10000x64xf32, #tpu.memory_space<hbm>> -> memref<10000x64xf32, #tpu.memory_space<hbm>>
    tpu.enqueue_indirect_dma source(%dma_start3A_15 : memref<10000x64xf32, #tpu.memory_space<hbm>>) target(%arg9 : memref<125x64xf32, #tpu.memory_space<vmem>>) offsets(%dma_start3A_12 : memref<125xi32, #tpu.memory_space<vmem>>) semaphore(%arg12 : memref<!tpu.dma_semaphore, #tpu.memory_space<semaphore_mem>>)
    %scan3A = arith.constant 0 : i32
    %scan3A_16 = arith.constant 0 : i32
    %scan3A_17 = arith.constant 40 : i32
    %scan3A_18 = arith.addi %scan3A_16, %scan3A_17 : i32
    %scan3A_19 = arith.constant 1 : i32
    scf.for %scan3A_32 = %scan3A_16 to %scan3A_18 step %scan3A_19  : i32 {
      %mul3A_33 = arith.constant 2 : i32
      %mul3A_34 = arith.muli %mul3A_33, %scan3A_32 : i32
      %add3A_35 = arith.constant 0 : i32
      %add3A_36 = arith.addi %mul3A_34, %add3A_35 : i32
      %add3A_37 = arith.constant 1 : i32
      %add3A_38 = arith.addi %add3A_36, %add3A_37 : i32
      %lt3A = arith.constant 80 : i32
      %lt3A_39 = arith.cmpi slt, %add3A_38, %lt3A : i32
      %convert_element_type3A = arith.extui %lt3A_39 : i1 to i32
      %cond3A = arith.constant 0 : i32
      %cond3A_40 = arith.cmpi ne, %convert_element_type3A, %cond3A : i32
      scf.if %cond3A_40 {
        %add3A_63 = arith.constant 1 : i32
        %add3A_64 = arith.addi %add3A_36, %add3A_63 : i32
        %dma_start3A_65 = arith.constant 0 : i32
        %dma_start3A_66 = tpu.memref_slice %arg7[%add3A_64, %dma_start3A_65] : memref<80x125xi32, #tpu.memory_space<vmem>> -> memref<1x125xi32, #tpu.memory_space<vmem>>
        %dma_start3A_67 = tpu.memref_squeeze %dma_start3A_66 : memref<1x125xi32, #tpu.memory_space<vmem>> -> memref<125xi32, #tpu.memory_space<vmem>>
        %dma_start3A_68 = arith.constant 0 : i32
        %dma_start3A_69 = arith.constant 0 : i32
        %dma_start3A_70 = tpu.memref_slice %arg2[%dma_start3A_68, %dma_start3A_69] : memref<10000x64xf32, #tpu.memory_space<hbm>> -> memref<10000x64xf32, #tpu.memory_space<hbm>>
        tpu.enqueue_indirect_dma source(%dma_start3A_70 : memref<10000x64xf32, #tpu.memory_space<hbm>>) target(%arg10 : memref<125x64xf32, #tpu.memory_space<vmem>>) offsets(%dma_start3A_67 : memref<125xi32, #tpu.memory_space<vmem>>) semaphore(%arg13 : memref<!tpu.dma_semaphore, #tpu.memory_space<semaphore_mem>>)
      } else {
      }
      %dma_wait3A = arith.constant 0 : i32
      %dma_wait3A_41 = tpu.memref_slice %arg7[%add3A_36, %dma_wait3A] : memref<80x125xi32, #tpu.memory_space<vmem>> -> memref<1x125xi32, #tpu.memory_space<vmem>>
      %dma_wait3A_42 = tpu.memref_squeeze %dma_wait3A_41 : memref<1x125xi32, #tpu.memory_space<vmem>> -> memref<125xi32, #tpu.memory_space<vmem>>
      %dma_wait3A_43 = arith.constant 0 : i32
      %dma_wait3A_44 = arith.constant 0 : i32
      %dma_wait3A_45 = tpu.memref_slice %arg2[%dma_wait3A_43, %dma_wait3A_44] : memref<10000x64xf32, #tpu.memory_space<hbm>> -> memref<10000x64xf32, #tpu.memory_space<hbm>>
      tpu.wait_indirect_dma semaphore(%arg12 : memref<!tpu.dma_semaphore, #tpu.memory_space<semaphore_mem>>) src(%dma_wait3A_45 : memref<10000x64xf32, #tpu.memory_space<hbm>>) dst(%arg9 : memref<125x64xf32, #tpu.memory_space<vmem>>)
      "tpu.region"() ({
        %run_scoped3A = tpu.sem_alloc : memref<!tpu.dma_semaphore, #tpu.memory_space<semaphore_mem>>
        %dma_start3A_63 = arith.constant 0 : i32
        %dma_start3A_64 = tpu.memref_slice %arg8[%add3A_36, %dma_start3A_63] : memref<80x125xi32, #tpu.memory_space<vmem>> -> memref<1x125xi32, #tpu.memory_space<vmem>>
        %dma_start3A_65 = tpu.memref_squeeze %dma_start3A_64 : memref<1x125xi32, #tpu.memory_space<vmem>> -> memref<125xi32, #tpu.memory_space<vmem>>
        %dma_start3A_66 = arith.constant 0 : i32
        %dma_start3A_67 = arith.constant 0 : i32
        %dma_start3A_68 = tpu.memref_slice %arg14[%dma_start3A_66, %dma_start3A_67] : memref<10240x64xf32, #tpu.memory_space<vmem_shared>> -> memref<10240x64xf32, #tpu.memory_space<vmem_shared>>
        tpu.enqueue_indirect_dma source(%arg9 : memref<125x64xf32, #tpu.memory_space<vmem>>) target(%dma_start3A_68 : memref<10240x64xf32, #tpu.memory_space<vmem_shared>>) offsets(%dma_start3A_65 : memref<125xi32, #tpu.memory_space<vmem>>) semaphore(%run_scoped3A : memref<!tpu.dma_semaphore, #tpu.memory_space<semaphore_mem>>) {add = true}
        %dma_wait3A_69 = arith.constant 0 : i32
        %dma_wait3A_70 = tpu.memref_slice %arg8[%add3A_36, %dma_wait3A_69] : memref<80x125xi32, #tpu.memory_space<vmem>> -> memref<1x125xi32, #tpu.memory_space<vmem>>
        %dma_wait3A_71 = tpu.memref_squeeze %dma_wait3A_70 : memref<1x125xi32, #tpu.memory_space<vmem>> -> memref<125xi32, #tpu.memory_space<vmem>>
        %dma_wait3A_72 = arith.constant 0 : i32
        %dma_wait3A_73 = arith.constant 0 : i32
        %dma_wait3A_74 = tpu.memref_slice %arg14[%dma_wait3A_72, %dma_wait3A_73] : memref<10240x64xf32, #tpu.memory_space<vmem_shared>> -> memref<10240x64xf32, #tpu.memory_space<vmem_shared>>
        tpu.wait_indirect_dma semaphore(%run_scoped3A : memref<!tpu.dma_semaphore, #tpu.memory_space<semaphore_mem>>) src(%arg9 : memref<125x64xf32, #tpu.memory_space<vmem>>) dst(%dma_wait3A_74 : memref<10240x64xf32, #tpu.memory_space<vmem_shared>>)
        tpu.yield
      }) : () -> ()
      %mul3A_46 = arith.constant 2 : i32
      %mul3A_47 = arith.muli %mul3A_46, %scan3A_32 : i32
      %add3A_48 = arith.constant 1 : i32
      %add3A_49 = arith.addi %mul3A_47, %add3A_48 : i32
      %add3A_50 = arith.constant 1 : i32
      %add3A_51 = arith.addi %add3A_49, %add3A_50 : i32
      %lt3A_52 = arith.constant 80 : i32
      %lt3A_53 = arith.cmpi slt, %add3A_51, %lt3A_52 : i32
      %convert_element_type3A_54 = arith.extui %lt3A_53 : i1 to i32
      %cond3A_55 = arith.constant 0 : i32
      %cond3A_56 = arith.cmpi ne, %convert_element_type3A_54, %cond3A_55 : i32
      scf.if %cond3A_56 {
        %add3A_63 = arith.constant 1 : i32
        %add3A_64 = arith.addi %add3A_49, %add3A_63 : i32
        %dma_start3A_65 = arith.constant 0 : i32
        %dma_start3A_66 = tpu.memref_slice %arg7[%add3A_64, %dma_start3A_65] : memref<80x125xi32, #tpu.memory_space<vmem>> -> memref<1x125xi32, #tpu.memory_space<vmem>>
        %dma_start3A_67 = tpu.memref_squeeze %dma_start3A_66 : memref<1x125xi32, #tpu.memory_space<vmem>> -> memref<125xi32, #tpu.memory_space<vmem>>
        %dma_start3A_68 = arith.constant 0 : i32
        %dma_start3A_69 = arith.constant 0 : i32
        %dma_start3A_70 = tpu.memref_slice %arg2[%dma_start3A_68, %dma_start3A_69] : memref<10000x64xf32, #tpu.memory_space<hbm>> -> memref<10000x64xf32, #tpu.memory_space<hbm>>
        tpu.enqueue_indirect_dma source(%dma_start3A_70 : memref<10000x64xf32, #tpu.memory_space<hbm>>) target(%arg9 : memref<125x64xf32, #tpu.memory_space<vmem>>) offsets(%dma_start3A_67 : memref<125xi32, #tpu.memory_space<vmem>>) semaphore(%arg12 : memref<!tpu.dma_semaphore, #tpu.memory_space<semaphore_mem>>)
      } else {
      }
      %dma_wait3A_57 = arith.constant 0 : i32
      %dma_wait3A_58 = tpu.memref_slice %arg7[%add3A_49, %dma_wait3A_57] : memref<80x125xi32, #tpu.memory_space<vmem>> -> memref<1x125xi32, #tpu.memory_space<vmem>>
      %dma_wait3A_59 = tpu.memref_squeeze %dma_wait3A_58 : memref<1x125xi32, #tpu.memory_space<vmem>> -> memref<125xi32, #tpu.memory_space<vmem>>
      %dma_wait3A_60 = arith.constant 0 : i32
      %dma_wait3A_61 = arith.constant 0 : i32
      %dma_wait3A_62 = tpu.memref_slice %arg2[%dma_wait3A_60, %dma_wait3A_61] : memref<10000x64xf32, #tpu.memory_space<hbm>> -> memref<10000x64xf32, #tpu.memory_space<hbm>>
      tpu.wait_indirect_dma semaphore(%arg13 : memref<!tpu.dma_semaphore, #tpu.memory_space<semaphore_mem>>) src(%dma_wait3A_62 : memref<10000x64xf32, #tpu.memory_space<hbm>>) dst(%arg10 : memref<125x64xf32, #tpu.memory_space<vmem>>)
      "tpu.region"() ({
        %run_scoped3A = tpu.sem_alloc : memref<!tpu.dma_semaphore, #tpu.memory_space<semaphore_mem>>
        %dma_start3A_63 = arith.constant 0 : i32
        %dma_start3A_64 = tpu.memref_slice %arg8[%add3A_49, %dma_start3A_63] : memref<80x125xi32, #tpu.memory_space<vmem>> -> memref<1x125xi32, #tpu.memory_space<vmem>>
        %dma_start3A_65 = tpu.memref_squeeze %dma_start3A_64 : memref<1x125xi32, #tpu.memory_space<vmem>> -> memref<125xi32, #tpu.memory_space<vmem>>
        %dma_start3A_66 = arith.constant 0 : i32
        %dma_start3A_67 = arith.constant 0 : i32
        %dma_start3A_68 = tpu.memref_slice %arg14[%dma_start3A_66, %dma_start3A_67] : memref<10240x64xf32, #tpu.memory_space<vmem_shared>> -> memref<10240x64xf32, #tpu.memory_space<vmem_shared>>
        tpu.enqueue_indirect_dma source(%arg10 : memref<125x64xf32, #tpu.memory_space<vmem>>) target(%dma_start3A_68 : memref<10240x64xf32, #tpu.memory_space<vmem_shared>>) offsets(%dma_start3A_65 : memref<125xi32, #tpu.memory_space<vmem>>) semaphore(%run_scoped3A : memref<!tpu.dma_semaphore, #tpu.memory_space<semaphore_mem>>) {add = true}
        %dma_wait3A_69 = arith.constant 0 : i32
        %dma_wait3A_70 = tpu.memref_slice %arg8[%add3A_49, %dma_wait3A_69] : memref<80x125xi32, #tpu.memory_space<vmem>> -> memref<1x125xi32, #tpu.memory_space<vmem>>
        %dma_wait3A_71 = tpu.memref_squeeze %dma_wait3A_70 : memref<1x125xi32, #tpu.memory_space<vmem>> -> memref<125xi32, #tpu.memory_space<vmem>>
        %dma_wait3A_72 = arith.constant 0 : i32
        %dma_wait3A_73 = arith.constant 0 : i32
        %dma_wait3A_74 = tpu.memref_slice %arg14[%dma_wait3A_72, %dma_wait3A_73] : memref<10240x64xf32, #tpu.memory_space<vmem_shared>> -> memref<10240x64xf32, #tpu.memory_space<vmem_shared>>
        tpu.wait_indirect_dma semaphore(%run_scoped3A : memref<!tpu.dma_semaphore, #tpu.memory_space<semaphore_mem>>) src(%arg10 : memref<125x64xf32, #tpu.memory_space<vmem>>) dst(%dma_wait3A_74 : memref<10240x64xf32, #tpu.memory_space<vmem_shared>>)
        tpu.yield
      }) : () -> ()
    }
    %scan3A_20 = arith.constant 40 : i32
    %barrier3A_21 = arith.constant 0 : index
    tpu.barrier barrier_id(%barrier3A_21)
    %add3A_22 = arith.constant 0 : i32
    %add3A_23 = arith.addi %mul3A_0, %add3A_22 : i32
    "tpu.region"() ({
      %run_scoped3A = tpu.sem_alloc : memref<!tpu.dma_semaphore, #tpu.memory_space<semaphore_mem>>
      %dma_start3A_32 = arith.constant 0 : i32
      %dma_start3A_33 = tpu.memref_slice %arg14[%add3A_23, %dma_start3A_32] : memref<10240x64xf32, #tpu.memory_space<vmem_shared>> -> memref<128x64xf32, #tpu.memory_space<vmem_shared>>
      %dma_start3A_34 = arith.constant 0 : i32
      %dma_start3A_35 = tpu.memref_slice %arg14[%add3A_23, %dma_start3A_34] : memref<10240x64xf32, #tpu.memory_space<vmem_shared>> -> memref<128x64xf32, #tpu.memory_space<vmem_shared>>
      tpu.enqueue_dma source(%dma_start3A_35 : memref<128x64xf32, #tpu.memory_space<vmem_shared>>) target(%arg11 : memref<128x64xf32, #tpu.memory_space<vmem>>) target_semaphore(%run_scoped3A : memref<!tpu.dma_semaphore, #tpu.memory_space<semaphore_mem>>)
      %dma_wait3A = arith.constant 0 : i32
      %dma_wait3A_36 = tpu.memref_slice %arg14[%add3A_23, %dma_wait3A] : memref<10240x64xf32, #tpu.memory_space<vmem_shared>> -> memref<128x64xf32, #tpu.memory_space<vmem_shared>>
      %dma_wait3A_37 = arith.constant 0 : i32
      %dma_wait3A_38 = tpu.memref_slice %arg14[%add3A_23, %dma_wait3A_37] : memref<10240x64xf32, #tpu.memory_space<vmem_shared>> -> memref<128x64xf32, #tpu.memory_space<vmem_shared>>
      tpu.wait_dma2 semaphore(%run_scoped3A : memref<!tpu.dma_semaphore, #tpu.memory_space<semaphore_mem>>) src(%dma_wait3A_38 : memref<128x64xf32, #tpu.memory_space<vmem_shared>>) dst(%arg11 : memref<128x64xf32, #tpu.memory_space<vmem>>)
      tpu.yield
    }) : () -> ()
    "tpu.region"() ({
      %run_scoped3A = tpu.sem_alloc : memref<!tpu.dma_semaphore, #tpu.memory_space<semaphore_mem>>
      %dma_start3A_32 = arith.constant 0 : i32
      %dma_start3A_33 = tpu.memref_slice %arg6[%arg0, %add3A_23, %dma_start3A_32] : memref<2x10240x64xf32, #tpu.memory_space<hbm>> -> memref<1x128x64xf32, #tpu.memory_space<hbm>>
      %dma_start3A_34 = tpu.memref_squeeze %dma_start3A_33 : memref<1x128x64xf32, #tpu.memory_space<hbm>> -> memref<128x64xf32, #tpu.memory_space<hbm>>
      %dma_start3A_35 = arith.constant 0 : i32
      %dma_start3A_36 = tpu.memref_slice %arg6[%arg0, %add3A_23, %dma_start3A_35] : memref<2x10240x64xf32, #tpu.memory_space<hbm>> -> memref<1x128x64xf32, #tpu.memory_space<hbm>>
      %dma_start3A_37 = tpu.memref_squeeze %dma_start3A_36 : memref<1x128x64xf32, #tpu.memory_space<hbm>> -> memref<128x64xf32, #tpu.memory_space<hbm>>
      tpu.enqueue_dma source(%arg11 : memref<128x64xf32, #tpu.memory_space<vmem>>) target(%dma_start3A_37 : memref<128x64xf32, #tpu.memory_space<hbm>>) target_semaphore(%run_scoped3A : memref<!tpu.dma_semaphore, #tpu.memory_space<semaphore_mem>>)
      %dma_wait3A = arith.constant 0 : i32
      %dma_wait3A_38 = tpu.memref_slice %arg6[%arg0, %add3A_23, %dma_wait3A] : memref<2x10240x64xf32, #tpu.memory_space<hbm>> -> memref<1x128x64xf32, #tpu.memory_space<hbm>>
      %dma_wait3A_39 = tpu.memref_squeeze %dma_wait3A_38 : memref<1x128x64xf32, #tpu.memory_space<hbm>> -> memref<128x64xf32, #tpu.memory_space<hbm>>
      %dma_wait3A_40 = arith.constant 0 : i32
      %dma_wait3A_41 = tpu.memref_slice %arg6[%arg0, %add3A_23, %dma_wait3A_40] : memref<2x10240x64xf32, #tpu.memory_space<hbm>> -> memref<1x128x64xf32, #tpu.memory_space<hbm>>
      %dma_wait3A_42 = tpu.memref_squeeze %dma_wait3A_41 : memref<1x128x64xf32, #tpu.memory_space<hbm>> -> memref<128x64xf32, #tpu.memory_space<hbm>>
      tpu.wait_dma2 semaphore(%run_scoped3A : memref<!tpu.dma_semaphore, #tpu.memory_space<semaphore_mem>>) src(%arg11 : memref<128x64xf32, #tpu.memory_space<vmem>>) dst(%dma_wait3A_42 : memref<128x64xf32, #tpu.memory_space<hbm>>)
      tpu.yield
    }) : () -> ()
    %add3A_24 = arith.constant 128 : i32
    %add3A_25 = arith.addi %mul3A_0, %add3A_24 : i32
    "tpu.region"() ({
      %run_scoped3A = tpu.sem_alloc : memref<!tpu.dma_semaphore, #tpu.memory_space<semaphore_mem>>
      %dma_start3A_32 = arith.constant 0 : i32
      %dma_start3A_33 = tpu.memref_slice %arg14[%add3A_25, %dma_start3A_32] : memref<10240x64xf32, #tpu.memory_space<vmem_shared>> -> memref<128x64xf32, #tpu.memory_space<vmem_shared>>
      %dma_start3A_34 = arith.constant 0 : i32
      %dma_start3A_35 = tpu.memref_slice %arg14[%add3A_25, %dma_start3A_34] : memref<10240x64xf32, #tpu.memory_space<vmem_shared>> -> memref<128x64xf32, #tpu.memory_space<vmem_shared>>
      tpu.enqueue_dma source(%dma_start3A_35 : memref<128x64xf32, #tpu.memory_space<vmem_shared>>) target(%arg11 : memref<128x64xf32, #tpu.memory_space<vmem>>) target_semaphore(%run_scoped3A : memref<!tpu.dma_semaphore, #tpu.memory_space<semaphore_mem>>)
      %dma_wait3A = arith.constant 0 : i32
      %dma_wait3A_36 = tpu.memref_slice %arg14[%add3A_25, %dma_wait3A] : memref<10240x64xf32, #tpu.memory_space<vmem_shared>> -> memref<128x64xf32, #tpu.memory_space<vmem_shared>>
      %dma_wait3A_37 = arith.constant 0 : i32
      %dma_wait3A_38 = tpu.memref_slice %arg14[%add3A_25, %dma_wait3A_37] : memref<10240x64xf32, #tpu.memory_space<vmem_shared>> -> memref<128x64xf32, #tpu.memory_space<vmem_shared>>
      tpu.wait_dma2 semaphore(%run_scoped3A : memref<!tpu.dma_semaphore, #tpu.memory_space<semaphore_mem>>) src(%dma_wait3A_38 : memref<128x64xf32, #tpu.memory_space<vmem_shared>>) dst(%arg11 : memref<128x64xf32, #tpu.memory_space<vmem>>)
      tpu.yield
    }) : () -> ()
    "tpu.region"() ({
      %run_scoped3A = tpu.sem_alloc : memref<!tpu.dma_semaphore, #tpu.memory_space<semaphore_mem>>
      %dma_start3A_32 = arith.constant 0 : i32
      %dma_start3A_33 = tpu.memref_slice %arg6[%arg0, %add3A_25, %dma_start3A_32] : memref<2x10240x64xf32, #tpu.memory_space<hbm>> -> memref<1x128x64xf32, #tpu.memory_space<hbm>>
      %dma_start3A_34 = tpu.memref_squeeze %dma_start3A_33 : memref<1x128x64xf32, #tpu.memory_space<hbm>> -> memref<128x64xf32, #tpu.memory_space<hbm>>
      %dma_start3A_35 = arith.constant 0 : i32
      %dma_start3A_36 = tpu.memref_slice %arg6[%arg0, %add3A_25, %dma_start3A_35] : memref<2x10240x64xf32, #tpu.memory_space<hbm>> -> memref<1x128x64xf32, #tpu.memory_space<hbm>>
      %dma_start3A_37 = tpu.memref_squeeze %dma_start3A_36 : memref<1x128x64xf32, #tpu.memory_space<hbm>> -> memref<128x64xf32, #tpu.memory_space<hbm>>
      tpu.enqueue_dma source(%arg11 : memref<128x64xf32, #tpu.memory_space<vmem>>) target(%dma_start3A_37 : memref<128x64xf32, #tpu.memory_space<hbm>>) target_semaphore(%run_scoped3A : memref<!tpu.dma_semaphore, #tpu.memory_space<semaphore_mem>>)
      %dma_wait3A = arith.constant 0 : i32
      %dma_wait3A_38 = tpu.memref_slice %arg6[%arg0, %add3A_25, %dma_wait3A] : memref<2x10240x64xf32, #tpu.memory_space<hbm>> -> memref<1x128x64xf32, #tpu.memory_space<hbm>>
      %dma_wait3A_39 = tpu.memref_squeeze %dma_wait3A_38 : memref<1x128x64xf32, #tpu.memory_space<hbm>> -> memref<128x64xf32, #tpu.memory_space<hbm>>
      %dma_wait3A_40 = arith.constant 0 : i32
      %dma_wait3A_41 = tpu.memref_slice %arg6[%arg0, %add3A_25, %dma_wait3A_40] : memref<2x10240x64xf32, #tpu.memory_space<hbm>> -> memref<1x128x64xf32, #tpu.memory_space<hbm>>
      %dma_wait3A_42 = tpu.memref_squeeze %dma_wait3A_41 : memref<1x128x64xf32, #tpu.memory_space<hbm>> -> memref<128x64xf32, #tpu.memory_space<hbm>>
      tpu.wait_dma2 semaphore(%run_scoped3A : memref<!tpu.dma_semaphore, #tpu.memory_space<semaphore_mem>>) src(%arg11 : memref<128x64xf32, #tpu.memory_space<vmem>>) dst(%dma_wait3A_42 : memref<128x64xf32, #tpu.memory_space<hbm>>)
      tpu.yield
    }) : () -> ()
    %add3A_26 = arith.constant 256 : i32
    %add3A_27 = arith.addi %mul3A_0, %add3A_26 : i32
    "tpu.region"() ({
      %run_scoped3A = tpu.sem_alloc : memref<!tpu.dma_semaphore, #tpu.memory_space<semaphore_mem>>
      %dma_start3A_32 = arith.constant 0 : i32
      %dma_start3A_33 = tpu.memref_slice %arg14[%add3A_27, %dma_start3A_32] : memref<10240x64xf32, #tpu.memory_space<vmem_shared>> -> memref<128x64xf32, #tpu.memory_space<vmem_shared>>
      %dma_start3A_34 = arith.constant 0 : i32
      %dma_start3A_35 = tpu.memref_slice %arg14[%add3A_27, %dma_start3A_34] : memref<10240x64xf32, #tpu.memory_space<vmem_shared>> -> memref<128x64xf32, #tpu.memory_space<vmem_shared>>
      tpu.enqueue_dma source(%dma_start3A_35 : memref<128x64xf32, #tpu.memory_space<vmem_shared>>) target(%arg11 : memref<128x64xf32, #tpu.memory_space<vmem>>) target_semaphore(%run_scoped3A : memref<!tpu.dma_semaphore, #tpu.memory_space<semaphore_mem>>)
      %dma_wait3A = arith.constant 0 : i32
      %dma_wait3A_36 = tpu.memref_slice %arg14[%add3A_27, %dma_wait3A] : memref<10240x64xf32, #tpu.memory_space<vmem_shared>> -> memref<128x64xf32, #tpu.memory_space<vmem_shared>>
      %dma_wait3A_37 = arith.constant 0 : i32
      %dma_wait3A_38 = tpu.memref_slice %arg14[%add3A_27, %dma_wait3A_37] : memref<10240x64xf32, #tpu.memory_space<vmem_shared>> -> memref<128x64xf32, #tpu.memory_space<vmem_shared>>
      tpu.wait_dma2 semaphore(%run_scoped3A : memref<!tpu.dma_semaphore, #tpu.memory_space<semaphore_mem>>) src(%dma_wait3A_38 : memref<128x64xf32, #tpu.memory_space<vmem_shared>>) dst(%arg11 : memref<128x64xf32, #tpu.memory_space<vmem>>)
      tpu.yield
    }) : () -> ()
    "tpu.region"() ({
      %run_scoped3A = tpu.sem_alloc : memref<!tpu.dma_semaphore, #tpu.memory_space<semaphore_mem>>
      %dma_start3A_32 = arith.constant 0 : i32
      %dma_start3A_33 = tpu.memref_slice %arg6[%arg0, %add3A_27, %dma_start3A_32] : memref<2x10240x64xf32, #tpu.memory_space<hbm>> -> memref<1x128x64xf32, #tpu.memory_space<hbm>>
      %dma_start3A_34 = tpu.memref_squeeze %dma_start3A_33 : memref<1x128x64xf32, #tpu.memory_space<hbm>> -> memref<128x64xf32, #tpu.memory_space<hbm>>
      %dma_start3A_35 = arith.constant 0 : i32
      %dma_start3A_36 = tpu.memref_slice %arg6[%arg0, %add3A_27, %dma_start3A_35] : memref<2x10240x64xf32, #tpu.memory_space<hbm>> -> memref<1x128x64xf32, #tpu.memory_space<hbm>>
      %dma_start3A_37 = tpu.memref_squeeze %dma_start3A_36 : memref<1x128x64xf32, #tpu.memory_space<hbm>> -> memref<128x64xf32, #tpu.memory_space<hbm>>
      tpu.enqueue_dma source(%arg11 : memref<128x64xf32, #tpu.memory_space<vmem>>) target(%dma_start3A_37 : memref<128x64xf32, #tpu.memory_space<hbm>>) target_semaphore(%run_scoped3A : memref<!tpu.dma_semaphore, #tpu.memory_space<semaphore_mem>>)
      %dma_wait3A = arith.constant 0 : i32
      %dma_wait3A_38 = tpu.memref_slice %arg6[%arg0, %add3A_27, %dma_wait3A] : memref<2x10240x64xf32, #tpu.memory_space<hbm>> -> memref<1x128x64xf32, #tpu.memory_space<hbm>>
      %dma_wait3A_39 = tpu.memref_squeeze %dma_wait3A_38 : memref<1x128x64xf32, #tpu.memory_space<hbm>> -> memref<128x64xf32, #tpu.memory_space<hbm>>
      %dma_wait3A_40 = arith.constant 0 : i32
      %dma_wait3A_41 = tpu.memref_slice %arg6[%arg0, %add3A_27, %dma_wait3A_40] : memref<2x10240x64xf32, #tpu.memory_space<hbm>> -> memref<1x128x64xf32, #tpu.memory_space<hbm>>
      %dma_wait3A_42 = tpu.memref_squeeze %dma_wait3A_41 : memref<1x128x64xf32, #tpu.memory_space<hbm>> -> memref<128x64xf32, #tpu.memory_space<hbm>>
      tpu.wait_dma2 semaphore(%run_scoped3A : memref<!tpu.dma_semaphore, #tpu.memory_space<semaphore_mem>>) src(%arg11 : memref<128x64xf32, #tpu.memory_space<vmem>>) dst(%dma_wait3A_42 : memref<128x64xf32, #tpu.memory_space<hbm>>)
      tpu.yield
    }) : () -> ()
    %add3A_28 = arith.constant 384 : i32
    %add3A_29 = arith.addi %mul3A_0, %add3A_28 : i32
    "tpu.region"() ({
      %run_scoped3A = tpu.sem_alloc : memref<!tpu.dma_semaphore, #tpu.memory_space<semaphore_mem>>
      %dma_start3A_32 = arith.constant 0 : i32
      %dma_start3A_33 = tpu.memref_slice %arg14[%add3A_29, %dma_start3A_32] : memref<10240x64xf32, #tpu.memory_space<vmem_shared>> -> memref<128x64xf32, #tpu.memory_space<vmem_shared>>
      %dma_start3A_34 = arith.constant 0 : i32
      %dma_start3A_35 = tpu.memref_slice %arg14[%add3A_29, %dma_start3A_34] : memref<10240x64xf32, #tpu.memory_space<vmem_shared>> -> memref<128x64xf32, #tpu.memory_space<vmem_shared>>
      tpu.enqueue_dma source(%dma_start3A_35 : memref<128x64xf32, #tpu.memory_space<vmem_shared>>) target(%arg11 : memref<128x64xf32, #tpu.memory_space<vmem>>) target_semaphore(%run_scoped3A : memref<!tpu.dma_semaphore, #tpu.memory_space<semaphore_mem>>)
      %dma_wait3A = arith.constant 0 : i32
      %dma_wait3A_36 = tpu.memref_slice %arg14[%add3A_29, %dma_wait3A] : memref<10240x64xf32, #tpu.memory_space<vmem_shared>> -> memref<128x64xf32, #tpu.memory_space<vmem_shared>>
      %dma_wait3A_37 = arith.constant 0 : i32
      %dma_wait3A_38 = tpu.memref_slice %arg14[%add3A_29, %dma_wait3A_37] : memref<10240x64xf32, #tpu.memory_space<vmem_shared>> -> memref<128x64xf32, #tpu.memory_space<vmem_shared>>
      tpu.wait_dma2 semaphore(%run_scoped3A : memref<!tpu.dma_semaphore, #tpu.memory_space<semaphore_mem>>) src(%dma_wait3A_38 : memref<128x64xf32, #tpu.memory_space<vmem_shared>>) dst(%arg11 : memref<128x64xf32, #tpu.memory_space<vmem>>)
      tpu.yield
    }) : () -> ()
    "tpu.region"() ({
      %run_scoped3A = tpu.sem_alloc : memref<!tpu.dma_semaphore, #tpu.memory_space<semaphore_mem>>
      %dma_start3A_32 = arith.constant 0 : i32
      %dma_start3A_33 = tpu.memref_slice %arg6[%arg0, %add3A_29, %dma_start3A_32] : memref<2x10240x64xf32, #tpu.memory_space<hbm>> -> memref<1x128x64xf32, #tpu.memory_space<hbm>>
      %dma_start3A_34 = tpu.memref_squeeze %dma_start3A_33 : memref<1x128x64xf32, #tpu.memory_space<hbm>> -> memref<128x64xf32, #tpu.memory_space<hbm>>
      %dma_start3A_35 = arith.constant 0 : i32
      %dma_start3A_36 = tpu.memref_slice %arg6[%arg0, %add3A_29, %dma_start3A_35] : memref<2x10240x64xf32, #tpu.memory_space<hbm>> -> memref<1x128x64xf32, #tpu.memory_space<hbm>>
      %dma_start3A_37 = tpu.memref_squeeze %dma_start3A_36 : memref<1x128x64xf32, #tpu.memory_space<hbm>> -> memref<128x64xf32, #tpu.memory_space<hbm>>
      tpu.enqueue_dma source(%arg11 : memref<128x64xf32, #tpu.memory_space<vmem>>) target(%dma_start3A_37 : memref<128x64xf32, #tpu.memory_space<hbm>>) target_semaphore(%run_scoped3A : memref<!tpu.dma_semaphore, #tpu.memory_space<semaphore_mem>>)
      %dma_wait3A = arith.constant 0 : i32
      %dma_wait3A_38 = tpu.memref_slice %arg6[%arg0, %add3A_29, %dma_wait3A] : memref<2x10240x64xf32, #tpu.memory_space<hbm>> -> memref<1x128x64xf32, #tpu.memory_space<hbm>>
      %dma_wait3A_39 = tpu.memref_squeeze %dma_wait3A_38 : memref<1x128x64xf32, #tpu.memory_space<hbm>> -> memref<128x64xf32, #tpu.memory_space<hbm>>
      %dma_wait3A_40 = arith.constant 0 : i32
      %dma_wait3A_41 = tpu.memref_slice %arg6[%arg0, %add3A_29, %dma_wait3A_40] : memref<2x10240x64xf32, #tpu.memory_space<hbm>> -> memref<1x128x64xf32, #tpu.memory_space<hbm>>
      %dma_wait3A_42 = tpu.memref_squeeze %dma_wait3A_41 : memref<1x128x64xf32, #tpu.memory_space<hbm>> -> memref<128x64xf32, #tpu.memory_space<hbm>>
      tpu.wait_dma2 semaphore(%run_scoped3A : memref<!tpu.dma_semaphore, #tpu.memory_space<semaphore_mem>>) src(%arg11 : memref<128x64xf32, #tpu.memory_space<vmem>>) dst(%dma_wait3A_42 : memref<128x64xf32, #tpu.memory_space<hbm>>)
      tpu.yield
    }) : () -> ()
    %add3A_30 = arith.constant 512 : i32
    %add3A_31 = arith.addi %mul3A_0, %add3A_30 : i32
    "tpu.region"() ({
      %run_scoped3A = tpu.sem_alloc : memref<!tpu.dma_semaphore, #tpu.memory_space<semaphore_mem>>
      %dma_start3A_32 = arith.constant 0 : i32
      %dma_start3A_33 = tpu.memref_slice %arg14[%add3A_31, %dma_start3A_32] : memref<10240x64xf32, #tpu.memory_space<vmem_shared>> -> memref<128x64xf32, #tpu.memory_space<vmem_shared>>
      %dma_start3A_34 = arith.constant 0 : i32
      %dma_start3A_35 = tpu.memref_slice %arg14[%add3A_31, %dma_start3A_34] : memref<10240x64xf32, #tpu.memory_space<vmem_shared>> -> memref<128x64xf32, #tpu.memory_space<vmem_shared>>
      tpu.enqueue_dma source(%dma_start3A_35 : memref<128x64xf32, #tpu.memory_space<vmem_shared>>) target(%arg11 : memref<128x64xf32, #tpu.memory_space<vmem>>) target_semaphore(%run_scoped3A : memref<!tpu.dma_semaphore, #tpu.memory_space<semaphore_mem>>)
      %dma_wait3A = arith.constant 0 : i32
      %dma_wait3A_36 = tpu.memref_slice %arg14[%add3A_31, %dma_wait3A] : memref<10240x64xf32, #tpu.memory_space<vmem_shared>> -> memref<128x64xf32, #tpu.memory_space<vmem_shared>>
      %dma_wait3A_37 = arith.constant 0 : i32
      %dma_wait3A_38 = tpu.memref_slice %arg14[%add3A_31, %dma_wait3A_37] : memref<10240x64xf32, #tpu.memory_space<vmem_shared>> -> memref<128x64xf32, #tpu.memory_space<vmem_shared>>
      tpu.wait_dma2 semaphore(%run_scoped3A : memref<!tpu.dma_semaphore, #tpu.memory_space<semaphore_mem>>) src(%dma_wait3A_38 : memref<128x64xf32, #tpu.memory_space<vmem_shared>>) dst(%arg11 : memref<128x64xf32, #tpu.memory_space<vmem>>)
      tpu.yield
    }) : () -> ()
    "tpu.region"() ({
      %run_scoped3A = tpu.sem_alloc : memref<!tpu.dma_semaphore, #tpu.memory_space<semaphore_mem>>
      %dma_start3A_32 = arith.constant 0 : i32
      %dma_start3A_33 = tpu.memref_slice %arg6[%arg0, %add3A_31, %dma_start3A_32] : memref<2x10240x64xf32, #tpu.memory_space<hbm>> -> memref<1x128x64xf32, #tpu.memory_space<hbm>>
      %dma_start3A_34 = tpu.memref_squeeze %dma_start3A_33 : memref<1x128x64xf32, #tpu.memory_space<hbm>> -> memref<128x64xf32, #tpu.memory_space<hbm>>
      %dma_start3A_35 = arith.constant 0 : i32
      %dma_start3A_36 = tpu.memref_slice %arg6[%arg0, %add3A_31, %dma_start3A_35] : memref<2x10240x64xf32, #tpu.memory_space<hbm>> -> memref<1x128x64xf32, #tpu.memory_space<hbm>>
      %dma_start3A_37 = tpu.memref_squeeze %dma_start3A_36 : memref<1x128x64xf32, #tpu.memory_space<hbm>> -> memref<128x64xf32, #tpu.memory_space<hbm>>
      tpu.enqueue_dma source(%arg11 : memref<128x64xf32, #tpu.memory_space<vmem>>) target(%dma_start3A_37 : memref<128x64xf32, #tpu.memory_space<hbm>>) target_semaphore(%run_scoped3A : memref<!tpu.dma_semaphore, #tpu.memory_space<semaphore_mem>>)
      %dma_wait3A = arith.constant 0 : i32
      %dma_wait3A_38 = tpu.memref_slice %arg6[%arg0, %add3A_31, %dma_wait3A] : memref<2x10240x64xf32, #tpu.memory_space<hbm>> -> memref<1x128x64xf32, #tpu.memory_space<hbm>>
      %dma_wait3A_39 = tpu.memref_squeeze %dma_wait3A_38 : memref<1x128x64xf32, #tpu.memory_space<hbm>> -> memref<128x64xf32, #tpu.memory_space<hbm>>
      %dma_wait3A_40 = arith.constant 0 : i32
      %dma_wait3A_41 = tpu.memref_slice %arg6[%arg0, %add3A_31, %dma_wait3A_40] : memref<2x10240x64xf32, #tpu.memory_space<hbm>> -> memref<1x128x64xf32, #tpu.memory_space<hbm>>
      %dma_wait3A_42 = tpu.memref_squeeze %dma_wait3A_41 : memref<1x128x64xf32, #tpu.memory_space<hbm>> -> memref<128x64xf32, #tpu.memory_space<hbm>>
      tpu.wait_dma2 semaphore(%run_scoped3A : memref<!tpu.dma_semaphore, #tpu.memory_space<semaphore_mem>>) src(%arg11 : memref<128x64xf32, #tpu.memory_space<vmem>>) dst(%dma_wait3A_42 : memref<128x64xf32, #tpu.memory_space<hbm>>)
      tpu.yield
    }) : () -> ()
    return
  }
}

module attributes {stable_mosaic.version = 14 : i64} {
  func.func @_tc_mid_body(%arg0: i32, %arg1: memref<2x1000x64xf32, #tpu.memory_space<vmem>>, %arg2: memref<2x1000x64xf32, #tpu.memory_space<vmem>>, %arg3: memref<2x1000x16xf32, #tpu.memory_space<vmem>>, %arg4: memref<1000x128xf32, #tpu.memory_space<vmem>>, %arg5: memref<256x128xf32, #tpu.memory_space<vmem>>, %arg6: memref<1x256xf32, #tpu.memory_space<vmem>>, %arg7: memref<256x128xf32, #tpu.memory_space<vmem>>, %arg8: memref<64x256xf32, #tpu.memory_space<vmem>>, %arg9: memref<1x64xf32, #tpu.memory_space<vmem>>, %arg10: memref<64x256xf32, #tpu.memory_space<vmem>>, %arg11: memref<1000x64xf32, #tpu.memory_space<vmem>>, %arg12: memref<1000x64xf32, #tpu.memory_space<vmem>>, %arg13: memref<1000x1xf32, #tpu.memory_space<vmem>>) attributes {dimension_semantics = [#tpu.dimension_semantics<arbitrary>], iteration_bounds = array<i64: 10>, scalar_prefetch = 0 : i64, scratch_operands = 0 : i64, tpu.core_type = #tpu.core_type<tc>, window_params = [{transform_indices = @transform_0, window_bounds = array<i64: 2, 1000, 64>}, {transform_indices = @transform_1, window_bounds = array<i64: 2, 1000, 64>}, {transform_indices = @transform_2, window_bounds = array<i64: 2, 1000, 16>}, {transform_indices = @transform_3, window_bounds = array<i64: 1000, 128>}, {pipeline_mode = #tpu.pipeline_mode<synchronous>, transform_indices = @transform_4, window_bounds = array<i64: 256, 128>}, {pipeline_mode = #tpu.pipeline_mode<synchronous>, transform_indices = @transform_5, window_bounds = array<i64: 1, 256>}, {pipeline_mode = #tpu.pipeline_mode<synchronous>, transform_indices = @transform_6, window_bounds = array<i64: 256, 128>}, {pipeline_mode = #tpu.pipeline_mode<synchronous>, transform_indices = @transform_7, window_bounds = array<i64: 64, 256>}, {pipeline_mode = #tpu.pipeline_mode<synchronous>, transform_indices = @transform_8, window_bounds = array<i64: 1, 64>}, {pipeline_mode = #tpu.pipeline_mode<synchronous>, transform_indices = @transform_9, window_bounds = array<i64: 64, 256>}, {transform_indices = @transform_10, window_bounds = array<i64: 1000, 64>}, {transform_indices = @transform_11, window_bounds = array<i64: 1000, 64>}, {transform_indices = @transform_12, window_bounds = array<i64: 1000, 1>}]} {
    %get3A = arith.constant 0 : index
    %get3A_0 = arith.constant 0 : index
    %get3A_1 = arith.constant 0 : index
    %get3A_2 = vector.load %arg3[%get3A, %get3A_0, %get3A_1] : memref<2x1000x16xf32, #tpu.memory_space<vmem>>, vector<2x1000x16xf32>
    %slice3A = vector.extract_strided_slice %get3A_2 {offsets = [0, 0, 0], sizes = [1, 1000, 16], strides = [1, 1, 1]} : vector<2x1000x16xf32> to vector<1x1000x16xf32>
    %squeeze3A = vector.shape_cast %slice3A : vector<1x1000x16xf32> to vector<1000x16xf32>
    %slice3A_3 = vector.extract_strided_slice %squeeze3A {offsets = [0, 0], sizes = [1000, 1], strides = [1, 1]} : vector<1000x16xf32> to vector<1000x1xf32>
    %slice3A_4 = vector.extract_strided_slice %get3A_2 {offsets = [1, 0, 0], sizes = [1, 1000, 16], strides = [1, 1, 1]} : vector<2x1000x16xf32> to vector<1x1000x16xf32>
    %squeeze3A_5 = vector.shape_cast %slice3A_4 : vector<1x1000x16xf32> to vector<1000x16xf32>
    %slice3A_6 = vector.extract_strided_slice %squeeze3A_5 {offsets = [0, 0], sizes = [1000, 1], strides = [1, 1]} : vector<1000x16xf32> to vector<1000x1xf32>
    %add3A = arith.addf %slice3A_3, %slice3A_6 : vector<1000x1xf32>
    %max3A = arith.constant 1.000000e+00 : f32
    %max3A_7 = vector.broadcast %max3A : f32 to vector<1000x1xf32>
    %max3A_8 = arith.maximumf %add3A, %max3A_7 : vector<1000x1xf32>
    %swap3A = arith.constant 0 : index
    %swap3A_9 = arith.constant 0 : index
    %swap3A_10 = vector.load %arg13[%swap3A, %swap3A_9] : memref<1000x1xf32, #tpu.memory_space<vmem>>, vector<1000x1xf32>
    tpu.vector_store %arg13[%swap3A, %swap3A_9], %max3A_8 {strides = array<i32>} : memref<1000x1xf32, #tpu.memory_space<vmem>>, vector<1000x1xf32>,
    %get3A_11 = arith.constant 0 : index
    %get3A_12 = arith.constant 0 : index
    %get3A_13 = arith.constant 0 : index
    %get3A_14 = vector.load %arg1[%get3A_11, %get3A_12, %get3A_13] : memref<2x1000x64xf32, #tpu.memory_space<vmem>>, vector<2x1000x64xf32>
    %get3A_15 = arith.constant 0 : index
    %get3A_16 = arith.constant 0 : index
    %get3A_17 = arith.constant 0 : index
    %get3A_18 = vector.load %arg2[%get3A_15, %get3A_16, %get3A_17] : memref<2x1000x64xf32, #tpu.memory_space<vmem>>, vector<2x1000x64xf32>
    %slice3A_19 = vector.extract_strided_slice %get3A_14 {offsets = [0, 0, 0], sizes = [1, 1000, 64], strides = [1, 1, 1]} : vector<2x1000x64xf32> to vector<1x1000x64xf32>
    %squeeze3A_20 = vector.shape_cast %slice3A_19 : vector<1x1000x64xf32> to vector<1000x64xf32>
    %slice3A_21 = vector.extract_strided_slice %get3A_14 {offsets = [1, 0, 0], sizes = [1, 1000, 64], strides = [1, 1, 1]} : vector<2x1000x64xf32> to vector<1x1000x64xf32>
    %squeeze3A_22 = vector.shape_cast %slice3A_21 : vector<1x1000x64xf32> to vector<1000x64xf32>
    %add3A_23 = arith.addf %squeeze3A_20, %squeeze3A_22 : vector<1000x64xf32>
    %slice3A_24 = vector.extract_strided_slice %get3A_18 {offsets = [0, 0, 0], sizes = [1, 1000, 64], strides = [1, 1, 1]} : vector<2x1000x64xf32> to vector<1x1000x64xf32>
    %squeeze3A_25 = vector.shape_cast %slice3A_24 : vector<1x1000x64xf32> to vector<1000x64xf32>
    %slice3A_26 = vector.extract_strided_slice %get3A_18 {offsets = [1, 0, 0], sizes = [1, 1000, 64], strides = [1, 1, 1]} : vector<2x1000x64xf32> to vector<1x1000x64xf32>
    %squeeze3A_27 = vector.shape_cast %slice3A_26 : vector<1x1000x64xf32> to vector<1000x64xf32>
    %add3A_28 = arith.addf %squeeze3A_25, %squeeze3A_27 : vector<1000x64xf32>
    %concatenate3A = tpu.concatenate %add3A_23, %add3A_28 in 1 : vector<1000x64xf32>, vector<1000x64xf32> -> vector<1000x128xf32>
    %div3A = vector.broadcast %max3A_8 : vector<1000x1xf32> to vector<1000x128xf32>
    %div3A_29 = arith.divf %concatenate3A, %div3A : vector<1000x128xf32>
    %get3A_30 = arith.constant 0 : index
    %get3A_31 = arith.constant 0 : index
    %get3A_32 = vector.load %arg5[%get3A_30, %get3A_31] : memref<256x128xf32, #tpu.memory_space<vmem>>, vector<256x128xf32>
    %dot_general3A = arith.constant dense<0.000000e+00> : vector<1000x256xf32>
    %dot_general3A_33 = tpu.matmul %div3A_29, %get3A_32, %dot_general3A {dimension_numbers = #tpu.dot_dimension_numbers<[1], [1], [0], [0], [0, 0, 1, 0], [], []>, transpose_lhs_hint = false} : vector<1000x128xf32>, vector<256x128xf32>, vector<1000x256xf32> -> vector<1000x256xf32>
    %get3A_34 = arith.constant 0 : index
    %get3A_35 = arith.constant 0 : index
    %get3A_36 = vector.load %arg6[%get3A_34, %get3A_35] : memref<1x256xf32, #tpu.memory_space<vmem>>, vector<1x256xf32>
    %add3A_37 = vector.broadcast %get3A_36 : vector<1x256xf32> to vector<1000x256xf32>
    %add3A_38 = arith.addf %dot_general3A_33, %add3A_37 : vector<1000x256xf32>
    %get3A_39 = arith.constant 0 : index
    %get3A_40 = arith.constant 0 : index
    %get3A_41 = vector.load %arg4[%get3A_39, %get3A_40] : memref<1000x128xf32, #tpu.memory_space<vmem>>, vector<1000x128xf32>
    %get3A_42 = arith.constant 0 : index
    %get3A_43 = arith.constant 0 : index
    %get3A_44 = vector.load %arg7[%get3A_42, %get3A_43] : memref<256x128xf32, #tpu.memory_space<vmem>>, vector<256x128xf32>
    %dot_general3A_45 = arith.constant dense<0.000000e+00> : vector<1000x256xf32>
    %dot_general3A_46 = tpu.matmul %get3A_41, %get3A_44, %dot_general3A_45 {dimension_numbers = #tpu.dot_dimension_numbers<[1], [1], [0], [0], [0, 0, 1, 0], [], []>, transpose_lhs_hint = false} : vector<1000x128xf32>, vector<256x128xf32>, vector<1000x256xf32> -> vector<1000x256xf32>
    %add3A_47 = arith.addf %add3A_38, %dot_general3A_46 : vector<1000x256xf32>
    %max3A_48 = arith.constant 0.000000e+00 : f32
    %max3A_49 = vector.broadcast %max3A_48 : f32 to vector<1000x256xf32>
    %max3A_50 = arith.maximumf %add3A_47, %max3A_49 : vector<1000x256xf32>
    %get3A_51 = arith.constant 0 : index
    %get3A_52 = arith.constant 0 : index
    %get3A_53 = vector.load %arg8[%get3A_51, %get3A_52] : memref<64x256xf32, #tpu.memory_space<vmem>>, vector<64x256xf32>
    %dot_general3A_54 = arith.constant dense<0.000000e+00> : vector<1000x64xf32>
    %dot_general3A_55 = tpu.matmul %max3A_50, %get3A_53, %dot_general3A_54 {dimension_numbers = #tpu.dot_dimension_numbers<[1], [1], [0], [0], [0, 0, 1, 0], [], []>, transpose_lhs_hint = false} : vector<1000x256xf32>, vector<64x256xf32>, vector<1000x64xf32> -> vector<1000x64xf32>
    %swap3A_56 = arith.constant 0 : index
    %swap3A_57 = arith.constant 0 : index
    %swap3A_58 = vector.load %arg11[%swap3A_56, %swap3A_57] : memref<1000x64xf32, #tpu.memory_space<vmem>>, vector<1000x64xf32>
    tpu.vector_store %arg11[%swap3A_56, %swap3A_57], %dot_general3A_55 {strides = array<i32>} : memref<1000x64xf32, #tpu.memory_space<vmem>>, vector<1000x64xf32>,
    %get3A_59 = arith.constant 0 : index
    %get3A_60 = arith.constant 0 : index
    %get3A_61 = vector.load %arg10[%get3A_59, %get3A_60] : memref<64x256xf32, #tpu.memory_space<vmem>>, vector<64x256xf32>
    %dot_general3A_62 = arith.constant dense<0.000000e+00> : vector<1000x64xf32>
    %dot_general3A_63 = tpu.matmul %max3A_50, %get3A_61, %dot_general3A_62 {dimension_numbers = #tpu.dot_dimension_numbers<[1], [1], [0], [0], [0, 0, 1, 0], [], []>, transpose_lhs_hint = false} : vector<1000x256xf32>, vector<64x256xf32>, vector<1000x64xf32> -> vector<1000x64xf32>
    %get3A_64 = arith.constant 0 : index
    %get3A_65 = arith.constant 0 : index
    %get3A_66 = vector.load %arg9[%get3A_64, %get3A_65] : memref<1x64xf32, #tpu.memory_space<vmem>>, vector<1x64xf32>
    %add3A_67 = vector.broadcast %get3A_66 : vector<1x64xf32> to vector<1000x64xf32>
    %add3A_68 = arith.addf %dot_general3A_63, %add3A_67 : vector<1000x64xf32>
    %swap3A_69 = arith.constant 0 : index
    %swap3A_70 = arith.constant 0 : index
    %swap3A_71 = vector.load %arg12[%swap3A_69, %swap3A_70] : memref<1000x64xf32, #tpu.memory_space<vmem>>, vector<1000x64xf32>
    tpu.vector_store %arg12[%swap3A_69, %swap3A_70], %add3A_68 {strides = array<i32>} : memref<1000x64xf32, #tpu.memory_space<vmem>>, vector<1000x64xf32>,
    return
  }
  func.func @transform_0(%arg0: i32) -> (i32, i32, i32) {
    %c0_i32 = arith.constant 0 : i32
    %c0_i32_0 = arith.constant 0 : i32
    %c0_i32_1 = arith.constant 0 : i32
    return %c0_i32, %arg0, %c0_i32_0 : i32, i32, i32
  }
  func.func @transform_1(%arg0: i32) -> (i32, i32, i32) {
    %c0_i32 = arith.constant 0 : i32
    %c0_i32_0 = arith.constant 0 : i32
    %c0_i32_1 = arith.constant 0 : i32
    return %c0_i32, %arg0, %c0_i32_0 : i32, i32, i32
  }
  func.func @transform_2(%arg0: i32) -> (i32, i32, i32) {
    %c0_i32 = arith.constant 0 : i32
    %c0_i32_0 = arith.constant 0 : i32
    %c0_i32_1 = arith.constant 0 : i32
    return %c0_i32, %arg0, %c0_i32_0 : i32, i32, i32
  }
  func.func @transform_3(%arg0: i32) -> (i32, i32) {
    %c0_i32 = arith.constant 0 : i32
    %c0_i32_0 = arith.constant 0 : i32
    return %arg0, %c0_i32 : i32, i32
  }
  func.func @transform_4(%arg0: i32) -> (i32, i32) {
    %c0_i32 = arith.constant 0 : i32
    %c0_i32_0 = arith.constant 0 : i32
    %c0_i32_1 = arith.constant 0 : i32
    return %c0_i32, %c0_i32_0 : i32, i32
  }
  func.func @transform_5(%arg0: i32) -> (i32, i32) {
    %c0_i32 = arith.constant 0 : i32
    %c0_i32_0 = arith.constant 0 : i32
    %c0_i32_1 = arith.constant 0 : i32
    return %c0_i32, %c0_i32_0 : i32, i32
  }
  func.func @transform_6(%arg0: i32) -> (i32, i32) {
    %c0_i32 = arith.constant 0 : i32
    %c0_i32_0 = arith.constant 0 : i32
    %c0_i32_1 = arith.constant 0 : i32
    return %c0_i32, %c0_i32_0 : i32, i32
  }
  func.func @transform_7(%arg0: i32) -> (i32, i32) {
    %c0_i32 = arith.constant 0 : i32
    %c0_i32_0 = arith.constant 0 : i32
    %c0_i32_1 = arith.constant 0 : i32
    return %c0_i32, %c0_i32_0 : i32, i32
  }
  func.func @transform_8(%arg0: i32) -> (i32, i32) {
    %c0_i32 = arith.constant 0 : i32
    %c0_i32_0 = arith.constant 0 : i32
    %c0_i32_1 = arith.constant 0 : i32
    return %c0_i32, %c0_i32_0 : i32, i32
  }
  func.func @transform_9(%arg0: i32) -> (i32, i32) {
    %c0_i32 = arith.constant 0 : i32
    %c0_i32_0 = arith.constant 0 : i32
    %c0_i32_1 = arith.constant 0 : i32
    return %c0_i32, %c0_i32_0 : i32, i32
  }
  func.func @transform_10(%arg0: i32) -> (i32, i32) {
    %c0_i32 = arith.constant 0 : i32
    %c0_i32_0 = arith.constant 0 : i32
    return %arg0, %c0_i32 : i32, i32
  }
  func.func @transform_11(%arg0: i32) -> (i32, i32) {
    %c0_i32 = arith.constant 0 : i32
    %c0_i32_0 = arith.constant 0 : i32
    return %arg0, %c0_i32 : i32, i32
  }
  func.func @transform_12(%arg0: i32) -> (i32, i32) {
    %c0_i32 = arith.constant 0 : i32
    %c0_i32_0 = arith.constant 0 : i32
    return %arg0, %c0_i32 : i32, i32
  }
}

module attributes {stable_mosaic.version = 14 : i64} {
  func.func @_tc_head_body(%arg0: i32, %arg1: memref<2x1000x64xf32, #tpu.memory_space<vmem>>, %arg2: memref<1000x1xf32, #tpu.memory_space<vmem>>, %arg3: memref<1000x64xf32, #tpu.memory_space<vmem>>, %arg4: memref<2x1000x64xf32, #tpu.memory_space<vmem>>, %arg5: memref<1000x1xf32, #tpu.memory_space<vmem>>, %arg6: memref<1000x64xf32, #tpu.memory_space<vmem>>, %arg7: memref<1x128xf32, #tpu.memory_space<vmem>>, %arg8: memref<1x1xf32, #tpu.memory_space<vmem>>, %arg9: memref<1000x1xf32, #tpu.memory_space<vmem>>) attributes {dimension_semantics = [#tpu.dimension_semantics<arbitrary>], iteration_bounds = array<i64: 10>, scalar_prefetch = 0 : i64, scratch_operands = 0 : i64, tpu.core_type = #tpu.core_type<tc>, window_params = [{transform_indices = @transform_0, window_bounds = array<i64: 2, 1000, 64>}, {transform_indices = @transform_1, window_bounds = array<i64: 1000, 1>}, {transform_indices = @transform_2, window_bounds = array<i64: 1000, 64>}, {transform_indices = @transform_3, window_bounds = array<i64: 2, 1000, 64>}, {transform_indices = @transform_4, window_bounds = array<i64: 1000, 1>}, {transform_indices = @transform_5, window_bounds = array<i64: 1000, 64>}, {pipeline_mode = #tpu.pipeline_mode<synchronous>, transform_indices = @transform_6, window_bounds = array<i64: 1, 128>}, {pipeline_mode = #tpu.pipeline_mode<synchronous>, transform_indices = @transform_7, window_bounds = array<i64: 1, 1>}, {transform_indices = @transform_8, window_bounds = array<i64: 1000, 1>}]} {
    %get3A = arith.constant 0 : index
    %get3A_0 = arith.constant 0 : index
    %get3A_1 = arith.constant 0 : index
    %get3A_2 = vector.load %arg1[%get3A, %get3A_0, %get3A_1] : memref<2x1000x64xf32, #tpu.memory_space<vmem>>, vector<2x1000x64xf32>
    %get3A_3 = arith.constant 0 : index
    %get3A_4 = arith.constant 0 : index
    %get3A_5 = arith.constant 0 : index
    %get3A_6 = vector.load %arg4[%get3A_3, %get3A_4, %get3A_5] : memref<2x1000x64xf32, #tpu.memory_space<vmem>>, vector<2x1000x64xf32>
    %slice3A = vector.extract_strided_slice %get3A_2 {offsets = [0, 0, 0], sizes = [1, 1000, 64], strides = [1, 1, 1]} : vector<2x1000x64xf32> to vector<1x1000x64xf32>
    %squeeze3A = vector.shape_cast %slice3A : vector<1x1000x64xf32> to vector<1000x64xf32>
    %slice3A_7 = vector.extract_strided_slice %get3A_2 {offsets = [1, 0, 0], sizes = [1, 1000, 64], strides = [1, 1, 1]} : vector<2x1000x64xf32> to vector<1x1000x64xf32>
    %squeeze3A_8 = vector.shape_cast %slice3A_7 : vector<1x1000x64xf32> to vector<1000x64xf32>
    %add3A = arith.addf %squeeze3A, %squeeze3A_8 : vector<1000x64xf32>
    %get3A_9 = arith.constant 0 : index
    %get3A_10 = arith.constant 0 : index
    %get3A_11 = vector.load %arg2[%get3A_9, %get3A_10] : memref<1000x1xf32, #tpu.memory_space<vmem>>, vector<1000x1xf32>
    %div3A = vector.broadcast %get3A_11 : vector<1000x1xf32> to vector<1000x64xf32>
    %div3A_12 = arith.divf %add3A, %div3A : vector<1000x64xf32>
    %get3A_13 = arith.constant 0 : index
    %get3A_14 = arith.constant 0 : index
    %get3A_15 = vector.load %arg3[%get3A_13, %get3A_14] : memref<1000x64xf32, #tpu.memory_space<vmem>>, vector<1000x64xf32>
    %add3A_16 = arith.addf %div3A_12, %get3A_15 : vector<1000x64xf32>
    %slice3A_17 = vector.extract_strided_slice %get3A_6 {offsets = [0, 0, 0], sizes = [1, 1000, 64], strides = [1, 1, 1]} : vector<2x1000x64xf32> to vector<1x1000x64xf32>
    %squeeze3A_18 = vector.shape_cast %slice3A_17 : vector<1x1000x64xf32> to vector<1000x64xf32>
    %slice3A_19 = vector.extract_strided_slice %get3A_6 {offsets = [1, 0, 0], sizes = [1, 1000, 64], strides = [1, 1, 1]} : vector<2x1000x64xf32> to vector<1x1000x64xf32>
    %squeeze3A_20 = vector.shape_cast %slice3A_19 : vector<1x1000x64xf32> to vector<1000x64xf32>
    %add3A_21 = arith.addf %squeeze3A_18, %squeeze3A_20 : vector<1000x64xf32>
    %get3A_22 = arith.constant 0 : index
    %get3A_23 = arith.constant 0 : index
    %get3A_24 = vector.load %arg5[%get3A_22, %get3A_23] : memref<1000x1xf32, #tpu.memory_space<vmem>>, vector<1000x1xf32>
    %div3A_25 = vector.broadcast %get3A_24 : vector<1000x1xf32> to vector<1000x64xf32>
    %div3A_26 = arith.divf %add3A_21, %div3A_25 : vector<1000x64xf32>
    %get3A_27 = arith.constant 0 : index
    %get3A_28 = arith.constant 0 : index
    %get3A_29 = vector.load %arg6[%get3A_27, %get3A_28] : memref<1000x64xf32, #tpu.memory_space<vmem>>, vector<1000x64xf32>
    %add3A_30 = arith.addf %div3A_26, %get3A_29 : vector<1000x64xf32>
    %get3A_31 = arith.constant 0 : index
    %get3A_32 = arith.constant 0 : index
    %get3A_33 = vector.load %arg7[%get3A_31, %get3A_32] : memref<1x128xf32, #tpu.memory_space<vmem>>, vector<1x128xf32>
    %slice3A_34 = vector.extract_strided_slice %get3A_33 {offsets = [0, 0], sizes = [1, 64], strides = [1, 1]} : vector<1x128xf32> to vector<1x64xf32>
    %dot_general3A = arith.constant dense<0.000000e+00> : vector<1000x1xf32>
    %dot_general3A_35 = tpu.matmul %add3A_16, %slice3A_34, %dot_general3A {dimension_numbers = #tpu.dot_dimension_numbers<[1], [1], [0], [0], [0, 0, 1, 0], [], []>, transpose_lhs_hint = false} : vector<1000x64xf32>, vector<1x64xf32>, vector<1000x1xf32> -> vector<1000x1xf32>
    %slice3A_36 = vector.extract_strided_slice %get3A_33 {offsets = [0, 64], sizes = [1, 64], strides = [1, 1]} : vector<1x128xf32> to vector<1x64xf32>
    %dot_general3A_37 = arith.constant dense<0.000000e+00> : vector<1000x1xf32>
    %dot_general3A_38 = tpu.matmul %add3A_30, %slice3A_36, %dot_general3A_37 {dimension_numbers = #tpu.dot_dimension_numbers<[1], [1], [0], [0], [0, 0, 1, 0], [], []>, transpose_lhs_hint = false} : vector<1000x64xf32>, vector<1x64xf32>, vector<1000x1xf32> -> vector<1000x1xf32>
    %add3A_39 = arith.addf %dot_general3A_35, %dot_general3A_38 : vector<1000x1xf32>
    %get3A_40 = arith.constant 0 : index
    %get3A_41 = arith.constant 0 : index
    %get3A_42 = vector.load %arg8[%get3A_40, %get3A_41] : memref<1x1xf32, #tpu.memory_space<vmem>>, vector<1x1xf32>
    %add3A_43 = vector.broadcast %get3A_42 : vector<1x1xf32> to vector<1000x1xf32>
    %add3A_44 = arith.addf %add3A_39, %add3A_43 : vector<1000x1xf32>
    %neg3A = arith.constant 0.000000e+00 : f32
    %neg3A_45 = vector.broadcast %neg3A : f32 to vector<1000x1xf32>
    %neg3A_46 = arith.subf %neg3A_45, %add3A_44 : vector<1000x1xf32>
    %exp3A = math.exp %neg3A_46 : vector<1000x1xf32>
    %add3A_47 = arith.constant 1.000000e+00 : f32
    %add3A_48 = vector.broadcast %add3A_47 : f32 to vector<1000x1xf32>
    %add3A_49 = arith.addf %add3A_48, %exp3A : vector<1000x1xf32>
    %div3A_50 = arith.constant 1.000000e+00 : f32
    %div3A_51 = vector.broadcast %div3A_50 : f32 to vector<1000x1xf32>
    %div3A_52 = arith.divf %div3A_51, %add3A_49 : vector<1000x1xf32>
    %swap3A = arith.constant 0 : index
    %swap3A_53 = arith.constant 0 : index
    %swap3A_54 = vector.load %arg9[%swap3A, %swap3A_53] : memref<1000x1xf32, #tpu.memory_space<vmem>>, vector<1000x1xf32>
    tpu.vector_store %arg9[%swap3A, %swap3A_53], %div3A_52 {strides = array<i32>} : memref<1000x1xf32, #tpu.memory_space<vmem>>, vector<1000x1xf32>,
    return
  }
  func.func @transform_0(%arg0: i32) -> (i32, i32, i32) {
    %c0_i32 = arith.constant 0 : i32
    %c0_i32_0 = arith.constant 0 : i32
    %c0_i32_1 = arith.constant 0 : i32
    return %c0_i32, %arg0, %c0_i32_0 : i32, i32, i32
  }
  func.func @transform_1(%arg0: i32) -> (i32, i32) {
    %c0_i32 = arith.constant 0 : i32
    %c0_i32_0 = arith.constant 0 : i32
    return %arg0, %c0_i32 : i32, i32
  }
  func.func @transform_2(%arg0: i32) -> (i32, i32) {
    %c0_i32 = arith.constant 0 : i32
    %c0_i32_0 = arith.constant 0 : i32
    return %arg0, %c0_i32 : i32, i32
  }
  func.func @transform_3(%arg0: i32) -> (i32, i32, i32) {
    %c0_i32 = arith.constant 0 : i32
    %c0_i32_0 = arith.constant 0 : i32
    %c0_i32_1 = arith.constant 0 : i32
    return %c0_i32, %arg0, %c0_i32_0 : i32, i32, i32
  }
  func.func @transform_4(%arg0: i32) -> (i32, i32) {
    %c0_i32 = arith.constant 0 : i32
    %c0_i32_0 = arith.constant 0 : i32
    return %arg0, %c0_i32 : i32, i32
  }
  func.func @transform_5(%arg0: i32) -> (i32, i32) {
    %c0_i32 = arith.constant 0 : i32
    %c0_i32_0 = arith.constant 0 : i32
    return %arg0, %c0_i32 : i32, i32
  }
  func.func @transform_6(%arg0: i32) -> (i32, i32) {
    %c0_i32 = arith.constant 0 : i32
    %c0_i32_0 = arith.constant 0 : i32
    %c0_i32_1 = arith.constant 0 : i32
    return %c0_i32, %c0_i32_0 : i32, i32
  }
  func.func @transform_7(%arg0: i32) -> (i32, i32) {
    %c0_i32 = arith.constant 0 : i32
    %c0_i32_0 = arith.constant 0 : i32
    %c0_i32_1 = arith.constant 0 : i32
    return %c0_i32, %c0_i32_0 : i32, i32
  }
  func.func @transform_8(%arg0: i32) -> (i32, i32) {
    %c0_i32 = arith.constant 0 : i32
    %c0_i32_0 = arith.constant 0 : i32
    return %arg0, %c0_i32 : i32, i32
  }
}

</mosaic_0001>

<sc_bundles>
// kernel: kernel.12.cloned.1.call-start
scs
__scs_entry_jumppad:
0x0: {  	(pc) =	sbr.rel $0x88, $3  }
0x1: {  	(tag) =	ssettag $0x0;
	lr =	simm.s32 $0x1  }
0x2: {  	[smem:$0x3F8F] =	sst lr;
	_ =	strace $0xD0000000  }
0x3: {  	_ = 	snop  }
0x4: {  	_ = 	snop  }
0x5: {  	_ = 	snop  }
0x6: {  	_ = 	snop  }
0x7: {  	_ = 	snop  }
__scs_overlays_trampoline_lowered:
0x8: {  	[smem:$0x3F9E] =	sst s0  }
0x9: {  	[smem:$0x3F9F] =	sst s1  }
0xa: {  	[smem:$0x3FA0] =	sst s2  }
0xb: {  	[smem:$0x3FA1] =	sst s3  }
0xc: {  	[smem:$0x3FA2] =	sst s4  }
0xd: {  	[smem:$0x3FA3] =	sst s5  }
0xe: {  	[smem:$0x3FA4] =	sst s6  }
0xf: {  	[smem:$0x3FA5] =	sst s7  }
0x10: {  	[smem:$0x3FA6] =	sst s8  }
0x11: {  	[smem:$0x3FA7] =	sst s9;
	s0 =	simm.s32 @!p0 $0x0  }
0x12: {  	s1 =	sld [smem:$0x3F8D];
	s0 =	simm.s32 @p0 $0x1  }
0x13: {  	[smem:$0x3FA8] =	sst s0;
	s0 =	simm.s32 @!p1 $0x0  }
0x14: {  	s2 =	sld [smem:$0x3F8C];
	s0 =	simm.s32 @p1 $0x1  }
0x15: {  	[smem:$0x3FA9] =	sst s0;
	s0 =	simm.s32 @!p2 $0x0  }
0x16: {  	s3 =	sld [smem:$0x3FDB];
	s0 =	simm.s32 @p2 $0x1  }
0x17: {  	s4 =	simm.s32 $0x1BF5;
	[smem:$0x3FAB] =	sst s0  }
0x18: {  	s0 =	sld [smem:$0x3F8E];
	_ =	swait.ge [sflag:s4], $0x0  }
0x19: {  	s7 =	sld [smem:$0x3F8F]  }
0x1a: {  	s8 =	sadd.s32 $0xFFFFE003, lr  }
0x1b: {  	s9 =	sadd.s32 $0xFFFFFEF7, lr;
	s5 =	simm.s32 $0xFFFFFFFF;
	p2 =	slt.u32 s8, $0xFFFFF086  }
0x1c: {  	p1 =	slt.u32 s9, $0xF7A;
	s5 =	simm.s32 @!p2 $0x0  }
0x1d: {  	s5 =	simm.s32 @p1 $0x1;
	p0 =	seq.s32 s7, s2  }
0x1e: {  	s7 =	smul.u32 @!p0 $0xF7A, s2;
	p2 =	seq.s32 @!p0 s5, $0x0  }
0x1f: {  	s9 =	smul.u32 $0xF7A, s1;
	s8 =	simm.s32 @!p0 $0x1BF5;
	p2 =	por !p2, p0  }
0x20: {  	[sflag:s8] =	ssyncset.s32 @!p0 $0xFFFFF086;
	s6 =	sadd.s32 @!p0 s3, s7;
	s7 =	simm.s32 @!p0 $0x108  }
0x21: {  	s3 =	sadd.s32 s3, s9;
	s6 =	sadd.s32 @!p0 $0x88, s6;
	s7 =	simm.s32 @p2 $0x1082  }
0x22: {  	[simem:s7], [sflag:s8] =	dma.local @!p0 [hbm:s6], $0xF7A  }
0x23: {  	s9 =	sor.u32 $0xD0000000, s2;
	s6 =	simm.s32 $0x108;
	_ =	swait.ge @!p0 [sflag:s8], $0x0  }
0x24: {  	s3 =	sadd.s32 $0x88, s3;
	s6 =	simm.s32 @!p1 $0x1082;
	[sflag:s4] =	ssyncset.s32 $0xFFFFF086  }
0x25: {  	[simem:s6], [sflag:s4] =	dma.local [hbm:s3], $0xF7A  }
0x26: {  	[smem:$0x3F8F] =	sst s1;
	(tag) =	ssettag s2;
	_ =	strace s9  }
0x27: {  	s1 =	sld [smem:$0x3F9F]  }
0x28: {  	s2 =	sld [smem:$0x3FA0]  }
0x29: {  	s4 =	sld [smem:$0x3FA2]  }
0x2a: {  	p0 =	seq.s32 s5, $0x0;
	s5 =	sld [smem:$0x3FA3]  }
0x2b: {  	s6 =	sld [smem:$0x3FA4]  }
0x2c: {  	s7 =	sld [smem:$0x3FA5]  }
0x2d: {  	s3 =	simm.s32 $0x108;
	s8 =	sld [smem:$0x3FA6]  }
0x2e: {  	s3 =	simm.s32 @!p0 $0x1082;
	s9 =	sld [smem:$0x3FA7]  }
0x2f: {  	lr =	sadd.s32 s0, s3;
	s0 =	sld [smem:$0x3F9E]  }
0x30: {  	s3 =	sld [smem:$0x3FA1]  }
0x31: {  	[smem:$0x3FAA] =	sst s10  }
0x32: {  	s10 =	sld [smem:$0x3FA8];
	_ =	sdelay $0x3  }
0x33: {  	p0 =	seq.s32 s10, $0x1;
	s10 =	sld [smem:$0x3FAA];
	_ =	sdelay $0x3  }
0x34: {  	[smem:$0x3FAA] =	sst s10  }
0x35: {  	s10 =	sld [smem:$0x3FA9];
	_ =	sdelay $0x3  }
0x36: {  	p1 =	seq.s32 s10, $0x1;
	s10 =	sld [smem:$0x3FAA];
	_ =	sdelay $0x3  }
0x37: {  	[smem:$0x3FAA] =	sst s10  }
0x38: {  	s10 =	sld [smem:$0x3FAB]  }
0x39: {  	_ = 	snop;
	(pc) =	sbr.ind lr, $3  }
0x3a: {  	_ = 	snop  }
0x3b: {  	_ = 	snop  }
0x3c: {  	p2 =	seq.s32 s10, $0x1;
	s10 =	sld [smem:$0x3FAA]  }
0x3d: {  	_ =	shalt  }
0x3e: {  	_ =	shalt  }
0x3f: {  	_ =	shalt  }
0x40: {  	_ =	shalt  }
0x41: {  	_ =	shalt  }
0x42: {  	_ =	shalt  }
0x43: {  	_ =	shalt  }
0x44: {  	_ =	shalt  }
0x45: {  	_ =	shalt  }
0x46: {  	_ =	shalt  }
0x47: {  	_ =	shalt  }
0x48: {  	_ =	shalt  }
0x49: {  	_ =	shalt  }
0x4a: {  	_ =	shalt  }
0x4b: {  	_ =	shalt  }
0x4c: {  	_ =	shalt  }
0x4d: {  	_ =	shalt  }
0x4e: {  	_ =	shalt  }
0x4f: {  	_ =	shalt  }
0x50: {  	_ =	shalt  }
0x51: {  	_ =	shalt  }
0x52: {  	_ =	shalt  }
0x53: {  	_ =	shalt  }
0x54: {  	_ =	shalt  }
0x55: {  	_ =	shalt  }
0x56: {  	_ =	shalt  }
0x57: {  	_ =	shalt  }
0x58: {  	_ =	shalt  }
0x59: {  	_ =	shalt  }
0x5a: {  	_ =	shalt  }
0x5b: {  	_ =	shalt  }
0x5c: {  	_ =	shalt  }
0x5d: {  	_ =	shalt  }
0x5e: {  	_ =	shalt  }
0x5f: {  	_ =	shalt  }
0x60: {  	_ =	shalt  }
0x61: {  	_ =	shalt  }
0x62: {  	_ =	shalt  }
0x63: {  	_ =	shalt  }
0x64: {  	_ =	shalt  }
0x65: {  	_ =	shalt  }
0x66: {  	_ =	shalt  }
0x67: {  	_ =	shalt  }
0x68: {  	_ =	shalt  }
0x69: {  	_ =	shalt  }
0x6a: {  	_ =	shalt  }
0x6b: {  	_ =	shalt  }
0x6c: {  	_ =	shalt  }
0x6d: {  	_ =	shalt  }
0x6e: {  	_ =	shalt  }
0x6f: {  	_ =	shalt  }
0x70: {  	_ =	shalt  }
0x71: {  	_ =	shalt  }
0x72: {  	_ =	shalt  }
0x73: {  	_ =	shalt  }
0x74: {  	_ =	shalt  }
0x75: {  	_ =	shalt  }
0x76: {  	_ =	shalt  }
0x77: {  	_ =	shalt  }
0x78: {  	_ =	shalt  }
0x79: {  	_ =	shalt  }
0x7a: {  	_ =	shalt  }
0x7b: {  	_ =	shalt  }
0x7c: {  	_ =	shalt  }
0x7d: {  	_ =	shalt  }
0x7e: {  	_ =	shalt  }
0x7f: {  	_ =	shalt  }
0x80: {  	_ =	shalt  }
0x81: {  	_ =	shalt  }
0x82: {  	_ =	shalt  }
0x83: {  	_ =	shalt  }
0x84: {  	_ =	shalt  }
0x85: {  	_ =	shalt  }
0x86: {  	_ =	shalt  }
0x87: {  	_ =	shalt  }
.Lfunc_end0:
.L_simem_size_0:
called_computation.1_lowered:
.L_overlay_start_0:
0x88: {  	s2 =	sld [smem:$0x3FD9]  }
0x89: {  	s3 =	sld [smem:$0x3FFE];
	_ =	sdelay $0x1  }
0x8a: {  	s1 =	srdreg.scid  }
0x8b: {  	s0 =	sand.u32 $0x1, s1  }
0x8c: {  	s17 =	sshll.u32 s0, $0xA;
	s2 =	sadd.s32 s3, s2  }
0x8d: {  	s2 =	sadd.s32 s2, s17  }
0x8e: {  	[smem:$0x3FB6] =	sst s2  }
0x8f: {  	_ = 	snop  }
0x90: {  	s18 =	sld [smem:$0x3FD0];
	(tm) =	ssettm $0x1  }
0x91: {  	s19 =	sld [smem:$0x3FFB];
	_ =	sdelay $0x3  }
0x92: {  	_ =	strace s19  }
0x93: {  	s2 =	sld [smem:$0x3FFC];
	_ =	sdelay $0x3  }
0x94: {  	_ =	strace s2  }
0x95: {  	s2 =	sld [smem:$0x3FFD];
	_ =	sdelay $0x3  }
0x96: {  	_ =	strace s2  }
0x97: {  	_ =	strace $0x8FFFFFFF  }
0x98: {  	s20 =	sld [smem:$0x3FDB];
	_ =	sdelay $0x1  }
0x99: {  	s4 =	simm.s32 $_scs_section_size  }
0x9a: {  	s5 =	simm.s32 $_size__tile_overlayer_lowered;
	s6 =	simm.s32 $_tile_overlayer_lowered  }
0x9b: {  	s7 =	simm.s32 $0x1BFF;
	s21 =	sshll.u32 s6, $0x1;
	s4 =	sadd.s32 s4, s20  }
0x9c: {  	s22 =	simm.s32 $0x0;
	s5 =	sshll.u32 s5, $0x1;
	s6 =	sadd.s32 s21, s4  }
0x9d: {  	[timem:s22], [sflag:s7] =	dma.local [hbm:s6], s5  }
0x9e: {  	_ =	swait.ge [sflag:s7], s5  }
0x9f: {  	s5 =	ssub.s32 $0x0, s5;
	[sflag:s7] =	ssyncset.done $0x0  }
0xa0: {  	[sflag:s7] =	ssyncadd.s32 s5;
	_ =	sdelay $0x1  }
0xa1: {  	s23 =	simm.s32 $0x1B8B  }
0xa2: {  	_ =	swait.ge [sflag:s23], $0x1  }
0xa3: {  	[sflag:s23] =	ssyncset.done $0x0  }
0xa4: {  	[sflag:s23] =	ssyncadd.s32 $0xFFFFFFFF  }
0xa5: {  	s5 =	sld [smem:$0x0]  }
0xa6: {  	s6 =	sand.u32 $0xFFFFFFFE, s1  }
0xa7: {  	p0 =	sne.s32 s1, s6  }
0xa8: {  	s6 =	sshll.u32 @p0 s6, $0xE  }
0xa9: {  	s6 =	sadd.s32 @p0 $0x11B8D, s6;
	s7 =	sshll.u32 @p0 s5, $0x11  }
0xaa: {  	s6 =	sor.u32 @p0 s7, s6  }
0xab: {  	[sflag:s6] =	ssyncadd.remote.s32 @p0 $0x1;
	_ =	sdelay $0x1  }
0xac: {  	s6 =	simm.s32 @p0 $0x1B8D  }
0xad: {  	_ =	swait.eq @p0 [sflag:s6], $0x1  }
0xae: {  	[sflag:s6] =	ssyncadd.s32 @p0 $0xFFFFFFFF  }
0xaf: {  	s7 =	sshll.u32 @!p0 s1, $0xE  }
0xb0: {  	s7 =	sor.u32 @!p0 $0x4000, s7;
	s6 =	simm.s32 @!p0 $0x1B8D  }
0xb1: {  	s5 =	sshll.u32 @!p0 s5, $0x11;
	s7 =	sadd.s32 @!p0 $0x11B8D, s7;
	_ =	swait.eq @!p0 [sflag:s6], $0x1  }
0xb2: {  	s5 =	sor.u32 @!p0 s5, s7;
	[sflag:s6] =	ssyncadd.s32 @!p0 $0xFFFFFFFF  }
0xb3: {  	s25 =	simm.s32 $0x1B8E;
	s24 =	sld [smem:$0x3FFE];
	[sflag:s5] =	ssyncadd.remote.s32 @!p0 $0x1  }
0xb4: {  	s26 =	simm.s32 $execute0_lowered;
	[smem:$0x3FD2] =	sst s25  }
0xb5: {  	s6 =	sshll.u32 s26, $0x1;
	_ =	strace $0x80000049;
	[dreg:$0x1] =	wrdreg $0xFFFFFFFF  }
0xb6: {  	s28 =	simm.s32 $_size_execute0_lowered;
	s4 =	sadd.s32 s4, s6;
	[dreg:$0x0] =	wrdreg $0x0  }
0xb7: {  	s6 =	sshll.u32 s28, $0x1;
	[dreg:$0x2] =	wrdreg s4  }
0xb8: {  	[dreg:$0x3] =	wrdreg s6  }
0xb9: {  	[dreg:$0x4] =	wrdreg $0xC0  }
0xba: {  	_ =	task [dreg:s22], $0x5FFFF  }
0xbb: {  	[dreg:$0x1] =	wrdreg $0xFFFFFFFF  }
0xbc: {  	[dreg:$0x0] =	wrdreg $0x60  }
0xbd: {  	[dreg:$0x2] =	wrdreg s24  }
0xbe: {  	[dreg:$0x3] =	wrdreg s18  }
0xbf: {  	[dreg:$0x4] =	wrdreg $0xAE800  }
0xc0: {  	[dreg:$0x5] =	wrdreg $0x15E500  }
0xc1: {  	[dreg:$0x6] =	wrdreg $0x9  }
0xc2: {  	_ =	task.clear_ibuf [dreg:s22], $0x7FFFF;
	_ =	strace $0x90000049  }
0xc3: {  	s29 =	simm.s32 $0x9;
	_ =	strace $0x8000004B  }
0xc4: {  	_ =	swait.ge [sflag:s29], $0x1  }
0xc5: {  	[sflag:s29] =	ssyncadd.s32 $0xFFFFFFFF  }
0xc6: {  	_ =	strace $0x9000004B  }
0xc7: {  	_ =	sfence  }
0xc8: {  	s30 =	sld [smem:$0x0];
	_ =	sdelay $0x2  }
0xc9: {  	s31 =	sshll.u32 s1, $0xD;
	s1 =	sshrl.u32 s1, $0x2  }
0xca: {  	s4 =	sand.u32 $0x4000, s31;
	s1 =	sadd.s32 s1, s30  }
0xcb: {  	s0 =	sor.u32 s4, s0;
	s1 =	sshll.u32 s1, $0x11  }
0xcc: {  	s0 =	sor.u32 s1, s0  }
0xcd: {  	s0 =	sadd.s32 $0x8F2B, s0  }
0xce: {  	[sflag:s0] =	ssyncadd.remote.s32 $0x1  }
0xcf: {  	_ =	sfence.sel $0xFFFF  }
0xd0: {  	[dreg:$0x0] =	wrdreg $0xFFFFFFFF;
	(pc) =	sbr.abs _section_cstart, $3  }
0xd1: {  	[dreg:$0x1] =	wrdreg $0xFFFFFFFF  }
0xd2: {  	_ =	task.clear_ibuf [dreg:s22], $0x2FFFF;
	_ =	strace $0x9FFFFFFF  }
0xd3: {  	(tm) =	ssettm $0x7FFFFFFF  }
tec
execute0_lowered:
.L_overlay_start_1:
0x0: {  	(tag) =	ssettag $0x1  }
0x1: {  	s0 =	rddreg [dreg:$0x0]  }
0x2: {  	s2 =	simm.s32 $0x0;
	s1 =	srdreg.scid;
	s20 =	stileid.u32  }
0x3: {  	s29 =	simm.s32 $0x4F80;
	[smem:$0x7FF] =	sst s2;
	s7 =	smul.u32 $0x280, s20  }
0x4: {  	s3 =	sand.u32 $0x1, s1;
	s5 =	sadd.s32 $0xD6600, s0;
	s1 =	smul.u32 $0xA000, s20  }
0x5: {  	s8 =	sadd.s32 $0xFE600, s0;
	s4 =	smul.u32 $0x28000, s3;
	s6 =	ssub.s32 $0x2, s3  }
0x6: {  	s3 =	smul.u32 $0xA0000, s3;
	s9 =	sshrl.u32 s6, $0x1;
	s23 =	sadd.s32 $0x80, s7  }
0x7: {  	s11 =	sadd.s32 $0x100, s7;
	s13 =	sadd.s32 $0x180, s7;
	s7 =	sadd.s32 $0x200, s7  }
0x8: {  	s6 =	ssub.s32 s6, s9;
	s10 =	sshll.u32 s23, $0x6;
	s14 =	sshll.u32 s11, $0x6  }
0x9: {  	s16 =	sshll.u32 s13, $0x6;
	s12 =	sadd.s32 s1, s3;
	s17 =	sshll.u32 s7, $0x6  }
0xa: {  	s13 =	sshll.u32 s13, $0x4;
	s7 =	sshll.u32 s7, $0x4;
	s12 =	sshrl.u32 s12, $0x3  }
0xb: {  	s15 =	sadd.s32 s3, s10;
	s25 =	sadd.s32 s3, s14;
	s18 =	sadd.s32 s5, s12  }
0xc: {  	s19 =	sadd.s32 s3, s16;
	s12 =	sadd.s32 s8, s12;
	[dreg:$0x5] =	wrdreg s18  }
0xd: {  	s3 =	sadd.s32 s3, s17;
	s15 =	sshrl.u32 s15, $0x3;
	[dreg:$0xa] =	wrdreg s12  }
0xe: {  	s19 =	sshrl.u32 s19, $0x3;
	s24 =	sadd.s32 s5, s15;
	s12 =	rddreg [dreg:$0x2]  }
0xf: {  	s6 =	smax.u32 s6, $0x1;
	s26 =	sadd.s32 s5, s19;
	[dreg:$0x6] =	wrdreg s24  }
0x10: {  	s3 =	sshrl.u32 s3, $0x3;
	s15 =	sadd.s32 s8, s15;
	[dreg:$0x8] =	wrdreg s26  }
0x11: {  	s18 =	sshrl.u32 s25, $0x3;
	s25 =	sadd.s32 s4, s13;
	[dreg:$0xb] =	wrdreg s15  }
0x12: {  	s21 =	sadd.s32 s5, s18;
	s5 =	sadd.s32 s5, s3;
	s15 =	rddreg [dreg:$0x3]  }
0x13: {  	s18 =	sadd.s32 s8, s18;
	s3 =	sadd.s32 s8, s3;
	[dreg:$0x7] =	wrdreg s21  }
0x14: {  	s28 =	sadd.s32 s1, s12;
	s30 =	sadd.s32 s10, s12;
	[dreg:$0x9] =	wrdreg s5  }
0x15: {  	s10 =	simm.s32 $0x14E80;
	[dreg:$0xc] =	wrdreg s18;
	s5 =	smul.u32 $0x2800, s20  }
0x16: {  	s21 =	sadd.s32 s8, s19;
	[dreg:$0xe] =	wrdreg s3;
	s3 =	sshll.u32 s23, $0x4  }
0x17: {  	s18 =	sshll.u32 s11, $0x4;
	s23 =	sadd.s32 $0x126600, s0;
	s19 =	sshrl.u32 s25, $0x3  }
0x18: {  	s11 =	sadd.s32 s14, s12;
	s14 =	simm.s32 $0x5000;
	[dreg:$0xd] =	wrdreg s21  }
0x19: {  	s9 =	sadd.s32 s4, s3;
	s24 =	sadd.s32 s4, s18;
	s26 =	sadd.s32 s23, s19  }
0x1a: {  	s21 =	sadd.s32 $0x9B200, s0;
	s31 =	sadd.s32 s3, s15;
	s1 =	sadd.s32 s18, s15  }
0x1b: {  	s3 =	sadd.s32 s13, s15;
	s13 =	simm.s32 $0x7D;
	s18 =	simm.s32 $0x2  }
0x1c: {  	s22 =	sadd.s32 s5, s4;
	_ =	strace $0x8000004A;
	s9 =	sshrl.u32 s9, $0x3  }
0x1d: {  	s4 =	sadd.s32 s4, s7;
	[dreg:$0x11] =	wrdreg s26;
	s26 =	sadd.s32 s5, s15  }
0x1e: {  	s5 =	sadd.s32 s7, s15;
	[dreg:$0x18] =	wrdreg s6;
	s7 =	simm.s32 $0x8E80  }
0x1f: {  	s9 =	sadd.s32 s23, s9;
	s4 =	sshrl.u32 s4, $0x3;
	[dreg:$0x19] =	wrdreg s26  }
0x20: {  	s8 =	sshrl.u32 s22, $0x3;
	[dreg:$0xf] =	wrdreg s9;
	s4 =	sadd.s32 s23, s4  }
0x21: {  	s9 =	sshrl.u32 s24, $0x3;
	s19 =	sadd.s32 s23, s8;
	[dreg:$0x12] =	wrdreg s4  }
0x22: {  	s22 =	sadd.s32 $0xAEC00, s0;
	s9 =	sadd.s32 s23, s9;
	[dreg:$0x13] =	wrdreg s19  }
0x23: {  	s20 =	sadd.s32 s8, s0;
	s23 =	sadd.s32 $0x40E00, s0;
	[dreg:$0x10] =	wrdreg s9  }
0x24: {  	s8 =	simm.s32 $0x3;
	s0 =	sadd.s32 $0x41000, s0;
	[dreg:$0x14] =	wrdreg s23  }
0x25: {  	s24 =	sadd.s32 $0xC2600, s20;
	s25 =	sadd.s32 $0xCC600, s20;
	[dreg:$0x15] =	wrdreg s0  }
0x26: {  	s4 =	sadd.s32 s17, s12;
	s17 =	simm.s32 $0x1;
	[dreg:$0x16] =	wrdreg s24  }
0x27: {  	[dreg:$0x17] =	wrdreg s25;
	s0 =	sadd.s32 s16, s12;
	s9 =	simm.s32 $0x15650  }
0x28: {  	s16 =	simm.s32 $0x6F40;
	s24 =	simm.s32 $0x0;
	s23 =	simm.s32 $0x4F00  }
.LBB2_1:
0x29: {  	s6 =	rddreg [dreg:$0x1]  }
0x2a: {  	[tilespmem:s7], [sflag:$0x3] =	stream.linear.gather [hbm4b:s6+s2], $0x2000, $0x38;
	[tilespmem:$0x18650] =	vst v63  }
0x2b: {  	_ =	swait.ge [sflag:s8], $0x2000  }
0x2c: {  	[sflag:s8] =	ssyncset.done $0x0  }
0x2d: {  	s26 =	rddreg [dreg:$0x14];
	[sflag:s8] =	ssyncadd.s32 $0xFFFFE000  }
0x2e: {  	[tilespmem:s9], [sflag:$0x3] =	stream.linear.gather [hbm4b:s26+s2], $0x800, $0x38;
	[tilespmem:$0x18650] =	vst v63  }
0x2f: {  	_ =	swait.ge [sflag:s8], $0x800  }
0x30: {  	[sflag:s8] =	ssyncset.done $0x0  }
0x31: {  	s19 =	rddreg [dreg:$0x15];
	[sflag:s8] =	ssyncadd.s32 $0xFFFFF800  }
0x32: {  	[tilespmem:s10], [sflag:$0x3] =	stream.linear.gather [hbm4b:s19+s2], $0x7D0, $0x38;
	[tilespmem:$0x18650] =	vst v63  }
0x33: {  	_ =	swait.ge [sflag:s8], $0x7D0  }
0x34: {  	[sflag:s8] =	ssyncset.done $0x0  }
0x35: {  	s20 =	rddreg [dreg:$0x16];
	[sflag:s8] =	ssyncadd.s32 $0xFFFFF830  }
0x36: {  	[tilespmem:s2], [sflag:$0x3] =	stream.linear.gather [hbm4b:s20+s2], $0x2800, $0x38;
	[tilespmem:$0x18650] =	vst v63  }
0x37: {  	_ =	swait.ge [sflag:s8], $0x2800  }
0x38: {  	[sflag:s8] =	ssyncset.done $0x0  }
0x39: {  	s19 =	simm.s32 $0x2800;
	s25 =	rddreg [dreg:$0x17];
	[sflag:s8] =	ssyncadd.s32 $0xFFFFD800  }
0x3a: {  	[tilespmem:s19], [sflag:$0x3] =	stream.linear.gather [hbm4b:s25+s2], $0x2800, $0x38;
	[tilespmem:$0x18650] =	vst v63  }
0x3b: {  	_ =	swait.ge [sflag:s8], $0x2800  }
0x3c: {  	[sflag:s8] =	ssyncset.done $0x0  }
0x3d: {  	[sflag:s8] =	ssyncadd.s32 $0xFFFFD800  }
0x3e: {  	[spmem:s28] =	stream.linear.scatter [tilespmem:s7], [sflag:$0x3], $0x2000, $0x38;
	[tilespmem:$0x18650] =	vst v63  }
0x3f: {  	_ =	swait.ge [sflag:s8], $0x2000  }
0x40: {  	[sflag:s8] =	ssyncset.done $0x0  }
0x41: {  	s26 =	rddreg [dreg:$0x19];
	[sflag:s8] =	ssyncadd.s32 $0xFFFFE000  }
0x42: {  	[spmem:s26] =	stream.linear.scatter [tilespmem:s9], [sflag:$0x3], $0x800, $0x38;
	[tilespmem:$0x18650] =	vst v63  }
0x43: {  	_ =	swait.ge [sflag:s8], $0x800  }
0x44: {  	[sflag:s8] =	ssyncset.done $0x0  }
0x45: {  	[sflag:s8] =	ssyncadd.s32 $0xFFFFF800  }
0x46: {  	[spmem:s30] =	stream.linear.scatter [tilespmem:s7], [sflag:$0x3], $0x2000, $0x38;
	[tilespmem:$0x18650] =	vst v63  }
0x47: {  	_ =	swait.ge [sflag:s8], $0x2000  }
0x48: {  	[sflag:s8] =	ssyncset.done $0x0  }
0x49: {  	[sflag:s8] =	ssyncadd.s32 $0xFFFFE000  }
0x4a: {  	[spmem:s31] =	stream.linear.scatter [tilespmem:s9], [sflag:$0x3], $0x800, $0x38;
	[tilespmem:$0x18650] =	vst v63  }
0x4b: {  	_ =	swait.ge [sflag:s8], $0x800  }
0x4c: {  	[sflag:s8] =	ssyncset.done $0x0  }
0x4d: {  	[sflag:s8] =	ssyncadd.s32 $0xFFFFF800  }
0x4e: {  	[spmem:s11] =	stream.linear.scatter [tilespmem:s7], [sflag:$0x3], $0x2000, $0x38;
	[tilespmem:$0x18650] =	vst v63  }
0x4f: {  	_ =	swait.ge [sflag:s8], $0x2000  }
0x50: {  	[sflag:s8] =	ssyncset.done $0x0  }
0x51: {  	[sflag:s8] =	ssyncadd.s32 $0xFFFFE000  }
0x52: {  	[spmem:s1] =	stream.linear.scatter [tilespmem:s9], [sflag:$0x3], $0x800, $0x38;
	[tilespmem:$0x18650] =	vst v63  }
0x53: {  	_ =	swait.ge [sflag:s8], $0x800  }
0x54: {  	[sflag:s8] =	ssyncset.done $0x0  }
0x55: {  	[sflag:s8] =	ssyncadd.s32 $0xFFFFF800  }
0x56: {  	[spmem:s0] =	stream.linear.scatter [tilespmem:s7], [sflag:$0x3], $0x2000, $0x38;
	[tilespmem:$0x18650] =	vst v63  }
0x57: {  	_ =	swait.ge [sflag:s8], $0x2000  }
0x58: {  	[sflag:s8] =	ssyncset.done $0x0  }
0x59: {  	[sflag:s8] =	ssyncadd.s32 $0xFFFFE000  }
0x5a: {  	[spmem:s3] =	stream.linear.scatter [tilespmem:s9], [sflag:$0x3], $0x800, $0x38;
	[tilespmem:$0x18650] =	vst v63  }
0x5b: {  	_ =	swait.ge [sflag:s8], $0x800  }
0x5c: {  	[sflag:s8] =	ssyncset.done $0x0  }
0x5d: {  	[sflag:s8] =	ssyncadd.s32 $0xFFFFF800  }
0x5e: {  	[spmem:s4] =	stream.linear.scatter [tilespmem:s7], [sflag:$0x3], $0x2000, $0x38;
	[tilespmem:$0x18650] =	vst v63  }
0x5f: {  	_ =	swait.ge [sflag:s8], $0x2000  }
0x60: {  	[sflag:s8] =	ssyncset.done $0x0  }
0x61: {  	[sflag:s8] =	ssyncadd.s32 $0xFFFFE000  }
0x62: {  	[spmem:s5] =	stream.linear.scatter [tilespmem:s9], [sflag:$0x3], $0x800, $0x38;
	[tilespmem:$0x18650] =	vst v63  }
0x63: {  	_ =	swait.ge [sflag:s8], $0x800  }
0x64: {  	[sflag:s8] =	ssyncset.done $0x0  }
0x65: {  	[sflag:s8] =	ssyncadd.s32 $0xFFFFF800  }
0x66: {  	[bflag:$0x0] =	sbarrier.arrive $0xFFFF  }
0x67: {  	[tilespmem:s14], [sflag:$0x1] =	stream.indirect.gather [hbm4b:s21+s13], $0x40, s2, s13, $0xb8;
	[tilespmem:$0x18650] =	vst v63  }
0x68: {  	s25 =	simm.s32 $0x80  }
0x69: {  	[tilespmem:s16], [sflag:$0x2] =	stream.indirect.gather [hbm4b:s21+s13], $0x40, s25, s13, $0xb8;
	[tilespmem:$0x18650] =	vst v63  }
0x6a: {  	_ =	swait.ge [sflag:s17], $0x1F40  }
0x6b: {  	[sflag:s17] =	ssyncset.done $0x0  }
0x6c: {  	s19 =	simm.s32 $0x2800;
	[sflag:s17] =	ssyncadd.s32 $0xFFFFE0C0  }
0x6d: {  	[spmem:s12] =	stream.indirect.scatter.add.f32 [tilespmem:s14], [sflag:$0x3], $0x40, s19, s13, $0xb8;
	[tilespmem:$0x18650] =	vst v63  }
0x6e: {  	_ =	swait.ge [sflag:s8], $0x1F40  }
0x6f: {  	[sflag:s8] =	ssyncset.done $0x0  }
0x70: {  	[sflag:s8] =	ssyncadd.s32 $0xFFFFE0C0  }
0x71: {  	[spmem:s15] =	stream.indirect.scatter.add.f32 [tilespmem:s10], [sflag:$0x3], $0x10, s19, s13, $0xb8;
	[tilespmem:$0x18650] =	vst v63  }
0x72: {  	_ =	swait.ge [sflag:s8], $0x7D0  }
0x73: {  	[sflag:s8] =	ssyncset.done $0x0  }
0x74: {  	s20 =	simm.s32 $0x100;
	[sflag:s8] =	ssyncadd.s32 $0xFFFFF830  }
0x75: {  	[tilespmem:s14], [sflag:$0x1] =	stream.indirect.gather [hbm4b:s21+s13], $0x40, s20, s13, $0xb8;
	[tilespmem:$0x18650] =	vst v63  }
0x76: {  	_ =	swait.ge [sflag:s18], $0x1F40  }
0x77: {  	[sflag:s18] =	ssyncset.done $0x0  }
0x78: {  	s26 =	simm.s32 $0x2880;
	[sflag:s18] =	ssyncadd.s32 $0xFFFFE0C0  }
0x79: {  	[spmem:s12] =	stream.indirect.scatter.add.f32 [tilespmem:s16], [sflag:$0x3], $0x40, s26, s13, $0xb8;
	[tilespmem:$0x18650] =	vst v63  }
0x7a: {  	_ =	swait.ge [sflag:s8], $0x1F40  }
0x7b: {  	[sflag:s8] =	ssyncset.done $0x0  }
0x7c: {  	[sflag:s8] =	ssyncadd.s32 $0xFFFFE0C0  }
0x7d: {  	[spmem:s15] =	stream.indirect.scatter.add.f32 [tilespmem:s10], [sflag:$0x3], $0x10, s26, s13, $0xb8;
	[tilespmem:$0x18650] =	vst v63  }
0x7e: {  	_ =	swait.ge [sflag:s8], $0x7D0  }
0x7f: {  	s25 =	simm.s32 $0x100;
	s26 =	simm.s32 $0x800;
	[sflag:s8] =	ssyncset.done $0x0  }
.LBB2_2:
0x80: {  	s6 =	sadd.s32 $0x80, s25  }
0x81: {  	[sflag:s8] =	ssyncadd.s32 $0xFFFFF830;
	s19 =	smov.u32 s26;
	s20 =	sadd.s32 $0x400, s26  }
0x82: {  	[tilespmem:s16], [sflag:$0x2] =	stream.indirect.gather [hbm4b:s21+s13], $0x40, s6, s13, $0xb8;
	[tilespmem:$0x18650] =	vst v63  }
0x83: {  	p0 =	sne.s32 s26, $0x9800;
	_ =	swait.ge [sflag:s17], $0x1F40  }
0x84: {  	[sflag:s17] =	ssyncset.done $0x0  }
0x85: {  	s6 =	sadd.s32 $0x2800, s25;
	[sflag:s17] =	ssyncadd.s32 $0xFFFFE0C0  }
0x86: {  	[spmem:s12] =	stream.indirect.scatter.add.f32 [tilespmem:s14], [sflag:$0x3], $0x40, s6, s13, $0xb8;
	[tilespmem:$0x18650] =	vst v63  }
0x87: {  	_ =	swait.ge [sflag:s8], $0x1F40  }
0x88: {  	[sflag:s8] =	ssyncset.done $0x0  }
0x89: {  	[sflag:s8] =	ssyncadd.s32 $0xFFFFE0C0  }
0x8a: {  	[spmem:s15] =	stream.indirect.scatter.add.f32 [tilespmem:s10], [sflag:$0x3], $0x10, s6, s13, $0xb8;
	[tilespmem:$0x18650] =	vst v63  }
0x8b: {  	_ =	swait.ge [sflag:s8], $0x7D0  }
0x8c: {  	[sflag:s8] =	ssyncset.done $0x0  }
0x8d: {  	s6 =	sadd.s32 $0x100, s25;
	[sflag:s8] =	ssyncadd.s32 $0xFFFFF830  }
0x8e: {  	[tilespmem:s14], [sflag:$0x1] =	stream.indirect.gather [hbm4b:s21+s13], $0x40, s6, s13, $0xb8;
	[tilespmem:$0x18650] =	vst v63  }
0x8f: {  	_ =	swait.ge [sflag:s18], $0x1F40  }
0x90: {  	[sflag:s18] =	ssyncset.done $0x0  }
0x91: {  	s6 =	sadd.s32 $0x2880, s25;
	[sflag:s18] =	ssyncadd.s32 $0xFFFFE0C0  }
0x92: {  	[spmem:s12] =	stream.indirect.scatter.add.f32 [tilespmem:s16], [sflag:$0x3], $0x40, s6, s13, $0xb8;
	[tilespmem:$0x18650] =	vst v63  }
0x93: {  	_ =	swait.ge [sflag:s8], $0x1F40  }
.Ltmp0:
0x94: {  	[sflag:s8] =	ssyncset.done $0x0;
	(pc) =	sbr.rel @p0 .LBB2_2-.Ltmp0, $4  }
0x95: {  	[sflag:s8] =	ssyncadd.s32 $0xFFFFE0C0  }
0x96: {  	[spmem:s15] =	stream.indirect.scatter.add.f32 [tilespmem:s10], [sflag:$0x3], $0x10, s6, s13, $0xb8;
	[tilespmem:$0x18650] =	vst v63  }
0x97: {  	_ =	swait.ge [sflag:s8], $0x7D0  }
0x98: {  	s26 =	smov.u32 s20;
	s25 =	sshra.s32 s19, $0x2;
	[sflag:s8] =	ssyncset.done $0x0  }
0x99: {  	s6 =	sadd.s32 $0x80, s25;
	[sflag:s8] =	ssyncadd.s32 $0xFFFFF830  }
0x9a: {  	[tilespmem:s16], [sflag:$0x2] =	stream.indirect.gather [hbm4b:s21+s13], $0x40, s6, s13, $0xb8;
	[tilespmem:$0x18650] =	vst v63  }
0x9b: {  	_ =	swait.ge [sflag:s17], $0x1F40  }
0x9c: {  	[sflag:s17] =	ssyncset.done $0x0  }
0x9d: {  	s20 =	sadd.s32 $0x2800, s25;
	[sflag:s17] =	ssyncadd.s32 $0xFFFFE0C0  }
0x9e: {  	[spmem:s12] =	stream.indirect.scatter.add.f32 [tilespmem:s14], [sflag:$0x3], $0x40, s20, s13, $0xb8;
	[tilespmem:$0x18650] =	vst v63  }
0x9f: {  	_ =	swait.ge [sflag:s8], $0x1F40  }
0xa0: {  	[sflag:s8] =	ssyncset.done $0x0  }
0xa1: {  	[sflag:s8] =	ssyncadd.s32 $0xFFFFE0C0  }
0xa2: {  	[spmem:s15] =	stream.indirect.scatter.add.f32 [tilespmem:s10], [sflag:$0x3], $0x10, s20, s13, $0xb8;
	[tilespmem:$0x18650] =	vst v63  }
0xa3: {  	_ =	swait.ge [sflag:s8], $0x7D0  }
0xa4: {  	[sflag:s8] =	ssyncset.done $0x0  }
0xa5: {  	s26 =	sadd.s32 $0x100, s25;
	[sflag:s8] =	ssyncadd.s32 $0xFFFFF830  }
0xa6: {  	[tilespmem:s14], [sflag:$0x1] =	stream.indirect.gather [hbm4b:s21+s13], $0x40, s26, s13, $0xb8;
	[tilespmem:$0x18650] =	vst v63  }
0xa7: {  	_ =	swait.ge [sflag:s18], $0x1F40  }
0xa8: {  	[sflag:s18] =	ssyncset.done $0x0  }
0xa9: {  	s19 =	sadd.s32 $0x2880, s25;
	[sflag:s18] =	ssyncadd.s32 $0xFFFFE0C0  }
0xaa: {  	[spmem:s12] =	stream.indirect.scatter.add.f32 [tilespmem:s16], [sflag:$0x3], $0x40, s19, s13, $0xb8;
	[tilespmem:$0x18650] =	vst v63  }
0xab: {  	_ =	swait.ge [sflag:s8], $0x1F40  }
0xac: {  	[sflag:s8] =	ssyncset.done $0x0  }
0xad: {  	[sflag:s8] =	ssyncadd.s32 $0xFFFFE0C0  }
0xae: {  	[spmem:s15] =	stream.indirect.scatter.add.f32 [tilespmem:s10], [sflag:$0x3], $0x10, s19, s13, $0xb8;
	[tilespmem:$0x18650] =	vst v63  }
0xaf: {  	_ =	swait.ge [sflag:s8], $0x7D0  }
0xb0: {  	[sflag:s8] =	ssyncset.done $0x0  }
0xb1: {  	s20 =	simm.s32 $0x2780;
	[sflag:s8] =	ssyncadd.s32 $0xFFFFF830  }
0xb2: {  	[tilespmem:s16], [sflag:$0x2] =	stream.indirect.gather [hbm4b:s21+s13], $0x40, s20, s13, $0xb8;
	[tilespmem:$0x18650] =	vst v63  }
0xb3: {  	_ =	swait.ge [sflag:s17], $0x1F40  }
0xb4: {  	[sflag:s17] =	ssyncset.done $0x0  }
0xb5: {  	s25 =	simm.s32 $0x4F00;
	[sflag:s17] =	ssyncadd.s32 $0xFFFFE0C0  }
0xb6: {  	[spmem:s12] =	stream.indirect.scatter.add.f32 [tilespmem:s14], [sflag:$0x3], $0x40, s25, s13, $0xb8;
	[tilespmem:$0x18650] =	vst v63  }
0xb7: {  	_ =	swait.ge [sflag:s8], $0x1F40  }
0xb8: {  	[sflag:s8] =	ssyncset.done $0x0  }
0xb9: {  	[sflag:s8] =	ssyncadd.s32 $0xFFFFE0C0  }
0xba: {  	[spmem:s15] =	stream.indirect.scatter.add.f32 [tilespmem:s10], [sflag:$0x3], $0x10, s25, s13, $0xb8;
	[tilespmem:$0x18650] =	vst v63  }
0xbb: {  	_ =	swait.ge [sflag:s8], $0x7D0  }
0xbc: {  	[sflag:s8] =	ssyncset.done $0x0  }
0xbd: {  	[sflag:s8] =	ssyncadd.s32 $0xFFFFF830  }
0xbe: {  	_ =	swait.ge [sflag:s18], $0x1F40  }
0xbf: {  	[sflag:s18] =	ssyncset.done $0x0  }
0xc0: {  	s26 =	simm.s32 $0x4F80;
	[sflag:s18] =	ssyncadd.s32 $0xFFFFE0C0  }
0xc1: {  	[spmem:s12] =	stream.indirect.scatter.add.f32 [tilespmem:s16], [sflag:$0x3], $0x40, s26, s13, $0xb8;
	[tilespmem:$0x18650] =	vst v63  }
0xc2: {  	_ =	swait.ge [sflag:s8], $0x1F40  }
0xc3: {  	[sflag:s8] =	ssyncset.done $0x0  }
0xc4: {  	[sflag:s8] =	ssyncadd.s32 $0xFFFFE0C0  }
0xc5: {  	[spmem:s15] =	stream.indirect.scatter.add.f32 [tilespmem:s10], [sflag:$0x3], $0x10, s26, s13, $0xb8;
	[tilespmem:$0x18650] =	vst v63  }
0xc6: {  	_ =	swait.ge [sflag:s8], $0x7D0  }
0xc7: {  	[sflag:s8] =	ssyncset.done $0x0  }
0xc8: {  	[sflag:s8] =	ssyncadd.s32 $0xFFFFF830  }
0xc9: {  	[bflag:$0x0] =	sbarrier.arrive $0xFFFF  }
0xca: {  	[tilespmem:s7], [sflag:$0x3] =	stream.linear.gather [spmem:s28], $0x2000, $0x38;
	[tilespmem:$0x18650] =	vst v63  }
0xcb: {  	_ =	swait.ge [sflag:s8], $0x2000  }
0xcc: {  	[sflag:s8] =	ssyncset.done $0x0  }
0xcd: {  	s25 =	simm.s32 $0x0;
	s19 =	rddreg [dreg:$0x5];
	[sflag:s8] =	ssyncadd.s32 $0xFFFFE000  }
0xce: {  	[hbm4b:s19+s25] =	stream.linear.scatter [tilespmem:s7], [sflag:$0x3], $0x2000, $0x38;
	[tilespmem:$0x18650] =	vst v63  }
0xcf: {  	_ =	swait.ge [sflag:s8], $0x2000  }
0xd0: {  	[sflag:s8] =	ssyncset.done $0x0  }
0xd1: {  	s20 =	rddreg [dreg:$0x19];
	[sflag:s8] =	ssyncadd.s32 $0xFFFFE000  }
0xd2: {  	[tilespmem:s9], [sflag:$0x3] =	stream.linear.gather [spmem:s20], $0x800, $0x38;
	[tilespmem:$0x18650] =	vst v63  }
0xd3: {  	_ =	swait.ge [sflag:s8], $0x800  }
0xd4: {  	[sflag:s8] =	ssyncset.done $0x0  }
0xd5: {  	s26 =	rddreg [dreg:$0x13];
	[sflag:s8] =	ssyncadd.s32 $0xFFFFF800  }
0xd6: {  	[hbm4b:s26+s25] =	stream.linear.scatter [tilespmem:s9], [sflag:$0x3], $0x800, $0x38;
	[tilespmem:$0x18650] =	vst v63  }
0xd7: {  	_ =	swait.ge [sflag:s8], $0x800  }
0xd8: {  	[sflag:s8] =	ssyncset.done $0x0  }
0xd9: {  	[sflag:s8] =	ssyncadd.s32 $0xFFFFF800  }
0xda: {  	[tilespmem:s7], [sflag:$0x3] =	stream.linear.gather [spmem:s30], $0x2000, $0x38;
	[tilespmem:$0x18650] =	vst v63  }
0xdb: {  	_ =	swait.ge [sflag:s8], $0x2000  }
0xdc: {  	[sflag:s8] =	ssyncset.done $0x0  }
0xdd: {  	s19 =	rddreg [dreg:$0x6];
	[sflag:s8] =	ssyncadd.s32 $0xFFFFE000  }
0xde: {  	[hbm4b:s19+s25] =	stream.linear.scatter [tilespmem:s7], [sflag:$0x3], $0x2000, $0x38;
	[tilespmem:$0x18650] =	vst v63  }
0xdf: {  	_ =	swait.ge [sflag:s8], $0x2000  }
0xe0: {  	[sflag:s8] =	ssyncset.done $0x0  }
0xe1: {  	[sflag:s8] =	ssyncadd.s32 $0xFFFFE000  }
0xe2: {  	[tilespmem:s9], [sflag:$0x3] =	stream.linear.gather [spmem:s31], $0x800, $0x38;
	[tilespmem:$0x18650] =	vst v63  }
0xe3: {  	_ =	swait.ge [sflag:s8], $0x800  }
0xe4: {  	[sflag:s8] =	ssyncset.done $0x0  }
0xe5: {  	s20 =	rddreg [dreg:$0xf];
	[sflag:s8] =	ssyncadd.s32 $0xFFFFF800  }
0xe6: {  	[hbm4b:s20+s25] =	stream.linear.scatter [tilespmem:s9], [sflag:$0x3], $0x800, $0x38;
	[tilespmem:$0x18650] =	vst v63  }
0xe7: {  	_ =	swait.ge [sflag:s8], $0x800  }
0xe8: {  	[sflag:s8] =	ssyncset.done $0x0  }
0xe9: {  	[sflag:s8] =	ssyncadd.s32 $0xFFFFF800  }
0xea: {  	[tilespmem:s7], [sflag:$0x3] =	stream.linear.gather [spmem:s11], $0x2000, $0x38;
	[tilespmem:$0x18650] =	vst v63  }
0xeb: {  	_ =	swait.ge [sflag:s8], $0x2000  }
0xec: {  	[sflag:s8] =	ssyncset.done $0x0  }
0xed: {  	s26 =	rddreg [dreg:$0x7];
	[sflag:s8] =	ssyncadd.s32 $0xFFFFE000  }
0xee: {  	[hbm4b:s26+s25] =	stream.linear.scatter [tilespmem:s7], [sflag:$0x3], $0x2000, $0x38;
	[tilespmem:$0x18650] =	vst v63  }
0xef: {  	_ =	swait.ge [sflag:s8], $0x2000  }
0xf0: {  	[sflag:s8] =	ssyncset.done $0x0  }
0xf1: {  	[sflag:s8] =	ssyncadd.s32 $0xFFFFE000  }
0xf2: {  	[tilespmem:s9], [sflag:$0x3] =	stream.linear.gather [spmem:s1], $0x800, $0x38;
	[tilespmem:$0x18650] =	vst v63  }
0xf3: {  	_ =	swait.ge [sflag:s8], $0x800  }
0xf4: {  	[sflag:s8] =	ssyncset.done $0x0  }
0xf5: {  	s19 =	rddreg [dreg:$0x10];
	[sflag:s8] =	ssyncadd.s32 $0xFFFFF800  }
0xf6: {  	[hbm4b:s19+s25] =	stream.linear.scatter [tilespmem:s9], [sflag:$0x3], $0x800, $0x38;
	[tilespmem:$0x18650] =	vst v63  }
0xf7: {  	_ =	swait.ge [sflag:s8], $0x800  }
0xf8: {  	[sflag:s8] =	ssyncset.done $0x0  }
0xf9: {  	[sflag:s8] =	ssyncadd.s32 $0xFFFFF800  }
0xfa: {  	[tilespmem:s7], [sflag:$0x3] =	stream.linear.gather [spmem:s0], $0x2000, $0x38;
	[tilespmem:$0x18650] =	vst v63  }
0xfb: {  	_ =	swait.ge [sflag:s8], $0x2000  }
0xfc: {  	[sflag:s8] =	ssyncset.done $0x0  }
0xfd: {  	s20 =	rddreg [dreg:$0x8];
	[sflag:s8] =	ssyncadd.s32 $0xFFFFE000  }
0xfe: {  	[hbm4b:s20+s25] =	stream.linear.scatter [tilespmem:s7], [sflag:$0x3], $0x2000, $0x38;
	[tilespmem:$0x18650] =	vst v63  }
0xff: {  	_ =	swait.ge [sflag:s8], $0x2000  }
0x100: {  	[sflag:s8] =	ssyncset.done $0x0  }
0x101: {  	[sflag:s8] =	ssyncadd.s32 $0xFFFFE000  }
0x102: {  	[tilespmem:s9], [sflag:$0x3] =	stream.linear.gather [spmem:s3], $0x800, $0x38;
	[tilespmem:$0x18650] =	vst v63  }
0x103: {  	_ =	swait.ge [sflag:s8], $0x800  }
0x104: {  	[sflag:s8] =	ssyncset.done $0x0  }
0x105: {  	s26 =	rddreg [dreg:$0x11];
	[sflag:s8] =	ssyncadd.s32 $0xFFFFF800  }
0x106: {  	[hbm4b:s26+s25] =	stream.linear.scatter [tilespmem:s9], [sflag:$0x3], $0x800, $0x38;
	[tilespmem:$0x18650] =	vst v63  }
0x107: {  	_ =	swait.ge [sflag:s8], $0x800  }
0x108: {  	[sflag:s8] =	ssyncset.done $0x0  }
0x109: {  	[sflag:s8] =	ssyncadd.s32 $0xFFFFF800  }
0x10a: {  	[tilespmem:s7], [sflag:$0x3] =	stream.linear.gather [spmem:s4], $0x2000, $0x38;
	[tilespmem:$0x18650] =	vst v63  }
0x10b: {  	_ =	swait.ge [sflag:s8], $0x2000  }
0x10c: {  	[sflag:s8] =	ssyncset.done $0x0  }
0x10d: {  	s19 =	rddreg [dreg:$0x9];
	[sflag:s8] =	ssyncadd.s32 $0xFFFFE000  }
0x10e: {  	[hbm4b:s19+s25] =	stream.linear.scatter [tilespmem:s7], [sflag:$0x3], $0x2000, $0x38;
	[tilespmem:$0x18650] =	vst v63  }
0x10f: {  	_ =	swait.ge [sflag:s8], $0x2000  }
0x110: {  	[sflag:s8] =	ssyncset.done $0x0  }
0x111: {  	[sflag:s8] =	ssyncadd.s32 $0xFFFFE000  }
0x112: {  	[tilespmem:s9], [sflag:$0x3] =	stream.linear.gather [spmem:s5], $0x800, $0x38;
	[tilespmem:$0x18650] =	vst v63  }
0x113: {  	_ =	swait.ge [sflag:s8], $0x800  }
0x114: {  	[sflag:s8] =	ssyncset.done $0x0  }
0x115: {  	s20 =	rddreg [dreg:$0x12];
	[sflag:s8] =	ssyncadd.s32 $0xFFFFF800  }
0x116: {  	[hbm4b:s20+s25] =	stream.linear.scatter [tilespmem:s9], [sflag:$0x3], $0x800, $0x38;
	[tilespmem:$0x18650] =	vst v63  }
0x117: {  	_ =	swait.ge [sflag:s8], $0x800  }
0x118: {  	[sflag:s8] =	ssyncset.done $0x0  }
0x119: {  	[sflag:s8] =	ssyncadd.s32 $0xFFFFF800  }
0x11a: {  	s26 =	rddreg [dreg:$0x1]  }
0x11b: {  	[tilespmem:s7], [sflag:$0x3] =	stream.linear.gather [hbm4b:s26+s25], $0x2000, $0x38;
	[tilespmem:$0x18650] =	vst v63  }
0x11c: {  	_ =	swait.ge [sflag:s8], $0x2000  }
0x11d: {  	[sflag:s8] =	ssyncset.done $0x0  }
0x11e: {  	[sflag:s8] =	ssyncadd.s32 $0xFFFFE000  }
0x11f: {  	[spmem:s28] =	stream.linear.scatter [tilespmem:s7], [sflag:$0x3], $0x2000, $0x38;
	[tilespmem:$0x18650] =	vst v63  }
0x120: {  	_ =	swait.ge [sflag:s8], $0x2000  }
0x121: {  	[sflag:s8] =	ssyncset.done $0x0  }
0x122: {  	[sflag:s8] =	ssyncadd.s32 $0xFFFFE000  }
0x123: {  	[spmem:s30] =	stream.linear.scatter [tilespmem:s7], [sflag:$0x3], $0x2000, $0x38;
	[tilespmem:$0x18650] =	vst v63  }
0x124: {  	_ =	swait.ge [sflag:s8], $0x2000  }
0x125: {  	[sflag:s8] =	ssyncset.done $0x0  }
0x126: {  	[sflag:s8] =	ssyncadd.s32 $0xFFFFE000  }
0x127: {  	[spmem:s11] =	stream.linear.scatter [tilespmem:s7], [sflag:$0x3], $0x2000, $0x38;
	[tilespmem:$0x18650] =	vst v63  }
0x128: {  	_ =	swait.ge [sflag:s8], $0x2000  }
0x129: {  	[sflag:s8] =	ssyncset.done $0x0  }
0x12a: {  	[sflag:s8] =	ssyncadd.s32 $0xFFFFE000  }
0x12b: {  	[spmem:s0] =	stream.linear.scatter [tilespmem:s7], [sflag:$0x3], $0x2000, $0x38;
	[tilespmem:$0x18650] =	vst v63  }
0x12c: {  	_ =	swait.ge [sflag:s8], $0x2000  }
0x12d: {  	[sflag:s8] =	ssyncset.done $0x0  }
0x12e: {  	[sflag:s8] =	ssyncadd.s32 $0xFFFFE000  }
0x12f: {  	[spmem:s4] =	stream.linear.scatter [tilespmem:s7], [sflag:$0x3], $0x2000, $0x38;
	[tilespmem:$0x18650] =	vst v63  }
0x130: {  	_ =	swait.ge [sflag:s8], $0x2000  }
0x131: {  	[sflag:s8] =	ssyncset.done $0x0  }
0x132: {  	[sflag:s8] =	ssyncadd.s32 $0xFFFFE000  }
0x133: {  	[bflag:$0x0] =	sbarrier.arrive $0xFFFF  }
0x134: {  	[tilespmem:s14], [sflag:$0x1] =	stream.indirect.gather [hbm4b:s22+s13], $0x40, s25, s13, $0xb8;
	[tilespmem:$0x18650] =	vst v63  }
0x135: {  	s19 =	simm.s32 $0x80  }
0x136: {  	[tilespmem:s16], [sflag:$0x2] =	stream.indirect.gather [hbm4b:s22+s13], $0x40, s19, s13, $0xb8;
	[tilespmem:$0x18650] =	vst v63  }
0x137: {  	_ =	swait.ge [sflag:s17], $0x1F40  }
0x138: {  	[sflag:s17] =	ssyncset.done $0x0  }
0x139: {  	s20 =	simm.s32 $0x2800;
	[sflag:s17] =	ssyncadd.s32 $0xFFFFE0C0  }
0x13a: {  	[spmem:s12] =	stream.indirect.scatter.add.f32 [tilespmem:s14], [sflag:$0x3], $0x40, s20, s13, $0xb8;
	[tilespmem:$0x18650] =	vst v63  }
0x13b: {  	_ =	swait.ge [sflag:s8], $0x1F40  }
0x13c: {  	[sflag:s8] =	ssyncset.done $0x0  }
0x13d: {  	s25 =	simm.s32 $0x100;
	[sflag:s8] =	ssyncadd.s32 $0xFFFFE0C0  }
0x13e: {  	[tilespmem:s14], [sflag:$0x1] =	stream.indirect.gather [hbm4b:s22+s13], $0x40, s25, s13, $0xb8;
	[tilespmem:$0x18650] =	vst v63  }
0x13f: {  	_ =	swait.ge [sflag:s18], $0x1F40  }
0x140: {  	[sflag:s18] =	ssyncset.done $0x0  }
0x141: {  	s26 =	simm.s32 $0x2880;
	[sflag:s18] =	ssyncadd.s32 $0xFFFFE0C0  }
0x142: {  	[spmem:s12] =	stream.indirect.scatter.add.f32 [tilespmem:s16], [sflag:$0x3], $0x40, s26, s13, $0xb8;
	[tilespmem:$0x18650] =	vst v63  }
0x143: {  	_ =	swait.ge [sflag:s8], $0x1F40  }
0x144: {  	s25 =	simm.s32 $0x100;
	s26 =	simm.s32 $0x800;
	[sflag:s8] =	ssyncset.done $0x0  }
.LBB2_4:
0x145: {  	s6 =	sadd.s32 $0x80, s25  }
0x146: {  	[sflag:s8] =	ssyncadd.s32 $0xFFFFE0C0;
	s19 =	smov.u32 s26;
	s20 =	sadd.s32 $0x400, s26  }
0x147: {  	[tilespmem:s16], [sflag:$0x2] =	stream.indirect.gather [hbm4b:s22+s13], $0x40, s6, s13, $0xb8;
	[tilespmem:$0x18650] =	vst v63  }
0x148: {  	p0 =	sne.s32 s26, $0x9800;
	_ =	swait.ge [sflag:s17], $0x1F40  }
0x149: {  	[sflag:s17] =	ssyncset.done $0x0  }
0x14a: {  	s6 =	sadd.s32 $0x2800, s25;
	[sflag:s17] =	ssyncadd.s32 $0xFFFFE0C0  }
0x14b: {  	[spmem:s12] =	stream.indirect.scatter.add.f32 [tilespmem:s14], [sflag:$0x3], $0x40, s6, s13, $0xb8;
	[tilespmem:$0x18650] =	vst v63  }
0x14c: {  	_ =	swait.ge [sflag:s8], $0x1F40  }
0x14d: {  	[sflag:s8] =	ssyncset.done $0x0  }
0x14e: {  	s6 =	sadd.s32 $0x100, s25;
	[sflag:s8] =	ssyncadd.s32 $0xFFFFE0C0  }
0x14f: {  	[tilespmem:s14], [sflag:$0x1] =	stream.indirect.gather [hbm4b:s22+s13], $0x40, s6, s13, $0xb8;
	[tilespmem:$0x18650] =	vst v63  }
0x150: {  	_ =	swait.ge [sflag:s18], $0x1F40  }
.Ltmp1:
0x151: {  	[sflag:s18] =	ssyncset.done $0x0;
	(pc) =	sbr.rel @p0 .LBB2_4-.Ltmp1, $4  }
0x152: {  	s6 =	sadd.s32 $0x2880, s25;
	[sflag:s18] =	ssyncadd.s32 $0xFFFFE0C0  }
0x153: {  	[spmem:s12] =	stream.indirect.scatter.add.f32 [tilespmem:s16], [sflag:$0x3], $0x40, s6, s13, $0xb8;
	[tilespmem:$0x18650] =	vst v63  }
0x154: {  	_ =	swait.ge [sflag:s8], $0x1F40  }
0x155: {  	s26 =	smov.u32 s20;
	s25 =	sshra.s32 s19, $0x2;
	[sflag:s8] =	ssyncset.done $0x0  }
0x156: {  	s6 =	sadd.s32 $0x80, s25;
	[sflag:s8] =	ssyncadd.s32 $0xFFFFE0C0  }
0x157: {  	[tilespmem:s16], [sflag:$0x2] =	stream.indirect.gather [hbm4b:s22+s13], $0x40, s6, s13, $0xb8;
	[tilespmem:$0x18650] =	vst v63  }
0x158: {  	_ =	swait.ge [sflag:s17], $0x1F40  }
0x159: {  	[sflag:s17] =	ssyncset.done $0x0  }
0x15a: {  	s20 =	sadd.s32 $0x2800, s25;
	[sflag:s17] =	ssyncadd.s32 $0xFFFFE0C0  }
0x15b: {  	[spmem:s12] =	stream.indirect.scatter.add.f32 [tilespmem:s14], [sflag:$0x3], $0x40, s20, s13, $0xb8;
	[tilespmem:$0x18650] =	vst v63  }
0x15c: {  	_ =	swait.ge [sflag:s8], $0x1F40  }
0x15d: {  	[sflag:s8] =	ssyncset.done $0x0  }
0x15e: {  	s26 =	sadd.s32 $0x100, s25;
	[sflag:s8] =	ssyncadd.s32 $0xFFFFE0C0  }
0x15f: {  	[tilespmem:s14], [sflag:$0x1] =	stream.indirect.gather [hbm4b:s22+s13], $0x40, s26, s13, $0xb8;
	[tilespmem:$0x18650] =	vst v63  }
0x160: {  	_ =	swait.ge [sflag:s18], $0x1F40  }
0x161: {  	[sflag:s18] =	ssyncset.done $0x0  }
0x162: {  	s19 =	sadd.s32 $0x2880, s25;
	[sflag:s18] =	ssyncadd.s32 $0xFFFFE0C0  }
0x163: {  	[spmem:s12] =	stream.indirect.scatter.add.f32 [tilespmem:s16], [sflag:$0x3], $0x40, s19, s13, $0xb8;
	[tilespmem:$0x18650] =	vst v63  }
0x164: {  	_ =	swait.ge [sflag:s8], $0x1F40  }
0x165: {  	[sflag:s8] =	ssyncset.done $0x0  }
0x166: {  	s20 =	simm.s32 $0x2780;
	[sflag:s8] =	ssyncadd.s32 $0xFFFFE0C0  }
0x167: {  	[tilespmem:s16], [sflag:$0x2] =	stream.indirect.gather [hbm4b:s22+s13], $0x40, s20, s13, $0xb8;
	[tilespmem:$0x18650] =	vst v63  }
0x168: {  	_ =	swait.ge [sflag:s17], $0x1F40  }
0x169: {  	[sflag:s17] =	ssyncset.done $0x0  }
0x16a: {  	[sflag:s17] =	ssyncadd.s32 $0xFFFFE0C0  }
0x16b: {  	[spmem:s12] =	stream.indirect.scatter.add.f32 [tilespmem:s14], [sflag:$0x3], $0x40, s23, s13, $0xb8;
	[tilespmem:$0x18650] =	vst v63  }
0x16c: {  	_ =	swait.ge [sflag:s8], $0x1F40  }
0x16d: {  	[sflag:s8] =	ssyncset.done $0x0  }
0x16e: {  	[sflag:s8] =	ssyncadd.s32 $0xFFFFE0C0  }
0x16f: {  	_ =	swait.ge [sflag:s18], $0x1F40  }
0x170: {  	[sflag:s18] =	ssyncset.done $0x0  }
0x171: {  	[sflag:s18] =	ssyncadd.s32 $0xFFFFE0C0  }
0x172: {  	[spmem:s12] =	stream.indirect.scatter.add.f32 [tilespmem:s16], [sflag:$0x3], $0x40, s29, s13, $0xb8;
	[tilespmem:$0x18650] =	vst v63  }
0x173: {  	_ =	swait.ge [sflag:s8], $0x1F40  }
0x174: {  	[sflag:s8] =	ssyncset.done $0x0  }
0x175: {  	[sflag:s8] =	ssyncadd.s32 $0xFFFFE0C0  }
0x176: {  	[bflag:$0x0] =	sbarrier.arrive $0xFFFF  }
0x177: {  	[tilespmem:s7], [sflag:$0x3] =	stream.linear.gather [spmem:s28], $0x2000, $0x38;
	[tilespmem:$0x18650] =	vst v63  }
0x178: {  	_ =	swait.ge [sflag:s8], $0x2000  }
0x179: {  	[sflag:s8] =	ssyncset.done $0x0  }
0x17a: {  	s25 =	rddreg [dreg:$0xa];
	[sflag:s8] =	ssyncadd.s32 $0xFFFFE000  }
0x17b: {  	[hbm4b:s25+s2] =	stream.linear.scatter [tilespmem:s7], [sflag:$0x3], $0x2000, $0x38;
	[tilespmem:$0x18650] =	vst v63  }
0x17c: {  	_ =	swait.ge [sflag:s8], $0x2000  }
0x17d: {  	[sflag:s8] =	ssyncset.done $0x0  }
0x17e: {  	[sflag:s8] =	ssyncadd.s32 $0xFFFFE000  }
0x17f: {  	[tilespmem:s7], [sflag:$0x3] =	stream.linear.gather [spmem:s30], $0x2000, $0x38;
	[tilespmem:$0x18650] =	vst v63  }
0x180: {  	_ =	swait.ge [sflag:s8], $0x2000  }
0x181: {  	[sflag:s8] =	ssyncset.done $0x0  }
0x182: {  	s26 =	rddreg [dreg:$0xb];
	[sflag:s8] =	ssyncadd.s32 $0xFFFFE000  }
0x183: {  	[hbm4b:s26+s2] =	stream.linear.scatter [tilespmem:s7], [sflag:$0x3], $0x2000, $0x38;
	[tilespmem:$0x18650] =	vst v63  }
0x184: {  	_ =	swait.ge [sflag:s8], $0x2000  }
0x185: {  	[sflag:s8] =	ssyncset.done $0x0  }
0x186: {  	[sflag:s8] =	ssyncadd.s32 $0xFFFFE000  }
0x187: {  	[tilespmem:s7], [sflag:$0x3] =	stream.linear.gather [spmem:s11], $0x2000, $0x38;
	[tilespmem:$0x18650] =	vst v63  }
0x188: {  	_ =	swait.ge [sflag:s8], $0x2000  }
0x189: {  	[sflag:s8] =	ssyncset.done $0x0  }
0x18a: {  	s19 =	rddreg [dreg:$0xc];
	[sflag:s8] =	ssyncadd.s32 $0xFFFFE000  }
0x18b: {  	[hbm4b:s19+s2] =	stream.linear.scatter [tilespmem:s7], [sflag:$0x3], $0x2000, $0x38;
	[tilespmem:$0x18650] =	vst v63  }
0x18c: {  	_ =	swait.ge [sflag:s8], $0x2000  }
0x18d: {  	[sflag:s8] =	ssyncset.done $0x0  }
0x18e: {  	[sflag:s8] =	ssyncadd.s32 $0xFFFFE000  }
0x18f: {  	[tilespmem:s7], [sflag:$0x3] =	stream.linear.gather [spmem:s0], $0x2000, $0x38;
	[tilespmem:$0x18650] =	vst v63  }
0x190: {  	_ =	swait.ge [sflag:s8], $0x2000  }
0x191: {  	[sflag:s8] =	ssyncset.done $0x0  }
0x192: {  	s20 =	rddreg [dreg:$0xd];
	[sflag:s8] =	ssyncadd.s32 $0xFFFFE000  }
0x193: {  	[hbm4b:s20+s2] =	stream.linear.scatter [tilespmem:s7], [sflag:$0x3], $0x2000, $0x38;
	[tilespmem:$0x18650] =	vst v63  }
0x194: {  	_ =	swait.ge [sflag:s8], $0x2000  }
0x195: {  	[sflag:s8] =	ssyncset.done $0x0  }
0x196: {  	[sflag:s8] =	ssyncadd.s32 $0xFFFFE000  }
0x197: {  	[tilespmem:s7], [sflag:$0x3] =	stream.linear.gather [spmem:s4], $0x2000, $0x38;
	[tilespmem:$0x18650] =	vst v63  }
0x198: {  	_ =	swait.ge [sflag:s8], $0x2000  }
0x199: {  	[sflag:s8] =	ssyncset.done $0x0  }
0x19a: {  	s25 =	rddreg [dreg:$0xe];
	[sflag:s8] =	ssyncadd.s32 $0xFFFFE000  }
0x19b: {  	[hbm4b:s25+s2] =	stream.linear.scatter [tilespmem:s7], [sflag:$0x3], $0x2000, $0x38;
	[tilespmem:$0x18650] =	vst v63  }
0x19c: {  	_ =	swait.ge [sflag:s8], $0x2000  }
0x19d: {  	s24 =	sadd.s32 $0x1, s24;
	s26 =	rddreg [dreg:$0x18]  }
0x19e: {  	p0 =	sne.s32 s24, s26  }
.Ltmp2:
0x19f: {  	_ = 	snop;
	(pc) =	sbr.rel @p0 .LBB2_1-.Ltmp2, $3  }
0x1a0: {  	_ =	sdelay $0x1  }
0x1a1: {  	[sflag:s8] =	ssyncset.done $0x0  }
0x1a2: {  	[sflag:s8] =	ssyncadd.s32 $0xFFFFE000  }
0x1a3: {  	_ =	sfence.sel $0x180000  }
0x1a4: {  	[bflag:$0x0] =	sbarrier.arrive $0xFFFF  }
0x1a5: {  	_ =	strace $0x9000004A  }
0x1a6: {  	s0 =	stileid.u32;
	[bflag:$0x2] =	sbarrier.arrive $0xFFFF  }
0x1a7: {  	p0 =	sne.s32 s0, $0x0;
	s0 =	rddreg [dreg:$0x4]  }
0x1a8: {  	s0 =	sadd.s32 @!p0 $0x100000, s0  }
0x1a9: {  	[sflag:s0] =	ssyncadd.tile.s32 @!p0 $0x1;
	_ =	shalt  }
.Lfunc_end2:
_tile_overlayer_lowered:
.L_overlay_start_2:
0x1aa: {  	(tag) =	ssettag $0x2  }
0x1ab: {  	s0 =	rddreg [dreg:$0x0];
	s2 =	stileid.u32  }
0x1ac: {  	s1 =	rddreg [dreg:$0x1];
	p0 =	sne.s32 s2, $0x0  }
0x1ad: {  	s3 =	rddreg [dreg:$0x2];
	[bflag:$0x3] =	sbarrier.arrive $0xFFFF;
	s2 =	simm.s32 @!p0 $0x1C03  }
0x1ae: {  	[timem:s3], [sflag:s2] =	dma.local @!p0 [hbm:s0], s1  }
0x1af: {  	s0 =	simm.s32 @!p0 $0x3  }
0x1b0: {  	_ =	swait.ge @!p0 [sflag:s0], s1  }
0x1b1: {  	s1 =	ssub.s32 @!p0 $0x0, s1;
	[sflag:s0] =	ssyncset.done @!p0 $0x0  }
0x1b2: {  	[sflag:s0] =	ssyncadd.s32 @!p0 s1  }
0x1b3: {  	[bflag:$0x3] =	sbarrier.arrive $0xFFFF  }
0x1b4: {  	_ =	shalt  }

// kernel: kernel.15.cloned.1.call-start
scs
__scs_entry_jumppad:
0x0: {  	(pc) =	sbr.rel $0x88, $3  }
0x1: {  	(tag) =	ssettag $0x0;
	lr =	simm.s32 $0x1  }
0x2: {  	[smem:$0x3F8F] =	sst lr;
	_ =	strace $0xD0000000  }
0x3: {  	_ = 	snop  }
0x4: {  	_ = 	snop  }
0x5: {  	_ = 	snop  }
0x6: {  	_ = 	snop  }
0x7: {  	_ = 	snop  }
__scs_overlays_trampoline_lowered:
0x8: {  	[smem:$0x3F9E] =	sst s0  }
0x9: {  	[smem:$0x3F9F] =	sst s1  }
0xa: {  	[smem:$0x3FA0] =	sst s2  }
0xb: {  	[smem:$0x3FA1] =	sst s3  }
0xc: {  	[smem:$0x3FA2] =	sst s4  }
0xd: {  	[smem:$0x3FA3] =	sst s5  }
0xe: {  	[smem:$0x3FA4] =	sst s6  }
0xf: {  	[smem:$0x3FA5] =	sst s7  }
0x10: {  	[smem:$0x3FA6] =	sst s8  }
0x11: {  	[smem:$0x3FA7] =	sst s9;
	s0 =	simm.s32 @!p0 $0x0  }
0x12: {  	s1 =	sld [smem:$0x3F8D];
	s0 =	simm.s32 @p0 $0x1  }
0x13: {  	[smem:$0x3FA8] =	sst s0;
	s0 =	simm.s32 @!p1 $0x0  }
0x14: {  	s2 =	sld [smem:$0x3F8C];
	s0 =	simm.s32 @p1 $0x1  }
0x15: {  	[smem:$0x3FA9] =	sst s0;
	s0 =	simm.s32 @!p2 $0x0  }
0x16: {  	s3 =	sld [smem:$0x3FDB];
	s0 =	simm.s32 @p2 $0x1  }
0x17: {  	s4 =	simm.s32 $0x1BF5;
	[smem:$0x3FAB] =	sst s0  }
0x18: {  	s0 =	sld [smem:$0x3F8E];
	_ =	swait.ge [sflag:s4], $0x0  }
0x19: {  	s7 =	sld [smem:$0x3F8F]  }
0x1a: {  	s8 =	sadd.s32 $0xFFFFE003, lr  }
0x1b: {  	s9 =	sadd.s32 $0xFFFFFEF7, lr;
	s5 =	simm.s32 $0xFFFFFFFF;
	p2 =	slt.u32 s8, $0xFFFFF086  }
0x1c: {  	p1 =	slt.u32 s9, $0xF7A;
	s5 =	simm.s32 @!p2 $0x0  }
0x1d: {  	s5 =	simm.s32 @p1 $0x1;
	p0 =	seq.s32 s7, s2  }
0x1e: {  	s7 =	smul.u32 @!p0 $0xF7A, s2;
	p2 =	seq.s32 @!p0 s5, $0x0  }
0x1f: {  	s9 =	smul.u32 $0xF7A, s1;
	s8 =	simm.s32 @!p0 $0x1BF5;
	p2 =	por !p2, p0  }
0x20: {  	[sflag:s8] =	ssyncset.s32 @!p0 $0xFFFFF086;
	s6 =	sadd.s32 @!p0 s3, s7;
	s7 =	simm.s32 @!p0 $0x108  }
0x21: {  	s3 =	sadd.s32 s3, s9;
	s6 =	sadd.s32 @!p0 $0x88, s6;
	s7 =	simm.s32 @p2 $0x1082  }
0x22: {  	[simem:s7], [sflag:s8] =	dma.local @!p0 [hbm:s6], $0xF7A  }
0x23: {  	s9 =	sor.u32 $0xD0000000, s2;
	s6 =	simm.s32 $0x108;
	_ =	swait.ge @!p0 [sflag:s8], $0x0  }
0x24: {  	s3 =	sadd.s32 $0x88, s3;
	s6 =	simm.s32 @!p1 $0x1082;
	[sflag:s4] =	ssyncset.s32 $0xFFFFF086  }
0x25: {  	[simem:s6], [sflag:s4] =	dma.local [hbm:s3], $0xF7A  }
0x26: {  	[smem:$0x3F8F] =	sst s1;
	(tag) =	ssettag s2;
	_ =	strace s9  }
0x27: {  	s1 =	sld [smem:$0x3F9F]  }
0x28: {  	s2 =	sld [smem:$0x3FA0]  }
0x29: {  	s4 =	sld [smem:$0x3FA2]  }
0x2a: {  	p0 =	seq.s32 s5, $0x0;
	s5 =	sld [smem:$0x3FA3]  }
0x2b: {  	s6 =	sld [smem:$0x3FA4]  }
0x2c: {  	s7 =	sld [smem:$0x3FA5]  }
0x2d: {  	s3 =	simm.s32 $0x108;
	s8 =	sld [smem:$0x3FA6]  }
0x2e: {  	s3 =	simm.s32 @!p0 $0x1082;
	s9 =	sld [smem:$0x3FA7]  }
0x2f: {  	lr =	sadd.s32 s0, s3;
	s0 =	sld [smem:$0x3F9E]  }
0x30: {  	s3 =	sld [smem:$0x3FA1]  }
0x31: {  	[smem:$0x3FAA] =	sst s10  }
0x32: {  	s10 =	sld [smem:$0x3FA8];
	_ =	sdelay $0x3  }
0x33: {  	p0 =	seq.s32 s10, $0x1;
	s10 =	sld [smem:$0x3FAA];
	_ =	sdelay $0x3  }
0x34: {  	[smem:$0x3FAA] =	sst s10  }
0x35: {  	s10 =	sld [smem:$0x3FA9];
	_ =	sdelay $0x3  }
0x36: {  	p1 =	seq.s32 s10, $0x1;
	s10 =	sld [smem:$0x3FAA];
	_ =	sdelay $0x3  }
0x37: {  	[smem:$0x3FAA] =	sst s10  }
0x38: {  	s10 =	sld [smem:$0x3FAB]  }
0x39: {  	_ = 	snop;
	(pc) =	sbr.ind lr, $3  }
0x3a: {  	_ = 	snop  }
0x3b: {  	_ = 	snop  }
0x3c: {  	p2 =	seq.s32 s10, $0x1;
	s10 =	sld [smem:$0x3FAA]  }
0x3d: {  	_ =	shalt  }
0x3e: {  	_ =	shalt  }
0x3f: {  	_ =	shalt  }
0x40: {  	_ =	shalt  }
0x41: {  	_ =	shalt  }
0x42: {  	_ =	shalt  }
0x43: {  	_ =	shalt  }
0x44: {  	_ =	shalt  }
0x45: {  	_ =	shalt  }
0x46: {  	_ =	shalt  }
0x47: {  	_ =	shalt  }
0x48: {  	_ =	shalt  }
0x49: {  	_ =	shalt  }
0x4a: {  	_ =	shalt  }
0x4b: {  	_ =	shalt  }
0x4c: {  	_ =	shalt  }
0x4d: {  	_ =	shalt  }
0x4e: {  	_ =	shalt  }
0x4f: {  	_ =	shalt  }
0x50: {  	_ =	shalt  }
0x51: {  	_ =	shalt  }
0x52: {  	_ =	shalt  }
0x53: {  	_ =	shalt  }
0x54: {  	_ =	shalt  }
0x55: {  	_ =	shalt  }
0x56: {  	_ =	shalt  }
0x57: {  	_ =	shalt  }
0x58: {  	_ =	shalt  }
0x59: {  	_ =	shalt  }
0x5a: {  	_ =	shalt  }
0x5b: {  	_ =	shalt  }
0x5c: {  	_ =	shalt  }
0x5d: {  	_ =	shalt  }
0x5e: {  	_ =	shalt  }
0x5f: {  	_ =	shalt  }
0x60: {  	_ =	shalt  }
0x61: {  	_ =	shalt  }
0x62: {  	_ =	shalt  }
0x63: {  	_ =	shalt  }
0x64: {  	_ =	shalt  }
0x65: {  	_ =	shalt  }
0x66: {  	_ =	shalt  }
0x67: {  	_ =	shalt  }
0x68: {  	_ =	shalt  }
0x69: {  	_ =	shalt  }
0x6a: {  	_ =	shalt  }
0x6b: {  	_ =	shalt  }
0x6c: {  	_ =	shalt  }
0x6d: {  	_ =	shalt  }
0x6e: {  	_ =	shalt  }
0x6f: {  	_ =	shalt  }
0x70: {  	_ =	shalt  }
0x71: {  	_ =	shalt  }
0x72: {  	_ =	shalt  }
0x73: {  	_ =	shalt  }
0x74: {  	_ =	shalt  }
0x75: {  	_ =	shalt  }
0x76: {  	_ =	shalt  }
0x77: {  	_ =	shalt  }
0x78: {  	_ =	shalt  }
0x79: {  	_ =	shalt  }
0x7a: {  	_ =	shalt  }
0x7b: {  	_ =	shalt  }
0x7c: {  	_ =	shalt  }
0x7d: {  	_ =	shalt  }
0x7e: {  	_ =	shalt  }
0x7f: {  	_ =	shalt  }
0x80: {  	_ =	shalt  }
0x81: {  	_ =	shalt  }
0x82: {  	_ =	shalt  }
0x83: {  	_ =	shalt  }
0x84: {  	_ =	shalt  }
0x85: {  	_ =	shalt  }
0x86: {  	_ =	shalt  }
0x87: {  	_ =	shalt  }
.Lfunc_end0:
.L_simem_size_0:
called_computation.2_lowered:
.L_overlay_start_0:
0x88: {  	s2 =	sld [smem:$0x3FD9]  }
0x89: {  	s3 =	sld [smem:$0x3FFE];
	_ =	sdelay $0x1  }
0x8a: {  	s1 =	srdreg.scid  }
0x8b: {  	s0 =	sand.u32 $0x1, s1  }
0x8c: {  	s17 =	sshll.u32 s0, $0xA;
	s2 =	sadd.s32 s3, s2  }
0x8d: {  	s2 =	sadd.s32 s2, s17  }
0x8e: {  	[smem:$0x3FB6] =	sst s2  }
0x8f: {  	_ = 	snop  }
0x90: {  	s18 =	sld [smem:$0x3FD0];
	(tm) =	ssettm $0x1  }
0x91: {  	s19 =	sld [smem:$0x3FFB];
	_ =	sdelay $0x3  }
0x92: {  	_ =	strace s19  }
0x93: {  	s2 =	sld [smem:$0x3FFC];
	_ =	sdelay $0x3  }
0x94: {  	_ =	strace s2  }
0x95: {  	s2 =	sld [smem:$0x3FFD];
	_ =	sdelay $0x3  }
0x96: {  	_ =	strace s2  }
0x97: {  	_ =	strace $0x8FFFFFFF  }
0x98: {  	s20 =	sld [smem:$0x3FDB];
	_ =	sdelay $0x1  }
0x99: {  	s4 =	simm.s32 $_scs_section_size  }
0x9a: {  	s5 =	simm.s32 $_size__tile_overlayer_lowered;
	s6 =	simm.s32 $_tile_overlayer_lowered  }
0x9b: {  	s7 =	simm.s32 $0x1BFF;
	s21 =	sshll.u32 s6, $0x1;
	s4 =	sadd.s32 s4, s20  }
0x9c: {  	s22 =	simm.s32 $0x0;
	s5 =	sshll.u32 s5, $0x1;
	s6 =	sadd.s32 s21, s4  }
0x9d: {  	[timem:s22], [sflag:s7] =	dma.local [hbm:s6], s5  }
0x9e: {  	_ =	swait.ge [sflag:s7], s5  }
0x9f: {  	s5 =	ssub.s32 $0x0, s5;
	[sflag:s7] =	ssyncset.done $0x0  }
0xa0: {  	[sflag:s7] =	ssyncadd.s32 s5;
	_ =	sdelay $0x1  }
0xa1: {  	s23 =	simm.s32 $0x1B8B  }
0xa2: {  	_ =	swait.ge [sflag:s23], $0x1  }
0xa3: {  	[sflag:s23] =	ssyncset.done $0x0  }
0xa4: {  	[sflag:s23] =	ssyncadd.s32 $0xFFFFFFFF  }
0xa5: {  	s5 =	sld [smem:$0x0]  }
0xa6: {  	s6 =	sand.u32 $0xFFFFFFFE, s1  }
0xa7: {  	p0 =	sne.s32 s1, s6  }
0xa8: {  	s6 =	sshll.u32 @p0 s6, $0xE  }
0xa9: {  	s6 =	sadd.s32 @p0 $0x11B8D, s6;
	s7 =	sshll.u32 @p0 s5, $0x11  }
0xaa: {  	s6 =	sor.u32 @p0 s7, s6  }
0xab: {  	[sflag:s6] =	ssyncadd.remote.s32 @p0 $0x1;
	_ =	sdelay $0x1  }
0xac: {  	s6 =	simm.s32 @p0 $0x1B8D  }
0xad: {  	_ =	swait.eq @p0 [sflag:s6], $0x1  }
0xae: {  	[sflag:s6] =	ssyncadd.s32 @p0 $0xFFFFFFFF  }
0xaf: {  	s7 =	sshll.u32 @!p0 s1, $0xE  }
0xb0: {  	s7 =	sor.u32 @!p0 $0x4000, s7;
	s6 =	simm.s32 @!p0 $0x1B8D  }
0xb1: {  	s5 =	sshll.u32 @!p0 s5, $0x11;
	s7 =	sadd.s32 @!p0 $0x11B8D, s7;
	_ =	swait.eq @!p0 [sflag:s6], $0x1  }
0xb2: {  	s5 =	sor.u32 @!p0 s5, s7;
	[sflag:s6] =	ssyncadd.s32 @!p0 $0xFFFFFFFF  }
0xb3: {  	s25 =	simm.s32 $0x1B8E;
	s24 =	sld [smem:$0x3FFE];
	[sflag:s5] =	ssyncadd.remote.s32 @!p0 $0x1  }
0xb4: {  	s26 =	simm.s32 $execute0_lowered;
	[smem:$0x3FD2] =	sst s25  }
0xb5: {  	s6 =	sshll.u32 s26, $0x1;
	_ =	strace $0x8000004C;
	[dreg:$0x1] =	wrdreg $0xFFFFFFFF  }
0xb6: {  	s28 =	simm.s32 $_size_execute0_lowered;
	s4 =	sadd.s32 s4, s6;
	[dreg:$0x0] =	wrdreg $0x0  }
0xb7: {  	s6 =	sshll.u32 s28, $0x1;
	[dreg:$0x2] =	wrdreg s4  }
0xb8: {  	[dreg:$0x3] =	wrdreg s6  }
0xb9: {  	[dreg:$0x4] =	wrdreg $0xC0  }
0xba: {  	_ =	task [dreg:s22], $0x5FFFF  }
0xbb: {  	[dreg:$0x1] =	wrdreg $0xFFFFFFFF  }
0xbc: {  	[dreg:$0x0] =	wrdreg $0x60  }
0xbd: {  	[dreg:$0x2] =	wrdreg s24  }
0xbe: {  	[dreg:$0x3] =	wrdreg s18  }
0xbf: {  	[dreg:$0x4] =	wrdreg $0xAE800  }
0xc0: {  	[dreg:$0x5] =	wrdreg $0xA  }
0xc1: {  	_ =	task.clear_ibuf [dreg:s22], $0x6FFFF;
	_ =	strace $0x9000004C  }
0xc2: {  	s29 =	simm.s32 $0xA;
	_ =	strace $0x8000004E  }
0xc3: {  	_ =	swait.ge [sflag:s29], $0x1  }
0xc4: {  	[sflag:s29] =	ssyncadd.s32 $0xFFFFFFFF  }
0xc5: {  	_ =	strace $0x9000004E  }
0xc6: {  	_ =	sfence  }
0xc7: {  	s30 =	sld [smem:$0x0];
	_ =	sdelay $0x2  }
0xc8: {  	s31 =	sshll.u32 s1, $0xD;
	s1 =	sshrl.u32 s1, $0x2  }
0xc9: {  	s4 =	sand.u32 $0x4000, s31;
	s1 =	sadd.s32 s1, s30  }
0xca: {  	s0 =	sor.u32 s4, s0;
	s1 =	sshll.u32 s1, $0x11  }
0xcb: {  	s0 =	sor.u32 s1, s0  }
0xcc: {  	s0 =	sadd.s32 $0x8F2B, s0  }
0xcd: {  	[sflag:s0] =	ssyncadd.remote.s32 $0x1  }
0xce: {  	_ =	sfence.sel $0xFFFF  }
0xcf: {  	[dreg:$0x0] =	wrdreg $0xFFFFFFFF;
	(pc) =	sbr.abs _section_cstart, $3  }
0xd0: {  	[dreg:$0x1] =	wrdreg $0xFFFFFFFF  }
0xd1: {  	_ =	task.clear_ibuf [dreg:s22], $0x2FFFF;
	_ =	strace $0x9FFFFFFF  }
0xd2: {  	(tm) =	ssettm $0x7FFFFFFF  }
0xd3: {  	_ =	shalt  }
tec
execute0_lowered:
.L_overlay_start_1:
0x0: {  	(tag) =	ssettag $0x1  }
0x1: {  	s0 =	rddreg [dreg:$0x0]  }
0x2: {  	s1 =	srdreg.scid;
	s3 =	rddreg [dreg:$0x2]  }
0x3: {  	s2 =	stileid.u32;
	s4 =	simm.s32 $0x0;
	s20 =	simm.s32 $0x3  }
0x4: {  	s22 =	simm.s32 $0x7D;
	s23 =	simm.s32 $0x5000;
	s24 =	simm.s32 $0x6F40  }
0x5: {  	s25 =	simm.s32 $0x1;
	s26 =	simm.s32 $0x2;
	s29 =	simm.s32 $0x4F00  }
0x6: {  	s30 =	simm.s32 $0x4F80;
	s31 =	simm.s32 $0x0;
	s6 =	smul.u32 $0x2800, s2  }
0x7: {  	s1 =	sand.u32 $0x1, s1;
	[smem:$0x7FF] =	sst s4;
	s12 =	smul.u32 $0xA000, s2  }
0x8: {  	s5 =	smul.u32 $0x28000, s1;
	_ =	strace $0x8000004D;
	s7 =	ssub.s32 $0x2, s1  }
0x9: {  	s1 =	smul.u32 $0xA0000, s1;
	s28 =	sshrl.u32 s7, $0x1;
	s13 =	sadd.s32 $0x2000, s12  }
0xa: {  	s15 =	sadd.s32 $0x4000, s12;
	s16 =	sadd.s32 $0x6000, s12;
	s17 =	sadd.s32 $0x8000, s12  }
0xb: {  	s6 =	sadd.s32 s6, s5;
	s5 =	sadd.s32 $0x41200, s0;
	s18 =	ssub.s32 s7, s28  }
0xc: {  	s9 =	sadd.s32 s13, s3;
	s10 =	sadd.s32 s15, s3;
	s11 =	sadd.s32 s16, s3  }
0xd: {  	s14 =	sadd.s32 s12, s1;
	s13 =	sadd.s32 s1, s13;
	s15 =	sadd.s32 s1, s15  }
0xe: {  	s16 =	sadd.s32 s1, s16;
	s1 =	sadd.s32 s1, s17;
	s6 =	sshrl.u32 s6, $0x3  }
0xf: {  	s14 =	sshrl.u32 s14, $0x3;
	s19 =	sshrl.u32 s13, $0x3;
	s15 =	sshrl.u32 s15, $0x3  }
0x10: {  	s16 =	sshrl.u32 s16, $0x3;
	s1 =	sshrl.u32 s1, $0x3;
	s8 =	sadd.s32 s6, s0  }
0x11: {  	s18 =	smax.u32 s18, $0x1;
	s0 =	sadd.s32 $0x54C00, s0;
	s6 =	sadd.s32 $0x2CE00, s8  }
0x12: {  	s7 =	sadd.s32 $0x36E00, s8;
	s8 =	sadd.s32 s12, s3;
	s12 =	sadd.s32 s17, s3  }
0x13: {  	s13 =	sadd.s32 s0, s14;
	s14 =	sadd.s32 s0, s19;
	s15 =	sadd.s32 s0, s15  }
0x14: {  	s16 =	sadd.s32 s0, s16;
	s17 =	sadd.s32 s0, s1;
	s19 =	simm.s32 $0x8E80  }
.LBB2_1:
0x15: {  	s0 =	rddreg [dreg:$0x1]  }
0x16: {  	[tilespmem:s19], [sflag:$0x3] =	stream.linear.gather [hbm4b:s0+s4], $0x2000, $0x38;
	[tilespmem:$0x14E80] =	vst v63  }
0x17: {  	_ =	swait.ge [sflag:s20], $0x2000  }
0x18: {  	[sflag:s20] =	ssyncset.done $0x0  }
0x19: {  	[sflag:s20] =	ssyncadd.s32 $0xFFFFE000  }
0x1a: {  	[tilespmem:s4], [sflag:$0x3] =	stream.linear.gather [hbm4b:s6+s4], $0x2800, $0x38;
	[tilespmem:$0x14E80] =	vst v63  }
0x1b: {  	_ =	swait.ge [sflag:s20], $0x2800  }
0x1c: {  	[sflag:s20] =	ssyncset.done $0x0  }
0x1d: {  	s28 =	simm.s32 $0x2800;
	[sflag:s20] =	ssyncadd.s32 $0xFFFFD800  }
0x1e: {  	[tilespmem:s28], [sflag:$0x3] =	stream.linear.gather [hbm4b:s7+s4], $0x2800, $0x38;
	[tilespmem:$0x14E80] =	vst v63  }
0x1f: {  	_ =	swait.ge [sflag:s20], $0x2800  }
0x20: {  	[sflag:s20] =	ssyncset.done $0x0  }
0x21: {  	[sflag:s20] =	ssyncadd.s32 $0xFFFFD800  }
0x22: {  	[spmem:s8] =	stream.linear.scatter [tilespmem:s19], [sflag:$0x3], $0x2000, $0x38;
	[tilespmem:$0x14E80] =	vst v63  }
0x23: {  	_ =	swait.ge [sflag:s20], $0x2000  }
0x24: {  	[sflag:s20] =	ssyncset.done $0x0  }
0x25: {  	[sflag:s20] =	ssyncadd.s32 $0xFFFFE000  }
0x26: {  	[spmem:s9] =	stream.linear.scatter [tilespmem:s19], [sflag:$0x3], $0x2000, $0x38;
	[tilespmem:$0x14E80] =	vst v63  }
0x27: {  	_ =	swait.ge [sflag:s20], $0x2000  }
0x28: {  	[sflag:s20] =	ssyncset.done $0x0  }
0x29: {  	[sflag:s20] =	ssyncadd.s32 $0xFFFFE000  }
0x2a: {  	[spmem:s10] =	stream.linear.scatter [tilespmem:s19], [sflag:$0x3], $0x2000, $0x38;
	[tilespmem:$0x14E80] =	vst v63  }
0x2b: {  	_ =	swait.ge [sflag:s20], $0x2000  }
0x2c: {  	[sflag:s20] =	ssyncset.done $0x0  }
0x2d: {  	[sflag:s20] =	ssyncadd.s32 $0xFFFFE000  }
0x2e: {  	[spmem:s11] =	stream.linear.scatter [tilespmem:s19], [sflag:$0x3], $0x2000, $0x38;
	[tilespmem:$0x14E80] =	vst v63  }
0x2f: {  	_ =	swait.ge [sflag:s20], $0x2000  }
0x30: {  	[sflag:s20] =	ssyncset.done $0x0  }
0x31: {  	[sflag:s20] =	ssyncadd.s32 $0xFFFFE000  }
0x32: {  	[spmem:s12] =	stream.linear.scatter [tilespmem:s19], [sflag:$0x3], $0x2000, $0x38;
	[tilespmem:$0x14E80] =	vst v63  }
0x33: {  	_ =	swait.ge [sflag:s20], $0x2000  }
0x34: {  	[sflag:s20] =	ssyncset.done $0x0  }
0x35: {  	[sflag:s20] =	ssyncadd.s32 $0xFFFFE000  }
0x36: {  	[bflag:$0x0] =	sbarrier.arrive $0xFFFF  }
0x37: {  	[tilespmem:s23], [sflag:$0x1] =	stream.indirect.gather [hbm4b:s5+s22], $0x40, s4, s22, $0xb8;
	[tilespmem:$0x14E80] =	vst v63  }
0x38: {  	s1 =	simm.s32 $0x80  }
0x39: {  	[tilespmem:s24], [sflag:$0x2] =	stream.indirect.gather [hbm4b:s5+s22], $0x40, s1, s22, $0xb8;
	[tilespmem:$0x14E80] =	vst v63  }
0x3a: {  	_ =	swait.ge [sflag:s25], $0x1F40  }
0x3b: {  	[sflag:s25] =	ssyncset.done $0x0  }
0x3c: {  	s2 =	simm.s32 $0x2800;
	[sflag:s25] =	ssyncadd.s32 $0xFFFFE0C0  }
0x3d: {  	[spmem:s3] =	stream.indirect.scatter.add.f32 [tilespmem:s23], [sflag:$0x3], $0x40, s2, s22, $0xb8;
	[tilespmem:$0x14E80] =	vst v63  }
0x3e: {  	_ =	swait.ge [sflag:s20], $0x1F40  }
0x3f: {  	[sflag:s20] =	ssyncset.done $0x0  }
0x40: {  	s21 =	simm.s32 $0x100;
	[sflag:s20] =	ssyncadd.s32 $0xFFFFE0C0  }
0x41: {  	[tilespmem:s23], [sflag:$0x1] =	stream.indirect.gather [hbm4b:s5+s22], $0x40, s21, s22, $0xb8;
	[tilespmem:$0x14E80] =	vst v63  }
0x42: {  	_ =	swait.ge [sflag:s26], $0x1F40  }
0x43: {  	[sflag:s26] =	ssyncset.done $0x0  }
0x44: {  	s28 =	simm.s32 $0x2880;
	[sflag:s26] =	ssyncadd.s32 $0xFFFFE0C0  }
0x45: {  	[spmem:s3] =	stream.indirect.scatter.add.f32 [tilespmem:s24], [sflag:$0x3], $0x40, s28, s22, $0xb8;
	[tilespmem:$0x14E80] =	vst v63  }
0x46: {  	_ =	swait.ge [sflag:s20], $0x1F40  }
0x47: {  	s0 =	simm.s32 $0x100;
	s1 =	simm.s32 $0x800;
	[sflag:s20] =	ssyncset.done $0x0  }
.LBB2_2:
0x48: {  	s2 =	sadd.s32 $0x80, s0  }
0x49: {  	[sflag:s20] =	ssyncadd.s32 $0xFFFFE0C0;
	s21 =	smov.u32 s1;
	s28 =	sadd.s32 $0x400, s1  }
0x4a: {  	[tilespmem:s24], [sflag:$0x2] =	stream.indirect.gather [hbm4b:s5+s22], $0x40, s2, s22, $0xb8;
	[tilespmem:$0x14E80] =	vst v63  }
0x4b: {  	p0 =	sne.s32 s1, $0x9800;
	_ =	swait.ge [sflag:s25], $0x1F40  }
0x4c: {  	[sflag:s25] =	ssyncset.done $0x0  }
0x4d: {  	s1 =	sadd.s32 $0x2800, s0;
	[sflag:s25] =	ssyncadd.s32 $0xFFFFE0C0  }
0x4e: {  	[spmem:s3] =	stream.indirect.scatter.add.f32 [tilespmem:s23], [sflag:$0x3], $0x40, s1, s22, $0xb8;
	[tilespmem:$0x14E80] =	vst v63  }
0x4f: {  	_ =	swait.ge [sflag:s20], $0x1F40  }
0x50: {  	[sflag:s20] =	ssyncset.done $0x0  }
0x51: {  	s1 =	sadd.s32 $0x100, s0;
	[sflag:s20] =	ssyncadd.s32 $0xFFFFE0C0  }
0x52: {  	[tilespmem:s23], [sflag:$0x1] =	stream.indirect.gather [hbm4b:s5+s22], $0x40, s1, s22, $0xb8;
	[tilespmem:$0x14E80] =	vst v63  }
0x53: {  	_ =	swait.ge [sflag:s26], $0x1F40  }
.Ltmp0:
0x54: {  	[sflag:s26] =	ssyncset.done $0x0;
	(pc) =	sbr.rel @p0 .LBB2_2-.Ltmp0, $4  }
0x55: {  	s0 =	sadd.s32 $0x2880, s0;
	[sflag:s26] =	ssyncadd.s32 $0xFFFFE0C0  }
0x56: {  	[spmem:s3] =	stream.indirect.scatter.add.f32 [tilespmem:s24], [sflag:$0x3], $0x40, s0, s22, $0xb8;
	[tilespmem:$0x14E80] =	vst v63  }
0x57: {  	_ =	swait.ge [sflag:s20], $0x1F40  }
0x58: {  	s1 =	smov.u32 s28;
	s0 =	sshra.s32 s21, $0x2;
	[sflag:s20] =	ssyncset.done $0x0  }
0x59: {  	s1 =	sadd.s32 $0x80, s0;
	[sflag:s20] =	ssyncadd.s32 $0xFFFFE0C0  }
0x5a: {  	[tilespmem:s24], [sflag:$0x2] =	stream.indirect.gather [hbm4b:s5+s22], $0x40, s1, s22, $0xb8;
	[tilespmem:$0x14E80] =	vst v63  }
0x5b: {  	_ =	swait.ge [sflag:s25], $0x1F40  }
0x5c: {  	[sflag:s25] =	ssyncset.done $0x0  }
0x5d: {  	s28 =	sadd.s32 $0x2800, s0;
	[sflag:s25] =	ssyncadd.s32 $0xFFFFE0C0  }
0x5e: {  	[spmem:s3] =	stream.indirect.scatter.add.f32 [tilespmem:s23], [sflag:$0x3], $0x40, s28, s22, $0xb8;
	[tilespmem:$0x14E80] =	vst v63  }
0x5f: {  	_ =	swait.ge [sflag:s20], $0x1F40  }
0x60: {  	[sflag:s20] =	ssyncset.done $0x0  }
0x61: {  	s2 =	sadd.s32 $0x100, s0;
	[sflag:s20] =	ssyncadd.s32 $0xFFFFE0C0  }
0x62: {  	[tilespmem:s23], [sflag:$0x1] =	stream.indirect.gather [hbm4b:s5+s22], $0x40, s2, s22, $0xb8;
	[tilespmem:$0x14E80] =	vst v63  }
0x63: {  	_ =	swait.ge [sflag:s26], $0x1F40  }
0x64: {  	[sflag:s26] =	ssyncset.done $0x0  }
0x65: {  	s21 =	sadd.s32 $0x2880, s0;
	[sflag:s26] =	ssyncadd.s32 $0xFFFFE0C0  }
0x66: {  	[spmem:s3] =	stream.indirect.scatter.add.f32 [tilespmem:s24], [sflag:$0x3], $0x40, s21, s22, $0xb8;
	[tilespmem:$0x14E80] =	vst v63  }
0x67: {  	_ =	swait.ge [sflag:s20], $0x1F40  }
0x68: {  	[sflag:s20] =	ssyncset.done $0x0  }
0x69: {  	s28 =	simm.s32 $0x2780;
	[sflag:s20] =	ssyncadd.s32 $0xFFFFE0C0  }
0x6a: {  	[tilespmem:s24], [sflag:$0x2] =	stream.indirect.gather [hbm4b:s5+s22], $0x40, s28, s22, $0xb8;
	[tilespmem:$0x14E80] =	vst v63  }
0x6b: {  	_ =	swait.ge [sflag:s25], $0x1F40  }
0x6c: {  	[sflag:s25] =	ssyncset.done $0x0  }
0x6d: {  	[sflag:s25] =	ssyncadd.s32 $0xFFFFE0C0  }
0x6e: {  	[spmem:s3] =	stream.indirect.scatter.add.f32 [tilespmem:s23], [sflag:$0x3], $0x40, s29, s22, $0xb8;
	[tilespmem:$0x14E80] =	vst v63  }
0x6f: {  	_ =	swait.ge [sflag:s20], $0x1F40  }
0x70: {  	[sflag:s20] =	ssyncset.done $0x0  }
0x71: {  	[sflag:s20] =	ssyncadd.s32 $0xFFFFE0C0  }
0x72: {  	_ =	swait.ge [sflag:s26], $0x1F40  }
0x73: {  	[sflag:s26] =	ssyncset.done $0x0  }
0x74: {  	[sflag:s26] =	ssyncadd.s32 $0xFFFFE0C0  }
0x75: {  	[spmem:s3] =	stream.indirect.scatter.add.f32 [tilespmem:s24], [sflag:$0x3], $0x40, s30, s22, $0xb8;
	[tilespmem:$0x14E80] =	vst v63  }
0x76: {  	_ =	swait.ge [sflag:s20], $0x1F40  }
0x77: {  	[sflag:s20] =	ssyncset.done $0x0  }
0x78: {  	[sflag:s20] =	ssyncadd.s32 $0xFFFFE0C0  }
0x79: {  	[bflag:$0x0] =	sbarrier.arrive $0xFFFF  }
0x7a: {  	[tilespmem:s19], [sflag:$0x3] =	stream.linear.gather [spmem:s8], $0x2000, $0x38;
	[tilespmem:$0x14E80] =	vst v63  }
0x7b: {  	_ =	swait.ge [sflag:s20], $0x2000  }
0x7c: {  	[sflag:s20] =	ssyncset.done $0x0  }
0x7d: {  	[sflag:s20] =	ssyncadd.s32 $0xFFFFE000  }
0x7e: {  	[hbm4b:s13+s4] =	stream.linear.scatter [tilespmem:s19], [sflag:$0x3], $0x2000, $0x38;
	[tilespmem:$0x14E80] =	vst v63  }
0x7f: {  	_ =	swait.ge [sflag:s20], $0x2000  }
0x80: {  	[sflag:s20] =	ssyncset.done $0x0  }
0x81: {  	[sflag:s20] =	ssyncadd.s32 $0xFFFFE000  }
0x82: {  	[tilespmem:s19], [sflag:$0x3] =	stream.linear.gather [spmem:s9], $0x2000, $0x38;
	[tilespmem:$0x14E80] =	vst v63  }
0x83: {  	_ =	swait.ge [sflag:s20], $0x2000  }
0x84: {  	[sflag:s20] =	ssyncset.done $0x0  }
0x85: {  	[sflag:s20] =	ssyncadd.s32 $0xFFFFE000  }
0x86: {  	[hbm4b:s14+s4] =	stream.linear.scatter [tilespmem:s19], [sflag:$0x3], $0x2000, $0x38;
	[tilespmem:$0x14E80] =	vst v63  }
0x87: {  	_ =	swait.ge [sflag:s20], $0x2000  }
0x88: {  	[sflag:s20] =	ssyncset.done $0x0  }
0x89: {  	[sflag:s20] =	ssyncadd.s32 $0xFFFFE000  }
0x8a: {  	[tilespmem:s19], [sflag:$0x3] =	stream.linear.gather [spmem:s10], $0x2000, $0x38;
	[tilespmem:$0x14E80] =	vst v63  }
0x8b: {  	_ =	swait.ge [sflag:s20], $0x2000  }
0x8c: {  	[sflag:s20] =	ssyncset.done $0x0  }
0x8d: {  	[sflag:s20] =	ssyncadd.s32 $0xFFFFE000  }
0x8e: {  	[hbm4b:s15+s4] =	stream.linear.scatter [tilespmem:s19], [sflag:$0x3], $0x2000, $0x38;
	[tilespmem:$0x14E80] =	vst v63  }
0x8f: {  	_ =	swait.ge [sflag:s20], $0x2000  }
0x90: {  	[sflag:s20] =	ssyncset.done $0x0  }
0x91: {  	[sflag:s20] =	ssyncadd.s32 $0xFFFFE000  }
0x92: {  	[tilespmem:s19], [sflag:$0x3] =	stream.linear.gather [spmem:s11], $0x2000, $0x38;
	[tilespmem:$0x14E80] =	vst v63  }
0x93: {  	_ =	swait.ge [sflag:s20], $0x2000  }
0x94: {  	[sflag:s20] =	ssyncset.done $0x0  }
0x95: {  	[sflag:s20] =	ssyncadd.s32 $0xFFFFE000  }
0x96: {  	[hbm4b:s16+s4] =	stream.linear.scatter [tilespmem:s19], [sflag:$0x3], $0x2000, $0x38;
	[tilespmem:$0x14E80] =	vst v63  }
0x97: {  	_ =	swait.ge [sflag:s20], $0x2000  }
0x98: {  	[sflag:s20] =	ssyncset.done $0x0  }
0x99: {  	[sflag:s20] =	ssyncadd.s32 $0xFFFFE000  }
0x9a: {  	[tilespmem:s19], [sflag:$0x3] =	stream.linear.gather [spmem:s12], $0x2000, $0x38;
	[tilespmem:$0x14E80] =	vst v63  }
0x9b: {  	s31 =	sadd.s32 $0x1, s31;
	_ =	swait.ge [sflag:s20], $0x2000  }
0x9c: {  	p0 =	sne.s32 s31, s18;
	[sflag:s20] =	ssyncset.done $0x0  }
.Ltmp1:
0x9d: {  	[sflag:s20] =	ssyncadd.s32 $0xFFFFE000;
	(pc) =	sbr.rel @p0 .LBB2_1-.Ltmp1, $4  }
0x9e: {  	[hbm4b:s17+s4] =	stream.linear.scatter [tilespmem:s19], [sflag:$0x3], $0x2000, $0x38;
	[tilespmem:$0x14E80] =	vst v63  }
0x9f: {  	_ =	swait.ge [sflag:s20], $0x2000  }
0xa0: {  	[sflag:s20] =	ssyncset.done $0x0  }
0xa1: {  	[sflag:s20] =	ssyncadd.s32 $0xFFFFE000  }
0xa2: {  	_ =	sfence.sel $0x180000  }
0xa3: {  	[bflag:$0x0] =	sbarrier.arrive $0xFFFF  }
0xa4: {  	_ =	strace $0x9000004D  }
0xa5: {  	s0 =	stileid.u32;
	[bflag:$0x2] =	sbarrier.arrive $0xFFFF  }
0xa6: {  	p0 =	sne.s32 s0, $0x0;
	s0 =	rddreg [dreg:$0x3]  }
0xa7: {  	s0 =	sadd.s32 @!p0 $0x100000, s0  }
0xa8: {  	[sflag:s0] =	ssyncadd.tile.s32 @!p0 $0x1;
	_ =	shalt  }
.Lfunc_end2:
_tile_overlayer_lowered:
.L_overlay_start_2:
0xa9: {  	(tag) =	ssettag $0x2  }
0xaa: {  	s0 =	rddreg [dreg:$0x0];
	s2 =	stileid.u32  }
0xab: {  	s1 =	rddreg [dreg:$0x1];
	p0 =	sne.s32 s2, $0x0  }
0xac: {  	s3 =	rddreg [dreg:$0x2];
	[bflag:$0x3] =	sbarrier.arrive $0xFFFF;
	s2 =	simm.s32 @!p0 $0x1C03  }
0xad: {  	[timem:s3], [sflag:s2] =	dma.local @!p0 [hbm:s0], s1  }
0xae: {  	s0 =	simm.s32 @!p0 $0x3  }
0xaf: {  	_ =	swait.ge @!p0 [sflag:s0], s1  }
0xb0: {  	s1 =	ssub.s32 @!p0 $0x0, s1;
	[sflag:s0] =	ssyncset.done @!p0 $0x0  }
0xb1: {  	[sflag:s0] =	ssyncadd.s32 @!p0 s1  }
0xb2: {  	[bflag:$0x3] =	sbarrier.arrive $0xFFFF  }
0xb3: {  	_ =	shalt  }

// kernel: kernel.18.cloned.1.call-start
scs
__scs_entry_jumppad:
0x0: {  	(pc) =	sbr.rel $0x88, $3  }
0x1: {  	(tag) =	ssettag $0x0;
	lr =	simm.s32 $0x1  }
0x2: {  	[smem:$0x3F8F] =	sst lr;
	_ =	strace $0xD0000000  }
0x3: {  	_ = 	snop  }
0x4: {  	_ = 	snop  }
0x5: {  	_ = 	snop  }
0x6: {  	_ = 	snop  }
0x7: {  	_ = 	snop  }
__scs_overlays_trampoline_lowered:
0x8: {  	[smem:$0x3F9E] =	sst s0  }
0x9: {  	[smem:$0x3F9F] =	sst s1  }
0xa: {  	[smem:$0x3FA0] =	sst s2  }
0xb: {  	[smem:$0x3FA1] =	sst s3  }
0xc: {  	[smem:$0x3FA2] =	sst s4  }
0xd: {  	[smem:$0x3FA3] =	sst s5  }
0xe: {  	[smem:$0x3FA4] =	sst s6  }
0xf: {  	[smem:$0x3FA5] =	sst s7  }
0x10: {  	[smem:$0x3FA6] =	sst s8  }
0x11: {  	[smem:$0x3FA7] =	sst s9;
	s0 =	simm.s32 @!p0 $0x0  }
0x12: {  	s1 =	sld [smem:$0x3F8D];
	s0 =	simm.s32 @p0 $0x1  }
0x13: {  	[smem:$0x3FA8] =	sst s0;
	s0 =	simm.s32 @!p1 $0x0  }
0x14: {  	s2 =	sld [smem:$0x3F8C];
	s0 =	simm.s32 @p1 $0x1  }
0x15: {  	[smem:$0x3FA9] =	sst s0;
	s0 =	simm.s32 @!p2 $0x0  }
0x16: {  	s3 =	sld [smem:$0x3FDB];
	s0 =	simm.s32 @p2 $0x1  }
0x17: {  	s4 =	simm.s32 $0x1BF5;
	[smem:$0x3FAB] =	sst s0  }
0x18: {  	s0 =	sld [smem:$0x3F8E];
	_ =	swait.ge [sflag:s4], $0x0  }
0x19: {  	s7 =	sld [smem:$0x3F8F]  }
0x1a: {  	s8 =	sadd.s32 $0xFFFFE003, lr  }
0x1b: {  	s9 =	sadd.s32 $0xFFFFFEF7, lr;
	s5 =	simm.s32 $0xFFFFFFFF;
	p2 =	slt.u32 s8, $0xFFFFF086  }
0x1c: {  	p1 =	slt.u32 s9, $0xF7A;
	s5 =	simm.s32 @!p2 $0x0  }
0x1d: {  	s5 =	simm.s32 @p1 $0x1;
	p0 =	seq.s32 s7, s2  }
0x1e: {  	s7 =	smul.u32 @!p0 $0xF7A, s2;
	p2 =	seq.s32 @!p0 s5, $0x0  }
0x1f: {  	s9 =	smul.u32 $0xF7A, s1;
	s8 =	simm.s32 @!p0 $0x1BF5;
	p2 =	por !p2, p0  }
0x20: {  	[sflag:s8] =	ssyncset.s32 @!p0 $0xFFFFF086;
	s6 =	sadd.s32 @!p0 s3, s7;
	s7 =	simm.s32 @!p0 $0x108  }
0x21: {  	s3 =	sadd.s32 s3, s9;
	s6 =	sadd.s32 @!p0 $0x88, s6;
	s7 =	simm.s32 @p2 $0x1082  }
0x22: {  	[simem:s7], [sflag:s8] =	dma.local @!p0 [hbm:s6], $0xF7A  }
0x23: {  	s9 =	sor.u32 $0xD0000000, s2;
	s6 =	simm.s32 $0x108;
	_ =	swait.ge @!p0 [sflag:s8], $0x0  }
0x24: {  	s3 =	sadd.s32 $0x88, s3;
	s6 =	simm.s32 @!p1 $0x1082;
	[sflag:s4] =	ssyncset.s32 $0xFFFFF086  }
0x25: {  	[simem:s6], [sflag:s4] =	dma.local [hbm:s3], $0xF7A  }
0x26: {  	[smem:$0x3F8F] =	sst s1;
	(tag) =	ssettag s2;
	_ =	strace s9  }
0x27: {  	s1 =	sld [smem:$0x3F9F]  }
0x28: {  	s2 =	sld [smem:$0x3FA0]  }
0x29: {  	s4 =	sld [smem:$0x3FA2]  }
0x2a: {  	p0 =	seq.s32 s5, $0x0;
	s5 =	sld [smem:$0x3FA3]  }
0x2b: {  	s6 =	sld [smem:$0x3FA4]  }
0x2c: {  	s7 =	sld [smem:$0x3FA5]  }
0x2d: {  	s3 =	simm.s32 $0x108;
	s8 =	sld [smem:$0x3FA6]  }
0x2e: {  	s3 =	simm.s32 @!p0 $0x1082;
	s9 =	sld [smem:$0x3FA7]  }
0x2f: {  	lr =	sadd.s32 s0, s3;
	s0 =	sld [smem:$0x3F9E]  }
0x30: {  	s3 =	sld [smem:$0x3FA1]  }
0x31: {  	[smem:$0x3FAA] =	sst s10  }
0x32: {  	s10 =	sld [smem:$0x3FA8];
	_ =	sdelay $0x3  }
0x33: {  	p0 =	seq.s32 s10, $0x1;
	s10 =	sld [smem:$0x3FAA];
	_ =	sdelay $0x3  }
0x34: {  	[smem:$0x3FAA] =	sst s10  }
0x35: {  	s10 =	sld [smem:$0x3FA9];
	_ =	sdelay $0x3  }
0x36: {  	p1 =	seq.s32 s10, $0x1;
	s10 =	sld [smem:$0x3FAA];
	_ =	sdelay $0x3  }
0x37: {  	[smem:$0x3FAA] =	sst s10  }
0x38: {  	s10 =	sld [smem:$0x3FAB]  }
0x39: {  	_ = 	snop;
	(pc) =	sbr.ind lr, $3  }
0x3a: {  	_ = 	snop  }
0x3b: {  	_ = 	snop  }
0x3c: {  	p2 =	seq.s32 s10, $0x1;
	s10 =	sld [smem:$0x3FAA]  }
0x3d: {  	_ =	shalt  }
0x3e: {  	_ =	shalt  }
0x3f: {  	_ =	shalt  }
0x40: {  	_ =	shalt  }
0x41: {  	_ =	shalt  }
0x42: {  	_ =	shalt  }
0x43: {  	_ =	shalt  }
0x44: {  	_ =	shalt  }
0x45: {  	_ =	shalt  }
0x46: {  	_ =	shalt  }
0x47: {  	_ =	shalt  }
0x48: {  	_ =	shalt  }
0x49: {  	_ =	shalt  }
0x4a: {  	_ =	shalt  }
0x4b: {  	_ =	shalt  }
0x4c: {  	_ =	shalt  }
0x4d: {  	_ =	shalt  }
0x4e: {  	_ =	shalt  }
0x4f: {  	_ =	shalt  }
0x50: {  	_ =	shalt  }
0x51: {  	_ =	shalt  }
0x52: {  	_ =	shalt  }
0x53: {  	_ =	shalt  }
0x54: {  	_ =	shalt  }
0x55: {  	_ =	shalt  }
0x56: {  	_ =	shalt  }
0x57: {  	_ =	shalt  }
0x58: {  	_ =	shalt  }
0x59: {  	_ =	shalt  }
0x5a: {  	_ =	shalt  }
0x5b: {  	_ =	shalt  }
0x5c: {  	_ =	shalt  }
0x5d: {  	_ =	shalt  }
0x5e: {  	_ =	shalt  }
0x5f: {  	_ =	shalt  }
0x60: {  	_ =	shalt  }
0x61: {  	_ =	shalt  }
0x62: {  	_ =	shalt  }
0x63: {  	_ =	shalt  }
0x64: {  	_ =	shalt  }
0x65: {  	_ =	shalt  }
0x66: {  	_ =	shalt  }
0x67: {  	_ =	shalt  }
0x68: {  	_ =	shalt  }
0x69: {  	_ =	shalt  }
0x6a: {  	_ =	shalt  }
0x6b: {  	_ =	shalt  }
0x6c: {  	_ =	shalt  }
0x6d: {  	_ =	shalt  }
0x6e: {  	_ =	shalt  }
0x6f: {  	_ =	shalt  }
0x70: {  	_ =	shalt  }
0x71: {  	_ =	shalt  }
0x72: {  	_ =	shalt  }
0x73: {  	_ =	shalt  }
0x74: {  	_ =	shalt  }
0x75: {  	_ =	shalt  }
0x76: {  	_ =	shalt  }
0x77: {  	_ =	shalt  }
0x78: {  	_ =	shalt  }
0x79: {  	_ =	shalt  }
0x7a: {  	_ =	shalt  }
0x7b: {  	_ =	shalt  }
0x7c: {  	_ =	shalt  }
0x7d: {  	_ =	shalt  }
0x7e: {  	_ =	shalt  }
0x7f: {  	_ =	shalt  }
0x80: {  	_ =	shalt  }
0x81: {  	_ =	shalt  }
0x82: {  	_ =	shalt  }
0x83: {  	_ =	shalt  }
0x84: {  	_ =	shalt  }
0x85: {  	_ =	shalt  }
0x86: {  	_ =	shalt  }
0x87: {  	_ =	shalt  }
.Lfunc_end0:
.L_simem_size_0:
called_computation.3_lowered:
.L_overlay_start_0:
0x88: {  	s2 =	sld [smem:$0x3FD9]  }
0x89: {  	s3 =	sld [smem:$0x3FFE];
	_ =	sdelay $0x1  }
0x8a: {  	s1 =	srdreg.scid  }
0x8b: {  	s0 =	sand.u32 $0x1, s1  }
0x8c: {  	s17 =	sshll.u32 s0, $0xA;
	s2 =	sadd.s32 s3, s2  }
0x8d: {  	s2 =	sadd.s32 s2, s17  }
0x8e: {  	[smem:$0x3FB6] =	sst s2  }
0x8f: {  	_ = 	snop  }
0x90: {  	s18 =	sld [smem:$0x3FD0];
	(tm) =	ssettm $0x1  }
0x91: {  	s19 =	sld [smem:$0x3FFB];
	_ =	sdelay $0x3  }
0x92: {  	_ =	strace s19  }
0x93: {  	s2 =	sld [smem:$0x3FFC];
	_ =	sdelay $0x3  }
0x94: {  	_ =	strace s2  }
0x95: {  	s2 =	sld [smem:$0x3FFD];
	_ =	sdelay $0x3  }
0x96: {  	_ =	strace s2  }
0x97: {  	_ =	strace $0x8FFFFFFF  }
0x98: {  	s20 =	sld [smem:$0x3FDB];
	_ =	sdelay $0x1  }
0x99: {  	s4 =	simm.s32 $_scs_section_size  }
0x9a: {  	s5 =	simm.s32 $_size__tile_overlayer_lowered;
	s6 =	simm.s32 $_tile_overlayer_lowered  }
0x9b: {  	s7 =	simm.s32 $0x1BFF;
	s21 =	sshll.u32 s6, $0x1;
	s4 =	sadd.s32 s4, s20  }
0x9c: {  	s22 =	simm.s32 $0x0;
	s5 =	sshll.u32 s5, $0x1;
	s6 =	sadd.s32 s21, s4  }
0x9d: {  	[timem:s22], [sflag:s7] =	dma.local [hbm:s6], s5  }
0x9e: {  	_ =	swait.ge [sflag:s7], s5  }
0x9f: {  	s5 =	ssub.s32 $0x0, s5;
	[sflag:s7] =	ssyncset.done $0x0  }
0xa0: {  	[sflag:s7] =	ssyncadd.s32 s5;
	_ =	sdelay $0x1  }
0xa1: {  	s23 =	simm.s32 $0x1B8B  }
0xa2: {  	_ =	swait.ge [sflag:s23], $0x1  }
0xa3: {  	[sflag:s23] =	ssyncset.done $0x0  }
0xa4: {  	[sflag:s23] =	ssyncadd.s32 $0xFFFFFFFF  }
0xa5: {  	s5 =	sld [smem:$0x0]  }
0xa6: {  	s6 =	sand.u32 $0xFFFFFFFE, s1  }
0xa7: {  	p0 =	sne.s32 s1, s6  }
0xa8: {  	s6 =	sshll.u32 @p0 s6, $0xE  }
0xa9: {  	s6 =	sadd.s32 @p0 $0x11B8D, s6;
	s7 =	sshll.u32 @p0 s5, $0x11  }
0xaa: {  	s6 =	sor.u32 @p0 s7, s6  }
0xab: {  	[sflag:s6] =	ssyncadd.remote.s32 @p0 $0x1;
	_ =	sdelay $0x1  }
0xac: {  	s6 =	simm.s32 @p0 $0x1B8D  }
0xad: {  	_ =	swait.eq @p0 [sflag:s6], $0x1  }
0xae: {  	[sflag:s6] =	ssyncadd.s32 @p0 $0xFFFFFFFF  }
0xaf: {  	s7 =	sshll.u32 @!p0 s1, $0xE  }
0xb0: {  	s7 =	sor.u32 @!p0 $0x4000, s7;
	s6 =	simm.s32 @!p0 $0x1B8D  }
0xb1: {  	s5 =	sshll.u32 @!p0 s5, $0x11;
	s7 =	sadd.s32 @!p0 $0x11B8D, s7;
	_ =	swait.eq @!p0 [sflag:s6], $0x1  }
0xb2: {  	s5 =	sor.u32 @!p0 s5, s7;
	[sflag:s6] =	ssyncadd.s32 @!p0 $0xFFFFFFFF  }
0xb3: {  	s25 =	simm.s32 $0x1B8E;
	s24 =	sld [smem:$0x3FFE];
	[sflag:s5] =	ssyncadd.remote.s32 @!p0 $0x1  }
0xb4: {  	s26 =	simm.s32 $execute0_lowered;
	[smem:$0x3FD2] =	sst s25  }
0xb5: {  	s6 =	sshll.u32 s26, $0x1;
	_ =	strace $0x8000004F;
	[dreg:$0x1] =	wrdreg $0xFFFFFFFF  }
0xb6: {  	s28 =	simm.s32 $_size_execute0_lowered;
	s4 =	sadd.s32 s4, s6;
	[dreg:$0x0] =	wrdreg $0x0  }
0xb7: {  	s6 =	sshll.u32 s28, $0x1;
	[dreg:$0x2] =	wrdreg s4  }
0xb8: {  	[dreg:$0x3] =	wrdreg s6  }
0xb9: {  	[dreg:$0x4] =	wrdreg $0xC0  }
0xba: {  	_ =	task [dreg:s22], $0x5FFFF  }
0xbb: {  	[dreg:$0x1] =	wrdreg $0xFFFFFFFF  }
0xbc: {  	[dreg:$0x0] =	wrdreg $0x60  }
0xbd: {  	[dreg:$0x2] =	wrdreg s24  }
0xbe: {  	[dreg:$0x3] =	wrdreg s18  }
0xbf: {  	[dreg:$0x4] =	wrdreg $0xAE800  }
0xc0: {  	[dreg:$0x5] =	wrdreg $0x9  }
0xc1: {  	_ =	task.clear_ibuf [dreg:s22], $0x6FFFF;
	_ =	strace $0x9000004F  }
0xc2: {  	s29 =	simm.s32 $0x9;
	_ =	strace $0x80000051  }
0xc3: {  	_ =	swait.ge [sflag:s29], $0x1  }
0xc4: {  	[sflag:s29] =	ssyncadd.s32 $0xFFFFFFFF  }
0xc5: {  	_ =	strace $0x90000051  }
0xc6: {  	_ =	sfence  }
0xc7: {  	s30 =	sld [smem:$0x0];
	_ =	sdelay $0x2  }
0xc8: {  	s31 =	sshll.u32 s1, $0xD;
	s1 =	sshrl.u32 s1, $0x2  }
0xc9: {  	s4 =	sand.u32 $0x4000, s31;
	s1 =	sadd.s32 s1, s30  }
0xca: {  	s0 =	sor.u32 s4, s0;
	s1 =	sshll.u32 s1, $0x11  }
0xcb: {  	s0 =	sor.u32 s1, s0  }
0xcc: {  	s0 =	sadd.s32 $0x8F2B, s0  }
0xcd: {  	[sflag:s0] =	ssyncadd.remote.s32 $0x1  }
0xce: {  	_ =	sfence.sel $0xFFFF  }
0xcf: {  	[dreg:$0x0] =	wrdreg $0xFFFFFFFF;
	(pc) =	sbr.abs _section_cstart, $3  }
0xd0: {  	[dreg:$0x1] =	wrdreg $0xFFFFFFFF  }
0xd1: {  	_ =	task.clear_ibuf [dreg:s22], $0x2FFFF;
	_ =	strace $0x9FFFFFFF  }
0xd2: {  	(tm) =	ssettm $0x7FFFFFFF  }
0xd3: {  	_ =	shalt  }
tec
execute0_lowered:
.L_overlay_start_1:
0x0: {  	(tag) =	ssettag $0x1  }
0x1: {  	s0 =	rddreg [dreg:$0x0]  }
0x2: {  	s1 =	srdreg.scid;
	s3 =	rddreg [dreg:$0x2]  }
0x3: {  	s2 =	stileid.u32;
	s4 =	simm.s32 $0x0;
	s20 =	simm.s32 $0x3  }
0x4: {  	s22 =	simm.s32 $0x7D;
	s23 =	simm.s32 $0x5000;
	s24 =	simm.s32 $0x6F40  }
0x5: {  	s25 =	simm.s32 $0x1;
	s26 =	simm.s32 $0x2;
	s29 =	simm.s32 $0x4F00  }
0x6: {  	s30 =	simm.s32 $0x4F80;
	s31 =	simm.s32 $0x0;
	s6 =	smul.u32 $0x2800, s2  }
0x7: {  	s1 =	sand.u32 $0x1, s1;
	[smem:$0x7FF] =	sst s4;
	s12 =	smul.u32 $0xA000, s2  }
0x8: {  	s5 =	smul.u32 $0x28000, s1;
	_ =	strace $0x80000050;
	s7 =	ssub.s32 $0x2, s1  }
0x9: {  	s1 =	smul.u32 $0xA0000, s1;
	s28 =	sshrl.u32 s7, $0x1;
	s13 =	sadd.s32 $0x2000, s12  }
0xa: {  	s15 =	sadd.s32 $0x4000, s12;
	s16 =	sadd.s32 $0x6000, s12;
	s17 =	sadd.s32 $0x8000, s12  }
0xb: {  	s6 =	sadd.s32 s6, s5;
	s5 =	sadd.s32 $0xA3E00, s0;
	s18 =	ssub.s32 s7, s28  }
0xc: {  	s9 =	sadd.s32 s13, s3;
	s10 =	sadd.s32 s15, s3;
	s11 =	sadd.s32 s16, s3  }
0xd: {  	s14 =	sadd.s32 s12, s1;
	s13 =	sadd.s32 s1, s13;
	s15 =	sadd.s32 s1, s15  }
0xe: {  	s16 =	sadd.s32 s1, s16;
	s1 =	sadd.s32 s1, s17;
	s6 =	sshrl.u32 s6, $0x3  }
0xf: {  	s14 =	sshrl.u32 s14, $0x3;
	s19 =	sshrl.u32 s13, $0x3;
	s15 =	sshrl.u32 s15, $0x3  }
0x10: {  	s16 =	sshrl.u32 s16, $0x3;
	s1 =	sshrl.u32 s1, $0x3;
	s8 =	sadd.s32 s6, s0  }
0x11: {  	s18 =	smax.u32 s18, $0x1;
	s0 =	sadd.s32 $0xFD800, s0;
	s6 =	sadd.s32 $0xC2600, s8  }
0x12: {  	s7 =	sadd.s32 $0xCC600, s8;
	s8 =	sadd.s32 s12, s3;
	s12 =	sadd.s32 s17, s3  }
0x13: {  	s13 =	sadd.s32 s0, s14;
	s14 =	sadd.s32 s0, s19;
	s15 =	sadd.s32 s0, s15  }
0x14: {  	s16 =	sadd.s32 s0, s16;
	s17 =	sadd.s32 s0, s1;
	s19 =	simm.s32 $0x8E80  }
.LBB2_1:
0x15: {  	s0 =	rddreg [dreg:$0x1]  }
0x16: {  	[tilespmem:s19], [sflag:$0x3] =	stream.linear.gather [hbm4b:s0+s4], $0x2000, $0x38;
	[tilespmem:$0x14E80] =	vst v63  }
0x17: {  	_ =	swait.ge [sflag:s20], $0x2000  }
0x18: {  	[sflag:s20] =	ssyncset.done $0x0  }
0x19: {  	[sflag:s20] =	ssyncadd.s32 $0xFFFFE000  }
0x1a: {  	[tilespmem:s4], [sflag:$0x3] =	stream.linear.gather [hbm4b:s6+s4], $0x2800, $0x38;
	[tilespmem:$0x14E80] =	vst v63  }
0x1b: {  	_ =	swait.ge [sflag:s20], $0x2800  }
0x1c: {  	[sflag:s20] =	ssyncset.done $0x0  }
0x1d: {  	s28 =	simm.s32 $0x2800;
	[sflag:s20] =	ssyncadd.s32 $0xFFFFD800  }
0x1e: {  	[tilespmem:s28], [sflag:$0x3] =	stream.linear.gather [hbm4b:s7+s4], $0x2800, $0x38;
	[tilespmem:$0x14E80] =	vst v63  }
0x1f: {  	_ =	swait.ge [sflag:s20], $0x2800  }
0x20: {  	[sflag:s20] =	ssyncset.done $0x0  }
0x21: {  	[sflag:s20] =	ssyncadd.s32 $0xFFFFD800  }
0x22: {  	[spmem:s8] =	stream.linear.scatter [tilespmem:s19], [sflag:$0x3], $0x2000, $0x38;
	[tilespmem:$0x14E80] =	vst v63  }
0x23: {  	_ =	swait.ge [sflag:s20], $0x2000  }
0x24: {  	[sflag:s20] =	ssyncset.done $0x0  }
0x25: {  	[sflag:s20] =	ssyncadd.s32 $0xFFFFE000  }
0x26: {  	[spmem:s9] =	stream.linear.scatter [tilespmem:s19], [sflag:$0x3], $0x2000, $0x38;
	[tilespmem:$0x14E80] =	vst v63  }
0x27: {  	_ =	swait.ge [sflag:s20], $0x2000  }
0x28: {  	[sflag:s20] =	ssyncset.done $0x0  }
0x29: {  	[sflag:s20] =	ssyncadd.s32 $0xFFFFE000  }
0x2a: {  	[spmem:s10] =	stream.linear.scatter [tilespmem:s19], [sflag:$0x3], $0x2000, $0x38;
	[tilespmem:$0x14E80] =	vst v63  }
0x2b: {  	_ =	swait.ge [sflag:s20], $0x2000  }
0x2c: {  	[sflag:s20] =	ssyncset.done $0x0  }
0x2d: {  	[sflag:s20] =	ssyncadd.s32 $0xFFFFE000  }
0x2e: {  	[spmem:s11] =	stream.linear.scatter [tilespmem:s19], [sflag:$0x3], $0x2000, $0x38;
	[tilespmem:$0x14E80] =	vst v63  }
0x2f: {  	_ =	swait.ge [sflag:s20], $0x2000  }
0x30: {  	[sflag:s20] =	ssyncset.done $0x0  }
0x31: {  	[sflag:s20] =	ssyncadd.s32 $0xFFFFE000  }
0x32: {  	[spmem:s12] =	stream.linear.scatter [tilespmem:s19], [sflag:$0x3], $0x2000, $0x38;
	[tilespmem:$0x14E80] =	vst v63  }
0x33: {  	_ =	swait.ge [sflag:s20], $0x2000  }
0x34: {  	[sflag:s20] =	ssyncset.done $0x0  }
0x35: {  	[sflag:s20] =	ssyncadd.s32 $0xFFFFE000  }
0x36: {  	[bflag:$0x0] =	sbarrier.arrive $0xFFFF  }
0x37: {  	[tilespmem:s23], [sflag:$0x1] =	stream.indirect.gather [hbm4b:s5+s22], $0x40, s4, s22, $0xb8;
	[tilespmem:$0x14E80] =	vst v63  }
0x38: {  	s1 =	simm.s32 $0x80  }
0x39: {  	[tilespmem:s24], [sflag:$0x2] =	stream.indirect.gather [hbm4b:s5+s22], $0x40, s1, s22, $0xb8;
	[tilespmem:$0x14E80] =	vst v63  }
0x3a: {  	_ =	swait.ge [sflag:s25], $0x1F40  }
0x3b: {  	[sflag:s25] =	ssyncset.done $0x0  }
0x3c: {  	s2 =	simm.s32 $0x2800;
	[sflag:s25] =	ssyncadd.s32 $0xFFFFE0C0  }
0x3d: {  	[spmem:s3] =	stream.indirect.scatter.add.f32 [tilespmem:s23], [sflag:$0x3], $0x40, s2, s22, $0xb8;
	[tilespmem:$0x14E80] =	vst v63  }
0x3e: {  	_ =	swait.ge [sflag:s20], $0x1F40  }
0x3f: {  	[sflag:s20] =	ssyncset.done $0x0  }
0x40: {  	s21 =	simm.s32 $0x100;
	[sflag:s20] =	ssyncadd.s32 $0xFFFFE0C0  }
0x41: {  	[tilespmem:s23], [sflag:$0x1] =	stream.indirect.gather [hbm4b:s5+s22], $0x40, s21, s22, $0xb8;
	[tilespmem:$0x14E80] =	vst v63  }
0x42: {  	_ =	swait.ge [sflag:s26], $0x1F40  }
0x43: {  	[sflag:s26] =	ssyncset.done $0x0  }
0x44: {  	s28 =	simm.s32 $0x2880;
	[sflag:s26] =	ssyncadd.s32 $0xFFFFE0C0  }
0x45: {  	[spmem:s3] =	stream.indirect.scatter.add.f32 [tilespmem:s24], [sflag:$0x3], $0x40, s28, s22, $0xb8;
	[tilespmem:$0x14E80] =	vst v63  }
0x46: {  	_ =	swait.ge [sflag:s20], $0x1F40  }
0x47: {  	s0 =	simm.s32 $0x100;
	s1 =	simm.s32 $0x800;
	[sflag:s20] =	ssyncset.done $0x0  }
.LBB2_2:
0x48: {  	s2 =	sadd.s32 $0x80, s0  }
0x49: {  	[sflag:s20] =	ssyncadd.s32 $0xFFFFE0C0;
	s21 =	smov.u32 s1;
	s28 =	sadd.s32 $0x400, s1  }
0x4a: {  	[tilespmem:s24], [sflag:$0x2] =	stream.indirect.gather [hbm4b:s5+s22], $0x40, s2, s22, $0xb8;
	[tilespmem:$0x14E80] =	vst v63  }
0x4b: {  	p0 =	sne.s32 s1, $0x9800;
	_ =	swait.ge [sflag:s25], $0x1F40  }
0x4c: {  	[sflag:s25] =	ssyncset.done $0x0  }
0x4d: {  	s1 =	sadd.s32 $0x2800, s0;
	[sflag:s25] =	ssyncadd.s32 $0xFFFFE0C0  }
0x4e: {  	[spmem:s3] =	stream.indirect.scatter.add.f32 [tilespmem:s23], [sflag:$0x3], $0x40, s1, s22, $0xb8;
	[tilespmem:$0x14E80] =	vst v63  }
0x4f: {  	_ =	swait.ge [sflag:s20], $0x1F40  }
0x50: {  	[sflag:s20] =	ssyncset.done $0x0  }
0x51: {  	s1 =	sadd.s32 $0x100, s0;
	[sflag:s20] =	ssyncadd.s32 $0xFFFFE0C0  }
0x52: {  	[tilespmem:s23], [sflag:$0x1] =	stream.indirect.gather [hbm4b:s5+s22], $0x40, s1, s22, $0xb8;
	[tilespmem:$0x14E80] =	vst v63  }
0x53: {  	_ =	swait.ge [sflag:s26], $0x1F40  }
.Ltmp0:
0x54: {  	[sflag:s26] =	ssyncset.done $0x0;
	(pc) =	sbr.rel @p0 .LBB2_2-.Ltmp0, $4  }
0x55: {  	s0 =	sadd.s32 $0x2880, s0;
	[sflag:s26] =	ssyncadd.s32 $0xFFFFE0C0  }
0x56: {  	[spmem:s3] =	stream.indirect.scatter.add.f32 [tilespmem:s24], [sflag:$0x3], $0x40, s0, s22, $0xb8;
	[tilespmem:$0x14E80] =	vst v63  }
0x57: {  	_ =	swait.ge [sflag:s20], $0x1F40  }
0x58: {  	s1 =	smov.u32 s28;
	s0 =	sshra.s32 s21, $0x2;
	[sflag:s20] =	ssyncset.done $0x0  }
0x59: {  	s1 =	sadd.s32 $0x80, s0;
	[sflag:s20] =	ssyncadd.s32 $0xFFFFE0C0  }
0x5a: {  	[tilespmem:s24], [sflag:$0x2] =	stream.indirect.gather [hbm4b:s5+s22], $0x40, s1, s22, $0xb8;
	[tilespmem:$0x14E80] =	vst v63  }
0x5b: {  	_ =	swait.ge [sflag:s25], $0x1F40  }
0x5c: {  	[sflag:s25] =	ssyncset.done $0x0  }
0x5d: {  	s28 =	sadd.s32 $0x2800, s0;
	[sflag:s25] =	ssyncadd.s32 $0xFFFFE0C0  }
0x5e: {  	[spmem:s3] =	stream.indirect.scatter.add.f32 [tilespmem:s23], [sflag:$0x3], $0x40, s28, s22, $0xb8;
	[tilespmem:$0x14E80] =	vst v63  }
0x5f: {  	_ =	swait.ge [sflag:s20], $0x1F40  }
0x60: {  	[sflag:s20] =	ssyncset.done $0x0  }
0x61: {  	s2 =	sadd.s32 $0x100, s0;
	[sflag:s20] =	ssyncadd.s32 $0xFFFFE0C0  }
0x62: {  	[tilespmem:s23], [sflag:$0x1] =	stream.indirect.gather [hbm4b:s5+s22], $0x40, s2, s22, $0xb8;
	[tilespmem:$0x14E80] =	vst v63  }
0x63: {  	_ =	swait.ge [sflag:s26], $0x1F40  }
0x64: {  	[sflag:s26] =	ssyncset.done $0x0  }
0x65: {  	s21 =	sadd.s32 $0x2880, s0;
	[sflag:s26] =	ssyncadd.s32 $0xFFFFE0C0  }
0x66: {  	[spmem:s3] =	stream.indirect.scatter.add.f32 [tilespmem:s24], [sflag:$0x3], $0x40, s21, s22, $0xb8;
	[tilespmem:$0x14E80] =	vst v63  }
0x67: {  	_ =	swait.ge [sflag:s20], $0x1F40  }
0x68: {  	[sflag:s20] =	ssyncset.done $0x0  }
0x69: {  	s28 =	simm.s32 $0x2780;
	[sflag:s20] =	ssyncadd.s32 $0xFFFFE0C0  }
0x6a: {  	[tilespmem:s24], [sflag:$0x2] =	stream.indirect.gather [hbm4b:s5+s22], $0x40, s28, s22, $0xb8;
	[tilespmem:$0x14E80] =	vst v63  }
0x6b: {  	_ =	swait.ge [sflag:s25], $0x1F40  }
0x6c: {  	[sflag:s25] =	ssyncset.done $0x0  }
0x6d: {  	[sflag:s25] =	ssyncadd.s32 $0xFFFFE0C0  }
0x6e: {  	[spmem:s3] =	stream.indirect.scatter.add.f32 [tilespmem:s23], [sflag:$0x3], $0x40, s29, s22, $0xb8;
	[tilespmem:$0x14E80] =	vst v63  }
0x6f: {  	_ =	swait.ge [sflag:s20], $0x1F40  }
0x70: {  	[sflag:s20] =	ssyncset.done $0x0  }
0x71: {  	[sflag:s20] =	ssyncadd.s32 $0xFFFFE0C0  }
0x72: {  	_ =	swait.ge [sflag:s26], $0x1F40  }
0x73: {  	[sflag:s26] =	ssyncset.done $0x0  }
0x74: {  	[sflag:s26] =	ssyncadd.s32 $0xFFFFE0C0  }
0x75: {  	[spmem:s3] =	stream.indirect.scatter.add.f32 [tilespmem:s24], [sflag:$0x3], $0x40, s30, s22, $0xb8;
	[tilespmem:$0x14E80] =	vst v63  }
0x76: {  	_ =	swait.ge [sflag:s20], $0x1F40  }
0x77: {  	[sflag:s20] =	ssyncset.done $0x0  }
0x78: {  	[sflag:s20] =	ssyncadd.s32 $0xFFFFE0C0  }
0x79: {  	[bflag:$0x0] =	sbarrier.arrive $0xFFFF  }
0x7a: {  	[tilespmem:s19], [sflag:$0x3] =	stream.linear.gather [spmem:s8], $0x2000, $0x38;
	[tilespmem:$0x14E80] =	vst v63  }
0x7b: {  	_ =	swait.ge [sflag:s20], $0x2000  }
0x7c: {  	[sflag:s20] =	ssyncset.done $0x0  }
0x7d: {  	[sflag:s20] =	ssyncadd.s32 $0xFFFFE000  }
0x7e: {  	[hbm4b:s13+s4] =	stream.linear.scatter [tilespmem:s19], [sflag:$0x3], $0x2000, $0x38;
	[tilespmem:$0x14E80] =	vst v63  }
0x7f: {  	_ =	swait.ge [sflag:s20], $0x2000  }
0x80: {  	[sflag:s20] =	ssyncset.done $0x0  }
0x81: {  	[sflag:s20] =	ssyncadd.s32 $0xFFFFE000  }
0x82: {  	[tilespmem:s19], [sflag:$0x3] =	stream.linear.gather [spmem:s9], $0x2000, $0x38;
	[tilespmem:$0x14E80] =	vst v63  }
0x83: {  	_ =	swait.ge [sflag:s20], $0x2000  }
0x84: {  	[sflag:s20] =	ssyncset.done $0x0  }
0x85: {  	[sflag:s20] =	ssyncadd.s32 $0xFFFFE000  }
0x86: {  	[hbm4b:s14+s4] =	stream.linear.scatter [tilespmem:s19], [sflag:$0x3], $0x2000, $0x38;
	[tilespmem:$0x14E80] =	vst v63  }
0x87: {  	_ =	swait.ge [sflag:s20], $0x2000  }
0x88: {  	[sflag:s20] =	ssyncset.done $0x0  }
0x89: {  	[sflag:s20] =	ssyncadd.s32 $0xFFFFE000  }
0x8a: {  	[tilespmem:s19], [sflag:$0x3] =	stream.linear.gather [spmem:s10], $0x2000, $0x38;
	[tilespmem:$0x14E80] =	vst v63  }
0x8b: {  	_ =	swait.ge [sflag:s20], $0x2000  }
0x8c: {  	[sflag:s20] =	ssyncset.done $0x0  }
0x8d: {  	[sflag:s20] =	ssyncadd.s32 $0xFFFFE000  }
0x8e: {  	[hbm4b:s15+s4] =	stream.linear.scatter [tilespmem:s19], [sflag:$0x3], $0x2000, $0x38;
	[tilespmem:$0x14E80] =	vst v63  }
0x8f: {  	_ =	swait.ge [sflag:s20], $0x2000  }
0x90: {  	[sflag:s20] =	ssyncset.done $0x0  }
0x91: {  	[sflag:s20] =	ssyncadd.s32 $0xFFFFE000  }
0x92: {  	[tilespmem:s19], [sflag:$0x3] =	stream.linear.gather [spmem:s11], $0x2000, $0x38;
	[tilespmem:$0x14E80] =	vst v63  }
0x93: {  	_ =	swait.ge [sflag:s20], $0x2000  }
0x94: {  	[sflag:s20] =	ssyncset.done $0x0  }
0x95: {  	[sflag:s20] =	ssyncadd.s32 $0xFFFFE000  }
0x96: {  	[hbm4b:s16+s4] =	stream.linear.scatter [tilespmem:s19], [sflag:$0x3], $0x2000, $0x38;
	[tilespmem:$0x14E80] =	vst v63  }
0x97: {  	_ =	swait.ge [sflag:s20], $0x2000  }
0x98: {  	[sflag:s20] =	ssyncset.done $0x0  }
0x99: {  	[sflag:s20] =	ssyncadd.s32 $0xFFFFE000  }
0x9a: {  	[tilespmem:s19], [sflag:$0x3] =	stream.linear.gather [spmem:s12], $0x2000, $0x38;
	[tilespmem:$0x14E80] =	vst v63  }
0x9b: {  	s31 =	sadd.s32 $0x1, s31;
	_ =	swait.ge [sflag:s20], $0x2000  }
0x9c: {  	p0 =	sne.s32 s31, s18;
	[sflag:s20] =	ssyncset.done $0x0  }
.Ltmp1:
0x9d: {  	[sflag:s20] =	ssyncadd.s32 $0xFFFFE000;
	(pc) =	sbr.rel @p0 .LBB2_1-.Ltmp1, $4  }
0x9e: {  	[hbm4b:s17+s4] =	stream.linear.scatter [tilespmem:s19], [sflag:$0x3], $0x2000, $0x38;
	[tilespmem:$0x14E80] =	vst v63  }
0x9f: {  	_ =	swait.ge [sflag:s20], $0x2000  }
0xa0: {  	[sflag:s20] =	ssyncset.done $0x0  }
0xa1: {  	[sflag:s20] =	ssyncadd.s32 $0xFFFFE000  }
0xa2: {  	_ =	sfence.sel $0x180000  }
0xa3: {  	[bflag:$0x0] =	sbarrier.arrive $0xFFFF  }
0xa4: {  	_ =	strace $0x90000050  }
0xa5: {  	s0 =	stileid.u32;
	[bflag:$0x2] =	sbarrier.arrive $0xFFFF  }
0xa6: {  	p0 =	sne.s32 s0, $0x0;
	s0 =	rddreg [dreg:$0x3]  }
0xa7: {  	s0 =	sadd.s32 @!p0 $0x100000, s0  }
0xa8: {  	[sflag:s0] =	ssyncadd.tile.s32 @!p0 $0x1;
	_ =	shalt  }
.Lfunc_end2:
_tile_overlayer_lowered:
.L_overlay_start_2:
0xa9: {  	(tag) =	ssettag $0x2  }
0xaa: {  	s0 =	rddreg [dreg:$0x0];
	s2 =	stileid.u32  }
0xab: {  	s1 =	rddreg [dreg:$0x1];
	p0 =	sne.s32 s2, $0x0  }
0xac: {  	s3 =	rddreg [dreg:$0x2];
	[bflag:$0x3] =	sbarrier.arrive $0xFFFF;
	s2 =	simm.s32 @!p0 $0x1C03  }
0xad: {  	[timem:s3], [sflag:s2] =	dma.local @!p0 [hbm:s0], s1  }
0xae: {  	s0 =	simm.s32 @!p0 $0x3  }
0xaf: {  	_ =	swait.ge @!p0 [sflag:s0], s1  }
0xb0: {  	s1 =	ssub.s32 @!p0 $0x0, s1;
	[sflag:s0] =	ssyncset.done @!p0 $0x0  }
0xb1: {  	[sflag:s0] =	ssyncadd.s32 @!p0 s1  }
0xb2: {  	[bflag:$0x3] =	sbarrier.arrive $0xFFFF  }
0xb3: {  	_ =	shalt  }

// kernel: kernel.9.cloned.1.call-start
scs
__scs_entry_jumppad:
0x0: {  	(pc) =	sbr.rel $0x88, $3  }
0x1: {  	(tag) =	ssettag $0x0;
	lr =	simm.s32 $0x1  }
0x2: {  	[smem:$0x3F8F] =	sst lr;
	_ =	strace $0xD0000000  }
0x3: {  	_ = 	snop  }
0x4: {  	_ = 	snop  }
0x5: {  	_ = 	snop  }
0x6: {  	_ = 	snop  }
0x7: {  	_ = 	snop  }
__scs_overlays_trampoline_lowered:
0x8: {  	[smem:$0x3F9E] =	sst s0  }
0x9: {  	[smem:$0x3F9F] =	sst s1  }
0xa: {  	[smem:$0x3FA0] =	sst s2  }
0xb: {  	[smem:$0x3FA1] =	sst s3  }
0xc: {  	[smem:$0x3FA2] =	sst s4  }
0xd: {  	[smem:$0x3FA3] =	sst s5  }
0xe: {  	[smem:$0x3FA4] =	sst s6  }
0xf: {  	[smem:$0x3FA5] =	sst s7  }
0x10: {  	[smem:$0x3FA6] =	sst s8  }
0x11: {  	[smem:$0x3FA7] =	sst s9;
	s0 =	simm.s32 @!p0 $0x0  }
0x12: {  	s1 =	sld [smem:$0x3F8D];
	s0 =	simm.s32 @p0 $0x1  }
0x13: {  	[smem:$0x3FA8] =	sst s0;
	s0 =	simm.s32 @!p1 $0x0  }
0x14: {  	s2 =	sld [smem:$0x3F8C];
	s0 =	simm.s32 @p1 $0x1  }
0x15: {  	[smem:$0x3FA9] =	sst s0;
	s0 =	simm.s32 @!p2 $0x0  }
0x16: {  	s3 =	sld [smem:$0x3FDB];
	s0 =	simm.s32 @p2 $0x1  }
0x17: {  	s4 =	simm.s32 $0x1BF5;
	[smem:$0x3FAB] =	sst s0  }
0x18: {  	s0 =	sld [smem:$0x3F8E];
	_ =	swait.ge [sflag:s4], $0x0  }
0x19: {  	s7 =	sld [smem:$0x3F8F]  }
0x1a: {  	s8 =	sadd.s32 $0xFFFFE003, lr  }
0x1b: {  	s9 =	sadd.s32 $0xFFFFFEF7, lr;
	s5 =	simm.s32 $0xFFFFFFFF;
	p2 =	slt.u32 s8, $0xFFFFF086  }
0x1c: {  	p1 =	slt.u32 s9, $0xF7A;
	s5 =	simm.s32 @!p2 $0x0  }
0x1d: {  	s5 =	simm.s32 @p1 $0x1;
	p0 =	seq.s32 s7, s2  }
0x1e: {  	s7 =	smul.u32 @!p0 $0xF7A, s2;
	p2 =	seq.s32 @!p0 s5, $0x0  }
0x1f: {  	s9 =	smul.u32 $0xF7A, s1;
	s8 =	simm.s32 @!p0 $0x1BF5;
	p2 =	por !p2, p0  }
0x20: {  	[sflag:s8] =	ssyncset.s32 @!p0 $0xFFFFF086;
	s6 =	sadd.s32 @!p0 s3, s7;
	s7 =	simm.s32 @!p0 $0x108  }
0x21: {  	s3 =	sadd.s32 s3, s9;
	s6 =	sadd.s32 @!p0 $0x88, s6;
	s7 =	simm.s32 @p2 $0x1082  }
0x22: {  	[simem:s7], [sflag:s8] =	dma.local @!p0 [hbm:s6], $0xF7A  }
0x23: {  	s9 =	sor.u32 $0xD0000000, s2;
	s6 =	simm.s32 $0x108;
	_ =	swait.ge @!p0 [sflag:s8], $0x0  }
0x24: {  	s3 =	sadd.s32 $0x88, s3;
	s6 =	simm.s32 @!p1 $0x1082;
	[sflag:s4] =	ssyncset.s32 $0xFFFFF086  }
0x25: {  	[simem:s6], [sflag:s4] =	dma.local [hbm:s3], $0xF7A  }
0x26: {  	[smem:$0x3F8F] =	sst s1;
	(tag) =	ssettag s2;
	_ =	strace s9  }
0x27: {  	s1 =	sld [smem:$0x3F9F]  }
0x28: {  	s2 =	sld [smem:$0x3FA0]  }
0x29: {  	s4 =	sld [smem:$0x3FA2]  }
0x2a: {  	p0 =	seq.s32 s5, $0x0;
	s5 =	sld [smem:$0x3FA3]  }
0x2b: {  	s6 =	sld [smem:$0x3FA4]  }
0x2c: {  	s7 =	sld [smem:$0x3FA5]  }
0x2d: {  	s3 =	simm.s32 $0x108;
	s8 =	sld [smem:$0x3FA6]  }
0x2e: {  	s3 =	simm.s32 @!p0 $0x1082;
	s9 =	sld [smem:$0x3FA7]  }
0x2f: {  	lr =	sadd.s32 s0, s3;
	s0 =	sld [smem:$0x3F9E]  }
0x30: {  	s3 =	sld [smem:$0x3FA1]  }
0x31: {  	[smem:$0x3FAA] =	sst s10  }
0x32: {  	s10 =	sld [smem:$0x3FA8];
	_ =	sdelay $0x3  }
0x33: {  	p0 =	seq.s32 s10, $0x1;
	s10 =	sld [smem:$0x3FAA];
	_ =	sdelay $0x3  }
0x34: {  	[smem:$0x3FAA] =	sst s10  }
0x35: {  	s10 =	sld [smem:$0x3FA9];
	_ =	sdelay $0x3  }
0x36: {  	p1 =	seq.s32 s10, $0x1;
	s10 =	sld [smem:$0x3FAA];
	_ =	sdelay $0x3  }
0x37: {  	[smem:$0x3FAA] =	sst s10  }
0x38: {  	s10 =	sld [smem:$0x3FAB]  }
0x39: {  	_ = 	snop;
	(pc) =	sbr.ind lr, $3  }
0x3a: {  	_ = 	snop  }
0x3b: {  	_ = 	snop  }
0x3c: {  	p2 =	seq.s32 s10, $0x1;
	s10 =	sld [smem:$0x3FAA]  }
0x3d: {  	_ =	shalt  }
0x3e: {  	_ =	shalt  }
0x3f: {  	_ =	shalt  }
0x40: {  	_ =	shalt  }
0x41: {  	_ =	shalt  }
0x42: {  	_ =	shalt  }
0x43: {  	_ =	shalt  }
0x44: {  	_ =	shalt  }
0x45: {  	_ =	shalt  }
0x46: {  	_ =	shalt  }
0x47: {  	_ =	shalt  }
0x48: {  	_ =	shalt  }
0x49: {  	_ =	shalt  }
0x4a: {  	_ =	shalt  }
0x4b: {  	_ =	shalt  }
0x4c: {  	_ =	shalt  }
0x4d: {  	_ =	shalt  }
0x4e: {  	_ =	shalt  }
0x4f: {  	_ =	shalt  }
0x50: {  	_ =	shalt  }
0x51: {  	_ =	shalt  }
0x52: {  	_ =	shalt  }
0x53: {  	_ =	shalt  }
0x54: {  	_ =	shalt  }
0x55: {  	_ =	shalt  }
0x56: {  	_ =	shalt  }
0x57: {  	_ =	shalt  }
0x58: {  	_ =	shalt  }
0x59: {  	_ =	shalt  }
0x5a: {  	_ =	shalt  }
0x5b: {  	_ =	shalt  }
0x5c: {  	_ =	shalt  }
0x5d: {  	_ =	shalt  }
0x5e: {  	_ =	shalt  }
0x5f: {  	_ =	shalt  }
0x60: {  	_ =	shalt  }
0x61: {  	_ =	shalt  }
0x62: {  	_ =	shalt  }
0x63: {  	_ =	shalt  }
0x64: {  	_ =	shalt  }
0x65: {  	_ =	shalt  }
0x66: {  	_ =	shalt  }
0x67: {  	_ =	shalt  }
0x68: {  	_ =	shalt  }
0x69: {  	_ =	shalt  }
0x6a: {  	_ =	shalt  }
0x6b: {  	_ =	shalt  }
0x6c: {  	_ =	shalt  }
0x6d: {  	_ =	shalt  }
0x6e: {  	_ =	shalt  }
0x6f: {  	_ =	shalt  }
0x70: {  	_ =	shalt  }
0x71: {  	_ =	shalt  }
0x72: {  	_ =	shalt  }
0x73: {  	_ =	shalt  }
0x74: {  	_ =	shalt  }
0x75: {  	_ =	shalt  }
0x76: {  	_ =	shalt  }
0x77: {  	_ =	shalt  }
0x78: {  	_ =	shalt  }
0x79: {  	_ =	shalt  }
0x7a: {  	_ =	shalt  }
0x7b: {  	_ =	shalt  }
0x7c: {  	_ =	shalt  }
0x7d: {  	_ =	shalt  }
0x7e: {  	_ =	shalt  }
0x7f: {  	_ =	shalt  }
0x80: {  	_ =	shalt  }
0x81: {  	_ =	shalt  }
0x82: {  	_ =	shalt  }
0x83: {  	_ =	shalt  }
0x84: {  	_ =	shalt  }
0x85: {  	_ =	shalt  }
0x86: {  	_ =	shalt  }
0x87: {  	_ =	shalt  }
.Lfunc_end0:
.L_simem_size_0:
called_computation_lowered:
.L_overlay_start_0:
0x88: {  	s2 =	sld [smem:$0x3FD9]  }
0x89: {  	s3 =	sld [smem:$0x3FFE];
	_ =	sdelay $0x1  }
0x8a: {  	s1 =	srdreg.scid  }
0x8b: {  	s0 =	sand.u32 $0x1, s1  }
0x8c: {  	s17 =	sshll.u32 s0, $0xA;
	s2 =	sadd.s32 s3, s2  }
0x8d: {  	s2 =	sadd.s32 s2, s17  }
0x8e: {  	[smem:$0x3FB6] =	sst s2  }
0x8f: {  	_ = 	snop  }
0x90: {  	s2 =	sld [smem:$0x3FD0];
	(tm) =	ssettm $0x1  }
0x91: {  	s18 =	sld [smem:$0x3FFB];
	_ =	sdelay $0x3  }
0x92: {  	_ =	strace s18  }
0x93: {  	s3 =	sld [smem:$0x3FFC];
	_ =	sdelay $0x3  }
0x94: {  	_ =	strace s3  }
0x95: {  	s3 =	sld [smem:$0x3FFD];
	_ =	sdelay $0x3  }
0x96: {  	_ =	strace s3  }
0x97: {  	_ =	strace $0x8FFFFFFF  }
0x98: {  	s19 =	sld [smem:$0x3FDB];
	_ =	sdelay $0x1  }
0x99: {  	s4 =	simm.s32 $_scs_section_size  }
0x9a: {  	s5 =	simm.s32 $_size__tile_overlayer_lowered;
	s6 =	simm.s32 $_tile_overlayer_lowered  }
0x9b: {  	s22 =	simm.s32 $0x1BFF;
	s21 =	sshll.u32 s6, $0x1;
	s3 =	sadd.s32 s4, s19  }
0x9c: {  	s7 =	simm.s32 $0x0;
	s20 =	sshll.u32 s5, $0x1;
	s5 =	sadd.s32 s21, s3  }
0x9d: {  	[timem:s7], [sflag:s22] =	dma.local [hbm:s5], s20  }
0x9e: {  	_ =	swait.ge [sflag:s22], s20  }
0x9f: {  	s4 =	ssub.s32 $0x0, s20;
	[sflag:s22] =	ssyncset.done $0x0  }
0xa0: {  	[sflag:s22] =	ssyncadd.s32 s4;
	_ =	sdelay $0x1  }
0xa1: {  	s23 =	simm.s32 $0x1B8B  }
0xa2: {  	_ =	swait.ge [sflag:s23], $0x1  }
0xa3: {  	[sflag:s23] =	ssyncset.done $0x0  }
0xa4: {  	s25 =	simm.s32 $0x1B8E;
	s24 =	sld [smem:$0x3FFE];
	[sflag:s23] =	ssyncadd.s32 $0xFFFFFFFF  }
0xa5: {  	s26 =	simm.s32 $execute0_lowered;
	[smem:$0x3FD2] =	sst s25  }
0xa6: {  	s5 =	sshll.u32 s26, $0x1;
	_ =	strace $0x80000046;
	[dreg:$0x1] =	wrdreg $0xFFFFFFFF  }
0xa7: {  	s28 =	simm.s32 $_size_execute0_lowered;
	s3 =	sadd.s32 s3, s5;
	[dreg:$0x0] =	wrdreg $0x0  }
0xa8: {  	s5 =	sshll.u32 s28, $0x1;
	[dreg:$0x2] =	wrdreg s3  }
0xa9: {  	[dreg:$0x3] =	wrdreg s5  }
0xaa: {  	[dreg:$0x4] =	wrdreg $0xC0  }
0xab: {  	_ =	task [dreg:s7], $0x5FFFF  }
0xac: {  	[dreg:$0x1] =	wrdreg $0xFFFFFFFF  }
0xad: {  	[dreg:$0x0] =	wrdreg $0x60  }
0xae: {  	[dreg:$0x2] =	wrdreg s24  }
0xaf: {  	[dreg:$0x3] =	wrdreg s2  }
0xb0: {  	[dreg:$0x4] =	wrdreg $0xAE800  }
0xb1: {  	[dreg:$0x5] =	wrdreg $0x15E500  }
0xb2: {  	[dreg:$0x6] =	wrdreg $0xA  }
0xb3: {  	_ =	task.clear_ibuf [dreg:s7], $0x7FFFF;
	_ =	strace $0x90000046  }
0xb4: {  	s29 =	simm.s32 $0xA;
	_ =	strace $0x80000048  }
0xb5: {  	_ =	swait.ge [sflag:s29], $0x1  }
0xb6: {  	[sflag:s29] =	ssyncadd.s32 $0xFFFFFFFF  }
0xb7: {  	_ =	strace $0x90000048  }
0xb8: {  	_ =	sfence  }
0xb9: {  	s30 =	sld [smem:$0x0];
	_ =	sdelay $0x2  }
0xba: {  	s31 =	sshll.u32 s1, $0xD;
	s1 =	sshrl.u32 s1, $0x2  }
0xbb: {  	s3 =	sand.u32 $0x4000, s31;
	s1 =	sadd.s32 s1, s30  }
0xbc: {  	s0 =	sor.u32 s3, s0;
	s1 =	sshll.u32 s1, $0x11  }
0xbd: {  	s0 =	sor.u32 s1, s0  }
0xbe: {  	s0 =	sadd.s32 $0x8F2B, s0  }
0xbf: {  	[sflag:s0] =	ssyncadd.remote.s32 $0x1  }
0xc0: {  	_ =	sfence.sel $0xFFFF  }
0xc1: {  	[dreg:$0x0] =	wrdreg $0xFFFFFFFF;
	(pc) =	sbr.abs _section_cstart, $3  }
0xc2: {  	[dreg:$0x1] =	wrdreg $0xFFFFFFFF  }
0xc3: {  	_ =	task.clear_ibuf [dreg:s7], $0x2FFFF;
	_ =	strace $0x9FFFFFFF  }
0xc4: {  	(tm) =	ssettm $0x7FFFFFFF  }
0xc5: {  	_ =	shalt  }
tec
execute0_lowered:
.L_overlay_start_1:
0x0: {  	(tag) =	ssettag $0x1  }
0x1: {  	s0 =	rddreg [dreg:$0x0]  }
0x2: {  	s2 =	simm.s32 $0x0;
	s1 =	srdreg.scid;
	s20 =	stileid.u32  }
0x3: {  	s29 =	simm.s32 $0x4F80;
	[smem:$0x7FF] =	sst s2;
	s7 =	smul.u32 $0x280, s20  }
0x4: {  	s3 =	sand.u32 $0x1, s1;
	s5 =	sadd.s32 $0x41200, s0;
	s1 =	smul.u32 $0xA000, s20  }
0x5: {  	s8 =	sadd.s32 $0x69200, s0;
	s4 =	smul.u32 $0x28000, s3;
	s6 =	ssub.s32 $0x2, s3  }
0x6: {  	s3 =	smul.u32 $0xA0000, s3;
	s9 =	sshrl.u32 s6, $0x1;
	s23 =	sadd.s32 $0x80, s7  }
0x7: {  	s11 =	sadd.s32 $0x100, s7;
	s13 =	sadd.s32 $0x180, s7;
	s7 =	sadd.s32 $0x200, s7  }
0x8: {  	s6 =	ssub.s32 s6, s9;
	s10 =	sshll.u32 s23, $0x6;
	s14 =	sshll.u32 s11, $0x6  }
0x9: {  	s16 =	sshll.u32 s13, $0x6;
	s12 =	sadd.s32 s1, s3;
	s17 =	sshll.u32 s7, $0x6  }
0xa: {  	s13 =	sshll.u32 s13, $0x4;
	s7 =	sshll.u32 s7, $0x4;
	s12 =	sshrl.u32 s12, $0x3  }
0xb: {  	s15 =	sadd.s32 s3, s10;
	s25 =	sadd.s32 s3, s14;
	s18 =	sadd.s32 s5, s12  }
0xc: {  	s19 =	sadd.s32 s3, s16;
	s12 =	sadd.s32 s8, s12;
	[dreg:$0x5] =	wrdreg s18  }
0xd: {  	s3 =	sadd.s32 s3, s17;
	s15 =	sshrl.u32 s15, $0x3;
	[dreg:$0xa] =	wrdreg s12  }
0xe: {  	s19 =	sshrl.u32 s19, $0x3;
	s24 =	sadd.s32 s5, s15;
	s12 =	rddreg [dreg:$0x2]  }
0xf: {  	s6 =	smax.u32 s6, $0x1;
	s26 =	sadd.s32 s5, s19;
	[dreg:$0x6] =	wrdreg s24  }
0x10: {  	s3 =	sshrl.u32 s3, $0x3;
	s15 =	sadd.s32 s8, s15;
	[dreg:$0x8] =	wrdreg s26  }
0x11: {  	s18 =	sshrl.u32 s25, $0x3;
	s25 =	sadd.s32 s4, s13;
	[dreg:$0xb] =	wrdreg s15  }
0x12: {  	s21 =	sadd.s32 s5, s18;
	s5 =	sadd.s32 s5, s3;
	s15 =	rddreg [dreg:$0x3]  }
0x13: {  	s18 =	sadd.s32 s8, s18;
	s3 =	sadd.s32 s8, s3;
	[dreg:$0x7] =	wrdreg s21  }
0x14: {  	s28 =	sadd.s32 s1, s12;
	s30 =	sadd.s32 s10, s12;
	[dreg:$0x9] =	wrdreg s5  }
0x15: {  	s10 =	simm.s32 $0x14E80;
	[dreg:$0xc] =	wrdreg s18;
	s5 =	smul.u32 $0x2800, s20  }
0x16: {  	s21 =	sadd.s32 s8, s19;
	[dreg:$0xe] =	wrdreg s3;
	s3 =	sshll.u32 s23, $0x4  }
0x17: {  	s18 =	sshll.u32 s11, $0x4;
	s23 =	sadd.s32 $0x91200, s0;
	s19 =	sshrl.u32 s25, $0x3  }
0x18: {  	s11 =	sadd.s32 s14, s12;
	s14 =	simm.s32 $0x5000;
	[dreg:$0xd] =	wrdreg s21  }
0x19: {  	s9 =	sadd.s32 s4, s3;
	s24 =	sadd.s32 s4, s18;
	s26 =	sadd.s32 s23, s19  }
0x1a: {  	s21 =	sadd.s32 $0x5A00, s0;
	s31 =	sadd.s32 s3, s15;
	s1 =	sadd.s32 s18, s15  }
0x1b: {  	s3 =	sadd.s32 s13, s15;
	s13 =	simm.s32 $0x7D;
	s18 =	simm.s32 $0x2  }
0x1c: {  	s22 =	sadd.s32 s5, s4;
	_ =	strace $0x80000047;
	s9 =	sshrl.u32 s9, $0x3  }
0x1d: {  	s4 =	sadd.s32 s4, s7;
	[dreg:$0x11] =	wrdreg s26;
	s26 =	sadd.s32 s5, s15  }
0x1e: {  	s5 =	sadd.s32 s7, s15;
	[dreg:$0x18] =	wrdreg s6;
	s7 =	simm.s32 $0x8E80  }
0x1f: {  	s9 =	sadd.s32 s23, s9;
	s4 =	sshrl.u32 s4, $0x3;
	[dreg:$0x19] =	wrdreg s26  }
0x20: {  	s8 =	sshrl.u32 s22, $0x3;
	[dreg:$0xf] =	wrdreg s9;
	s4 =	sadd.s32 s23, s4  }
0x21: {  	s9 =	sshrl.u32 s24, $0x3;
	s19 =	sadd.s32 s23, s8;
	[dreg:$0x12] =	wrdreg s4  }
0x22: {  	s22 =	sadd.s32 $0x19400, s0;
	s9 =	sadd.s32 s23, s9;
	[dreg:$0x13] =	wrdreg s19  }
0x23: {  	s20 =	sadd.s32 s8, s0;
	s23 =	sadd.s32 $0x40E00, s0;
	[dreg:$0x10] =	wrdreg s9  }
0x24: {  	s8 =	simm.s32 $0x3;
	s0 =	sadd.s32 $0x41000, s0;
	[dreg:$0x14] =	wrdreg s23  }
0x25: {  	s24 =	sadd.s32 $0x2CE00, s20;
	s25 =	sadd.s32 $0x36E00, s20;
	[dreg:$0x15] =	wrdreg s0  }
0x26: {  	s4 =	sadd.s32 s17, s12;
	s17 =	simm.s32 $0x1;
	[dreg:$0x16] =	wrdreg s24  }
0x27: {  	[dreg:$0x17] =	wrdreg s25;
	s0 =	sadd.s32 s16, s12;
	s9 =	simm.s32 $0x15650  }
0x28: {  	s16 =	simm.s32 $0x6F40;
	s24 =	simm.s32 $0x0;
	s23 =	simm.s32 $0x4F00  }
.LBB2_1:
0x29: {  	s6 =	rddreg [dreg:$0x1]  }
0x2a: {  	[tilespmem:s7], [sflag:$0x3] =	stream.linear.gather [hbm4b:s6+s2], $0x2000, $0x38;
	[tilespmem:$0x18650] =	vst v63  }
0x2b: {  	_ =	swait.ge [sflag:s8], $0x2000  }
0x2c: {  	[sflag:s8] =	ssyncset.done $0x0  }
0x2d: {  	s26 =	rddreg [dreg:$0x14];
	[sflag:s8] =	ssyncadd.s32 $0xFFFFE000  }
0x2e: {  	[tilespmem:s9], [sflag:$0x3] =	stream.linear.gather [hbm4b:s26+s2], $0x800, $0x38;
	[tilespmem:$0x18650] =	vst v63  }
0x2f: {  	_ =	swait.ge [sflag:s8], $0x800  }
0x30: {  	[sflag:s8] =	ssyncset.done $0x0  }
0x31: {  	s19 =	rddreg [dreg:$0x15];
	[sflag:s8] =	ssyncadd.s32 $0xFFFFF800  }
0x32: {  	[tilespmem:s10], [sflag:$0x3] =	stream.linear.gather [hbm4b:s19+s2], $0x7D0, $0x38;
	[tilespmem:$0x18650] =	vst v63  }
0x33: {  	_ =	swait.ge [sflag:s8], $0x7D0  }
0x34: {  	[sflag:s8] =	ssyncset.done $0x0  }
0x35: {  	s20 =	rddreg [dreg:$0x16];
	[sflag:s8] =	ssyncadd.s32 $0xFFFFF830  }
0x36: {  	[tilespmem:s2], [sflag:$0x3] =	stream.linear.gather [hbm4b:s20+s2], $0x2800, $0x38;
	[tilespmem:$0x18650] =	vst v63  }
0x37: {  	_ =	swait.ge [sflag:s8], $0x2800  }
0x38: {  	[sflag:s8] =	ssyncset.done $0x0  }
0x39: {  	s19 =	simm.s32 $0x2800;
	s25 =	rddreg [dreg:$0x17];
	[sflag:s8] =	ssyncadd.s32 $0xFFFFD800  }
0x3a: {  	[tilespmem:s19], [sflag:$0x3] =	stream.linear.gather [hbm4b:s25+s2], $0x2800, $0x38;
	[tilespmem:$0x18650] =	vst v63  }
0x3b: {  	_ =	swait.ge [sflag:s8], $0x2800  }
0x3c: {  	[sflag:s8] =	ssyncset.done $0x0  }
0x3d: {  	[sflag:s8] =	ssyncadd.s32 $0xFFFFD800  }
0x3e: {  	[spmem:s28] =	stream.linear.scatter [tilespmem:s7], [sflag:$0x3], $0x2000, $0x38;
	[tilespmem:$0x18650] =	vst v63  }
0x3f: {  	_ =	swait.ge [sflag:s8], $0x2000  }
0x40: {  	[sflag:s8] =	ssyncset.done $0x0  }
0x41: {  	s26 =	rddreg [dreg:$0x19];
	[sflag:s8] =	ssyncadd.s32 $0xFFFFE000  }
0x42: {  	[spmem:s26] =	stream.linear.scatter [tilespmem:s9], [sflag:$0x3], $0x800, $0x38;
	[tilespmem:$0x18650] =	vst v63  }
0x43: {  	_ =	swait.ge [sflag:s8], $0x800  }
0x44: {  	[sflag:s8] =	ssyncset.done $0x0  }
0x45: {  	[sflag:s8] =	ssyncadd.s32 $0xFFFFF800  }
0x46: {  	[spmem:s30] =	stream.linear.scatter [tilespmem:s7], [sflag:$0x3], $0x2000, $0x38;
	[tilespmem:$0x18650] =	vst v63  }
0x47: {  	_ =	swait.ge [sflag:s8], $0x2000  }
0x48: {  	[sflag:s8] =	ssyncset.done $0x0  }
0x49: {  	[sflag:s8] =	ssyncadd.s32 $0xFFFFE000  }
0x4a: {  	[spmem:s31] =	stream.linear.scatter [tilespmem:s9], [sflag:$0x3], $0x800, $0x38;
	[tilespmem:$0x18650] =	vst v63  }
0x4b: {  	_ =	swait.ge [sflag:s8], $0x800  }
0x4c: {  	[sflag:s8] =	ssyncset.done $0x0  }
0x4d: {  	[sflag:s8] =	ssyncadd.s32 $0xFFFFF800  }
0x4e: {  	[spmem:s11] =	stream.linear.scatter [tilespmem:s7], [sflag:$0x3], $0x2000, $0x38;
	[tilespmem:$0x18650] =	vst v63  }
0x4f: {  	_ =	swait.ge [sflag:s8], $0x2000  }
0x50: {  	[sflag:s8] =	ssyncset.done $0x0  }
0x51: {  	[sflag:s8] =	ssyncadd.s32 $0xFFFFE000  }
0x52: {  	[spmem:s1] =	stream.linear.scatter [tilespmem:s9], [sflag:$0x3], $0x800, $0x38;
	[tilespmem:$0x18650] =	vst v63  }
0x53: {  	_ =	swait.ge [sflag:s8], $0x800  }
0x54: {  	[sflag:s8] =	ssyncset.done $0x0  }
0x55: {  	[sflag:s8] =	ssyncadd.s32 $0xFFFFF800  }
0x56: {  	[spmem:s0] =	stream.linear.scatter [tilespmem:s7], [sflag:$0x3], $0x2000, $0x38;
	[tilespmem:$0x18650] =	vst v63  }
0x57: {  	_ =	swait.ge [sflag:s8], $0x2000  }
0x58: {  	[sflag:s8] =	ssyncset.done $0x0  }
0x59: {  	[sflag:s8] =	ssyncadd.s32 $0xFFFFE000  }
0x5a: {  	[spmem:s3] =	stream.linear.scatter [tilespmem:s9], [sflag:$0x3], $0x800, $0x38;
	[tilespmem:$0x18650] =	vst v63  }
0x5b: {  	_ =	swait.ge [sflag:s8], $0x800  }
0x5c: {  	[sflag:s8] =	ssyncset.done $0x0  }
0x5d: {  	[sflag:s8] =	ssyncadd.s32 $0xFFFFF800  }
0x5e: {  	[spmem:s4] =	stream.linear.scatter [tilespmem:s7], [sflag:$0x3], $0x2000, $0x38;
	[tilespmem:$0x18650] =	vst v63  }
0x5f: {  	_ =	swait.ge [sflag:s8], $0x2000  }
0x60: {  	[sflag:s8] =	ssyncset.done $0x0  }
0x61: {  	[sflag:s8] =	ssyncadd.s32 $0xFFFFE000  }
0x62: {  	[spmem:s5] =	stream.linear.scatter [tilespmem:s9], [sflag:$0x3], $0x800, $0x38;
	[tilespmem:$0x18650] =	vst v63  }
0x63: {  	_ =	swait.ge [sflag:s8], $0x800  }
0x64: {  	[sflag:s8] =	ssyncset.done $0x0  }
0x65: {  	[sflag:s8] =	ssyncadd.s32 $0xFFFFF800  }
0x66: {  	[bflag:$0x0] =	sbarrier.arrive $0xFFFF  }
0x67: {  	[tilespmem:s14], [sflag:$0x1] =	stream.indirect.gather [hbm4b:s21+s13], $0x40, s2, s13, $0xb8;
	[tilespmem:$0x18650] =	vst v63  }
0x68: {  	s25 =	simm.s32 $0x80  }
0x69: {  	[tilespmem:s16], [sflag:$0x2] =	stream.indirect.gather [hbm4b:s21+s13], $0x40, s25, s13, $0xb8;
	[tilespmem:$0x18650] =	vst v63  }
0x6a: {  	_ =	swait.ge [sflag:s17], $0x1F40  }
0x6b: {  	[sflag:s17] =	ssyncset.done $0x0  }
0x6c: {  	s19 =	simm.s32 $0x2800;
	[sflag:s17] =	ssyncadd.s32 $0xFFFFE0C0  }
0x6d: {  	[spmem:s12] =	stream.indirect.scatter.add.f32 [tilespmem:s14], [sflag:$0x3], $0x40, s19, s13, $0xb8;
	[tilespmem:$0x18650] =	vst v63  }
0x6e: {  	_ =	swait.ge [sflag:s8], $0x1F40  }
0x6f: {  	[sflag:s8] =	ssyncset.done $0x0  }
0x70: {  	[sflag:s8] =	ssyncadd.s32 $0xFFFFE0C0  }
0x71: {  	[spmem:s15] =	stream.indirect.scatter.add.f32 [tilespmem:s10], [sflag:$0x3], $0x10, s19, s13, $0xb8;
	[tilespmem:$0x18650] =	vst v63  }
0x72: {  	_ =	swait.ge [sflag:s8], $0x7D0  }
0x73: {  	[sflag:s8] =	ssyncset.done $0x0  }
0x74: {  	s20 =	simm.s32 $0x100;
	[sflag:s8] =	ssyncadd.s32 $0xFFFFF830  }
0x75: {  	[tilespmem:s14], [sflag:$0x1] =	stream.indirect.gather [hbm4b:s21+s13], $0x40, s20, s13, $0xb8;
	[tilespmem:$0x18650] =	vst v63  }
0x76: {  	_ =	swait.ge [sflag:s18], $0x1F40  }
0x77: {  	[sflag:s18] =	ssyncset.done $0x0  }
0x78: {  	s26 =	simm.s32 $0x2880;
	[sflag:s18] =	ssyncadd.s32 $0xFFFFE0C0  }
0x79: {  	[spmem:s12] =	stream.indirect.scatter.add.f32 [tilespmem:s16], [sflag:$0x3], $0x40, s26, s13, $0xb8;
	[tilespmem:$0x18650] =	vst v63  }
0x7a: {  	_ =	swait.ge [sflag:s8], $0x1F40  }
0x7b: {  	[sflag:s8] =	ssyncset.done $0x0  }
0x7c: {  	[sflag:s8] =	ssyncadd.s32 $0xFFFFE0C0  }
0x7d: {  	[spmem:s15] =	stream.indirect.scatter.add.f32 [tilespmem:s10], [sflag:$0x3], $0x10, s26, s13, $0xb8;
	[tilespmem:$0x18650] =	vst v63  }
0x7e: {  	_ =	swait.ge [sflag:s8], $0x7D0  }
0x7f: {  	s25 =	simm.s32 $0x100;
	s26 =	simm.s32 $0x800;
	[sflag:s8] =	ssyncset.done $0x0  }
.LBB2_2:
0x80: {  	s6 =	sadd.s32 $0x80, s25  }
0x81: {  	[sflag:s8] =	ssyncadd.s32 $0xFFFFF830;
	s19 =	smov.u32 s26;
	s20 =	sadd.s32 $0x400, s26  }
0x82: {  	[tilespmem:s16], [sflag:$0x2] =	stream.indirect.gather [hbm4b:s21+s13], $0x40, s6, s13, $0xb8;
	[tilespmem:$0x18650] =	vst v63  }
0x83: {  	p0 =	sne.s32 s26, $0x9800;
	_ =	swait.ge [sflag:s17], $0x1F40  }
0x84: {  	[sflag:s17] =	ssyncset.done $0x0  }
0x85: {  	s6 =	sadd.s32 $0x2800, s25;
	[sflag:s17] =	ssyncadd.s32 $0xFFFFE0C0  }
0x86: {  	[spmem:s12] =	stream.indirect.scatter.add.f32 [tilespmem:s14], [sflag:$0x3], $0x40, s6, s13, $0xb8;
	[tilespmem:$0x18650] =	vst v63  }
0x87: {  	_ =	swait.ge [sflag:s8], $0x1F40  }
0x88: {  	[sflag:s8] =	ssyncset.done $0x0  }
0x89: {  	[sflag:s8] =	ssyncadd.s32 $0xFFFFE0C0  }
0x8a: {  	[spmem:s15] =	stream.indirect.scatter.add.f32 [tilespmem:s10], [sflag:$0x3], $0x10, s6, s13, $0xb8;
	[tilespmem:$0x18650] =	vst v63  }
0x8b: {  	_ =	swait.ge [sflag:s8], $0x7D0  }
0x8c: {  	[sflag:s8] =	ssyncset.done $0x0  }
0x8d: {  	s6 =	sadd.s32 $0x100, s25;
	[sflag:s8] =	ssyncadd.s32 $0xFFFFF830  }
0x8e: {  	[tilespmem:s14], [sflag:$0x1] =	stream.indirect.gather [hbm4b:s21+s13], $0x40, s6, s13, $0xb8;
	[tilespmem:$0x18650] =	vst v63  }
0x8f: {  	_ =	swait.ge [sflag:s18], $0x1F40  }
0x90: {  	[sflag:s18] =	ssyncset.done $0x0  }
0x91: {  	s6 =	sadd.s32 $0x2880, s25;
	[sflag:s18] =	ssyncadd.s32 $0xFFFFE0C0  }
0x92: {  	[spmem:s12] =	stream.indirect.scatter.add.f32 [tilespmem:s16], [sflag:$0x3], $0x40, s6, s13, $0xb8;
	[tilespmem:$0x18650] =	vst v63  }
0x93: {  	_ =	swait.ge [sflag:s8], $0x1F40  }
.Ltmp0:
0x94: {  	[sflag:s8] =	ssyncset.done $0x0;
	(pc) =	sbr.rel @p0 .LBB2_2-.Ltmp0, $4  }
0x95: {  	[sflag:s8] =	ssyncadd.s32 $0xFFFFE0C0  }
0x96: {  	[spmem:s15] =	stream.indirect.scatter.add.f32 [tilespmem:s10], [sflag:$0x3], $0x10, s6, s13, $0xb8;
	[tilespmem:$0x18650] =	vst v63  }
0x97: {  	_ =	swait.ge [sflag:s8], $0x7D0  }
0x98: {  	s26 =	smov.u32 s20;
	s25 =	sshra.s32 s19, $0x2;
	[sflag:s8] =	ssyncset.done $0x0  }
0x99: {  	s6 =	sadd.s32 $0x80, s25;
	[sflag:s8] =	ssyncadd.s32 $0xFFFFF830  }
0x9a: {  	[tilespmem:s16], [sflag:$0x2] =	stream.indirect.gather [hbm4b:s21+s13], $0x40, s6, s13, $0xb8;
	[tilespmem:$0x18650] =	vst v63  }
0x9b: {  	_ =	swait.ge [sflag:s17], $0x1F40  }
0x9c: {  	[sflag:s17] =	ssyncset.done $0x0  }
0x9d: {  	s20 =	sadd.s32 $0x2800, s25;
	[sflag:s17] =	ssyncadd.s32 $0xFFFFE0C0  }
0x9e: {  	[spmem:s12] =	stream.indirect.scatter.add.f32 [tilespmem:s14], [sflag:$0x3], $0x40, s20, s13, $0xb8;
	[tilespmem:$0x18650] =	vst v63  }
0x9f: {  	_ =	swait.ge [sflag:s8], $0x1F40  }
0xa0: {  	[sflag:s8] =	ssyncset.done $0x0  }
0xa1: {  	[sflag:s8] =	ssyncadd.s32 $0xFFFFE0C0  }
0xa2: {  	[spmem:s15] =	stream.indirect.scatter.add.f32 [tilespmem:s10], [sflag:$0x3], $0x10, s20, s13, $0xb8;
	[tilespmem:$0x18650] =	vst v63  }
0xa3: {  	_ =	swait.ge [sflag:s8], $0x7D0  }
0xa4: {  	[sflag:s8] =	ssyncset.done $0x0  }
0xa5: {  	s26 =	sadd.s32 $0x100, s25;
	[sflag:s8] =	ssyncadd.s32 $0xFFFFF830  }
0xa6: {  	[tilespmem:s14], [sflag:$0x1] =	stream.indirect.gather [hbm4b:s21+s13], $0x40, s26, s13, $0xb8;
	[tilespmem:$0x18650] =	vst v63  }
0xa7: {  	_ =	swait.ge [sflag:s18], $0x1F40  }
0xa8: {  	[sflag:s18] =	ssyncset.done $0x0  }
0xa9: {  	s19 =	sadd.s32 $0x2880, s25;
	[sflag:s18] =	ssyncadd.s32 $0xFFFFE0C0  }
0xaa: {  	[spmem:s12] =	stream.indirect.scatter.add.f32 [tilespmem:s16], [sflag:$0x3], $0x40, s19, s13, $0xb8;
	[tilespmem:$0x18650] =	vst v63  }
0xab: {  	_ =	swait.ge [sflag:s8], $0x1F40  }
0xac: {  	[sflag:s8] =	ssyncset.done $0x0  }
0xad: {  	[sflag:s8] =	ssyncadd.s32 $0xFFFFE0C0  }
0xae: {  	[spmem:s15] =	stream.indirect.scatter.add.f32 [tilespmem:s10], [sflag:$0x3], $0x10, s19, s13, $0xb8;
	[tilespmem:$0x18650] =	vst v63  }
0xaf: {  	_ =	swait.ge [sflag:s8], $0x7D0  }
0xb0: {  	[sflag:s8] =	ssyncset.done $0x0  }
0xb1: {  	s20 =	simm.s32 $0x2780;
	[sflag:s8] =	ssyncadd.s32 $0xFFFFF830  }
0xb2: {  	[tilespmem:s16], [sflag:$0x2] =	stream.indirect.gather [hbm4b:s21+s13], $0x40, s20, s13, $0xb8;
	[tilespmem:$0x18650] =	vst v63  }
0xb3: {  	_ =	swait.ge [sflag:s17], $0x1F40  }
0xb4: {  	[sflag:s17] =	ssyncset.done $0x0  }
0xb5: {  	s25 =	simm.s32 $0x4F00;
	[sflag:s17] =	ssyncadd.s32 $0xFFFFE0C0  }
0xb6: {  	[spmem:s12] =	stream.indirect.scatter.add.f32 [tilespmem:s14], [sflag:$0x3], $0x40, s25, s13, $0xb8;
	[tilespmem:$0x18650] =	vst v63  }
0xb7: {  	_ =	swait.ge [sflag:s8], $0x1F40  }
0xb8: {  	[sflag:s8] =	ssyncset.done $0x0  }
0xb9: {  	[sflag:s8] =	ssyncadd.s32 $0xFFFFE0C0  }
0xba: {  	[spmem:s15] =	stream.indirect.scatter.add.f32 [tilespmem:s10], [sflag:$0x3], $0x10, s25, s13, $0xb8;
	[tilespmem:$0x18650] =	vst v63  }
0xbb: {  	_ =	swait.ge [sflag:s8], $0x7D0  }
0xbc: {  	[sflag:s8] =	ssyncset.done $0x0  }
0xbd: {  	[sflag:s8] =	ssyncadd.s32 $0xFFFFF830  }
0xbe: {  	_ =	swait.ge [sflag:s18], $0x1F40  }
0xbf: {  	[sflag:s18] =	ssyncset.done $0x0  }
0xc0: {  	s26 =	simm.s32 $0x4F80;
	[sflag:s18] =	ssyncadd.s32 $0xFFFFE0C0  }
0xc1: {  	[spmem:s12] =	stream.indirect.scatter.add.f32 [tilespmem:s16], [sflag:$0x3], $0x40, s26, s13, $0xb8;
	[tilespmem:$0x18650] =	vst v63  }
0xc2: {  	_ =	swait.ge [sflag:s8], $0x1F40  }
0xc3: {  	[sflag:s8] =	ssyncset.done $0x0  }
0xc4: {  	[sflag:s8] =	ssyncadd.s32 $0xFFFFE0C0  }
0xc5: {  	[spmem:s15] =	stream.indirect.scatter.add.f32 [tilespmem:s10], [sflag:$0x3], $0x10, s26, s13, $0xb8;
	[tilespmem:$0x18650] =	vst v63  }
0xc6: {  	_ =	swait.ge [sflag:s8], $0x7D0  }
0xc7: {  	[sflag:s8] =	ssyncset.done $0x0  }
0xc8: {  	[sflag:s8] =	ssyncadd.s32 $0xFFFFF830  }
0xc9: {  	[bflag:$0x0] =	sbarrier.arrive $0xFFFF  }
0xca: {  	[tilespmem:s7], [sflag:$0x3] =	stream.linear.gather [spmem:s28], $0x2000, $0x38;
	[tilespmem:$0x18650] =	vst v63  }
0xcb: {  	_ =	swait.ge [sflag:s8], $0x2000  }
0xcc: {  	[sflag:s8] =	ssyncset.done $0x0  }
0xcd: {  	s25 =	simm.s32 $0x0;
	s19 =	rddreg [dreg:$0x5];
	[sflag:s8] =	ssyncadd.s32 $0xFFFFE000  }
0xce: {  	[hbm4b:s19+s25] =	stream.linear.scatter [tilespmem:s7], [sflag:$0x3], $0x2000, $0x38;
	[tilespmem:$0x18650] =	vst v63  }
0xcf: {  	_ =	swait.ge [sflag:s8], $0x2000  }
0xd0: {  	[sflag:s8] =	ssyncset.done $0x0  }
0xd1: {  	s20 =	rddreg [dreg:$0x19];
	[sflag:s8] =	ssyncadd.s32 $0xFFFFE000  }
0xd2: {  	[tilespmem:s9], [sflag:$0x3] =	stream.linear.gather [spmem:s20], $0x800, $0x38;
	[tilespmem:$0x18650] =	vst v63  }
0xd3: {  	_ =	swait.ge [sflag:s8], $0x800  }
0xd4: {  	[sflag:s8] =	ssyncset.done $0x0  }
0xd5: {  	s26 =	rddreg [dreg:$0x13];
	[sflag:s8] =	ssyncadd.s32 $0xFFFFF800  }
0xd6: {  	[hbm4b:s26+s25] =	stream.linear.scatter [tilespmem:s9], [sflag:$0x3], $0x800, $0x38;
	[tilespmem:$0x18650] =	vst v63  }
0xd7: {  	_ =	swait.ge [sflag:s8], $0x800  }
0xd8: {  	[sflag:s8] =	ssyncset.done $0x0  }
0xd9: {  	[sflag:s8] =	ssyncadd.s32 $0xFFFFF800  }
0xda: {  	[tilespmem:s7], [sflag:$0x3] =	stream.linear.gather [spmem:s30], $0x2000, $0x38;
	[tilespmem:$0x18650] =	vst v63  }
0xdb: {  	_ =	swait.ge [sflag:s8], $0x2000  }
0xdc: {  	[sflag:s8] =	ssyncset.done $0x0  }
0xdd: {  	s19 =	rddreg [dreg:$0x6];
	[sflag:s8] =	ssyncadd.s32 $0xFFFFE000  }
0xde: {  	[hbm4b:s19+s25] =	stream.linear.scatter [tilespmem:s7], [sflag:$0x3], $0x2000, $0x38;
	[tilespmem:$0x18650] =	vst v63  }
0xdf: {  	_ =	swait.ge [sflag:s8], $0x2000  }
0xe0: {  	[sflag:s8] =	ssyncset.done $0x0  }
0xe1: {  	[sflag:s8] =	ssyncadd.s32 $0xFFFFE000  }
0xe2: {  	[tilespmem:s9], [sflag:$0x3] =	stream.linear.gather [spmem:s31], $0x800, $0x38;
	[tilespmem:$0x18650] =	vst v63  }
0xe3: {  	_ =	swait.ge [sflag:s8], $0x800  }
0xe4: {  	[sflag:s8] =	ssyncset.done $0x0  }
0xe5: {  	s20 =	rddreg [dreg:$0xf];
	[sflag:s8] =	ssyncadd.s32 $0xFFFFF800  }
0xe6: {  	[hbm4b:s20+s25] =	stream.linear.scatter [tilespmem:s9], [sflag:$0x3], $0x800, $0x38;
	[tilespmem:$0x18650] =	vst v63  }
0xe7: {  	_ =	swait.ge [sflag:s8], $0x800  }
0xe8: {  	[sflag:s8] =	ssyncset.done $0x0  }
0xe9: {  	[sflag:s8] =	ssyncadd.s32 $0xFFFFF800  }
0xea: {  	[tilespmem:s7], [sflag:$0x3] =	stream.linear.gather [spmem:s11], $0x2000, $0x38;
	[tilespmem:$0x18650] =	vst v63  }
0xeb: {  	_ =	swait.ge [sflag:s8], $0x2000  }
0xec: {  	[sflag:s8] =	ssyncset.done $0x0  }
0xed: {  	s26 =	rddreg [dreg:$0x7];
	[sflag:s8] =	ssyncadd.s32 $0xFFFFE000  }
0xee: {  	[hbm4b:s26+s25] =	stream.linear.scatter [tilespmem:s7], [sflag:$0x3], $0x2000, $0x38;
	[tilespmem:$0x18650] =	vst v63  }
0xef: {  	_ =	swait.ge [sflag:s8], $0x2000  }
0xf0: {  	[sflag:s8] =	ssyncset.done $0x0  }
0xf1: {  	[sflag:s8] =	ssyncadd.s32 $0xFFFFE000  }
0xf2: {  	[tilespmem:s9], [sflag:$0x3] =	stream.linear.gather [spmem:s1], $0x800, $0x38;
	[tilespmem:$0x18650] =	vst v63  }
0xf3: {  	_ =	swait.ge [sflag:s8], $0x800  }
0xf4: {  	[sflag:s8] =	ssyncset.done $0x0  }
0xf5: {  	s19 =	rddreg [dreg:$0x10];
	[sflag:s8] =	ssyncadd.s32 $0xFFFFF800  }
0xf6: {  	[hbm4b:s19+s25] =	stream.linear.scatter [tilespmem:s9], [sflag:$0x3], $0x800, $0x38;
	[tilespmem:$0x18650] =	vst v63  }
0xf7: {  	_ =	swait.ge [sflag:s8], $0x800  }
0xf8: {  	[sflag:s8] =	ssyncset.done $0x0  }
0xf9: {  	[sflag:s8] =	ssyncadd.s32 $0xFFFFF800  }
0xfa: {  	[tilespmem:s7], [sflag:$0x3] =	stream.linear.gather [spmem:s0], $0x2000, $0x38;
	[tilespmem:$0x18650] =	vst v63  }
0xfb: {  	_ =	swait.ge [sflag:s8], $0x2000  }
0xfc: {  	[sflag:s8] =	ssyncset.done $0x0  }
0xfd: {  	s20 =	rddreg [dreg:$0x8];
	[sflag:s8] =	ssyncadd.s32 $0xFFFFE000  }
0xfe: {  	[hbm4b:s20+s25] =	stream.linear.scatter [tilespmem:s7], [sflag:$0x3], $0x2000, $0x38;
	[tilespmem:$0x18650] =	vst v63  }
0xff: {  	_ =	swait.ge [sflag:s8], $0x2000  }
0x100: {  	[sflag:s8] =	ssyncset.done $0x0  }
0x101: {  	[sflag:s8] =	ssyncadd.s32 $0xFFFFE000  }
0x102: {  	[tilespmem:s9], [sflag:$0x3] =	stream.linear.gather [spmem:s3], $0x800, $0x38;
	[tilespmem:$0x18650] =	vst v63  }
0x103: {  	_ =	swait.ge [sflag:s8], $0x800  }
0x104: {  	[sflag:s8] =	ssyncset.done $0x0  }
0x105: {  	s26 =	rddreg [dreg:$0x11];
	[sflag:s8] =	ssyncadd.s32 $0xFFFFF800  }
0x106: {  	[hbm4b:s26+s25] =	stream.linear.scatter [tilespmem:s9], [sflag:$0x3], $0x800, $0x38;
	[tilespmem:$0x18650] =	vst v63  }
0x107: {  	_ =	swait.ge [sflag:s8], $0x800  }
0x108: {  	[sflag:s8] =	ssyncset.done $0x0  }
0x109: {  	[sflag:s8] =	ssyncadd.s32 $0xFFFFF800  }
0x10a: {  	[tilespmem:s7], [sflag:$0x3] =	stream.linear.gather [spmem:s4], $0x2000, $0x38;
	[tilespmem:$0x18650] =	vst v63  }
0x10b: {  	_ =	swait.ge [sflag:s8], $0x2000  }
0x10c: {  	[sflag:s8] =	ssyncset.done $0x0  }
0x10d: {  	s19 =	rddreg [dreg:$0x9];
	[sflag:s8] =	ssyncadd.s32 $0xFFFFE000  }
0x10e: {  	[hbm4b:s19+s25] =	stream.linear.scatter [tilespmem:s7], [sflag:$0x3], $0x2000, $0x38;
	[tilespmem:$0x18650] =	vst v63  }
0x10f: {  	_ =	swait.ge [sflag:s8], $0x2000  }
0x110: {  	[sflag:s8] =	ssyncset.done $0x0  }
0x111: {  	[sflag:s8] =	ssyncadd.s32 $0xFFFFE000  }
0x112: {  	[tilespmem:s9], [sflag:$0x3] =	stream.linear.gather [spmem:s5], $0x800, $0x38;
	[tilespmem:$0x18650] =	vst v63  }
0x113: {  	_ =	swait.ge [sflag:s8], $0x800  }
0x114: {  	[sflag:s8] =	ssyncset.done $0x0  }
0x115: {  	s20 =	rddreg [dreg:$0x12];
	[sflag:s8] =	ssyncadd.s32 $0xFFFFF800  }
0x116: {  	[hbm4b:s20+s25] =	stream.linear.scatter [tilespmem:s9], [sflag:$0x3], $0x800, $0x38;
	[tilespmem:$0x18650] =	vst v63  }
0x117: {  	_ =	swait.ge [sflag:s8], $0x800  }
0x118: {  	[sflag:s8] =	ssyncset.done $0x0  }
0x119: {  	[sflag:s8] =	ssyncadd.s32 $0xFFFFF800  }
0x11a: {  	s26 =	rddreg [dreg:$0x1]  }
0x11b: {  	[tilespmem:s7], [sflag:$0x3] =	stream.linear.gather [hbm4b:s26+s25], $0x2000, $0x38;
	[tilespmem:$0x18650] =	vst v63  }
0x11c: {  	_ =	swait.ge [sflag:s8], $0x2000  }
0x11d: {  	[sflag:s8] =	ssyncset.done $0x0  }
0x11e: {  	[sflag:s8] =	ssyncadd.s32 $0xFFFFE000  }
0x11f: {  	[spmem:s28] =	stream.linear.scatter [tilespmem:s7], [sflag:$0x3], $0x2000, $0x38;
	[tilespmem:$0x18650] =	vst v63  }
0x120: {  	_ =	swait.ge [sflag:s8], $0x2000  }
0x121: {  	[sflag:s8] =	ssyncset.done $0x0  }
0x122: {  	[sflag:s8] =	ssyncadd.s32 $0xFFFFE000  }
0x123: {  	[spmem:s30] =	stream.linear.scatter [tilespmem:s7], [sflag:$0x3], $0x2000, $0x38;
	[tilespmem:$0x18650] =	vst v63  }
0x124: {  	_ =	swait.ge [sflag:s8], $0x2000  }
0x125: {  	[sflag:s8] =	ssyncset.done $0x0  }
0x126: {  	[sflag:s8] =	ssyncadd.s32 $0xFFFFE000  }
0x127: {  	[spmem:s11] =	stream.linear.scatter [tilespmem:s7], [sflag:$0x3], $0x2000, $0x38;
	[tilespmem:$0x18650] =	vst v63  }
0x128: {  	_ =	swait.ge [sflag:s8], $0x2000  }
0x129: {  	[sflag:s8] =	ssyncset.done $0x0  }
0x12a: {  	[sflag:s8] =	ssyncadd.s32 $0xFFFFE000  }
0x12b: {  	[spmem:s0] =	stream.linear.scatter [tilespmem:s7], [sflag:$0x3], $0x2000, $0x38;
	[tilespmem:$0x18650] =	vst v63  }
0x12c: {  	_ =	swait.ge [sflag:s8], $0x2000  }
0x12d: {  	[sflag:s8] =	ssyncset.done $0x0  }
0x12e: {  	[sflag:s8] =	ssyncadd.s32 $0xFFFFE000  }
0x12f: {  	[spmem:s4] =	stream.linear.scatter [tilespmem:s7], [sflag:$0x3], $0x2000, $0x38;
	[tilespmem:$0x18650] =	vst v63  }
0x130: {  	_ =	swait.ge [sflag:s8], $0x2000  }
0x131: {  	[sflag:s8] =	ssyncset.done $0x0  }
0x132: {  	[sflag:s8] =	ssyncadd.s32 $0xFFFFE000  }
0x133: {  	[bflag:$0x0] =	sbarrier.arrive $0xFFFF  }
0x134: {  	[tilespmem:s14], [sflag:$0x1] =	stream.indirect.gather [hbm4b:s22+s13], $0x40, s25, s13, $0xb8;
	[tilespmem:$0x18650] =	vst v63  }
0x135: {  	s19 =	simm.s32 $0x80  }
0x136: {  	[tilespmem:s16], [sflag:$0x2] =	stream.indirect.gather [hbm4b:s22+s13], $0x40, s19, s13, $0xb8;
	[tilespmem:$0x18650] =	vst v63  }
0x137: {  	_ =	swait.ge [sflag:s17], $0x1F40  }
0x138: {  	[sflag:s17] =	ssyncset.done $0x0  }
0x139: {  	s20 =	simm.s32 $0x2800;
	[sflag:s17] =	ssyncadd.s32 $0xFFFFE0C0  }
0x13a: {  	[spmem:s12] =	stream.indirect.scatter.add.f32 [tilespmem:s14], [sflag:$0x3], $0x40, s20, s13, $0xb8;
	[tilespmem:$0x18650] =	vst v63  }
0x13b: {  	_ =	swait.ge [sflag:s8], $0x1F40  }
0x13c: {  	[sflag:s8] =	ssyncset.done $0x0  }
0x13d: {  	s25 =	simm.s32 $0x100;
	[sflag:s8] =	ssyncadd.s32 $0xFFFFE0C0  }
0x13e: {  	[tilespmem:s14], [sflag:$0x1] =	stream.indirect.gather [hbm4b:s22+s13], $0x40, s25, s13, $0xb8;
	[tilespmem:$0x18650] =	vst v63  }
0x13f: {  	_ =	swait.ge [sflag:s18], $0x1F40  }
0x140: {  	[sflag:s18] =	ssyncset.done $0x0  }
0x141: {  	s26 =	simm.s32 $0x2880;
	[sflag:s18] =	ssyncadd.s32 $0xFFFFE0C0  }
0x142: {  	[spmem:s12] =	stream.indirect.scatter.add.f32 [tilespmem:s16], [sflag:$0x3], $0x40, s26, s13, $0xb8;
	[tilespmem:$0x18650] =	vst v63  }
0x143: {  	_ =	swait.ge [sflag:s8], $0x1F40  }
0x144: {  	s25 =	simm.s32 $0x100;
	s26 =	simm.s32 $0x800;
	[sflag:s8] =	ssyncset.done $0x0  }
.LBB2_4:
0x145: {  	s6 =	sadd.s32 $0x80, s25  }
0x146: {  	[sflag:s8] =	ssyncadd.s32 $0xFFFFE0C0;
	s19 =	smov.u32 s26;
	s20 =	sadd.s32 $0x400, s26  }
0x147: {  	[tilespmem:s16], [sflag:$0x2] =	stream.indirect.gather [hbm4b:s22+s13], $0x40, s6, s13, $0xb8;
	[tilespmem:$0x18650] =	vst v63  }
0x148: {  	p0 =	sne.s32 s26, $0x9800;
	_ =	swait.ge [sflag:s17], $0x1F40  }
0x149: {  	[sflag:s17] =	ssyncset.done $0x0  }
0x14a: {  	s6 =	sadd.s32 $0x2800, s25;
	[sflag:s17] =	ssyncadd.s32 $0xFFFFE0C0  }
0x14b: {  	[spmem:s12] =	stream.indirect.scatter.add.f32 [tilespmem:s14], [sflag:$0x3], $0x40, s6, s13, $0xb8;
	[tilespmem:$0x18650] =	vst v63  }
0x14c: {  	_ =	swait.ge [sflag:s8], $0x1F40  }
0x14d: {  	[sflag:s8] =	ssyncset.done $0x0  }
0x14e: {  	s6 =	sadd.s32 $0x100, s25;
	[sflag:s8] =	ssyncadd.s32 $0xFFFFE0C0  }
0x14f: {  	[tilespmem:s14], [sflag:$0x1] =	stream.indirect.gather [hbm4b:s22+s13], $0x40, s6, s13, $0xb8;
	[tilespmem:$0x18650] =	vst v63  }
0x150: {  	_ =	swait.ge [sflag:s18], $0x1F40  }
.Ltmp1:
0x151: {  	[sflag:s18] =	ssyncset.done $0x0;
	(pc) =	sbr.rel @p0 .LBB2_4-.Ltmp1, $4  }
0x152: {  	s6 =	sadd.s32 $0x2880, s25;
	[sflag:s18] =	ssyncadd.s32 $0xFFFFE0C0  }
0x153: {  	[spmem:s12] =	stream.indirect.scatter.add.f32 [tilespmem:s16], [sflag:$0x3], $0x40, s6, s13, $0xb8;
	[tilespmem:$0x18650] =	vst v63  }
0x154: {  	_ =	swait.ge [sflag:s8], $0x1F40  }
0x155: {  	s26 =	smov.u32 s20;
	s25 =	sshra.s32 s19, $0x2;
	[sflag:s8] =	ssyncset.done $0x0  }
0x156: {  	s6 =	sadd.s32 $0x80, s25;
	[sflag:s8] =	ssyncadd.s32 $0xFFFFE0C0  }
0x157: {  	[tilespmem:s16], [sflag:$0x2] =	stream.indirect.gather [hbm4b:s22+s13], $0x40, s6, s13, $0xb8;
	[tilespmem:$0x18650] =	vst v63  }
0x158: {  	_ =	swait.ge [sflag:s17], $0x1F40  }
0x159: {  	[sflag:s17] =	ssyncset.done $0x0  }
0x15a: {  	s20 =	sadd.s32 $0x2800, s25;
	[sflag:s17] =	ssyncadd.s32 $0xFFFFE0C0  }
0x15b: {  	[spmem:s12] =	stream.indirect.scatter.add.f32 [tilespmem:s14], [sflag:$0x3], $0x40, s20, s13, $0xb8;
	[tilespmem:$0x18650] =	vst v63  }
0x15c: {  	_ =	swait.ge [sflag:s8], $0x1F40  }
0x15d: {  	[sflag:s8] =	ssyncset.done $0x0  }
0x15e: {  	s26 =	sadd.s32 $0x100, s25;
	[sflag:s8] =	ssyncadd.s32 $0xFFFFE0C0  }
0x15f: {  	[tilespmem:s14], [sflag:$0x1] =	stream.indirect.gather [hbm4b:s22+s13], $0x40, s26, s13, $0xb8;
	[tilespmem:$0x18650] =	vst v63  }
0x160: {  	_ =	swait.ge [sflag:s18], $0x1F40  }
0x161: {  	[sflag:s18] =	ssyncset.done $0x0  }
0x162: {  	s19 =	sadd.s32 $0x2880, s25;
	[sflag:s18] =	ssyncadd.s32 $0xFFFFE0C0  }
0x163: {  	[spmem:s12] =	stream.indirect.scatter.add.f32 [tilespmem:s16], [sflag:$0x3], $0x40, s19, s13, $0xb8;
	[tilespmem:$0x18650] =	vst v63  }
0x164: {  	_ =	swait.ge [sflag:s8], $0x1F40  }
0x165: {  	[sflag:s8] =	ssyncset.done $0x0  }
0x166: {  	s20 =	simm.s32 $0x2780;
	[sflag:s8] =	ssyncadd.s32 $0xFFFFE0C0  }
0x167: {  	[tilespmem:s16], [sflag:$0x2] =	stream.indirect.gather [hbm4b:s22+s13], $0x40, s20, s13, $0xb8;
	[tilespmem:$0x18650] =	vst v63  }
0x168: {  	_ =	swait.ge [sflag:s17], $0x1F40  }
0x169: {  	[sflag:s17] =	ssyncset.done $0x0  }
0x16a: {  	[sflag:s17] =	ssyncadd.s32 $0xFFFFE0C0  }
0x16b: {  	[spmem:s12] =	stream.indirect.scatter.add.f32 [tilespmem:s14], [sflag:$0x3], $0x40, s23, s13, $0xb8;
	[tilespmem:$0x18650] =	vst v63  }
0x16c: {  	_ =	swait.ge [sflag:s8], $0x1F40  }
0x16d: {  	[sflag:s8] =	ssyncset.done $0x0  }
0x16e: {  	[sflag:s8] =	ssyncadd.s32 $0xFFFFE0C0  }
0x16f: {  	_ =	swait.ge [sflag:s18], $0x1F40  }
0x170: {  	[sflag:s18] =	ssyncset.done $0x0  }
0x171: {  	[sflag:s18] =	ssyncadd.s32 $0xFFFFE0C0  }
0x172: {  	[spmem:s12] =	stream.indirect.scatter.add.f32 [tilespmem:s16], [sflag:$0x3], $0x40, s29, s13, $0xb8;
	[tilespmem:$0x18650] =	vst v63  }
0x173: {  	_ =	swait.ge [sflag:s8], $0x1F40  }
0x174: {  	[sflag:s8] =	ssyncset.done $0x0  }
0x175: {  	[sflag:s8] =	ssyncadd.s32 $0xFFFFE0C0  }
0x176: {  	[bflag:$0x0] =	sbarrier.arrive $0xFFFF  }
0x177: {  	[tilespmem:s7], [sflag:$0x3] =	stream.linear.gather [spmem:s28], $0x2000, $0x38;
	[tilespmem:$0x18650] =	vst v63  }
0x178: {  	_ =	swait.ge [sflag:s8], $0x2000  }
0x179: {  	[sflag:s8] =	ssyncset.done $0x0  }
0x17a: {  	s25 =	rddreg [dreg:$0xa];
	[sflag:s8] =	ssyncadd.s32 $0xFFFFE000  }
0x17b: {  	[hbm4b:s25+s2] =	stream.linear.scatter [tilespmem:s7], [sflag:$0x3], $0x2000, $0x38;
	[tilespmem:$0x18650] =	vst v63  }
0x17c: {  	_ =	swait.ge [sflag:s8], $0x2000  }
0x17d: {  	[sflag:s8] =	ssyncset.done $0x0  }
0x17e: {  	[sflag:s8] =	ssyncadd.s32 $0xFFFFE000  }
0x17f: {  	[tilespmem:s7], [sflag:$0x3] =	stream.linear.gather [spmem:s30], $0x2000, $0x38;
	[tilespmem:$0x18650] =	vst v63  }
0x180: {  	_ =	swait.ge [sflag:s8], $0x2000  }
0x181: {  	[sflag:s8] =	ssyncset.done $0x0  }
0x182: {  	s26 =	rddreg [dreg:$0xb];
	[sflag:s8] =	ssyncadd.s32 $0xFFFFE000  }
0x183: {  	[hbm4b:s26+s2] =	stream.linear.scatter [tilespmem:s7], [sflag:$0x3], $0x2000, $0x38;
	[tilespmem:$0x18650] =	vst v63  }
0x184: {  	_ =	swait.ge [sflag:s8], $0x2000  }
0x185: {  	[sflag:s8] =	ssyncset.done $0x0  }
0x186: {  	[sflag:s8] =	ssyncadd.s32 $0xFFFFE000  }
0x187: {  	[tilespmem:s7], [sflag:$0x3] =	stream.linear.gather [spmem:s11], $0x2000, $0x38;
	[tilespmem:$0x18650] =	vst v63  }
0x188: {  	_ =	swait.ge [sflag:s8], $0x2000  }
0x189: {  	[sflag:s8] =	ssyncset.done $0x0  }
0x18a: {  	s19 =	rddreg [dreg:$0xc];
	[sflag:s8] =	ssyncadd.s32 $0xFFFFE000  }
0x18b: {  	[hbm4b:s19+s2] =	stream.linear.scatter [tilespmem:s7], [sflag:$0x3], $0x2000, $0x38;
	[tilespmem:$0x18650] =	vst v63  }
0x18c: {  	_ =	swait.ge [sflag:s8], $0x2000  }
0x18d: {  	[sflag:s8] =	ssyncset.done $0x0  }
0x18e: {  	[sflag:s8] =	ssyncadd.s32 $0xFFFFE000  }
0x18f: {  	[tilespmem:s7], [sflag:$0x3] =	stream.linear.gather [spmem:s0], $0x2000, $0x38;
	[tilespmem:$0x18650] =	vst v63  }
0x190: {  	_ =	swait.ge [sflag:s8], $0x2000  }
0x191: {  	[sflag:s8] =	ssyncset.done $0x0  }
0x192: {  	s20 =	rddreg [dreg:$0xd];
	[sflag:s8] =	ssyncadd.s32 $0xFFFFE000  }
0x193: {  	[hbm4b:s20+s2] =	stream.linear.scatter [tilespmem:s7], [sflag:$0x3], $0x2000, $0x38;
	[tilespmem:$0x18650] =	vst v63  }
0x194: {  	_ =	swait.ge [sflag:s8], $0x2000  }
0x195: {  	[sflag:s8] =	ssyncset.done $0x0  }
0x196: {  	[sflag:s8] =	ssyncadd.s32 $0xFFFFE000  }
0x197: {  	[tilespmem:s7], [sflag:$0x3] =	stream.linear.gather [spmem:s4], $0x2000, $0x38;
	[tilespmem:$0x18650] =	vst v63  }
0x198: {  	_ =	swait.ge [sflag:s8], $0x2000  }
0x199: {  	[sflag:s8] =	ssyncset.done $0x0  }
0x19a: {  	s25 =	rddreg [dreg:$0xe];
	[sflag:s8] =	ssyncadd.s32 $0xFFFFE000  }
0x19b: {  	[hbm4b:s25+s2] =	stream.linear.scatter [tilespmem:s7], [sflag:$0x3], $0x2000, $0x38;
	[tilespmem:$0x18650] =	vst v63  }
0x19c: {  	_ =	swait.ge [sflag:s8], $0x2000  }
0x19d: {  	s24 =	sadd.s32 $0x1, s24;
	s26 =	rddreg [dreg:$0x18]  }
0x19e: {  	p0 =	sne.s32 s24, s26  }
.Ltmp2:
0x19f: {  	_ = 	snop;
	(pc) =	sbr.rel @p0 .LBB2_1-.Ltmp2, $3  }
0x1a0: {  	_ =	sdelay $0x1  }
0x1a1: {  	[sflag:s8] =	ssyncset.done $0x0  }
0x1a2: {  	[sflag:s8] =	ssyncadd.s32 $0xFFFFE000  }
0x1a3: {  	_ =	sfence.sel $0x180000  }
0x1a4: {  	[bflag:$0x0] =	sbarrier.arrive $0xFFFF  }
0x1a5: {  	_ =	strace $0x90000047  }
0x1a6: {  	s0 =	stileid.u32;
	[bflag:$0x2] =	sbarrier.arrive $0xFFFF  }
0x1a7: {  	p0 =	sne.s32 s0, $0x0;
	s0 =	rddreg [dreg:$0x4]  }
0x1a8: {  	s0 =	sadd.s32 @!p0 $0x100000, s0  }
0x1a9: {  	[sflag:s0] =	ssyncadd.tile.s32 @!p0 $0x1;
	_ =	shalt  }
.Lfunc_end2:
_tile_overlayer_lowered:
.L_overlay_start_2:
0x1aa: {  	(tag) =	ssettag $0x2  }
0x1ab: {  	s0 =	rddreg [dreg:$0x0];
	s2 =	stileid.u32  }
0x1ac: {  	s1 =	rddreg [dreg:$0x1];
	p0 =	sne.s32 s2, $0x0  }
0x1ad: {  	s3 =	rddreg [dreg:$0x2];
	[bflag:$0x3] =	sbarrier.arrive $0xFFFF;
	s2 =	simm.s32 @!p0 $0x1C03  }
0x1ae: {  	[timem:s3], [sflag:s2] =	dma.local @!p0 [hbm:s0], s1  }
0x1af: {  	s0 =	simm.s32 @!p0 $0x3  }
0x1b0: {  	_ =	swait.ge @!p0 [sflag:s0], s1  }
0x1b1: {  	s1 =	ssub.s32 @!p0 $0x0, s1;
	[sflag:s0] =	ssyncset.done @!p0 $0x0  }
0x1b2: {  	[sflag:s0] =	ssyncadd.s32 @!p0 s1  }
0x1b3: {  	[bflag:$0x3] =	sbarrier.arrive $0xFFFF  }
0x1b4: {  	_ =	shalt  }

</sc_bundles>
